<compile_context>
chip_gen: v7x
topology: tpu7x:2x2x1
jax: 0.10.2.dev20260603
libtpu: 0.0.44.dev20260713+nightly
codegen_flags: <defaults>
</compile_context>

<pallas_src>
import jax
import jax.numpy as jnp
import numpy as np
from jax import lax
from jax.experimental import pallas as pl
from jax.experimental.pallas import tpu as pltpu
from jax.experimental.pallas import tpu_sc as plsc

N = 10000
E = 320000
IN_DIM = 128
NUM_HEADS = 8
OUT_DIM = 16
FDIM = NUM_HEADS * OUT_DIM

NPAD = 10240
CHUNK = 64
NCHUNKS = E // CHUNK
ROWS_PER_TILE = NPAD // 16


def _proj_body(h_ref, wq_ref, wk_ref, wv_ref, bq_ref, bk_ref, bv_ref,
               q_ref, kv_ref):
    hb = h_ref[...]
    q_ref[...] = jnp.dot(hb, wq_ref[...], preferred_element_type=jnp.float32) + bq_ref[...]
    kv_ref[:, :FDIM] = jnp.dot(hb, wk_ref[...], preferred_element_type=jnp.float32) + bk_ref[...]
    kv_ref[:, FDIM:] = jnp.dot(hb, wv_ref[...], preferred_element_type=jnp.float32) + bv_ref[...]


def _project(h, Wq, bq, Wk, bk, Wv, bv):
    blk = 2000
    grid = (N // blk,)
    w_spec = pl.BlockSpec((IN_DIM, FDIM), lambda i: (0, 0))
    b_spec = pl.BlockSpec((1, FDIM), lambda i: (0, 0))
    row_spec = pl.BlockSpec((blk, FDIM), lambda i: (i, 0))
    return pl.pallas_call(
        _proj_body,
        grid=grid,
        in_specs=[row_spec, w_spec, w_spec, w_spec, b_spec, b_spec, b_spec],
        out_specs=[row_spec, pl.BlockSpec((blk, 2 * FDIM), lambda i: (i, 0))],
        out_shape=[jax.ShapeDtypeStruct((N, FDIM), jnp.float32),
                   jax.ShapeDtypeStruct((N, 2 * FDIM), jnp.float32)],
    )(h, Wq, Wk, Wv, bq.reshape(1, FDIM), bk.reshape(1, FDIM), bv.reshape(1, FDIM))


def _edge_body(qh, kvh, idx_hbm, wv_out, z_out, scores_out,
               acc, idx2, kvrows, qrows, wbuf, sbuf,
               gsem, vsem, ssem, wsem):
    c = lax.axis_index("c")
    s = lax.axis_index("s")
    gwid = c * 16 + s
    row0 = s * ROWS_PER_TILE
    iota16 = lax.iota(jnp.int32, 16)
    zeros16 = jnp.zeros((16,), jnp.float32)

    def _zero_wbuf():
        def body(i, _):
            r = i // 8
            col = (i % 8) * 16
            wbuf[r, pl.ds(col, 16)] = zeros16
            return _
        lax.fori_loop(0, CHUNK * 8, body, None)

    def _fill_idx(rowbase):
        for q in range(CHUNK // 16):
            idx2[0, pl.ds(q * 16, 16)] = rowbase + q * 16 + iota16

    def _zero_acc():
        for r in range(ROWS_PER_TILE // CHUNK):
            _fill_idx(row0 + r * CHUNK)
            pltpu.async_copy(wbuf, acc.at[idx2.at[0]], gsem).wait()

    def _flush_acc(out_ref):
        for r in range(ROWS_PER_TILE // CHUNK):
            rbase = row0 + r * CHUNK
            _fill_idx(rbase)
            pltpu.async_copy(acc.at[idx2.at[0]], wbuf, gsem).wait()
            pltpu.sync_copy(wbuf, out_ref.at[c, pl.ds(rbase, CHUNK)])

    def _drain_scatter():
        pltpu.make_async_copy(qh.at[pl.ds(0, CHUNK)], wbuf, ssem).wait()

    _zero_wbuf()
    _zero_acc()
    plsc.subcore_barrier()

    n_my_chunks = jnp.where(gwid < NCHUNKS - 32 * (NCHUNKS // 32),
                            NCHUNKS // 32 + 1, NCHUNKS // 32)

    _fill_idx(row0)
    pltpu.async_copy(wbuf, acc.at[idx2.at[0]], ssem, add=True)

    def _wv_chunk(j, _):
        cidx = j * 32 + gwid
        base = pl.multiple_of(cidx * CHUNK, CHUNK)
        pltpu.sync_copy(idx_hbm.at[cidx], idx2)
        src_i = idx2.at[0]
        dst_i = idx2.at[1]
        g1 = pltpu.async_copy(kvh.at[src_i], kvrows, vsem)
        g2 = pltpu.async_copy(qh.at[dst_i], qrows, gsem)
        g1.wait()
        g2.wait()

        _drain_scatter()

        def _edge_compute(e, _):
            srow = jnp.zeros((16,), jnp.float32)
            for h in range(NUM_HEADS):
                kvec = kvrows[e, pl.ds(h * OUT_DIM, 16)]
                qvec = qrows[e, pl.ds(h * OUT_DIM, 16)]
                srow = jnp.where(iota16 == h, jnp.sum(kvec * qvec), srow)
            srow = jnp.exp(jnp.minimum(jnp.maximum(srow * 0.25, -5.0), 5.0))
            sbuf[e, pl.ds(0, 16)] = srow
            for h in range(NUM_HEADS):
                vv = kvrows[e, pl.ds(FDIM + h * OUT_DIM, 16)]
                wbuf[e, pl.ds(h * OUT_DIM, 16)] = vv * srow[h]
            return _

        lax.fori_loop(0, CHUNK, _edge_compute, None)

        w1 = pltpu.async_copy(sbuf, scores_out.at[pl.ds(base, CHUNK)], wsem)
        pltpu.async_copy(wbuf, acc.at[dst_i], ssem, add=True)
        w1.wait()
        return _

    lax.fori_loop(0, n_my_chunks, _wv_chunk, None)
    _drain_scatter()
    plsc.subcore_barrier()
    _flush_acc(wv_out)
    plsc.subcore_barrier()

    _zero_wbuf()
    _zero_acc()
    plsc.subcore_barrier()

    _fill_idx(row0)
    pltpu.async_copy(wbuf, acc.at[idx2.at[0]], ssem, add=True)

    def _z_chunk(j, _):
        cidx = j * 32 + gwid
        base = pl.multiple_of(cidx * CHUNK, CHUNK)
        pltpu.sync_copy(idx_hbm.at[cidx], idx2)
        pltpu.sync_copy(scores_out.at[pl.ds(base, CHUNK)], sbuf)
        _drain_scatter()

        def _spread_body(e16, _):
            erow = e16 * 16 + iota16
            for h in range(NUM_HEADS):
                sv = plsc.load_gather(sbuf, [erow, jnp.full((16,), h, jnp.int32)])
                plsc.store_scatter(wbuf, [erow, jnp.full((16,), h * 16, jnp.int32)], sv)
            return _

        lax.fori_loop(0, CHUNK // 16, _spread_body, None)
        pltpu.async_copy(wbuf, acc.at[idx2.at[1]], ssem, add=True)
        return _

    lax.fori_loop(0, n_my_chunks, _z_chunk, None)
    _drain_scatter()
    plsc.subcore_barrier()
    _flush_acc(z_out)


def _edge_aggregate(qh, kvh, idx_both):
    mesh = plsc.VectorSubcoreMesh(core_axis_name="c", subcore_axis_name="s")
    fn = pl.kernel(
        _edge_body,
        compiler_params=pltpu.CompilerParams(needs_layout_passes=False),
        out_type=[
            jax.ShapeDtypeStruct((2, NPAD, FDIM), jnp.float32),
            jax.ShapeDtypeStruct((2, NPAD, FDIM), jnp.float32),
            jax.ShapeDtypeStruct((E, 16), jnp.float32),
        ],
        mesh=mesh,
        scratch_types=[
            pltpu.VMEM_SHARED((NPAD, FDIM), jnp.float32),
            pltpu.VMEM((2, CHUNK), jnp.int32),
            pltpu.VMEM((CHUNK, 2 * FDIM), jnp.float32),
            pltpu.VMEM((CHUNK, FDIM), jnp.float32),
            pltpu.VMEM((CHUNK, FDIM), jnp.float32),
            pltpu.VMEM((CHUNK, 16), jnp.float32),
            pltpu.SemaphoreType.DMA,
            pltpu.SemaphoreType.DMA,
            pltpu.SemaphoreType.DMA,
            pltpu.SemaphoreType.DMA,
        ],
    )
    return fn(qh, kvh, idx_both)


def _combine_body(wv0_ref, wv1_ref, z0_ref, z1_ref, esel_ref, out_ref):
    zsum = z0_ref[...] + z1_ref[...]
    zrep = jnp.dot(zsum, esel_ref[...], preferred_element_type=jnp.float32)
    out_ref[...] = (wv0_ref[...] + wv1_ref[...]) / zrep


def _combine(wv0, wv1, z0, z1, esel):
    blk = 2000
    grid = (N // blk,)
    wv_spec = pl.BlockSpec((blk, FDIM), lambda i: (i, 0))
    e_spec = pl.BlockSpec((FDIM, FDIM), lambda i: (0, 0))
    return pl.pallas_call(
        _combine_body,
        grid=grid,
        in_specs=[wv_spec, wv_spec, wv_spec, wv_spec, e_spec],
        out_specs=wv_spec,
        out_shape=jax.ShapeDtypeStruct((N, FDIM), jnp.float32),
    )(wv0, wv1, z0, z1, esel)


_ESEL = np.zeros((FDIM, FDIM), np.float32)
for _h in range(NUM_HEADS):
    _ESEL[_h * OUT_DIM, _h * OUT_DIM:(_h + 1) * OUT_DIM] = 1.0


def kernel(h, edge_index, Wq, bq, Wk, bk, Wv, bv):
    qh, kvh = _project(h, Wq, bq, Wk, bk, Wv, bv)
    idx_both = edge_index.reshape(2, NCHUNKS, CHUNK).transpose(1, 0, 2)
    wv_part, z_part, _ = _edge_aggregate(qh, kvh, idx_both)
    out = _combine(wv_part[0, :N], wv_part[1, :N],
                   z_part[0, :N], z_part[1, :N], jnp.asarray(_ESEL))
    return out.reshape(N, NUM_HEADS, OUT_DIM)

# --- scband reference (transcript-rebuilt; emitter-appended) ---
"""Pipeline reference for scband-multi-head-attention-layer-50766513439004 (READ-ONLY COPY).

The authoritative reference and input builder live on the scoring server;
editing this copy changes nothing except your own understanding.
"""

import jax, jax.numpy as jnp
import numpy as np

N = 10000
E = 320000
IN_DIM = 128
NUM_HEADS = 8
OUT_DIM = 16


def setup_inputs(seed: int = 0) -> dict:
    key = jax.random.key(seed)
    ks = jax.random.split(key, 9)
    h = jax.random.normal(ks[0], (N, IN_DIM), dtype=jnp.float32)
    edge_index = jax.random.randint(ks[1], (2, E), 0, N, dtype=jnp.int32)
    s = 1.0 / np.sqrt(IN_DIM)
    Wq = jax.random.normal(ks[2], (IN_DIM, NUM_HEADS * OUT_DIM), dtype=jnp.float32) * s
    bq = jax.random.normal(ks[3], (NUM_HEADS * OUT_DIM,), dtype=jnp.float32) * 0.01
    Wk = jax.random.normal(ks[4], (IN_DIM, NUM_HEADS * OUT_DIM), dtype=jnp.float32) * s
    bk = jax.random.normal(ks[5], (NUM_HEADS * OUT_DIM,), dtype=jnp.float32) * 0.01
    Wv = jax.random.normal(ks[6], (IN_DIM, NUM_HEADS * OUT_DIM), dtype=jnp.float32) * s
    bv = jax.random.normal(ks[7], (NUM_HEADS * OUT_DIM,), dtype=jnp.float32) * 0.01
    return {"h": h, "edge_index": edge_index, "Wq": Wq, "bq": bq, "Wk": Wk, "bk": bk, "Wv": Wv, "bv": bv}


def reference(h, edge_index, Wq, bq, Wk, bk, Wv, bv):
    n = h.shape[0]
    # Linear projections (Q, K, V with bias), reshaped to [N, H, D]
    Q_h = (h @ Wq + bq).reshape(n, NUM_HEADS, OUT_DIM)
    K_h = (h @ Wk + bk).reshape(n, NUM_HEADS, OUT_DIM)
    V_h = (h @ Wv + bv).reshape(n, NUM_HEADS, OUT_DIM)
    src = edge_index[0]
    dst = edge_index[1]
    # src_dot_dst('K_h', 'Q_h', 'score'): per-edge dot product over feature dim
    score = jnp.sum(K_h[src] * Q_h[dst], axis=-1, keepdims=True)  # [E, H, 1]
    # scaled_exp('score', sqrt(out_dim)) with clamp(-5, 5)
    score = jnp.exp(jnp.clip(score / np.sqrt(OUT_DIM), -5.0, 5.0))
    # u_mul_e + sum reduce -> wV ; copy_e + sum reduce -> z
    wV = jax.ops.segment_sum(V_h[src] * score, dst, num_segments=n)  # [N, H, D]
    z = jax.ops.segment_sum(score, dst, num_segments=n)  # [N, H, 1]
    head_out = wV / z
    return head_out

if __name__ == "__main__":
    import jax
    _d = setup_inputs()
    print(jax.jit(kernel)(*tuple(_d.values())))

</pallas_src>

<mosaic_0001>
#map = affine_map<(d0, d1) -> (0, 0)>
#map1 = affine_map<(d0, d1) -> (0, 0, 0)>
module attributes {stable_mosaic.version = 14 : i64} {
  func.func @_edge_body(%arg0: i32, %arg1: i32, %arg2: memref<10000x128xf32, #tpu.memory_space<hbm>>, %arg3: memref<10000x256xf32, #tpu.memory_space<hbm>>, %arg4: memref<5000x2x64xi32, #tpu.memory_space<hbm>>, %arg5: memref<2x10240x128xf32, #tpu.memory_space<hbm>>, %arg6: memref<2x10240x128xf32, #tpu.memory_space<hbm>>, %arg7: memref<320000x16xf32, #tpu.memory_space<hbm>>, %arg8: memref<10240x128xf32, #tpu.memory_space<vmem_shared>>, %arg9: memref<2x64xi32, #tpu.memory_space<vmem>>, %arg10: memref<64x256xf32, #tpu.memory_space<vmem>>, %arg11: memref<64x128xf32, #tpu.memory_space<vmem>>, %arg12: memref<64x128xf32, #tpu.memory_space<vmem>>, %arg13: memref<64x16xf32, #tpu.memory_space<vmem>>, %arg14: memref<!tpu.dma_semaphore, #tpu.memory_space<semaphore_mem>>, %arg15: memref<!tpu.dma_semaphore, #tpu.memory_space<semaphore_mem>>, %arg16: memref<!tpu.dma_semaphore, #tpu.memory_space<semaphore_mem>>, %arg17: memref<!tpu.dma_semaphore, #tpu.memory_space<semaphore_mem>>) attributes {dimension_semantics = [#tpu.dimension_semantics<core_parallel>, #tpu.dimension_semantics<subcore_parallel>], iteration_bounds = array<i64: 2, 16>, scalar_prefetch = 0 : i64, scratch_operands = 10 : i64, tpu.core_type = #tpu.core_type<sc_vector_subcore>, window_params = [{transform_indices = #map}, {transform_indices = #map}, {transform_indices = #map1}, {transform_indices = #map1}, {transform_indices = #map1}, {transform_indices = #map}]} {
    %mul3A = arith.constant 16 : i32
    %mul3A_0 = arith.muli %arg0, %mul3A : i32
    %add3A = arith.addi %mul3A_0, %arg1 : i32
    %mul3A_1 = arith.constant 640 : i32
    %mul3A_2 = arith.muli %arg1, %mul3A_1 : i32
    %iota3A = tpu.iota {dimensions = array<i32: 0>} : vector<16xi32>
    %broadcast_in_dim3A = arith.constant 0.000000e+00 : f32
    %broadcast_in_dim3A_3 = vector.broadcast %broadcast_in_dim3A : f32 to vector<16xf32>
    %scan3A = arith.constant 0 : i32
    %scan3A_4 = arith.constant 512 : i32
    %scan3A_5 = arith.addi %scan3A, %scan3A_4 : i32
    %scan3A_6 = arith.constant 1 : i32
    scf.for %scan3A_2043 = %scan3A to %scan3A_5 step %scan3A_6  : i32 {
      %jit3A_2044 = arith.constant 8 : i32
      %div3A = arith.divsi %scan3A_2043, %jit3A_2044 : i32
      %sign3A = arith.constant 0 : i32
      %sign3A_2045 = arith.cmpi sgt, %scan3A_2043, %sign3A : i32
      %sign3A_2046 = arith.extui %sign3A_2045 : i1 to i32
      %sign3A_2047 = arith.constant 0 : i32
      %sign3A_2048 = arith.cmpi slt, %scan3A_2043, %sign3A_2047 : i32
      %sign3A_2049 = arith.extui %sign3A_2048 : i1 to i32
      %sign3A_2050 = arith.subi %sign3A_2046, %sign3A_2049 : i32
      %sign3A_2051 = arith.constant 0 : i32
      %sign3A_2052 = arith.cmpi sgt, %jit3A_2044, %sign3A_2051 : i32
      %sign3A_2053 = arith.extui %sign3A_2052 : i1 to i32
      %sign3A_2054 = arith.constant 0 : i32
      %sign3A_2055 = arith.cmpi slt, %jit3A_2044, %sign3A_2054 : i32
      %sign3A_2056 = arith.extui %sign3A_2055 : i1 to i32
      %sign3A_2057 = arith.subi %sign3A_2053, %sign3A_2056 : i32
      %ne3A = arith.cmpi ne, %sign3A_2050, %sign3A_2057 : i32
      %rem3A = arith.remsi %scan3A_2043, %jit3A_2044 : i32
      %ne3A_2058 = arith.constant 0 : i32
      %ne3A_2059 = arith.cmpi ne, %rem3A, %ne3A_2058 : i32
      %and3A = arith.andi %ne3A, %ne3A_2059 : i1
      %sub3A = arith.constant 1 : i32
      %sub3A_2060 = arith.subi %div3A, %sub3A : i32
      %select_n3A_2061 = arith.select %and3A, %sub3A_2060, %div3A : i32
      %jit3A_2062 = arith.constant 8 : i32
      %eq3A = arith.constant 0 : i32
      %eq3A_2063 = arith.cmpi eq, %jit3A_2062, %eq3A : i32
      %jit3A_2064 = arith.constant 1 : i32
      %select_n3A_2065 = arith.select %eq3A_2063, %jit3A_2064, %jit3A_2062 : i32
      %rem3A_2066 = arith.remsi %scan3A_2043, %select_n3A_2065 : i32
      %ne3A_2067 = arith.constant 0 : i32
      %ne3A_2068 = arith.cmpi ne, %rem3A_2066, %ne3A_2067 : i32
      %lt3A_2069 = arith.constant 0 : i32
      %lt3A_2070 = arith.cmpi slt, %rem3A_2066, %lt3A_2069 : i32
      %lt3A_2071 = arith.constant 0 : i32
      %lt3A_2072 = arith.cmpi slt, %select_n3A_2065, %lt3A_2071 : i32
      %ne3A_2073 = arith.xori %lt3A_2070, %lt3A_2072 : i1
      %and3A_2074 = arith.andi %ne3A_2073, %ne3A_2068 : i1
      %add3A_2075 = arith.addi %rem3A_2066, %select_n3A_2065 : i32
      %select_n3A_2076 = arith.select %and3A_2074, %add3A_2075, %rem3A_2066 : i32
      %mul3A_2077 = arith.constant 16 : i32
      %mul3A_2078 = arith.muli %select_n3A_2076, %mul3A_2077 : i32
      %swap3A_2079 = arith.index_cast %select_n3A_2061 : i32 to index
      %swap3A_2080 = arith.index_cast %mul3A_2078 : i32 to index
      %swap3A_2081 = tpu.vector_load %arg12[%swap3A_2079, %swap3A_2080] {strides = array<i32>} : memref<64x128xf32, #tpu.memory_space<vmem>>, vector<16xf32>,
      tpu.vector_store %arg12[%swap3A_2079, %swap3A_2080], %broadcast_in_dim3A_3 {strides = array<i32>} : memref<64x128xf32, #tpu.memory_space<vmem>>, vector<16xf32>,
    }
    %scan3A_7 = arith.constant 512 : i32
    %add3A_8 = arith.constant 0 : i32
    %add3A_9 = arith.addi %mul3A_2, %add3A_8 : i32
    %add3A_10 = arith.constant 0 : i32
    %add3A_11 = arith.addi %add3A_9, %add3A_10 : i32
    %add3A_12 = vector.broadcast %add3A_11 : i32 to vector<16xi32>
    %add3A_13 = arith.addi %add3A_12, %iota3A : vector<16xi32>
    %swap3A = arith.constant 0 : i32
    %swap3A_14 = arith.index_cast %swap3A : i32 to index
    %swap3A_15 = arith.constant 0 : index
    %swap3A_16 = tpu.vector_load %arg9[%swap3A_14, %swap3A_15] {strides = array<i32>} : memref<2x64xi32, #tpu.memory_space<vmem>>, vector<16xi32>,
    tpu.vector_store %arg9[%swap3A_14, %swap3A_15], %add3A_13 {strides = array<i32>} : memref<2x64xi32, #tpu.memory_space<vmem>>, vector<16xi32>,
    %add3A_17 = arith.constant 16 : i32
    %add3A_18 = arith.addi %add3A_9, %add3A_17 : i32
    %add3A_19 = vector.broadcast %add3A_18 : i32 to vector<16xi32>
    %add3A_20 = arith.addi %add3A_19, %iota3A : vector<16xi32>
    %swap3A_21 = arith.constant 0 : i32
    %swap3A_22 = arith.index_cast %swap3A_21 : i32 to index
    %swap3A_23 = arith.constant 16 : index
    %swap3A_24 = tpu.vector_load %arg9[%swap3A_22, %swap3A_23] {strides = array<i32>} : memref<2x64xi32, #tpu.memory_space<vmem>>, vector<16xi32>,
    tpu.vector_store %arg9[%swap3A_22, %swap3A_23], %add3A_20 {strides = array<i32>} : memref<2x64xi32, #tpu.memory_space<vmem>>, vector<16xi32>,
    %add3A_25 = arith.constant 32 : i32
    %add3A_26 = arith.addi %add3A_9, %add3A_25 : i32
    %add3A_27 = vector.broadcast %add3A_26 : i32 to vector<16xi32>
    %add3A_28 = arith.addi %add3A_27, %iota3A : vector<16xi32>
    %swap3A_29 = arith.constant 0 : i32
    %swap3A_30 = arith.index_cast %swap3A_29 : i32 to index
    %swap3A_31 = arith.constant 32 : index
    %swap3A_32 = tpu.vector_load %arg9[%swap3A_30, %swap3A_31] {strides = array<i32>} : memref<2x64xi32, #tpu.memory_space<vmem>>, vector<16xi32>,
    tpu.vector_store %arg9[%swap3A_30, %swap3A_31], %add3A_28 {strides = array<i32>} : memref<2x64xi32, #tpu.memory_space<vmem>>, vector<16xi32>,
    %add3A_33 = arith.constant 48 : i32
    %add3A_34 = arith.addi %add3A_9, %add3A_33 : i32
    %add3A_35 = vector.broadcast %add3A_34 : i32 to vector<16xi32>
    %add3A_36 = arith.addi %add3A_35, %iota3A : vector<16xi32>
    %swap3A_37 = arith.constant 0 : i32
    %swap3A_38 = arith.index_cast %swap3A_37 : i32 to index
    %swap3A_39 = arith.constant 48 : index
    %swap3A_40 = tpu.vector_load %arg9[%swap3A_38, %swap3A_39] {strides = array<i32>} : memref<2x64xi32, #tpu.memory_space<vmem>>, vector<16xi32>,
    tpu.vector_store %arg9[%swap3A_38, %swap3A_39], %add3A_36 {strides = array<i32>} : memref<2x64xi32, #tpu.memory_space<vmem>>, vector<16xi32>,
    %dma_start3A = arith.constant 0 : i32
    %dma_start3A_41 = arith.constant 0 : i32
    %dma_start3A_42 = tpu.memref_slice %arg9[%dma_start3A, %dma_start3A_41] : memref<2x64xi32, #tpu.memory_space<vmem>> -> memref<1x64xi32, #tpu.memory_space<vmem>>
    %dma_start3A_43 = tpu.memref_squeeze %dma_start3A_42 : memref<1x64xi32, #tpu.memory_space<vmem>> -> memref<64xi32, #tpu.memory_space<vmem>>
    %dma_start3A_44 = arith.constant 0 : i32
    %dma_start3A_45 = arith.constant 0 : i32
    %dma_start3A_46 = tpu.memref_slice %arg8[%dma_start3A_44, %dma_start3A_45] : memref<10240x128xf32, #tpu.memory_space<vmem_shared>> -> memref<10240x128xf32, #tpu.memory_space<vmem_shared>>
    tpu.enqueue_indirect_dma source(%arg12 : memref<64x128xf32, #tpu.memory_space<vmem>>) target(%dma_start3A_46 : memref<10240x128xf32, #tpu.memory_space<vmem_shared>>) offsets(%dma_start3A_43 : memref<64xi32, #tpu.memory_space<vmem>>) semaphore(%arg14 : memref<!tpu.dma_semaphore, #tpu.memory_space<semaphore_mem>>)
    %dma_wait3A = arith.constant 0 : i32
    %dma_wait3A_47 = arith.constant 0 : i32
    %dma_wait3A_48 = tpu.memref_slice %arg9[%dma_wait3A, %dma_wait3A_47] : memref<2x64xi32, #tpu.memory_space<vmem>> -> memref<1x64xi32, #tpu.memory_space<vmem>>
    %dma_wait3A_49 = tpu.memref_squeeze %dma_wait3A_48 : memref<1x64xi32, #tpu.memory_space<vmem>> -> memref<64xi32, #tpu.memory_space<vmem>>
    %dma_wait3A_50 = arith.constant 0 : i32
    %dma_wait3A_51 = arith.constant 0 : i32
    %dma_wait3A_52 = tpu.memref_slice %arg8[%dma_wait3A_50, %dma_wait3A_51] : memref<10240x128xf32, #tpu.memory_space<vmem_shared>> -> memref<10240x128xf32, #tpu.memory_space<vmem_shared>>
    tpu.wait_indirect_dma semaphore(%arg14 : memref<!tpu.dma_semaphore, #tpu.memory_space<semaphore_mem>>) src(%arg12 : memref<64x128xf32, #tpu.memory_space<vmem>>) dst(%dma_wait3A_52 : memref<10240x128xf32, #tpu.memory_space<vmem_shared>>)
    %add3A_53 = arith.constant 64 : i32
    %add3A_54 = arith.addi %mul3A_2, %add3A_53 : i32
    %add3A_55 = arith.constant 0 : i32
    %add3A_56 = arith.addi %add3A_54, %add3A_55 : i32
    %add3A_57 = vector.broadcast %add3A_56 : i32 to vector<16xi32>
    %add3A_58 = arith.addi %add3A_57, %iota3A : vector<16xi32>
    %swap3A_59 = arith.constant 0 : i32
    %swap3A_60 = arith.index_cast %swap3A_59 : i32 to index
    %swap3A_61 = arith.constant 0 : index
    %swap3A_62 = tpu.vector_load %arg9[%swap3A_60, %swap3A_61] {strides = array<i32>} : memref<2x64xi32, #tpu.memory_space<vmem>>, vector<16xi32>,
    tpu.vector_store %arg9[%swap3A_60, %swap3A_61], %add3A_58 {strides = array<i32>} : memref<2x64xi32, #tpu.memory_space<vmem>>, vector<16xi32>,
    %add3A_63 = arith.constant 16 : i32
    %add3A_64 = arith.addi %add3A_54, %add3A_63 : i32
    %add3A_65 = vector.broadcast %add3A_64 : i32 to vector<16xi32>
    %add3A_66 = arith.addi %add3A_65, %iota3A : vector<16xi32>
    %swap3A_67 = arith.constant 0 : i32
    %swap3A_68 = arith.index_cast %swap3A_67 : i32 to index
    %swap3A_69 = arith.constant 16 : index
    %swap3A_70 = tpu.vector_load %arg9[%swap3A_68, %swap3A_69] {strides = array<i32>} : memref<2x64xi32, #tpu.memory_space<vmem>>, vector<16xi32>,
    tpu.vector_store %arg9[%swap3A_68, %swap3A_69], %add3A_66 {strides = array<i32>} : memref<2x64xi32, #tpu.memory_space<vmem>>, vector<16xi32>,
    %add3A_71 = arith.constant 32 : i32
    %add3A_72 = arith.addi %add3A_54, %add3A_71 : i32
    %add3A_73 = vector.broadcast %add3A_72 : i32 to vector<16xi32>
    %add3A_74 = arith.addi %add3A_73, %iota3A : vector<16xi32>
    %swap3A_75 = arith.constant 0 : i32
    %swap3A_76 = arith.index_cast %swap3A_75 : i32 to index
    %swap3A_77 = arith.constant 32 : index
    %swap3A_78 = tpu.vector_load %arg9[%swap3A_76, %swap3A_77] {strides = array<i32>} : memref<2x64xi32, #tpu.memory_space<vmem>>, vector<16xi32>,
    tpu.vector_store %arg9[%swap3A_76, %swap3A_77], %add3A_74 {strides = array<i32>} : memref<2x64xi32, #tpu.memory_space<vmem>>, vector<16xi32>,
    %add3A_79 = arith.constant 48 : i32
    %add3A_80 = arith.addi %add3A_54, %add3A_79 : i32
    %add3A_81 = vector.broadcast %add3A_80 : i32 to vector<16xi32>
    %add3A_82 = arith.addi %add3A_81, %iota3A : vector<16xi32>
    %swap3A_83 = arith.constant 0 : i32
    %swap3A_84 = arith.index_cast %swap3A_83 : i32 to index
    %swap3A_85 = arith.constant 48 : index
    %swap3A_86 = tpu.vector_load %arg9[%swap3A_84, %swap3A_85] {strides = array<i32>} : memref<2x64xi32, #tpu.memory_space<vmem>>, vector<16xi32>,
    tpu.vector_store %arg9[%swap3A_84, %swap3A_85], %add3A_82 {strides = array<i32>} : memref<2x64xi32, #tpu.memory_space<vmem>>, vector<16xi32>,
    %dma_start3A_87 = arith.constant 0 : i32
    %dma_start3A_88 = arith.constant 0 : i32
    %dma_start3A_89 = tpu.memref_slice %arg9[%dma_start3A_87, %dma_start3A_88] : memref<2x64xi32, #tpu.memory_space<vmem>> -> memref<1x64xi32, #tpu.memory_space<vmem>>
    %dma_start3A_90 = tpu.memref_squeeze %dma_start3A_89 : memref<1x64xi32, #tpu.memory_space<vmem>> -> memref<64xi32, #tpu.memory_space<vmem>>
    %dma_start3A_91 = arith.constant 0 : i32
    %dma_start3A_92 = arith.constant 0 : i32
    %dma_start3A_93 = tpu.memref_slice %arg8[%dma_start3A_91, %dma_start3A_92] : memref<10240x128xf32, #tpu.memory_space<vmem_shared>> -> memref<10240x128xf32, #tpu.memory_space<vmem_shared>>
    tpu.enqueue_indirect_dma source(%arg12 : memref<64x128xf32, #tpu.memory_space<vmem>>) target(%dma_start3A_93 : memref<10240x128xf32, #tpu.memory_space<vmem_shared>>) offsets(%dma_start3A_90 : memref<64xi32, #tpu.memory_space<vmem>>) semaphore(%arg14 : memref<!tpu.dma_semaphore, #tpu.memory_space<semaphore_mem>>)
    %dma_wait3A_94 = arith.constant 0 : i32
    %dma_wait3A_95 = arith.constant 0 : i32
    %dma_wait3A_96 = tpu.memref_slice %arg9[%dma_wait3A_94, %dma_wait3A_95] : memref<2x64xi32, #tpu.memory_space<vmem>> -> memref<1x64xi32, #tpu.memory_space<vmem>>
    %dma_wait3A_97 = tpu.memref_squeeze %dma_wait3A_96 : memref<1x64xi32, #tpu.memory_space<vmem>> -> memref<64xi32, #tpu.memory_space<vmem>>
    %dma_wait3A_98 = arith.constant 0 : i32
    %dma_wait3A_99 = arith.constant 0 : i32
    %dma_wait3A_100 = tpu.memref_slice %arg8[%dma_wait3A_98, %dma_wait3A_99] : memref<10240x128xf32, #tpu.memory_space<vmem_shared>> -> memref<10240x128xf32, #tpu.memory_space<vmem_shared>>
    tpu.wait_indirect_dma semaphore(%arg14 : memref<!tpu.dma_semaphore, #tpu.memory_space<semaphore_mem>>) src(%arg12 : memref<64x128xf32, #tpu.memory_space<vmem>>) dst(%dma_wait3A_100 : memref<10240x128xf32, #tpu.memory_space<vmem_shared>>)
    %add3A_101 = arith.constant 128 : i32
    %add3A_102 = arith.addi %mul3A_2, %add3A_101 : i32
    %add3A_103 = arith.constant 0 : i32
    %add3A_104 = arith.addi %add3A_102, %add3A_103 : i32
    %add3A_105 = vector.broadcast %add3A_104 : i32 to vector<16xi32>
    %add3A_106 = arith.addi %add3A_105, %iota3A : vector<16xi32>
    %swap3A_107 = arith.constant 0 : i32
    %swap3A_108 = arith.index_cast %swap3A_107 : i32 to index
    %swap3A_109 = arith.constant 0 : index
    %swap3A_110 = tpu.vector_load %arg9[%swap3A_108, %swap3A_109] {strides = array<i32>} : memref<2x64xi32, #tpu.memory_space<vmem>>, vector<16xi32>,
    tpu.vector_store %arg9[%swap3A_108, %swap3A_109], %add3A_106 {strides = array<i32>} : memref<2x64xi32, #tpu.memory_space<vmem>>, vector<16xi32>,
    %add3A_111 = arith.constant 16 : i32
    %add3A_112 = arith.addi %add3A_102, %add3A_111 : i32
    %add3A_113 = vector.broadcast %add3A_112 : i32 to vector<16xi32>
    %add3A_114 = arith.addi %add3A_113, %iota3A : vector<16xi32>
    %swap3A_115 = arith.constant 0 : i32
    %swap3A_116 = arith.index_cast %swap3A_115 : i32 to index
    %swap3A_117 = arith.constant 16 : index
    %swap3A_118 = tpu.vector_load %arg9[%swap3A_116, %swap3A_117] {strides = array<i32>} : memref<2x64xi32, #tpu.memory_space<vmem>>, vector<16xi32>,
    tpu.vector_store %arg9[%swap3A_116, %swap3A_117], %add3A_114 {strides = array<i32>} : memref<2x64xi32, #tpu.memory_space<vmem>>, vector<16xi32>,
    %add3A_119 = arith.constant 32 : i32
    %add3A_120 = arith.addi %add3A_102, %add3A_119 : i32
    %add3A_121 = vector.broadcast %add3A_120 : i32 to vector<16xi32>
    %add3A_122 = arith.addi %add3A_121, %iota3A : vector<16xi32>
    %swap3A_123 = arith.constant 0 : i32
    %swap3A_124 = arith.index_cast %swap3A_123 : i32 to index
    %swap3A_125 = arith.constant 32 : index
    %swap3A_126 = tpu.vector_load %arg9[%swap3A_124, %swap3A_125] {strides = array<i32>} : memref<2x64xi32, #tpu.memory_space<vmem>>, vector<16xi32>,
    tpu.vector_store %arg9[%swap3A_124, %swap3A_125], %add3A_122 {strides = array<i32>} : memref<2x64xi32, #tpu.memory_space<vmem>>, vector<16xi32>,
    %add3A_127 = arith.constant 48 : i32
    %add3A_128 = arith.addi %add3A_102, %add3A_127 : i32
    %add3A_129 = vector.broadcast %add3A_128 : i32 to vector<16xi32>
    %add3A_130 = arith.addi %add3A_129, %iota3A : vector<16xi32>
    %swap3A_131 = arith.constant 0 : i32
    %swap3A_132 = arith.index_cast %swap3A_131 : i32 to index
    %swap3A_133 = arith.constant 48 : index
    %swap3A_134 = tpu.vector_load %arg9[%swap3A_132, %swap3A_133] {strides = array<i32>} : memref<2x64xi32, #tpu.memory_space<vmem>>, vector<16xi32>,
    tpu.vector_store %arg9[%swap3A_132, %swap3A_133], %add3A_130 {strides = array<i32>} : memref<2x64xi32, #tpu.memory_space<vmem>>, vector<16xi32>,
    %dma_start3A_135 = arith.constant 0 : i32
    %dma_start3A_136 = arith.constant 0 : i32
    %dma_start3A_137 = tpu.memref_slice %arg9[%dma_start3A_135, %dma_start3A_136] : memref<2x64xi32, #tpu.memory_space<vmem>> -> memref<1x64xi32, #tpu.memory_space<vmem>>
    %dma_start3A_138 = tpu.memref_squeeze %dma_start3A_137 : memref<1x64xi32, #tpu.memory_space<vmem>> -> memref<64xi32, #tpu.memory_space<vmem>>
    %dma_start3A_139 = arith.constant 0 : i32
    %dma_start3A_140 = arith.constant 0 : i32
    %dma_start3A_141 = tpu.memref_slice %arg8[%dma_start3A_139, %dma_start3A_140] : memref<10240x128xf32, #tpu.memory_space<vmem_shared>> -> memref<10240x128xf32, #tpu.memory_space<vmem_shared>>
    tpu.enqueue_indirect_dma source(%arg12 : memref<64x128xf32, #tpu.memory_space<vmem>>) target(%dma_start3A_141 : memref<10240x128xf32, #tpu.memory_space<vmem_shared>>) offsets(%dma_start3A_138 : memref<64xi32, #tpu.memory_space<vmem>>) semaphore(%arg14 : memref<!tpu.dma_semaphore, #tpu.memory_space<semaphore_mem>>)
    %dma_wait3A_142 = arith.constant 0 : i32
    %dma_wait3A_143 = arith.constant 0 : i32
    %dma_wait3A_144 = tpu.memref_slice %arg9[%dma_wait3A_142, %dma_wait3A_143] : memref<2x64xi32, #tpu.memory_space<vmem>> -> memref<1x64xi32, #tpu.memory_space<vmem>>
    %dma_wait3A_145 = tpu.memref_squeeze %dma_wait3A_144 : memref<1x64xi32, #tpu.memory_space<vmem>> -> memref<64xi32, #tpu.memory_space<vmem>>
    %dma_wait3A_146 = arith.constant 0 : i32
    %dma_wait3A_147 = arith.constant 0 : i32
    %dma_wait3A_148 = tpu.memref_slice %arg8[%dma_wait3A_146, %dma_wait3A_147] : memref<10240x128xf32, #tpu.memory_space<vmem_shared>> -> memref<10240x128xf32, #tpu.memory_space<vmem_shared>>
    tpu.wait_indirect_dma semaphore(%arg14 : memref<!tpu.dma_semaphore, #tpu.memory_space<semaphore_mem>>) src(%arg12 : memref<64x128xf32, #tpu.memory_space<vmem>>) dst(%dma_wait3A_148 : memref<10240x128xf32, #tpu.memory_space<vmem_shared>>)
    %add3A_149 = arith.constant 192 : i32
    %add3A_150 = arith.addi %mul3A_2, %add3A_149 : i32
    %add3A_151 = arith.constant 0 : i32
    %add3A_152 = arith.addi %add3A_150, %add3A_151 : i32
    %add3A_153 = vector.broadcast %add3A_152 : i32 to vector<16xi32>
    %add3A_154 = arith.addi %add3A_153, %iota3A : vector<16xi32>
    %swap3A_155 = arith.constant 0 : i32
    %swap3A_156 = arith.index_cast %swap3A_155 : i32 to index
    %swap3A_157 = arith.constant 0 : index
    %swap3A_158 = tpu.vector_load %arg9[%swap3A_156, %swap3A_157] {strides = array<i32>} : memref<2x64xi32, #tpu.memory_space<vmem>>, vector<16xi32>,
    tpu.vector_store %arg9[%swap3A_156, %swap3A_157], %add3A_154 {strides = array<i32>} : memref<2x64xi32, #tpu.memory_space<vmem>>, vector<16xi32>,
    %add3A_159 = arith.constant 16 : i32
    %add3A_160 = arith.addi %add3A_150, %add3A_159 : i32
    %add3A_161 = vector.broadcast %add3A_160 : i32 to vector<16xi32>
    %add3A_162 = arith.addi %add3A_161, %iota3A : vector<16xi32>
    %swap3A_163 = arith.constant 0 : i32
    %swap3A_164 = arith.index_cast %swap3A_163 : i32 to index
    %swap3A_165 = arith.constant 16 : index
    %swap3A_166 = tpu.vector_load %arg9[%swap3A_164, %swap3A_165] {strides = array<i32>} : memref<2x64xi32, #tpu.memory_space<vmem>>, vector<16xi32>,
    tpu.vector_store %arg9[%swap3A_164, %swap3A_165], %add3A_162 {strides = array<i32>} : memref<2x64xi32, #tpu.memory_space<vmem>>, vector<16xi32>,
    %add3A_167 = arith.constant 32 : i32
    %add3A_168 = arith.addi %add3A_150, %add3A_167 : i32
    %add3A_169 = vector.broadcast %add3A_168 : i32 to vector<16xi32>
    %add3A_170 = arith.addi %add3A_169, %iota3A : vector<16xi32>
    %swap3A_171 = arith.constant 0 : i32
    %swap3A_172 = arith.index_cast %swap3A_171 : i32 to index
    %swap3A_173 = arith.constant 32 : index
    %swap3A_174 = tpu.vector_load %arg9[%swap3A_172, %swap3A_173] {strides = array<i32>} : memref<2x64xi32, #tpu.memory_space<vmem>>, vector<16xi32>,
    tpu.vector_store %arg9[%swap3A_172, %swap3A_173], %add3A_170 {strides = array<i32>} : memref<2x64xi32, #tpu.memory_space<vmem>>, vector<16xi32>,
    %add3A_175 = arith.constant 48 : i32
    %add3A_176 = arith.addi %add3A_150, %add3A_175 : i32
    %add3A_177 = vector.broadcast %add3A_176 : i32 to vector<16xi32>
    %add3A_178 = arith.addi %add3A_177, %iota3A : vector<16xi32>
    %swap3A_179 = arith.constant 0 : i32
    %swap3A_180 = arith.index_cast %swap3A_179 : i32 to index
    %swap3A_181 = arith.constant 48 : index
    %swap3A_182 = tpu.vector_load %arg9[%swap3A_180, %swap3A_181] {strides = array<i32>} : memref<2x64xi32, #tpu.memory_space<vmem>>, vector<16xi32>,
    tpu.vector_store %arg9[%swap3A_180, %swap3A_181], %add3A_178 {strides = array<i32>} : memref<2x64xi32, #tpu.memory_space<vmem>>, vector<16xi32>,
    %dma_start3A_183 = arith.constant 0 : i32
    %dma_start3A_184 = arith.constant 0 : i32
    %dma_start3A_185 = tpu.memref_slice %arg9[%dma_start3A_183, %dma_start3A_184] : memref<2x64xi32, #tpu.memory_space<vmem>> -> memref<1x64xi32, #tpu.memory_space<vmem>>
    %dma_start3A_186 = tpu.memref_squeeze %dma_start3A_185 : memref<1x64xi32, #tpu.memory_space<vmem>> -> memref<64xi32, #tpu.memory_space<vmem>>
    %dma_start3A_187 = arith.constant 0 : i32
    %dma_start3A_188 = arith.constant 0 : i32
    %dma_start3A_189 = tpu.memref_slice %arg8[%dma_start3A_187, %dma_start3A_188] : memref<10240x128xf32, #tpu.memory_space<vmem_shared>> -> memref<10240x128xf32, #tpu.memory_space<vmem_shared>>
    tpu.enqueue_indirect_dma source(%arg12 : memref<64x128xf32, #tpu.memory_space<vmem>>) target(%dma_start3A_189 : memref<10240x128xf32, #tpu.memory_space<vmem_shared>>) offsets(%dma_start3A_186 : memref<64xi32, #tpu.memory_space<vmem>>) semaphore(%arg14 : memref<!tpu.dma_semaphore, #tpu.memory_space<semaphore_mem>>)
    %dma_wait3A_190 = arith.constant 0 : i32
    %dma_wait3A_191 = arith.constant 0 : i32
    %dma_wait3A_192 = tpu.memref_slice %arg9[%dma_wait3A_190, %dma_wait3A_191] : memref<2x64xi32, #tpu.memory_space<vmem>> -> memref<1x64xi32, #tpu.memory_space<vmem>>
    %dma_wait3A_193 = tpu.memref_squeeze %dma_wait3A_192 : memref<1x64xi32, #tpu.memory_space<vmem>> -> memref<64xi32, #tpu.memory_space<vmem>>
    %dma_wait3A_194 = arith.constant 0 : i32
    %dma_wait3A_195 = arith.constant 0 : i32
    %dma_wait3A_196 = tpu.memref_slice %arg8[%dma_wait3A_194, %dma_wait3A_195] : memref<10240x128xf32, #tpu.memory_space<vmem_shared>> -> memref<10240x128xf32, #tpu.memory_space<vmem_shared>>
    tpu.wait_indirect_dma semaphore(%arg14 : memref<!tpu.dma_semaphore, #tpu.memory_space<semaphore_mem>>) src(%arg12 : memref<64x128xf32, #tpu.memory_space<vmem>>) dst(%dma_wait3A_196 : memref<10240x128xf32, #tpu.memory_space<vmem_shared>>)
    %add3A_197 = arith.constant 256 : i32
    %add3A_198 = arith.addi %mul3A_2, %add3A_197 : i32
    %add3A_199 = arith.constant 0 : i32
    %add3A_200 = arith.addi %add3A_198, %add3A_199 : i32
    %add3A_201 = vector.broadcast %add3A_200 : i32 to vector<16xi32>
    %add3A_202 = arith.addi %add3A_201, %iota3A : vector<16xi32>
    %swap3A_203 = arith.constant 0 : i32
    %swap3A_204 = arith.index_cast %swap3A_203 : i32 to index
    %swap3A_205 = arith.constant 0 : index
    %swap3A_206 = tpu.vector_load %arg9[%swap3A_204, %swap3A_205] {strides = array<i32>} : memref<2x64xi32, #tpu.memory_space<vmem>>, vector<16xi32>,
    tpu.vector_store %arg9[%swap3A_204, %swap3A_205], %add3A_202 {strides = array<i32>} : memref<2x64xi32, #tpu.memory_space<vmem>>, vector<16xi32>,
    %add3A_207 = arith.constant 16 : i32
    %add3A_208 = arith.addi %add3A_198, %add3A_207 : i32
    %add3A_209 = vector.broadcast %add3A_208 : i32 to vector<16xi32>
    %add3A_210 = arith.addi %add3A_209, %iota3A : vector<16xi32>
    %swap3A_211 = arith.constant 0 : i32
    %swap3A_212 = arith.index_cast %swap3A_211 : i32 to index
    %swap3A_213 = arith.constant 16 : index
    %swap3A_214 = tpu.vector_load %arg9[%swap3A_212, %swap3A_213] {strides = array<i32>} : memref<2x64xi32, #tpu.memory_space<vmem>>, vector<16xi32>,
    tpu.vector_store %arg9[%swap3A_212, %swap3A_213], %add3A_210 {strides = array<i32>} : memref<2x64xi32, #tpu.memory_space<vmem>>, vector<16xi32>,
    %add3A_215 = arith.constant 32 : i32
    %add3A_216 = arith.addi %add3A_198, %add3A_215 : i32
    %add3A_217 = vector.broadcast %add3A_216 : i32 to vector<16xi32>
    %add3A_218 = arith.addi %add3A_217, %iota3A : vector<16xi32>
    %swap3A_219 = arith.constant 0 : i32
    %swap3A_220 = arith.index_cast %swap3A_219 : i32 to index
    %swap3A_221 = arith.constant 32 : index
    %swap3A_222 = tpu.vector_load %arg9[%swap3A_220, %swap3A_221] {strides = array<i32>} : memref<2x64xi32, #tpu.memory_space<vmem>>, vector<16xi32>,
    tpu.vector_store %arg9[%swap3A_220, %swap3A_221], %add3A_218 {strides = array<i32>} : memref<2x64xi32, #tpu.memory_space<vmem>>, vector<16xi32>,
    %add3A_223 = arith.constant 48 : i32
    %add3A_224 = arith.addi %add3A_198, %add3A_223 : i32
    %add3A_225 = vector.broadcast %add3A_224 : i32 to vector<16xi32>
    %add3A_226 = arith.addi %add3A_225, %iota3A : vector<16xi32>
    %swap3A_227 = arith.constant 0 : i32
    %swap3A_228 = arith.index_cast %swap3A_227 : i32 to index
    %swap3A_229 = arith.constant 48 : index
    %swap3A_230 = tpu.vector_load %arg9[%swap3A_228, %swap3A_229] {strides = array<i32>} : memref<2x64xi32, #tpu.memory_space<vmem>>, vector<16xi32>,
    tpu.vector_store %arg9[%swap3A_228, %swap3A_229], %add3A_226 {strides = array<i32>} : memref<2x64xi32, #tpu.memory_space<vmem>>, vector<16xi32>,
    %dma_start3A_231 = arith.constant 0 : i32
    %dma_start3A_232 = arith.constant 0 : i32
    %dma_start3A_233 = tpu.memref_slice %arg9[%dma_start3A_231, %dma_start3A_232] : memref<2x64xi32, #tpu.memory_space<vmem>> -> memref<1x64xi32, #tpu.memory_space<vmem>>
    %dma_start3A_234 = tpu.memref_squeeze %dma_start3A_233 : memref<1x64xi32, #tpu.memory_space<vmem>> -> memref<64xi32, #tpu.memory_space<vmem>>
    %dma_start3A_235 = arith.constant 0 : i32
    %dma_start3A_236 = arith.constant 0 : i32
    %dma_start3A_237 = tpu.memref_slice %arg8[%dma_start3A_235, %dma_start3A_236] : memref<10240x128xf32, #tpu.memory_space<vmem_shared>> -> memref<10240x128xf32, #tpu.memory_space<vmem_shared>>
    tpu.enqueue_indirect_dma source(%arg12 : memref<64x128xf32, #tpu.memory_space<vmem>>) target(%dma_start3A_237 : memref<10240x128xf32, #tpu.memory_space<vmem_shared>>) offsets(%dma_start3A_234 : memref<64xi32, #tpu.memory_space<vmem>>) semaphore(%arg14 : memref<!tpu.dma_semaphore, #tpu.memory_space<semaphore_mem>>)
    %dma_wait3A_238 = arith.constant 0 : i32
    %dma_wait3A_239 = arith.constant 0 : i32
    %dma_wait3A_240 = tpu.memref_slice %arg9[%dma_wait3A_238, %dma_wait3A_239] : memref<2x64xi32, #tpu.memory_space<vmem>> -> memref<1x64xi32, #tpu.memory_space<vmem>>
    %dma_wait3A_241 = tpu.memref_squeeze %dma_wait3A_240 : memref<1x64xi32, #tpu.memory_space<vmem>> -> memref<64xi32, #tpu.memory_space<vmem>>
    %dma_wait3A_242 = arith.constant 0 : i32
    %dma_wait3A_243 = arith.constant 0 : i32
    %dma_wait3A_244 = tpu.memref_slice %arg8[%dma_wait3A_242, %dma_wait3A_243] : memref<10240x128xf32, #tpu.memory_space<vmem_shared>> -> memref<10240x128xf32, #tpu.memory_space<vmem_shared>>
    tpu.wait_indirect_dma semaphore(%arg14 : memref<!tpu.dma_semaphore, #tpu.memory_space<semaphore_mem>>) src(%arg12 : memref<64x128xf32, #tpu.memory_space<vmem>>) dst(%dma_wait3A_244 : memref<10240x128xf32, #tpu.memory_space<vmem_shared>>)
    %add3A_245 = arith.constant 320 : i32
    %add3A_246 = arith.addi %mul3A_2, %add3A_245 : i32
    %add3A_247 = arith.constant 0 : i32
    %add3A_248 = arith.addi %add3A_246, %add3A_247 : i32
    %add3A_249 = vector.broadcast %add3A_248 : i32 to vector<16xi32>
    %add3A_250 = arith.addi %add3A_249, %iota3A : vector<16xi32>
    %swap3A_251 = arith.constant 0 : i32
    %swap3A_252 = arith.index_cast %swap3A_251 : i32 to index
    %swap3A_253 = arith.constant 0 : index
    %swap3A_254 = tpu.vector_load %arg9[%swap3A_252, %swap3A_253] {strides = array<i32>} : memref<2x64xi32, #tpu.memory_space<vmem>>, vector<16xi32>,
    tpu.vector_store %arg9[%swap3A_252, %swap3A_253], %add3A_250 {strides = array<i32>} : memref<2x64xi32, #tpu.memory_space<vmem>>, vector<16xi32>,
    %add3A_255 = arith.constant 16 : i32
    %add3A_256 = arith.addi %add3A_246, %add3A_255 : i32
    %add3A_257 = vector.broadcast %add3A_256 : i32 to vector<16xi32>
    %add3A_258 = arith.addi %add3A_257, %iota3A : vector<16xi32>
    %swap3A_259 = arith.constant 0 : i32
    %swap3A_260 = arith.index_cast %swap3A_259 : i32 to index
    %swap3A_261 = arith.constant 16 : index
    %swap3A_262 = tpu.vector_load %arg9[%swap3A_260, %swap3A_261] {strides = array<i32>} : memref<2x64xi32, #tpu.memory_space<vmem>>, vector<16xi32>,
    tpu.vector_store %arg9[%swap3A_260, %swap3A_261], %add3A_258 {strides = array<i32>} : memref<2x64xi32, #tpu.memory_space<vmem>>, vector<16xi32>,
    %add3A_263 = arith.constant 32 : i32
    %add3A_264 = arith.addi %add3A_246, %add3A_263 : i32
    %add3A_265 = vector.broadcast %add3A_264 : i32 to vector<16xi32>
    %add3A_266 = arith.addi %add3A_265, %iota3A : vector<16xi32>
    %swap3A_267 = arith.constant 0 : i32
    %swap3A_268 = arith.index_cast %swap3A_267 : i32 to index
    %swap3A_269 = arith.constant 32 : index
    %swap3A_270 = tpu.vector_load %arg9[%swap3A_268, %swap3A_269] {strides = array<i32>} : memref<2x64xi32, #tpu.memory_space<vmem>>, vector<16xi32>,
    tpu.vector_store %arg9[%swap3A_268, %swap3A_269], %add3A_266 {strides = array<i32>} : memref<2x64xi32, #tpu.memory_space<vmem>>, vector<16xi32>,
    %add3A_271 = arith.constant 48 : i32
    %add3A_272 = arith.addi %add3A_246, %add3A_271 : i32
    %add3A_273 = vector.broadcast %add3A_272 : i32 to vector<16xi32>
    %add3A_274 = arith.addi %add3A_273, %iota3A : vector<16xi32>
    %swap3A_275 = arith.constant 0 : i32
    %swap3A_276 = arith.index_cast %swap3A_275 : i32 to index
    %swap3A_277 = arith.constant 48 : index
    %swap3A_278 = tpu.vector_load %arg9[%swap3A_276, %swap3A_277] {strides = array<i32>} : memref<2x64xi32, #tpu.memory_space<vmem>>, vector<16xi32>,
    tpu.vector_store %arg9[%swap3A_276, %swap3A_277], %add3A_274 {strides = array<i32>} : memref<2x64xi32, #tpu.memory_space<vmem>>, vector<16xi32>,
    %dma_start3A_279 = arith.constant 0 : i32
    %dma_start3A_280 = arith.constant 0 : i32
    %dma_start3A_281 = tpu.memref_slice %arg9[%dma_start3A_279, %dma_start3A_280] : memref<2x64xi32, #tpu.memory_space<vmem>> -> memref<1x64xi32, #tpu.memory_space<vmem>>
    %dma_start3A_282 = tpu.memref_squeeze %dma_start3A_281 : memref<1x64xi32, #tpu.memory_space<vmem>> -> memref<64xi32, #tpu.memory_space<vmem>>
    %dma_start3A_283 = arith.constant 0 : i32
    %dma_start3A_284 = arith.constant 0 : i32
    %dma_start3A_285 = tpu.memref_slice %arg8[%dma_start3A_283, %dma_start3A_284] : memref<10240x128xf32, #tpu.memory_space<vmem_shared>> -> memref<10240x128xf32, #tpu.memory_space<vmem_shared>>
    tpu.enqueue_indirect_dma source(%arg12 : memref<64x128xf32, #tpu.memory_space<vmem>>) target(%dma_start3A_285 : memref<10240x128xf32, #tpu.memory_space<vmem_shared>>) offsets(%dma_start3A_282 : memref<64xi32, #tpu.memory_space<vmem>>) semaphore(%arg14 : memref<!tpu.dma_semaphore, #tpu.memory_space<semaphore_mem>>)
    %dma_wait3A_286 = arith.constant 0 : i32
    %dma_wait3A_287 = arith.constant 0 : i32
    %dma_wait3A_288 = tpu.memref_slice %arg9[%dma_wait3A_286, %dma_wait3A_287] : memref<2x64xi32, #tpu.memory_space<vmem>> -> memref<1x64xi32, #tpu.memory_space<vmem>>
    %dma_wait3A_289 = tpu.memref_squeeze %dma_wait3A_288 : memref<1x64xi32, #tpu.memory_space<vmem>> -> memref<64xi32, #tpu.memory_space<vmem>>
    %dma_wait3A_290 = arith.constant 0 : i32
    %dma_wait3A_291 = arith.constant 0 : i32
    %dma_wait3A_292 = tpu.memref_slice %arg8[%dma_wait3A_290, %dma_wait3A_291] : memref<10240x128xf32, #tpu.memory_space<vmem_shared>> -> memref<10240x128xf32, #tpu.memory_space<vmem_shared>>
    tpu.wait_indirect_dma semaphore(%arg14 : memref<!tpu.dma_semaphore, #tpu.memory_space<semaphore_mem>>) src(%arg12 : memref<64x128xf32, #tpu.memory_space<vmem>>) dst(%dma_wait3A_292 : memref<10240x128xf32, #tpu.memory_space<vmem_shared>>)
    %add3A_293 = arith.constant 384 : i32
    %add3A_294 = arith.addi %mul3A_2, %add3A_293 : i32
    %add3A_295 = arith.constant 0 : i32
    %add3A_296 = arith.addi %add3A_294, %add3A_295 : i32
    %add3A_297 = vector.broadcast %add3A_296 : i32 to vector<16xi32>
    %add3A_298 = arith.addi %add3A_297, %iota3A : vector<16xi32>
    %swap3A_299 = arith.constant 0 : i32
    %swap3A_300 = arith.index_cast %swap3A_299 : i32 to index
    %swap3A_301 = arith.constant 0 : index
    %swap3A_302 = tpu.vector_load %arg9[%swap3A_300, %swap3A_301] {strides = array<i32>} : memref<2x64xi32, #tpu.memory_space<vmem>>, vector<16xi32>,
    tpu.vector_store %arg9[%swap3A_300, %swap3A_301], %add3A_298 {strides = array<i32>} : memref<2x64xi32, #tpu.memory_space<vmem>>, vector<16xi32>,
    %add3A_303 = arith.constant 16 : i32
    %add3A_304 = arith.addi %add3A_294, %add3A_303 : i32
    %add3A_305 = vector.broadcast %add3A_304 : i32 to vector<16xi32>
    %add3A_306 = arith.addi %add3A_305, %iota3A : vector<16xi32>
    %swap3A_307 = arith.constant 0 : i32
    %swap3A_308 = arith.index_cast %swap3A_307 : i32 to index
    %swap3A_309 = arith.constant 16 : index
    %swap3A_310 = tpu.vector_load %arg9[%swap3A_308, %swap3A_309] {strides = array<i32>} : memref<2x64xi32, #tpu.memory_space<vmem>>, vector<16xi32>,
    tpu.vector_store %arg9[%swap3A_308, %swap3A_309], %add3A_306 {strides = array<i32>} : memref<2x64xi32, #tpu.memory_space<vmem>>, vector<16xi32>,
    %add3A_311 = arith.constant 32 : i32
    %add3A_312 = arith.addi %add3A_294, %add3A_311 : i32
    %add3A_313 = vector.broadcast %add3A_312 : i32 to vector<16xi32>
    %add3A_314 = arith.addi %add3A_313, %iota3A : vector<16xi32>
    %swap3A_315 = arith.constant 0 : i32
    %swap3A_316 = arith.index_cast %swap3A_315 : i32 to index
    %swap3A_317 = arith.constant 32 : index
    %swap3A_318 = tpu.vector_load %arg9[%swap3A_316, %swap3A_317] {strides = array<i32>} : memref<2x64xi32, #tpu.memory_space<vmem>>, vector<16xi32>,
    tpu.vector_store %arg9[%swap3A_316, %swap3A_317], %add3A_314 {strides = array<i32>} : memref<2x64xi32, #tpu.memory_space<vmem>>, vector<16xi32>,
    %add3A_319 = arith.constant 48 : i32
    %add3A_320 = arith.addi %add3A_294, %add3A_319 : i32
    %add3A_321 = vector.broadcast %add3A_320 : i32 to vector<16xi32>
    %add3A_322 = arith.addi %add3A_321, %iota3A : vector<16xi32>
    %swap3A_323 = arith.constant 0 : i32
    %swap3A_324 = arith.index_cast %swap3A_323 : i32 to index
    %swap3A_325 = arith.constant 48 : index
    %swap3A_326 = tpu.vector_load %arg9[%swap3A_324, %swap3A_325] {strides = array<i32>} : memref<2x64xi32, #tpu.memory_space<vmem>>, vector<16xi32>,
    tpu.vector_store %arg9[%swap3A_324, %swap3A_325], %add3A_322 {strides = array<i32>} : memref<2x64xi32, #tpu.memory_space<vmem>>, vector<16xi32>,
    %dma_start3A_327 = arith.constant 0 : i32
    %dma_start3A_328 = arith.constant 0 : i32
    %dma_start3A_329 = tpu.memref_slice %arg9[%dma_start3A_327, %dma_start3A_328] : memref<2x64xi32, #tpu.memory_space<vmem>> -> memref<1x64xi32, #tpu.memory_space<vmem>>
    %dma_start3A_330 = tpu.memref_squeeze %dma_start3A_329 : memref<1x64xi32, #tpu.memory_space<vmem>> -> memref<64xi32, #tpu.memory_space<vmem>>
    %dma_start3A_331 = arith.constant 0 : i32
    %dma_start3A_332 = arith.constant 0 : i32
    %dma_start3A_333 = tpu.memref_slice %arg8[%dma_start3A_331, %dma_start3A_332] : memref<10240x128xf32, #tpu.memory_space<vmem_shared>> -> memref<10240x128xf32, #tpu.memory_space<vmem_shared>>
    tpu.enqueue_indirect_dma source(%arg12 : memref<64x128xf32, #tpu.memory_space<vmem>>) target(%dma_start3A_333 : memref<10240x128xf32, #tpu.memory_space<vmem_shared>>) offsets(%dma_start3A_330 : memref<64xi32, #tpu.memory_space<vmem>>) semaphore(%arg14 : memref<!tpu.dma_semaphore, #tpu.memory_space<semaphore_mem>>)
    %dma_wait3A_334 = arith.constant 0 : i32
    %dma_wait3A_335 = arith.constant 0 : i32
    %dma_wait3A_336 = tpu.memref_slice %arg9[%dma_wait3A_334, %dma_wait3A_335] : memref<2x64xi32, #tpu.memory_space<vmem>> -> memref<1x64xi32, #tpu.memory_space<vmem>>
    %dma_wait3A_337 = tpu.memref_squeeze %dma_wait3A_336 : memref<1x64xi32, #tpu.memory_space<vmem>> -> memref<64xi32, #tpu.memory_space<vmem>>
    %dma_wait3A_338 = arith.constant 0 : i32
    %dma_wait3A_339 = arith.constant 0 : i32
    %dma_wait3A_340 = tpu.memref_slice %arg8[%dma_wait3A_338, %dma_wait3A_339] : memref<10240x128xf32, #tpu.memory_space<vmem_shared>> -> memref<10240x128xf32, #tpu.memory_space<vmem_shared>>
    tpu.wait_indirect_dma semaphore(%arg14 : memref<!tpu.dma_semaphore, #tpu.memory_space<semaphore_mem>>) src(%arg12 : memref<64x128xf32, #tpu.memory_space<vmem>>) dst(%dma_wait3A_340 : memref<10240x128xf32, #tpu.memory_space<vmem_shared>>)
    %add3A_341 = arith.constant 448 : i32
    %add3A_342 = arith.addi %mul3A_2, %add3A_341 : i32
    %add3A_343 = arith.constant 0 : i32
    %add3A_344 = arith.addi %add3A_342, %add3A_343 : i32
    %add3A_345 = vector.broadcast %add3A_344 : i32 to vector<16xi32>
    %add3A_346 = arith.addi %add3A_345, %iota3A : vector<16xi32>
    %swap3A_347 = arith.constant 0 : i32
    %swap3A_348 = arith.index_cast %swap3A_347 : i32 to index
    %swap3A_349 = arith.constant 0 : index
    %swap3A_350 = tpu.vector_load %arg9[%swap3A_348, %swap3A_349] {strides = array<i32>} : memref<2x64xi32, #tpu.memory_space<vmem>>, vector<16xi32>,
    tpu.vector_store %arg9[%swap3A_348, %swap3A_349], %add3A_346 {strides = array<i32>} : memref<2x64xi32, #tpu.memory_space<vmem>>, vector<16xi32>,
    %add3A_351 = arith.constant 16 : i32
    %add3A_352 = arith.addi %add3A_342, %add3A_351 : i32
    %add3A_353 = vector.broadcast %add3A_352 : i32 to vector<16xi32>
    %add3A_354 = arith.addi %add3A_353, %iota3A : vector<16xi32>
    %swap3A_355 = arith.constant 0 : i32
    %swap3A_356 = arith.index_cast %swap3A_355 : i32 to index
    %swap3A_357 = arith.constant 16 : index
    %swap3A_358 = tpu.vector_load %arg9[%swap3A_356, %swap3A_357] {strides = array<i32>} : memref<2x64xi32, #tpu.memory_space<vmem>>, vector<16xi32>,
    tpu.vector_store %arg9[%swap3A_356, %swap3A_357], %add3A_354 {strides = array<i32>} : memref<2x64xi32, #tpu.memory_space<vmem>>, vector<16xi32>,
    %add3A_359 = arith.constant 32 : i32
    %add3A_360 = arith.addi %add3A_342, %add3A_359 : i32
    %add3A_361 = vector.broadcast %add3A_360 : i32 to vector<16xi32>
    %add3A_362 = arith.addi %add3A_361, %iota3A : vector<16xi32>
    %swap3A_363 = arith.constant 0 : i32
    %swap3A_364 = arith.index_cast %swap3A_363 : i32 to index
    %swap3A_365 = arith.constant 32 : index
    %swap3A_366 = tpu.vector_load %arg9[%swap3A_364, %swap3A_365] {strides = array<i32>} : memref<2x64xi32, #tpu.memory_space<vmem>>, vector<16xi32>,
    tpu.vector_store %arg9[%swap3A_364, %swap3A_365], %add3A_362 {strides = array<i32>} : memref<2x64xi32, #tpu.memory_space<vmem>>, vector<16xi32>,
    %add3A_367 = arith.constant 48 : i32
    %add3A_368 = arith.addi %add3A_342, %add3A_367 : i32
    %add3A_369 = vector.broadcast %add3A_368 : i32 to vector<16xi32>
    %add3A_370 = arith.addi %add3A_369, %iota3A : vector<16xi32>
    %swap3A_371 = arith.constant 0 : i32
    %swap3A_372 = arith.index_cast %swap3A_371 : i32 to index
    %swap3A_373 = arith.constant 48 : index
    %swap3A_374 = tpu.vector_load %arg9[%swap3A_372, %swap3A_373] {strides = array<i32>} : memref<2x64xi32, #tpu.memory_space<vmem>>, vector<16xi32>,
    tpu.vector_store %arg9[%swap3A_372, %swap3A_373], %add3A_370 {strides = array<i32>} : memref<2x64xi32, #tpu.memory_space<vmem>>, vector<16xi32>,
    %dma_start3A_375 = arith.constant 0 : i32
    %dma_start3A_376 = arith.constant 0 : i32
    %dma_start3A_377 = tpu.memref_slice %arg9[%dma_start3A_375, %dma_start3A_376] : memref<2x64xi32, #tpu.memory_space<vmem>> -> memref<1x64xi32, #tpu.memory_space<vmem>>
    %dma_start3A_378 = tpu.memref_squeeze %dma_start3A_377 : memref<1x64xi32, #tpu.memory_space<vmem>> -> memref<64xi32, #tpu.memory_space<vmem>>
    %dma_start3A_379 = arith.constant 0 : i32
    %dma_start3A_380 = arith.constant 0 : i32
    %dma_start3A_381 = tpu.memref_slice %arg8[%dma_start3A_379, %dma_start3A_380] : memref<10240x128xf32, #tpu.memory_space<vmem_shared>> -> memref<10240x128xf32, #tpu.memory_space<vmem_shared>>
    tpu.enqueue_indirect_dma source(%arg12 : memref<64x128xf32, #tpu.memory_space<vmem>>) target(%dma_start3A_381 : memref<10240x128xf32, #tpu.memory_space<vmem_shared>>) offsets(%dma_start3A_378 : memref<64xi32, #tpu.memory_space<vmem>>) semaphore(%arg14 : memref<!tpu.dma_semaphore, #tpu.memory_space<semaphore_mem>>)
    %dma_wait3A_382 = arith.constant 0 : i32
    %dma_wait3A_383 = arith.constant 0 : i32
    %dma_wait3A_384 = tpu.memref_slice %arg9[%dma_wait3A_382, %dma_wait3A_383] : memref<2x64xi32, #tpu.memory_space<vmem>> -> memref<1x64xi32, #tpu.memory_space<vmem>>
    %dma_wait3A_385 = tpu.memref_squeeze %dma_wait3A_384 : memref<1x64xi32, #tpu.memory_space<vmem>> -> memref<64xi32, #tpu.memory_space<vmem>>
    %dma_wait3A_386 = arith.constant 0 : i32
    %dma_wait3A_387 = arith.constant 0 : i32
    %dma_wait3A_388 = tpu.memref_slice %arg8[%dma_wait3A_386, %dma_wait3A_387] : memref<10240x128xf32, #tpu.memory_space<vmem_shared>> -> memref<10240x128xf32, #tpu.memory_space<vmem_shared>>
    tpu.wait_indirect_dma semaphore(%arg14 : memref<!tpu.dma_semaphore, #tpu.memory_space<semaphore_mem>>) src(%arg12 : memref<64x128xf32, #tpu.memory_space<vmem>>) dst(%dma_wait3A_388 : memref<10240x128xf32, #tpu.memory_space<vmem_shared>>)
    %add3A_389 = arith.constant 512 : i32
    %add3A_390 = arith.addi %mul3A_2, %add3A_389 : i32
    %add3A_391 = arith.constant 0 : i32
    %add3A_392 = arith.addi %add3A_390, %add3A_391 : i32
    %add3A_393 = vector.broadcast %add3A_392 : i32 to vector<16xi32>
    %add3A_394 = arith.addi %add3A_393, %iota3A : vector<16xi32>
    %swap3A_395 = arith.constant 0 : i32
    %swap3A_396 = arith.index_cast %swap3A_395 : i32 to index
    %swap3A_397 = arith.constant 0 : index
    %swap3A_398 = tpu.vector_load %arg9[%swap3A_396, %swap3A_397] {strides = array<i32>} : memref<2x64xi32, #tpu.memory_space<vmem>>, vector<16xi32>,
    tpu.vector_store %arg9[%swap3A_396, %swap3A_397], %add3A_394 {strides = array<i32>} : memref<2x64xi32, #tpu.memory_space<vmem>>, vector<16xi32>,
    %add3A_399 = arith.constant 16 : i32
    %add3A_400 = arith.addi %add3A_390, %add3A_399 : i32
    %add3A_401 = vector.broadcast %add3A_400 : i32 to vector<16xi32>
    %add3A_402 = arith.addi %add3A_401, %iota3A : vector<16xi32>
    %swap3A_403 = arith.constant 0 : i32
    %swap3A_404 = arith.index_cast %swap3A_403 : i32 to index
    %swap3A_405 = arith.constant 16 : index
    %swap3A_406 = tpu.vector_load %arg9[%swap3A_404, %swap3A_405] {strides = array<i32>} : memref<2x64xi32, #tpu.memory_space<vmem>>, vector<16xi32>,
    tpu.vector_store %arg9[%swap3A_404, %swap3A_405], %add3A_402 {strides = array<i32>} : memref<2x64xi32, #tpu.memory_space<vmem>>, vector<16xi32>,
    %add3A_407 = arith.constant 32 : i32
    %add3A_408 = arith.addi %add3A_390, %add3A_407 : i32
    %add3A_409 = vector.broadcast %add3A_408 : i32 to vector<16xi32>
    %add3A_410 = arith.addi %add3A_409, %iota3A : vector<16xi32>
    %swap3A_411 = arith.constant 0 : i32
    %swap3A_412 = arith.index_cast %swap3A_411 : i32 to index
    %swap3A_413 = arith.constant 32 : index
    %swap3A_414 = tpu.vector_load %arg9[%swap3A_412, %swap3A_413] {strides = array<i32>} : memref<2x64xi32, #tpu.memory_space<vmem>>, vector<16xi32>,
    tpu.vector_store %arg9[%swap3A_412, %swap3A_413], %add3A_410 {strides = array<i32>} : memref<2x64xi32, #tpu.memory_space<vmem>>, vector<16xi32>,
    %add3A_415 = arith.constant 48 : i32
    %add3A_416 = arith.addi %add3A_390, %add3A_415 : i32
    %add3A_417 = vector.broadcast %add3A_416 : i32 to vector<16xi32>
    %add3A_418 = arith.addi %add3A_417, %iota3A : vector<16xi32>
    %swap3A_419 = arith.constant 0 : i32
    %swap3A_420 = arith.index_cast %swap3A_419 : i32 to index
    %swap3A_421 = arith.constant 48 : index
    %swap3A_422 = tpu.vector_load %arg9[%swap3A_420, %swap3A_421] {strides = array<i32>} : memref<2x64xi32, #tpu.memory_space<vmem>>, vector<16xi32>,
    tpu.vector_store %arg9[%swap3A_420, %swap3A_421], %add3A_418 {strides = array<i32>} : memref<2x64xi32, #tpu.memory_space<vmem>>, vector<16xi32>,
    %dma_start3A_423 = arith.constant 0 : i32
    %dma_start3A_424 = arith.constant 0 : i32
    %dma_start3A_425 = tpu.memref_slice %arg9[%dma_start3A_423, %dma_start3A_424] : memref<2x64xi32, #tpu.memory_space<vmem>> -> memref<1x64xi32, #tpu.memory_space<vmem>>
    %dma_start3A_426 = tpu.memref_squeeze %dma_start3A_425 : memref<1x64xi32, #tpu.memory_space<vmem>> -> memref<64xi32, #tpu.memory_space<vmem>>
    %dma_start3A_427 = arith.constant 0 : i32
    %dma_start3A_428 = arith.constant 0 : i32
    %dma_start3A_429 = tpu.memref_slice %arg8[%dma_start3A_427, %dma_start3A_428] : memref<10240x128xf32, #tpu.memory_space<vmem_shared>> -> memref<10240x128xf32, #tpu.memory_space<vmem_shared>>
    tpu.enqueue_indirect_dma source(%arg12 : memref<64x128xf32, #tpu.memory_space<vmem>>) target(%dma_start3A_429 : memref<10240x128xf32, #tpu.memory_space<vmem_shared>>) offsets(%dma_start3A_426 : memref<64xi32, #tpu.memory_space<vmem>>) semaphore(%arg14 : memref<!tpu.dma_semaphore, #tpu.memory_space<semaphore_mem>>)
    %dma_wait3A_430 = arith.constant 0 : i32
    %dma_wait3A_431 = arith.constant 0 : i32
    %dma_wait3A_432 = tpu.memref_slice %arg9[%dma_wait3A_430, %dma_wait3A_431] : memref<2x64xi32, #tpu.memory_space<vmem>> -> memref<1x64xi32, #tpu.memory_space<vmem>>
    %dma_wait3A_433 = tpu.memref_squeeze %dma_wait3A_432 : memref<1x64xi32, #tpu.memory_space<vmem>> -> memref<64xi32, #tpu.memory_space<vmem>>
    %dma_wait3A_434 = arith.constant 0 : i32
    %dma_wait3A_435 = arith.constant 0 : i32
    %dma_wait3A_436 = tpu.memref_slice %arg8[%dma_wait3A_434, %dma_wait3A_435] : memref<10240x128xf32, #tpu.memory_space<vmem_shared>> -> memref<10240x128xf32, #tpu.memory_space<vmem_shared>>
    tpu.wait_indirect_dma semaphore(%arg14 : memref<!tpu.dma_semaphore, #tpu.memory_space<semaphore_mem>>) src(%arg12 : memref<64x128xf32, #tpu.memory_space<vmem>>) dst(%dma_wait3A_436 : memref<10240x128xf32, #tpu.memory_space<vmem_shared>>)
    %add3A_437 = arith.constant 576 : i32
    %add3A_438 = arith.addi %mul3A_2, %add3A_437 : i32
    %add3A_439 = arith.constant 0 : i32
    %add3A_440 = arith.addi %add3A_438, %add3A_439 : i32
    %add3A_441 = vector.broadcast %add3A_440 : i32 to vector<16xi32>
    %add3A_442 = arith.addi %add3A_441, %iota3A : vector<16xi32>
    %swap3A_443 = arith.constant 0 : i32
    %swap3A_444 = arith.index_cast %swap3A_443 : i32 to index
    %swap3A_445 = arith.constant 0 : index
    %swap3A_446 = tpu.vector_load %arg9[%swap3A_444, %swap3A_445] {strides = array<i32>} : memref<2x64xi32, #tpu.memory_space<vmem>>, vector<16xi32>,
    tpu.vector_store %arg9[%swap3A_444, %swap3A_445], %add3A_442 {strides = array<i32>} : memref<2x64xi32, #tpu.memory_space<vmem>>, vector<16xi32>,
    %add3A_447 = arith.constant 16 : i32
    %add3A_448 = arith.addi %add3A_438, %add3A_447 : i32
    %add3A_449 = vector.broadcast %add3A_448 : i32 to vector<16xi32>
    %add3A_450 = arith.addi %add3A_449, %iota3A : vector<16xi32>
    %swap3A_451 = arith.constant 0 : i32
    %swap3A_452 = arith.index_cast %swap3A_451 : i32 to index
    %swap3A_453 = arith.constant 16 : index
    %swap3A_454 = tpu.vector_load %arg9[%swap3A_452, %swap3A_453] {strides = array<i32>} : memref<2x64xi32, #tpu.memory_space<vmem>>, vector<16xi32>,
    tpu.vector_store %arg9[%swap3A_452, %swap3A_453], %add3A_450 {strides = array<i32>} : memref<2x64xi32, #tpu.memory_space<vmem>>, vector<16xi32>,
    %add3A_455 = arith.constant 32 : i32
    %add3A_456 = arith.addi %add3A_438, %add3A_455 : i32
    %add3A_457 = vector.broadcast %add3A_456 : i32 to vector<16xi32>
    %add3A_458 = arith.addi %add3A_457, %iota3A : vector<16xi32>
    %swap3A_459 = arith.constant 0 : i32
    %swap3A_460 = arith.index_cast %swap3A_459 : i32 to index
    %swap3A_461 = arith.constant 32 : index
    %swap3A_462 = tpu.vector_load %arg9[%swap3A_460, %swap3A_461] {strides = array<i32>} : memref<2x64xi32, #tpu.memory_space<vmem>>, vector<16xi32>,
    tpu.vector_store %arg9[%swap3A_460, %swap3A_461], %add3A_458 {strides = array<i32>} : memref<2x64xi32, #tpu.memory_space<vmem>>, vector<16xi32>,
    %add3A_463 = arith.constant 48 : i32
    %add3A_464 = arith.addi %add3A_438, %add3A_463 : i32
    %add3A_465 = vector.broadcast %add3A_464 : i32 to vector<16xi32>
    %add3A_466 = arith.addi %add3A_465, %iota3A : vector<16xi32>
    %swap3A_467 = arith.constant 0 : i32
    %swap3A_468 = arith.index_cast %swap3A_467 : i32 to index
    %swap3A_469 = arith.constant 48 : index
    %swap3A_470 = tpu.vector_load %arg9[%swap3A_468, %swap3A_469] {strides = array<i32>} : memref<2x64xi32, #tpu.memory_space<vmem>>, vector<16xi32>,
    tpu.vector_store %arg9[%swap3A_468, %swap3A_469], %add3A_466 {strides = array<i32>} : memref<2x64xi32, #tpu.memory_space<vmem>>, vector<16xi32>,
    %dma_start3A_471 = arith.constant 0 : i32
    %dma_start3A_472 = arith.constant 0 : i32
    %dma_start3A_473 = tpu.memref_slice %arg9[%dma_start3A_471, %dma_start3A_472] : memref<2x64xi32, #tpu.memory_space<vmem>> -> memref<1x64xi32, #tpu.memory_space<vmem>>
    %dma_start3A_474 = tpu.memref_squeeze %dma_start3A_473 : memref<1x64xi32, #tpu.memory_space<vmem>> -> memref<64xi32, #tpu.memory_space<vmem>>
    %dma_start3A_475 = arith.constant 0 : i32
    %dma_start3A_476 = arith.constant 0 : i32
    %dma_start3A_477 = tpu.memref_slice %arg8[%dma_start3A_475, %dma_start3A_476] : memref<10240x128xf32, #tpu.memory_space<vmem_shared>> -> memref<10240x128xf32, #tpu.memory_space<vmem_shared>>
    tpu.enqueue_indirect_dma source(%arg12 : memref<64x128xf32, #tpu.memory_space<vmem>>) target(%dma_start3A_477 : memref<10240x128xf32, #tpu.memory_space<vmem_shared>>) offsets(%dma_start3A_474 : memref<64xi32, #tpu.memory_space<vmem>>) semaphore(%arg14 : memref<!tpu.dma_semaphore, #tpu.memory_space<semaphore_mem>>)
    %dma_wait3A_478 = arith.constant 0 : i32
    %dma_wait3A_479 = arith.constant 0 : i32
    %dma_wait3A_480 = tpu.memref_slice %arg9[%dma_wait3A_478, %dma_wait3A_479] : memref<2x64xi32, #tpu.memory_space<vmem>> -> memref<1x64xi32, #tpu.memory_space<vmem>>
    %dma_wait3A_481 = tpu.memref_squeeze %dma_wait3A_480 : memref<1x64xi32, #tpu.memory_space<vmem>> -> memref<64xi32, #tpu.memory_space<vmem>>
    %dma_wait3A_482 = arith.constant 0 : i32
    %dma_wait3A_483 = arith.constant 0 : i32
    %dma_wait3A_484 = tpu.memref_slice %arg8[%dma_wait3A_482, %dma_wait3A_483] : memref<10240x128xf32, #tpu.memory_space<vmem_shared>> -> memref<10240x128xf32, #tpu.memory_space<vmem_shared>>
    tpu.wait_indirect_dma semaphore(%arg14 : memref<!tpu.dma_semaphore, #tpu.memory_space<semaphore_mem>>) src(%arg12 : memref<64x128xf32, #tpu.memory_space<vmem>>) dst(%dma_wait3A_484 : memref<10240x128xf32, #tpu.memory_space<vmem_shared>>)
    %barrier3A = arith.constant 0 : index
    tpu.barrier barrier_id(%barrier3A)
    %lt3A = arith.constant 8 : i32
    %lt3A_485 = arith.cmpi slt, %add3A, %lt3A : i32
    %jit3A = arith.constant 157 : i32
    %jit3A_486 = arith.constant 156 : i32
    %select_n3A = arith.select %lt3A_485, %jit3A, %jit3A_486 : i32
    %add3A_487 = arith.constant 0 : i32
    %add3A_488 = arith.addi %mul3A_2, %add3A_487 : i32
    %add3A_489 = vector.broadcast %add3A_488 : i32 to vector<16xi32>
    %add3A_490 = arith.addi %add3A_489, %iota3A : vector<16xi32>
    %swap3A_491 = arith.constant 0 : i32
    %swap3A_492 = arith.index_cast %swap3A_491 : i32 to index
    %swap3A_493 = arith.constant 0 : index
    %swap3A_494 = tpu.vector_load %arg9[%swap3A_492, %swap3A_493] {strides = array<i32>} : memref<2x64xi32, #tpu.memory_space<vmem>>, vector<16xi32>,
    tpu.vector_store %arg9[%swap3A_492, %swap3A_493], %add3A_490 {strides = array<i32>} : memref<2x64xi32, #tpu.memory_space<vmem>>, vector<16xi32>,
    %add3A_495 = arith.constant 16 : i32
    %add3A_496 = arith.addi %mul3A_2, %add3A_495 : i32
    %add3A_497 = vector.broadcast %add3A_496 : i32 to vector<16xi32>
    %add3A_498 = arith.addi %add3A_497, %iota3A : vector<16xi32>
    %swap3A_499 = arith.constant 0 : i32
    %swap3A_500 = arith.index_cast %swap3A_499 : i32 to index
    %swap3A_501 = arith.constant 16 : index
    %swap3A_502 = tpu.vector_load %arg9[%swap3A_500, %swap3A_501] {strides = array<i32>} : memref<2x64xi32, #tpu.memory_space<vmem>>, vector<16xi32>,
    tpu.vector_store %arg9[%swap3A_500, %swap3A_501], %add3A_498 {strides = array<i32>} : memref<2x64xi32, #tpu.memory_space<vmem>>, vector<16xi32>,
    %add3A_503 = arith.constant 32 : i32
    %add3A_504 = arith.addi %mul3A_2, %add3A_503 : i32
    %add3A_505 = vector.broadcast %add3A_504 : i32 to vector<16xi32>
    %add3A_506 = arith.addi %add3A_505, %iota3A : vector<16xi32>
    %swap3A_507 = arith.constant 0 : i32
    %swap3A_508 = arith.index_cast %swap3A_507 : i32 to index
    %swap3A_509 = arith.constant 32 : index
    %swap3A_510 = tpu.vector_load %arg9[%swap3A_508, %swap3A_509] {strides = array<i32>} : memref<2x64xi32, #tpu.memory_space<vmem>>, vector<16xi32>,
    tpu.vector_store %arg9[%swap3A_508, %swap3A_509], %add3A_506 {strides = array<i32>} : memref<2x64xi32, #tpu.memory_space<vmem>>, vector<16xi32>,
    %add3A_511 = arith.constant 48 : i32
    %add3A_512 = arith.addi %mul3A_2, %add3A_511 : i32
    %add3A_513 = vector.broadcast %add3A_512 : i32 to vector<16xi32>
    %add3A_514 = arith.addi %add3A_513, %iota3A : vector<16xi32>
    %swap3A_515 = arith.constant 0 : i32
    %swap3A_516 = arith.index_cast %swap3A_515 : i32 to index
    %swap3A_517 = arith.constant 48 : index
    %swap3A_518 = tpu.vector_load %arg9[%swap3A_516, %swap3A_517] {strides = array<i32>} : memref<2x64xi32, #tpu.memory_space<vmem>>, vector<16xi32>,
    tpu.vector_store %arg9[%swap3A_516, %swap3A_517], %add3A_514 {strides = array<i32>} : memref<2x64xi32, #tpu.memory_space<vmem>>, vector<16xi32>,
    %dma_start3A_519 = arith.constant 0 : i32
    %dma_start3A_520 = arith.constant 0 : i32
    %dma_start3A_521 = tpu.memref_slice %arg9[%dma_start3A_519, %dma_start3A_520] : memref<2x64xi32, #tpu.memory_space<vmem>> -> memref<1x64xi32, #tpu.memory_space<vmem>>
    %dma_start3A_522 = tpu.memref_squeeze %dma_start3A_521 : memref<1x64xi32, #tpu.memory_space<vmem>> -> memref<64xi32, #tpu.memory_space<vmem>>
    %dma_start3A_523 = arith.constant 0 : i32
    %dma_start3A_524 = arith.constant 0 : i32
    %dma_start3A_525 = tpu.memref_slice %arg8[%dma_start3A_523, %dma_start3A_524] : memref<10240x128xf32, #tpu.memory_space<vmem_shared>> -> memref<10240x128xf32, #tpu.memory_space<vmem_shared>>
    tpu.enqueue_indirect_dma source(%arg12 : memref<64x128xf32, #tpu.memory_space<vmem>>) target(%dma_start3A_525 : memref<10240x128xf32, #tpu.memory_space<vmem_shared>>) offsets(%dma_start3A_522 : memref<64xi32, #tpu.memory_space<vmem>>) semaphore(%arg16 : memref<!tpu.dma_semaphore, #tpu.memory_space<semaphore_mem>>) {add = true}
    %while3A = arith.constant 0 : i32
    %while3A_526 = arith.subi %select_n3A, %while3A : i32
    %while3A_527 = arith.addi %while3A, %while3A_526 : i32
    %while3A_528 = arith.constant 1 : i32
    %while3A_529 = arith.divsi %while3A_526, %while3A_528 : i32
    %while3A_530 = arith.muli %while3A_529, %while3A_528 : i32
    %while3A_531 = arith.addi %while3A, %while3A_530 : i32
    %while3A_532 = arith.constant 1 : i32
    scf.for %while3A_2043 = %while3A to %while3A_531 step %while3A_532  : i32 {
      %mul3A_2044 = arith.constant 32 : i32
      %mul3A_2045 = arith.muli %while3A_2043, %mul3A_2044 : i32
      %add3A_2046 = arith.addi %mul3A_2045, %add3A : i32
      %mul3A_2047 = arith.constant 64 : i32
      %mul3A_2048 = arith.muli %add3A_2046, %mul3A_2047 : i32
      %multiple_of3A = tpu.assume_multiple %mul3A_2048, 64 : i32
      "tpu.region"() ({
        %run_scoped3A = tpu.sem_alloc : memref<!tpu.dma_semaphore, #tpu.memory_space<semaphore_mem>>
        %dma_start3A_2103 = arith.constant 0 : i32
        %dma_start3A_2104 = arith.constant 0 : i32
        %dma_start3A_2105 = tpu.memref_slice %arg4[%add3A_2046, %dma_start3A_2103, %dma_start3A_2104] : memref<5000x2x64xi32, #tpu.memory_space<hbm>> -> memref<1x2x64xi32, #tpu.memory_space<hbm>>
        %dma_start3A_2106 = tpu.memref_squeeze %dma_start3A_2105 : memref<1x2x64xi32, #tpu.memory_space<hbm>> -> memref<2x64xi32, #tpu.memory_space<hbm>>
        %dma_start3A_2107 = arith.constant 0 : i32
        %dma_start3A_2108 = arith.constant 0 : i32
        %dma_start3A_2109 = tpu.memref_slice %arg4[%add3A_2046, %dma_start3A_2107, %dma_start3A_2108] : memref<5000x2x64xi32, #tpu.memory_space<hbm>> -> memref<1x2x64xi32, #tpu.memory_space<hbm>>
        %dma_start3A_2110 = tpu.memref_squeeze %dma_start3A_2109 : memref<1x2x64xi32, #tpu.memory_space<hbm>> -> memref<2x64xi32, #tpu.memory_space<hbm>>
        tpu.enqueue_dma source(%dma_start3A_2110 : memref<2x64xi32, #tpu.memory_space<hbm>>) target(%arg9 : memref<2x64xi32, #tpu.memory_space<vmem>>) target_semaphore(%run_scoped3A : memref<!tpu.dma_semaphore, #tpu.memory_space<semaphore_mem>>)
        %dma_wait3A_2111 = arith.constant 0 : i32
        %dma_wait3A_2112 = arith.constant 0 : i32
        %dma_wait3A_2113 = tpu.memref_slice %arg4[%add3A_2046, %dma_wait3A_2111, %dma_wait3A_2112] : memref<5000x2x64xi32, #tpu.memory_space<hbm>> -> memref<1x2x64xi32, #tpu.memory_space<hbm>>
        %dma_wait3A_2114 = tpu.memref_squeeze %dma_wait3A_2113 : memref<1x2x64xi32, #tpu.memory_space<hbm>> -> memref<2x64xi32, #tpu.memory_space<hbm>>
        %dma_wait3A_2115 = arith.constant 0 : i32
        %dma_wait3A_2116 = arith.constant 0 : i32
        %dma_wait3A_2117 = tpu.memref_slice %arg4[%add3A_2046, %dma_wait3A_2115, %dma_wait3A_2116] : memref<5000x2x64xi32, #tpu.memory_space<hbm>> -> memref<1x2x64xi32, #tpu.memory_space<hbm>>
        %dma_wait3A_2118 = tpu.memref_squeeze %dma_wait3A_2117 : memref<1x2x64xi32, #tpu.memory_space<hbm>> -> memref<2x64xi32, #tpu.memory_space<hbm>>
        tpu.wait_dma2 semaphore(%run_scoped3A : memref<!tpu.dma_semaphore, #tpu.memory_space<semaphore_mem>>) src(%dma_wait3A_2118 : memref<2x64xi32, #tpu.memory_space<hbm>>) dst(%arg9 : memref<2x64xi32, #tpu.memory_space<vmem>>)
        tpu.yield
      }) : () -> ()
      %dma_start3A_2049 = arith.constant 0 : i32
      %dma_start3A_2050 = arith.constant 0 : i32
      %dma_start3A_2051 = tpu.memref_slice %arg9[%dma_start3A_2049, %dma_start3A_2050] : memref<2x64xi32, #tpu.memory_space<vmem>> -> memref<1x64xi32, #tpu.memory_space<vmem>>
      %dma_start3A_2052 = tpu.memref_squeeze %dma_start3A_2051 : memref<1x64xi32, #tpu.memory_space<vmem>> -> memref<64xi32, #tpu.memory_space<vmem>>
      %dma_start3A_2053 = arith.constant 0 : i32
      %dma_start3A_2054 = arith.constant 0 : i32
      %dma_start3A_2055 = tpu.memref_slice %arg3[%dma_start3A_2053, %dma_start3A_2054] : memref<10000x256xf32, #tpu.memory_space<hbm>> -> memref<10000x256xf32, #tpu.memory_space<hbm>>
      tpu.enqueue_indirect_dma source(%dma_start3A_2055 : memref<10000x256xf32, #tpu.memory_space<hbm>>) target(%arg10 : memref<64x256xf32, #tpu.memory_space<vmem>>) offsets(%dma_start3A_2052 : memref<64xi32, #tpu.memory_space<vmem>>) semaphore(%arg15 : memref<!tpu.dma_semaphore, #tpu.memory_space<semaphore_mem>>)
      %dma_start3A_2056 = arith.constant 1 : i32
      %dma_start3A_2057 = arith.constant 0 : i32
      %dma_start3A_2058 = tpu.memref_slice %arg9[%dma_start3A_2056, %dma_start3A_2057] : memref<2x64xi32, #tpu.memory_space<vmem>> -> memref<1x64xi32, #tpu.memory_space<vmem>>
      %dma_start3A_2059 = tpu.memref_squeeze %dma_start3A_2058 : memref<1x64xi32, #tpu.memory_space<vmem>> -> memref<64xi32, #tpu.memory_space<vmem>>
      %dma_start3A_2060 = arith.constant 0 : i32
      %dma_start3A_2061 = arith.constant 0 : i32
      %dma_start3A_2062 = tpu.memref_slice %arg2[%dma_start3A_2060, %dma_start3A_2061] : memref<10000x128xf32, #tpu.memory_space<hbm>> -> memref<10000x128xf32, #tpu.memory_space<hbm>>
      tpu.enqueue_indirect_dma source(%dma_start3A_2062 : memref<10000x128xf32, #tpu.memory_space<hbm>>) target(%arg11 : memref<64x128xf32, #tpu.memory_space<vmem>>) offsets(%dma_start3A_2059 : memref<64xi32, #tpu.memory_space<vmem>>) semaphore(%arg14 : memref<!tpu.dma_semaphore, #tpu.memory_space<semaphore_mem>>)
      %dma_wait3A_2063 = arith.constant 0 : i32
      %dma_wait3A_2064 = arith.constant 0 : i32
      %dma_wait3A_2065 = tpu.memref_slice %arg9[%dma_wait3A_2063, %dma_wait3A_2064] : memref<2x64xi32, #tpu.memory_space<vmem>> -> memref<1x64xi32, #tpu.memory_space<vmem>>
      %dma_wait3A_2066 = tpu.memref_squeeze %dma_wait3A_2065 : memref<1x64xi32, #tpu.memory_space<vmem>> -> memref<64xi32, #tpu.memory_space<vmem>>
      %dma_wait3A_2067 = arith.constant 0 : i32
      %dma_wait3A_2068 = arith.constant 0 : i32
      %dma_wait3A_2069 = tpu.memref_slice %arg3[%dma_wait3A_2067, %dma_wait3A_2068] : memref<10000x256xf32, #tpu.memory_space<hbm>> -> memref<10000x256xf32, #tpu.memory_space<hbm>>
      tpu.wait_indirect_dma semaphore(%arg15 : memref<!tpu.dma_semaphore, #tpu.memory_space<semaphore_mem>>) src(%dma_wait3A_2069 : memref<10000x256xf32, #tpu.memory_space<hbm>>) dst(%arg10 : memref<64x256xf32, #tpu.memory_space<vmem>>)
      %dma_wait3A_2070 = arith.constant 1 : i32
      %dma_wait3A_2071 = arith.constant 0 : i32
      %dma_wait3A_2072 = tpu.memref_slice %arg9[%dma_wait3A_2070, %dma_wait3A_2071] : memref<2x64xi32, #tpu.memory_space<vmem>> -> memref<1x64xi32, #tpu.memory_space<vmem>>
      %dma_wait3A_2073 = tpu.memref_squeeze %dma_wait3A_2072 : memref<1x64xi32, #tpu.memory_space<vmem>> -> memref<64xi32, #tpu.memory_space<vmem>>
      %dma_wait3A_2074 = arith.constant 0 : i32
      %dma_wait3A_2075 = arith.constant 0 : i32
      %dma_wait3A_2076 = tpu.memref_slice %arg2[%dma_wait3A_2074, %dma_wait3A_2075] : memref<10000x128xf32, #tpu.memory_space<hbm>> -> memref<10000x128xf32, #tpu.memory_space<hbm>>
      tpu.wait_indirect_dma semaphore(%arg14 : memref<!tpu.dma_semaphore, #tpu.memory_space<semaphore_mem>>) src(%dma_wait3A_2076 : memref<10000x128xf32, #tpu.memory_space<hbm>>) dst(%arg11 : memref<64x128xf32, #tpu.memory_space<vmem>>)
      %dma_wait3A_2077 = arith.constant 0 : i32
      %dma_wait3A_2078 = arith.constant 0 : i32
      %dma_wait3A_2079 = tpu.memref_slice %arg2[%dma_wait3A_2077, %dma_wait3A_2078] : memref<10000x128xf32, #tpu.memory_space<hbm>> -> memref<64x128xf32, #tpu.memory_space<hbm>>
      %dma_wait3A_2080 = arith.constant 0 : i32
      %dma_wait3A_2081 = arith.constant 0 : i32
      %dma_wait3A_2082 = tpu.memref_slice %arg2[%dma_wait3A_2080, %dma_wait3A_2081] : memref<10000x128xf32, #tpu.memory_space<hbm>> -> memref<64x128xf32, #tpu.memory_space<hbm>>
      tpu.wait_dma2 semaphore(%arg16 : memref<!tpu.dma_semaphore, #tpu.memory_space<semaphore_mem>>) src(%dma_wait3A_2082 : memref<64x128xf32, #tpu.memory_space<hbm>>) dst(%arg12 : memref<64x128xf32, #tpu.memory_space<vmem>>)
      %scan3A_2083 = arith.constant 0 : i32
      %scan3A_2084 = arith.constant 64 : i32
      %scan3A_2085 = arith.addi %scan3A_2083, %scan3A_2084 : i32
      %scan3A_2086 = arith.constant 1 : i32
      scf.for %scan3A_2103 = %scan3A_2083 to %scan3A_2085 step %scan3A_2086  : i32 {
        %broadcast_in_dim3A_2104 = arith.constant 0.000000e+00 : f32
        %broadcast_in_dim3A_2105 = vector.broadcast %broadcast_in_dim3A_2104 : f32 to vector<16xf32>
        %get3A = arith.index_cast %scan3A_2103 : i32 to index
        %get3A_2106 = arith.constant 0 : index
        %get3A_2107 = tpu.vector_load %arg10[%get3A, %get3A_2106] {strides = array<i32>} : memref<64x256xf32, #tpu.memory_space<vmem>>, vector<16xf32>,
        %get3A_2108 = arith.index_cast %scan3A_2103 : i32 to index
        %get3A_2109 = arith.constant 0 : index
        %get3A_2110 = tpu.vector_load %arg11[%get3A_2108, %get3A_2109] {strides = array<i32>} : memref<64x128xf32, #tpu.memory_space<vmem>>, vector<16xf32>,
        %eq3A = arith.constant 0 : i32
        %eq3A_2111 = vector.broadcast %eq3A : i32 to vector<16xi32>
        %eq3A_2112 = arith.cmpi eq, %iota3A, %eq3A_2111 : vector<16xi32>
        %mul3A_2113 = arith.mulf %get3A_2107, %get3A_2110 : vector<16xf32>
        %reduce_sum3A = arith.constant true
        %reduce_sum3A_2114 = vector.broadcast %reduce_sum3A : i1 to vector<16xi1>
        %reduce_sum3A_2115 = tpu.scan <sum>, %mul3A_2113 masked %reduce_sum3A_2114 : vector<16xf32>, vector<16xi1> -> vector<16xf32>
        %reduce_sum3A_2116 = vector.extract %reduce_sum3A_2115[15] : f32 from vector<16xf32>
        %broadcast_in_dim3A_2117 = vector.broadcast %reduce_sum3A_2116 : f32 to vector<16xf32>
        %select_n3A_2118 = arith.select %eq3A_2112, %broadcast_in_dim3A_2117, %broadcast_in_dim3A_2105 : vector<16xi1>, vector<16xf32>
        %get3A_2119 = arith.index_cast %scan3A_2103 : i32 to index
        %get3A_2120 = arith.constant 16 : index
        %get3A_2121 = tpu.vector_load %arg10[%get3A_2119, %get3A_2120] {strides = array<i32>} : memref<64x256xf32, #tpu.memory_space<vmem>>, vector<16xf32>,
        %get3A_2122 = arith.index_cast %scan3A_2103 : i32 to index
        %get3A_2123 = arith.constant 16 : index
        %get3A_2124 = tpu.vector_load %arg11[%get3A_2122, %get3A_2123] {strides = array<i32>} : memref<64x128xf32, #tpu.memory_space<vmem>>, vector<16xf32>,
        %eq3A_2125 = arith.constant 1 : i32
        %eq3A_2126 = vector.broadcast %eq3A_2125 : i32 to vector<16xi32>
        %eq3A_2127 = arith.cmpi eq, %iota3A, %eq3A_2126 : vector<16xi32>
        %mul3A_2128 = arith.mulf %get3A_2121, %get3A_2124 : vector<16xf32>
        %reduce_sum3A_2129 = arith.constant true
        %reduce_sum3A_2130 = vector.broadcast %reduce_sum3A_2129 : i1 to vector<16xi1>
        %reduce_sum3A_2131 = tpu.scan <sum>, %mul3A_2128 masked %reduce_sum3A_2130 : vector<16xf32>, vector<16xi1> -> vector<16xf32>
        %reduce_sum3A_2132 = vector.extract %reduce_sum3A_2131[15] : f32 from vector<16xf32>
        %broadcast_in_dim3A_2133 = vector.broadcast %reduce_sum3A_2132 : f32 to vector<16xf32>
        %select_n3A_2134 = arith.select %eq3A_2127, %broadcast_in_dim3A_2133, %select_n3A_2118 : vector<16xi1>, vector<16xf32>
        %get3A_2135 = arith.index_cast %scan3A_2103 : i32 to index
        %get3A_2136 = arith.constant 32 : index
        %get3A_2137 = tpu.vector_load %arg10[%get3A_2135, %get3A_2136] {strides = array<i32>} : memref<64x256xf32, #tpu.memory_space<vmem>>, vector<16xf32>,
        %get3A_2138 = arith.index_cast %scan3A_2103 : i32 to index
        %get3A_2139 = arith.constant 32 : index
        %get3A_2140 = tpu.vector_load %arg11[%get3A_2138, %get3A_2139] {strides = array<i32>} : memref<64x128xf32, #tpu.memory_space<vmem>>, vector<16xf32>,
        %eq3A_2141 = arith.constant 2 : i32
        %eq3A_2142 = vector.broadcast %eq3A_2141 : i32 to vector<16xi32>
        %eq3A_2143 = arith.cmpi eq, %iota3A, %eq3A_2142 : vector<16xi32>
        %mul3A_2144 = arith.mulf %get3A_2137, %get3A_2140 : vector<16xf32>
        %reduce_sum3A_2145 = arith.constant true
        %reduce_sum3A_2146 = vector.broadcast %reduce_sum3A_2145 : i1 to vector<16xi1>
        %reduce_sum3A_2147 = tpu.scan <sum>, %mul3A_2144 masked %reduce_sum3A_2146 : vector<16xf32>, vector<16xi1> -> vector<16xf32>
        %reduce_sum3A_2148 = vector.extract %reduce_sum3A_2147[15] : f32 from vector<16xf32>
        %broadcast_in_dim3A_2149 = vector.broadcast %reduce_sum3A_2148 : f32 to vector<16xf32>
        %select_n3A_2150 = arith.select %eq3A_2143, %broadcast_in_dim3A_2149, %select_n3A_2134 : vector<16xi1>, vector<16xf32>
        %get3A_2151 = arith.index_cast %scan3A_2103 : i32 to index
        %get3A_2152 = arith.constant 48 : index
        %get3A_2153 = tpu.vector_load %arg10[%get3A_2151, %get3A_2152] {strides = array<i32>} : memref<64x256xf32, #tpu.memory_space<vmem>>, vector<16xf32>,
        %get3A_2154 = arith.index_cast %scan3A_2103 : i32 to index
        %get3A_2155 = arith.constant 48 : index
        %get3A_2156 = tpu.vector_load %arg11[%get3A_2154, %get3A_2155] {strides = array<i32>} : memref<64x128xf32, #tpu.memory_space<vmem>>, vector<16xf32>,
        %eq3A_2157 = arith.constant 3 : i32
        %eq3A_2158 = vector.broadcast %eq3A_2157 : i32 to vector<16xi32>
        %eq3A_2159 = arith.cmpi eq, %iota3A, %eq3A_2158 : vector<16xi32>
        %mul3A_2160 = arith.mulf %get3A_2153, %get3A_2156 : vector<16xf32>
        %reduce_sum3A_2161 = arith.constant true
        %reduce_sum3A_2162 = vector.broadcast %reduce_sum3A_2161 : i1 to vector<16xi1>
        %reduce_sum3A_2163 = tpu.scan <sum>, %mul3A_2160 masked %reduce_sum3A_2162 : vector<16xf32>, vector<16xi1> -> vector<16xf32>
        %reduce_sum3A_2164 = vector.extract %reduce_sum3A_2163[15] : f32 from vector<16xf32>
        %broadcast_in_dim3A_2165 = vector.broadcast %reduce_sum3A_2164 : f32 to vector<16xf32>
        %select_n3A_2166 = arith.select %eq3A_2159, %broadcast_in_dim3A_2165, %select_n3A_2150 : vector<16xi1>, vector<16xf32>
        %get3A_2167 = arith.index_cast %scan3A_2103 : i32 to index
        %get3A_2168 = arith.constant 64 : index
        %get3A_2169 = tpu.vector_load %arg10[%get3A_2167, %get3A_2168] {strides = array<i32>} : memref<64x256xf32, #tpu.memory_space<vmem>>, vector<16xf32>,
        %get3A_2170 = arith.index_cast %scan3A_2103 : i32 to index
        %get3A_2171 = arith.constant 64 : index
        %get3A_2172 = tpu.vector_load %arg11[%get3A_2170, %get3A_2171] {strides = array<i32>} : memref<64x128xf32, #tpu.memory_space<vmem>>, vector<16xf32>,
        %eq3A_2173 = arith.constant 4 : i32
        %eq3A_2174 = vector.broadcast %eq3A_2173 : i32 to vector<16xi32>
        %eq3A_2175 = arith.cmpi eq, %iota3A, %eq3A_2174 : vector<16xi32>
        %mul3A_2176 = arith.mulf %get3A_2169, %get3A_2172 : vector<16xf32>
        %reduce_sum3A_2177 = arith.constant true
        %reduce_sum3A_2178 = vector.broadcast %reduce_sum3A_2177 : i1 to vector<16xi1>
        %reduce_sum3A_2179 = tpu.scan <sum>, %mul3A_2176 masked %reduce_sum3A_2178 : vector<16xf32>, vector<16xi1> -> vector<16xf32>
        %reduce_sum3A_2180 = vector.extract %reduce_sum3A_2179[15] : f32 from vector<16xf32>
        %broadcast_in_dim3A_2181 = vector.broadcast %reduce_sum3A_2180 : f32 to vector<16xf32>
        %select_n3A_2182 = arith.select %eq3A_2175, %broadcast_in_dim3A_2181, %select_n3A_2166 : vector<16xi1>, vector<16xf32>
        %get3A_2183 = arith.index_cast %scan3A_2103 : i32 to index
        %get3A_2184 = arith.constant 80 : index
        %get3A_2185 = tpu.vector_load %arg10[%get3A_2183, %get3A_2184] {strides = array<i32>} : memref<64x256xf32, #tpu.memory_space<vmem>>, vector<16xf32>,
        %get3A_2186 = arith.index_cast %scan3A_2103 : i32 to index
        %get3A_2187 = arith.constant 80 : index
        %get3A_2188 = tpu.vector_load %arg11[%get3A_2186, %get3A_2187] {strides = array<i32>} : memref<64x128xf32, #tpu.memory_space<vmem>>, vector<16xf32>,
        %eq3A_2189 = arith.constant 5 : i32
        %eq3A_2190 = vector.broadcast %eq3A_2189 : i32 to vector<16xi32>
        %eq3A_2191 = arith.cmpi eq, %iota3A, %eq3A_2190 : vector<16xi32>
        %mul3A_2192 = arith.mulf %get3A_2185, %get3A_2188 : vector<16xf32>
        %reduce_sum3A_2193 = arith.constant true
        %reduce_sum3A_2194 = vector.broadcast %reduce_sum3A_2193 : i1 to vector<16xi1>
        %reduce_sum3A_2195 = tpu.scan <sum>, %mul3A_2192 masked %reduce_sum3A_2194 : vector<16xf32>, vector<16xi1> -> vector<16xf32>
        %reduce_sum3A_2196 = vector.extract %reduce_sum3A_2195[15] : f32 from vector<16xf32>
        %broadcast_in_dim3A_2197 = vector.broadcast %reduce_sum3A_2196 : f32 to vector<16xf32>
        %select_n3A_2198 = arith.select %eq3A_2191, %broadcast_in_dim3A_2197, %select_n3A_2182 : vector<16xi1>, vector<16xf32>
        %get3A_2199 = arith.index_cast %scan3A_2103 : i32 to index
        %get3A_2200 = arith.constant 96 : index
        %get3A_2201 = tpu.vector_load %arg10[%get3A_2199, %get3A_2200] {strides = array<i32>} : memref<64x256xf32, #tpu.memory_space<vmem>>, vector<16xf32>,
        %get3A_2202 = arith.index_cast %scan3A_2103 : i32 to index
        %get3A_2203 = arith.constant 96 : index
        %get3A_2204 = tpu.vector_load %arg11[%get3A_2202, %get3A_2203] {strides = array<i32>} : memref<64x128xf32, #tpu.memory_space<vmem>>, vector<16xf32>,
        %eq3A_2205 = arith.constant 6 : i32
        %eq3A_2206 = vector.broadcast %eq3A_2205 : i32 to vector<16xi32>
        %eq3A_2207 = arith.cmpi eq, %iota3A, %eq3A_2206 : vector<16xi32>
        %mul3A_2208 = arith.mulf %get3A_2201, %get3A_2204 : vector<16xf32>
        %reduce_sum3A_2209 = arith.constant true
        %reduce_sum3A_2210 = vector.broadcast %reduce_sum3A_2209 : i1 to vector<16xi1>
        %reduce_sum3A_2211 = tpu.scan <sum>, %mul3A_2208 masked %reduce_sum3A_2210 : vector<16xf32>, vector<16xi1> -> vector<16xf32>
        %reduce_sum3A_2212 = vector.extract %reduce_sum3A_2211[15] : f32 from vector<16xf32>
        %broadcast_in_dim3A_2213 = vector.broadcast %reduce_sum3A_2212 : f32 to vector<16xf32>
        %select_n3A_2214 = arith.select %eq3A_2207, %broadcast_in_dim3A_2213, %select_n3A_2198 : vector<16xi1>, vector<16xf32>
        %get3A_2215 = arith.index_cast %scan3A_2103 : i32 to index
        %get3A_2216 = arith.constant 112 : index
        %get3A_2217 = tpu.vector_load %arg10[%get3A_2215, %get3A_2216] {strides = array<i32>} : memref<64x256xf32, #tpu.memory_space<vmem>>, vector<16xf32>,
        %get3A_2218 = arith.index_cast %scan3A_2103 : i32 to index
        %get3A_2219 = arith.constant 112 : index
        %get3A_2220 = tpu.vector_load %arg11[%get3A_2218, %get3A_2219] {strides = array<i32>} : memref<64x128xf32, #tpu.memory_space<vmem>>, vector<16xf32>,
        %eq3A_2221 = arith.constant 7 : i32
        %eq3A_2222 = vector.broadcast %eq3A_2221 : i32 to vector<16xi32>
        %eq3A_2223 = arith.cmpi eq, %iota3A, %eq3A_2222 : vector<16xi32>
        %mul3A_2224 = arith.mulf %get3A_2217, %get3A_2220 : vector<16xf32>
        %reduce_sum3A_2225 = arith.constant true
        %reduce_sum3A_2226 = vector.broadcast %reduce_sum3A_2225 : i1 to vector<16xi1>
        %reduce_sum3A_2227 = tpu.scan <sum>, %mul3A_2224 masked %reduce_sum3A_2226 : vector<16xf32>, vector<16xi1> -> vector<16xf32>
        %reduce_sum3A_2228 = vector.extract %reduce_sum3A_2227[15] : f32 from vector<16xf32>
        %broadcast_in_dim3A_2229 = vector.broadcast %reduce_sum3A_2228 : f32 to vector<16xf32>
        %select_n3A_2230 = arith.select %eq3A_2223, %broadcast_in_dim3A_2229, %select_n3A_2214 : vector<16xi1>, vector<16xf32>
        %mul3A_2231 = arith.constant 2.500000e-01 : f32
        %mul3A_2232 = vector.broadcast %mul3A_2231 : f32 to vector<16xf32>
        %mul3A_2233 = arith.mulf %select_n3A_2230, %mul3A_2232 : vector<16xf32>
        %max3A = arith.constant -5.000000e+00 : f32
        %max3A_2234 = vector.broadcast %max3A : f32 to vector<16xf32>
        %max3A_2235 = arith.maximumf %mul3A_2233, %max3A_2234 : vector<16xf32>
        %min3A = arith.constant 5.000000e+00 : f32
        %min3A_2236 = vector.broadcast %min3A : f32 to vector<16xf32>
        %min3A_2237 = arith.minimumf %max3A_2235, %min3A_2236 : vector<16xf32>
        %exp3A = math.exp %min3A_2237 : vector<16xf32>
        %swap3A_2238 = arith.index_cast %scan3A_2103 : i32 to index
        %swap3A_2239 = arith.constant 0 : index
        %swap3A_2240 = tpu.vector_load %arg13[%swap3A_2238, %swap3A_2239] {strides = array<i32>} : memref<64x16xf32, #tpu.memory_space<vmem>>, vector<16xf32>,
        tpu.vector_store %arg13[%swap3A_2238, %swap3A_2239], %exp3A {strides = array<i32>} : memref<64x16xf32, #tpu.memory_space<vmem>>, vector<16xf32>,
        %get3A_2241 = arith.index_cast %scan3A_2103 : i32 to index
        %get3A_2242 = arith.constant 128 : index
        %get3A_2243 = tpu.vector_load %arg10[%get3A_2241, %get3A_2242] {strides = array<i32>} : memref<64x256xf32, #tpu.memory_space<vmem>>, vector<16xf32>,
        %slice3A = vector.extract_strided_slice %exp3A {offsets = [0], sizes = [1], strides = [1]} : vector<16xf32> to vector<1xf32>
        %squeeze3A = vector.extract %slice3A[0] : f32 from vector<1xf32>
        %mul3A_2244 = vector.broadcast %squeeze3A : f32 to vector<16xf32>
        %mul3A_2245 = arith.mulf %get3A_2243, %mul3A_2244 : vector<16xf32>
        %swap3A_2246 = arith.index_cast %scan3A_2103 : i32 to index
        %swap3A_2247 = arith.constant 0 : index
        %swap3A_2248 = tpu.vector_load %arg12[%swap3A_2246, %swap3A_2247] {strides = array<i32>} : memref<64x128xf32, #tpu.memory_space<vmem>>, vector<16xf32>,
        tpu.vector_store %arg12[%swap3A_2246, %swap3A_2247], %mul3A_2245 {strides = array<i32>} : memref<64x128xf32, #tpu.memory_space<vmem>>, vector<16xf32>,
        %get3A_2249 = arith.index_cast %scan3A_2103 : i32 to index
        %get3A_2250 = arith.constant 144 : index
        %get3A_2251 = tpu.vector_load %arg10[%get3A_2249, %get3A_2250] {strides = array<i32>} : memref<64x256xf32, #tpu.memory_space<vmem>>, vector<16xf32>,
        %slice3A_2252 = vector.extract_strided_slice %exp3A {offsets = [1], sizes = [1], strides = [1]} : vector<16xf32> to vector<1xf32>
        %squeeze3A_2253 = vector.extract %slice3A_2252[0] : f32 from vector<1xf32>
        %mul3A_2254 = vector.broadcast %squeeze3A_2253 : f32 to vector<16xf32>
        %mul3A_2255 = arith.mulf %get3A_2251, %mul3A_2254 : vector<16xf32>
        %swap3A_2256 = arith.index_cast %scan3A_2103 : i32 to index
        %swap3A_2257 = arith.constant 16 : index
        %swap3A_2258 = tpu.vector_load %arg12[%swap3A_2256, %swap3A_2257] {strides = array<i32>} : memref<64x128xf32, #tpu.memory_space<vmem>>, vector<16xf32>,
        tpu.vector_store %arg12[%swap3A_2256, %swap3A_2257], %mul3A_2255 {strides = array<i32>} : memref<64x128xf32, #tpu.memory_space<vmem>>, vector<16xf32>,
        %get3A_2259 = arith.index_cast %scan3A_2103 : i32 to index
        %get3A_2260 = arith.constant 160 : index
        %get3A_2261 = tpu.vector_load %arg10[%get3A_2259, %get3A_2260] {strides = array<i32>} : memref<64x256xf32, #tpu.memory_space<vmem>>, vector<16xf32>,
        %slice3A_2262 = vector.extract_strided_slice %exp3A {offsets = [2], sizes = [1], strides = [1]} : vector<16xf32> to vector<1xf32>
        %squeeze3A_2263 = vector.extract %slice3A_2262[0] : f32 from vector<1xf32>
        %mul3A_2264 = vector.broadcast %squeeze3A_2263 : f32 to vector<16xf32>
        %mul3A_2265 = arith.mulf %get3A_2261, %mul3A_2264 : vector<16xf32>
        %swap3A_2266 = arith.index_cast %scan3A_2103 : i32 to index
        %swap3A_2267 = arith.constant 32 : index
        %swap3A_2268 = tpu.vector_load %arg12[%swap3A_2266, %swap3A_2267] {strides = array<i32>} : memref<64x128xf32, #tpu.memory_space<vmem>>, vector<16xf32>,
        tpu.vector_store %arg12[%swap3A_2266, %swap3A_2267], %mul3A_2265 {strides = array<i32>} : memref<64x128xf32, #tpu.memory_space<vmem>>, vector<16xf32>,
        %get3A_2269 = arith.index_cast %scan3A_2103 : i32 to index
        %get3A_2270 = arith.constant 176 : index
        %get3A_2271 = tpu.vector_load %arg10[%get3A_2269, %get3A_2270] {strides = array<i32>} : memref<64x256xf32, #tpu.memory_space<vmem>>, vector<16xf32>,
        %slice3A_2272 = vector.extract_strided_slice %exp3A {offsets = [3], sizes = [1], strides = [1]} : vector<16xf32> to vector<1xf32>
        %squeeze3A_2273 = vector.extract %slice3A_2272[0] : f32 from vector<1xf32>
        %mul3A_2274 = vector.broadcast %squeeze3A_2273 : f32 to vector<16xf32>
        %mul3A_2275 = arith.mulf %get3A_2271, %mul3A_2274 : vector<16xf32>
        %swap3A_2276 = arith.index_cast %scan3A_2103 : i32 to index
        %swap3A_2277 = arith.constant 48 : index
        %swap3A_2278 = tpu.vector_load %arg12[%swap3A_2276, %swap3A_2277] {strides = array<i32>} : memref<64x128xf32, #tpu.memory_space<vmem>>, vector<16xf32>,
        tpu.vector_store %arg12[%swap3A_2276, %swap3A_2277], %mul3A_2275 {strides = array<i32>} : memref<64x128xf32, #tpu.memory_space<vmem>>, vector<16xf32>,
        %get3A_2279 = arith.index_cast %scan3A_2103 : i32 to index
        %get3A_2280 = arith.constant 192 : index
        %get3A_2281 = tpu.vector_load %arg10[%get3A_2279, %get3A_2280] {strides = array<i32>} : memref<64x256xf32, #tpu.memory_space<vmem>>, vector<16xf32>,
        %slice3A_2282 = vector.extract_strided_slice %exp3A {offsets = [4], sizes = [1], strides = [1]} : vector<16xf32> to vector<1xf32>
        %squeeze3A_2283 = vector.extract %slice3A_2282[0] : f32 from vector<1xf32>
        %mul3A_2284 = vector.broadcast %squeeze3A_2283 : f32 to vector<16xf32>
        %mul3A_2285 = arith.mulf %get3A_2281, %mul3A_2284 : vector<16xf32>
        %swap3A_2286 = arith.index_cast %scan3A_2103 : i32 to index
        %swap3A_2287 = arith.constant 64 : index
        %swap3A_2288 = tpu.vector_load %arg12[%swap3A_2286, %swap3A_2287] {strides = array<i32>} : memref<64x128xf32, #tpu.memory_space<vmem>>, vector<16xf32>,
        tpu.vector_store %arg12[%swap3A_2286, %swap3A_2287], %mul3A_2285 {strides = array<i32>} : memref<64x128xf32, #tpu.memory_space<vmem>>, vector<16xf32>,
        %get3A_2289 = arith.index_cast %scan3A_2103 : i32 to index
        %get3A_2290 = arith.constant 208 : index
        %get3A_2291 = tpu.vector_load %arg10[%get3A_2289, %get3A_2290] {strides = array<i32>} : memref<64x256xf32, #tpu.memory_space<vmem>>, vector<16xf32>,
        %slice3A_2292 = vector.extract_strided_slice %exp3A {offsets = [5], sizes = [1], strides = [1]} : vector<16xf32> to vector<1xf32>
        %squeeze3A_2293 = vector.extract %slice3A_2292[0] : f32 from vector<1xf32>
        %mul3A_2294 = vector.broadcast %squeeze3A_2293 : f32 to vector<16xf32>
        %mul3A_2295 = arith.mulf %get3A_2291, %mul3A_2294 : vector<16xf32>
        %swap3A_2296 = arith.index_cast %scan3A_2103 : i32 to index
        %swap3A_2297 = arith.constant 80 : index
        %swap3A_2298 = tpu.vector_load %arg12[%swap3A_2296, %swap3A_2297] {strides = array<i32>} : memref<64x128xf32, #tpu.memory_space<vmem>>, vector<16xf32>,
        tpu.vector_store %arg12[%swap3A_2296, %swap3A_2297], %mul3A_2295 {strides = array<i32>} : memref<64x128xf32, #tpu.memory_space<vmem>>, vector<16xf32>,
        %get3A_2299 = arith.index_cast %scan3A_2103 : i32 to index
        %get3A_2300 = arith.constant 224 : index
        %get3A_2301 = tpu.vector_load %arg10[%get3A_2299, %get3A_2300] {strides = array<i32>} : memref<64x256xf32, #tpu.memory_space<vmem>>, vector<16xf32>,
        %slice3A_2302 = vector.extract_strided_slice %exp3A {offsets = [6], sizes = [1], strides = [1]} : vector<16xf32> to vector<1xf32>
        %squeeze3A_2303 = vector.extract %slice3A_2302[0] : f32 from vector<1xf32>
        %mul3A_2304 = vector.broadcast %squeeze3A_2303 : f32 to vector<16xf32>
        %mul3A_2305 = arith.mulf %get3A_2301, %mul3A_2304 : vector<16xf32>
        %swap3A_2306 = arith.index_cast %scan3A_2103 : i32 to index
        %swap3A_2307 = arith.constant 96 : index
        %swap3A_2308 = tpu.vector_load %arg12[%swap3A_2306, %swap3A_2307] {strides = array<i32>} : memref<64x128xf32, #tpu.memory_space<vmem>>, vector<16xf32>,
        tpu.vector_store %arg12[%swap3A_2306, %swap3A_2307], %mul3A_2305 {strides = array<i32>} : memref<64x128xf32, #tpu.memory_space<vmem>>, vector<16xf32>,
        %get3A_2309 = arith.index_cast %scan3A_2103 : i32 to index
        %get3A_2310 = arith.constant 240 : index
        %get3A_2311 = tpu.vector_load %arg10[%get3A_2309, %get3A_2310] {strides = array<i32>} : memref<64x256xf32, #tpu.memory_space<vmem>>, vector<16xf32>,
        %slice3A_2312 = vector.extract_strided_slice %exp3A {offsets = [7], sizes = [1], strides = [1]} : vector<16xf32> to vector<1xf32>
        %squeeze3A_2313 = vector.extract %slice3A_2312[0] : f32 from vector<1xf32>
        %mul3A_2314 = vector.broadcast %squeeze3A_2313 : f32 to vector<16xf32>
        %mul3A_2315 = arith.mulf %get3A_2311, %mul3A_2314 : vector<16xf32>
        %swap3A_2316 = arith.index_cast %scan3A_2103 : i32 to index
        %swap3A_2317 = arith.constant 112 : index
        %swap3A_2318 = tpu.vector_load %arg12[%swap3A_2316, %swap3A_2317] {strides = array<i32>} : memref<64x128xf32, #tpu.memory_space<vmem>>, vector<16xf32>,
        tpu.vector_store %arg12[%swap3A_2316, %swap3A_2317], %mul3A_2315 {strides = array<i32>} : memref<64x128xf32, #tpu.memory_space<vmem>>, vector<16xf32>,
      }
      %scan3A_2087 = arith.constant 64 : i32
      %dma_start3A_2088 = arith.constant 0 : i32
      %dma_start3A_2089 = tpu.memref_slice %arg7[%multiple_of3A, %dma_start3A_2088] : memref<320000x16xf32, #tpu.memory_space<hbm>> -> memref<64x16xf32, #tpu.memory_space<hbm>>
      %dma_start3A_2090 = arith.constant 0 : i32
      %dma_start3A_2091 = tpu.memref_slice %arg7[%multiple_of3A, %dma_start3A_2090] : memref<320000x16xf32, #tpu.memory_space<hbm>> -> memref<64x16xf32, #tpu.memory_space<hbm>>
      tpu.enqueue_dma source(%arg13 : memref<64x16xf32, #tpu.memory_space<vmem>>) target(%dma_start3A_2091 : memref<64x16xf32, #tpu.memory_space<hbm>>) target_semaphore(%arg17 : memref<!tpu.dma_semaphore, #tpu.memory_space<semaphore_mem>>)
      %dma_start3A_2092 = arith.constant 1 : i32
      %dma_start3A_2093 = arith.constant 0 : i32
      %dma_start3A_2094 = tpu.memref_slice %arg9[%dma_start3A_2092, %dma_start3A_2093] : memref<2x64xi32, #tpu.memory_space<vmem>> -> memref<1x64xi32, #tpu.memory_space<vmem>>
      %dma_start3A_2095 = tpu.memref_squeeze %dma_start3A_2094 : memref<1x64xi32, #tpu.memory_space<vmem>> -> memref<64xi32, #tpu.memory_space<vmem>>
      %dma_start3A_2096 = arith.constant 0 : i32
      %dma_start3A_2097 = arith.constant 0 : i32
      %dma_start3A_2098 = tpu.memref_slice %arg8[%dma_start3A_2096, %dma_start3A_2097] : memref<10240x128xf32, #tpu.memory_space<vmem_shared>> -> memref<10240x128xf32, #tpu.memory_space<vmem_shared>>
      tpu.enqueue_indirect_dma source(%arg12 : memref<64x128xf32, #tpu.memory_space<vmem>>) target(%dma_start3A_2098 : memref<10240x128xf32, #tpu.memory_space<vmem_shared>>) offsets(%dma_start3A_2095 : memref<64xi32, #tpu.memory_space<vmem>>) semaphore(%arg16 : memref<!tpu.dma_semaphore, #tpu.memory_space<semaphore_mem>>) {add = true}
      %dma_wait3A_2099 = arith.constant 0 : i32
      %dma_wait3A_2100 = tpu.memref_slice %arg7[%multiple_of3A, %dma_wait3A_2099] : memref<320000x16xf32, #tpu.memory_space<hbm>> -> memref<64x16xf32, #tpu.memory_space<hbm>>
      %dma_wait3A_2101 = arith.constant 0 : i32
      %dma_wait3A_2102 = tpu.memref_slice %arg7[%multiple_of3A, %dma_wait3A_2101] : memref<320000x16xf32, #tpu.memory_space<hbm>> -> memref<64x16xf32, #tpu.memory_space<hbm>>
      tpu.wait_dma2 semaphore(%arg17 : memref<!tpu.dma_semaphore, #tpu.memory_space<semaphore_mem>>) src(%arg13 : memref<64x16xf32, #tpu.memory_space<vmem>>) dst(%dma_wait3A_2102 : memref<64x16xf32, #tpu.memory_space<hbm>>)
    }
    %while3A_533 = arith.constant 1 : i32
    scf.for %while3A_2043 = %while3A_531 to %while3A_527 step %while3A_533  : i32 {
      %mul3A_2044 = arith.constant 32 : i32
      %mul3A_2045 = arith.muli %while3A_2043, %mul3A_2044 : i32
      %add3A_2046 = arith.addi %mul3A_2045, %add3A : i32
      %mul3A_2047 = arith.constant 64 : i32
      %mul3A_2048 = arith.muli %add3A_2046, %mul3A_2047 : i32
      %multiple_of3A = tpu.assume_multiple %mul3A_2048, 64 : i32
      "tpu.region"() ({
        %run_scoped3A = tpu.sem_alloc : memref<!tpu.dma_semaphore, #tpu.memory_space<semaphore_mem>>
        %dma_start3A_2103 = arith.constant 0 : i32
        %dma_start3A_2104 = arith.constant 0 : i32
        %dma_start3A_2105 = tpu.memref_slice %arg4[%add3A_2046, %dma_start3A_2103, %dma_start3A_2104] : memref<5000x2x64xi32, #tpu.memory_space<hbm>> -> memref<1x2x64xi32, #tpu.memory_space<hbm>>
        %dma_start3A_2106 = tpu.memref_squeeze %dma_start3A_2105 : memref<1x2x64xi32, #tpu.memory_space<hbm>> -> memref<2x64xi32, #tpu.memory_space<hbm>>
        %dma_start3A_2107 = arith.constant 0 : i32
        %dma_start3A_2108 = arith.constant 0 : i32
        %dma_start3A_2109 = tpu.memref_slice %arg4[%add3A_2046, %dma_start3A_2107, %dma_start3A_2108] : memref<5000x2x64xi32, #tpu.memory_space<hbm>> -> memref<1x2x64xi32, #tpu.memory_space<hbm>>
        %dma_start3A_2110 = tpu.memref_squeeze %dma_start3A_2109 : memref<1x2x64xi32, #tpu.memory_space<hbm>> -> memref<2x64xi32, #tpu.memory_space<hbm>>
        tpu.enqueue_dma source(%dma_start3A_2110 : memref<2x64xi32, #tpu.memory_space<hbm>>) target(%arg9 : memref<2x64xi32, #tpu.memory_space<vmem>>) target_semaphore(%run_scoped3A : memref<!tpu.dma_semaphore, #tpu.memory_space<semaphore_mem>>)
        %dma_wait3A_2111 = arith.constant 0 : i32
        %dma_wait3A_2112 = arith.constant 0 : i32
        %dma_wait3A_2113 = tpu.memref_slice %arg4[%add3A_2046, %dma_wait3A_2111, %dma_wait3A_2112] : memref<5000x2x64xi32, #tpu.memory_space<hbm>> -> memref<1x2x64xi32, #tpu.memory_space<hbm>>
        %dma_wait3A_2114 = tpu.memref_squeeze %dma_wait3A_2113 : memref<1x2x64xi32, #tpu.memory_space<hbm>> -> memref<2x64xi32, #tpu.memory_space<hbm>>
        %dma_wait3A_2115 = arith.constant 0 : i32
        %dma_wait3A_2116 = arith.constant 0 : i32
        %dma_wait3A_2117 = tpu.memref_slice %arg4[%add3A_2046, %dma_wait3A_2115, %dma_wait3A_2116] : memref<5000x2x64xi32, #tpu.memory_space<hbm>> -> memref<1x2x64xi32, #tpu.memory_space<hbm>>
        %dma_wait3A_2118 = tpu.memref_squeeze %dma_wait3A_2117 : memref<1x2x64xi32, #tpu.memory_space<hbm>> -> memref<2x64xi32, #tpu.memory_space<hbm>>
        tpu.wait_dma2 semaphore(%run_scoped3A : memref<!tpu.dma_semaphore, #tpu.memory_space<semaphore_mem>>) src(%dma_wait3A_2118 : memref<2x64xi32, #tpu.memory_space<hbm>>) dst(%arg9 : memref<2x64xi32, #tpu.memory_space<vmem>>)
        tpu.yield
      }) : () -> ()
      %dma_start3A_2049 = arith.constant 0 : i32
      %dma_start3A_2050 = arith.constant 0 : i32
      %dma_start3A_2051 = tpu.memref_slice %arg9[%dma_start3A_2049, %dma_start3A_2050] : memref<2x64xi32, #tpu.memory_space<vmem>> -> memref<1x64xi32, #tpu.memory_space<vmem>>
      %dma_start3A_2052 = tpu.memref_squeeze %dma_start3A_2051 : memref<1x64xi32, #tpu.memory_space<vmem>> -> memref<64xi32, #tpu.memory_space<vmem>>
      %dma_start3A_2053 = arith.constant 0 : i32
      %dma_start3A_2054 = arith.constant 0 : i32
      %dma_start3A_2055 = tpu.memref_slice %arg3[%dma_start3A_2053, %dma_start3A_2054] : memref<10000x256xf32, #tpu.memory_space<hbm>> -> memref<10000x256xf32, #tpu.memory_space<hbm>>
      tpu.enqueue_indirect_dma source(%dma_start3A_2055 : memref<10000x256xf32, #tpu.memory_space<hbm>>) target(%arg10 : memref<64x256xf32, #tpu.memory_space<vmem>>) offsets(%dma_start3A_2052 : memref<64xi32, #tpu.memory_space<vmem>>) semaphore(%arg15 : memref<!tpu.dma_semaphore, #tpu.memory_space<semaphore_mem>>)
      %dma_start3A_2056 = arith.constant 1 : i32
      %dma_start3A_2057 = arith.constant 0 : i32
      %dma_start3A_2058 = tpu.memref_slice %arg9[%dma_start3A_2056, %dma_start3A_2057] : memref<2x64xi32, #tpu.memory_space<vmem>> -> memref<1x64xi32, #tpu.memory_space<vmem>>
      %dma_start3A_2059 = tpu.memref_squeeze %dma_start3A_2058 : memref<1x64xi32, #tpu.memory_space<vmem>> -> memref<64xi32, #tpu.memory_space<vmem>>
      %dma_start3A_2060 = arith.constant 0 : i32
      %dma_start3A_2061 = arith.constant 0 : i32
      %dma_start3A_2062 = tpu.memref_slice %arg2[%dma_start3A_2060, %dma_start3A_2061] : memref<10000x128xf32, #tpu.memory_space<hbm>> -> memref<10000x128xf32, #tpu.memory_space<hbm>>
      tpu.enqueue_indirect_dma source(%dma_start3A_2062 : memref<10000x128xf32, #tpu.memory_space<hbm>>) target(%arg11 : memref<64x128xf32, #tpu.memory_space<vmem>>) offsets(%dma_start3A_2059 : memref<64xi32, #tpu.memory_space<vmem>>) semaphore(%arg14 : memref<!tpu.dma_semaphore, #tpu.memory_space<semaphore_mem>>)
      %dma_wait3A_2063 = arith.constant 0 : i32
      %dma_wait3A_2064 = arith.constant 0 : i32
      %dma_wait3A_2065 = tpu.memref_slice %arg9[%dma_wait3A_2063, %dma_wait3A_2064] : memref<2x64xi32, #tpu.memory_space<vmem>> -> memref<1x64xi32, #tpu.memory_space<vmem>>
      %dma_wait3A_2066 = tpu.memref_squeeze %dma_wait3A_2065 : memref<1x64xi32, #tpu.memory_space<vmem>> -> memref<64xi32, #tpu.memory_space<vmem>>
      %dma_wait3A_2067 = arith.constant 0 : i32
      %dma_wait3A_2068 = arith.constant 0 : i32
      %dma_wait3A_2069 = tpu.memref_slice %arg3[%dma_wait3A_2067, %dma_wait3A_2068] : memref<10000x256xf32, #tpu.memory_space<hbm>> -> memref<10000x256xf32, #tpu.memory_space<hbm>>
      tpu.wait_indirect_dma semaphore(%arg15 : memref<!tpu.dma_semaphore, #tpu.memory_space<semaphore_mem>>) src(%dma_wait3A_2069 : memref<10000x256xf32, #tpu.memory_space<hbm>>) dst(%arg10 : memref<64x256xf32, #tpu.memory_space<vmem>>)
      %dma_wait3A_2070 = arith.constant 1 : i32
      %dma_wait3A_2071 = arith.constant 0 : i32
      %dma_wait3A_2072 = tpu.memref_slice %arg9[%dma_wait3A_2070, %dma_wait3A_2071] : memref<2x64xi32, #tpu.memory_space<vmem>> -> memref<1x64xi32, #tpu.memory_space<vmem>>
      %dma_wait3A_2073 = tpu.memref_squeeze %dma_wait3A_2072 : memref<1x64xi32, #tpu.memory_space<vmem>> -> memref<64xi32, #tpu.memory_space<vmem>>
      %dma_wait3A_2074 = arith.constant 0 : i32
      %dma_wait3A_2075 = arith.constant 0 : i32
      %dma_wait3A_2076 = tpu.memref_slice %arg2[%dma_wait3A_2074, %dma_wait3A_2075] : memref<10000x128xf32, #tpu.memory_space<hbm>> -> memref<10000x128xf32, #tpu.memory_space<hbm>>
      tpu.wait_indirect_dma semaphore(%arg14 : memref<!tpu.dma_semaphore, #tpu.memory_space<semaphore_mem>>) src(%dma_wait3A_2076 : memref<10000x128xf32, #tpu.memory_space<hbm>>) dst(%arg11 : memref<64x128xf32, #tpu.memory_space<vmem>>)
      %dma_wait3A_2077 = arith.constant 0 : i32
      %dma_wait3A_2078 = arith.constant 0 : i32
      %dma_wait3A_2079 = tpu.memref_slice %arg2[%dma_wait3A_2077, %dma_wait3A_2078] : memref<10000x128xf32, #tpu.memory_space<hbm>> -> memref<64x128xf32, #tpu.memory_space<hbm>>
      %dma_wait3A_2080 = arith.constant 0 : i32
      %dma_wait3A_2081 = arith.constant 0 : i32
      %dma_wait3A_2082 = tpu.memref_slice %arg2[%dma_wait3A_2080, %dma_wait3A_2081] : memref<10000x128xf32, #tpu.memory_space<hbm>> -> memref<64x128xf32, #tpu.memory_space<hbm>>
      tpu.wait_dma2 semaphore(%arg16 : memref<!tpu.dma_semaphore, #tpu.memory_space<semaphore_mem>>) src(%dma_wait3A_2082 : memref<64x128xf32, #tpu.memory_space<hbm>>) dst(%arg12 : memref<64x128xf32, #tpu.memory_space<vmem>>)
      %scan3A_2083 = arith.constant 0 : i32
      %scan3A_2084 = arith.constant 64 : i32
      %scan3A_2085 = arith.addi %scan3A_2083, %scan3A_2084 : i32
      %scan3A_2086 = arith.constant 1 : i32
      scf.for %scan3A_2103 = %scan3A_2083 to %scan3A_2085 step %scan3A_2086  : i32 {
        %broadcast_in_dim3A_2104 = arith.constant 0.000000e+00 : f32
        %broadcast_in_dim3A_2105 = vector.broadcast %broadcast_in_dim3A_2104 : f32 to vector<16xf32>
        %get3A = arith.index_cast %scan3A_2103 : i32 to index
        %get3A_2106 = arith.constant 0 : index
        %get3A_2107 = tpu.vector_load %arg10[%get3A, %get3A_2106] {strides = array<i32>} : memref<64x256xf32, #tpu.memory_space<vmem>>, vector<16xf32>,
        %get3A_2108 = arith.index_cast %scan3A_2103 : i32 to index
        %get3A_2109 = arith.constant 0 : index
        %get3A_2110 = tpu.vector_load %arg11[%get3A_2108, %get3A_2109] {strides = array<i32>} : memref<64x128xf32, #tpu.memory_space<vmem>>, vector<16xf32>,
        %eq3A = arith.constant 0 : i32
        %eq3A_2111 = vector.broadcast %eq3A : i32 to vector<16xi32>
        %eq3A_2112 = arith.cmpi eq, %iota3A, %eq3A_2111 : vector<16xi32>
        %mul3A_2113 = arith.mulf %get3A_2107, %get3A_2110 : vector<16xf32>
        %reduce_sum3A = arith.constant true
        %reduce_sum3A_2114 = vector.broadcast %reduce_sum3A : i1 to vector<16xi1>
        %reduce_sum3A_2115 = tpu.scan <sum>, %mul3A_2113 masked %reduce_sum3A_2114 : vector<16xf32>, vector<16xi1> -> vector<16xf32>
        %reduce_sum3A_2116 = vector.extract %reduce_sum3A_2115[15] : f32 from vector<16xf32>
        %broadcast_in_dim3A_2117 = vector.broadcast %reduce_sum3A_2116 : f32 to vector<16xf32>
        %select_n3A_2118 = arith.select %eq3A_2112, %broadcast_in_dim3A_2117, %broadcast_in_dim3A_2105 : vector<16xi1>, vector<16xf32>
        %get3A_2119 = arith.index_cast %scan3A_2103 : i32 to index
        %get3A_2120 = arith.constant 16 : index
        %get3A_2121 = tpu.vector_load %arg10[%get3A_2119, %get3A_2120] {strides = array<i32>} : memref<64x256xf32, #tpu.memory_space<vmem>>, vector<16xf32>,
        %get3A_2122 = arith.index_cast %scan3A_2103 : i32 to index
        %get3A_2123 = arith.constant 16 : index
        %get3A_2124 = tpu.vector_load %arg11[%get3A_2122, %get3A_2123] {strides = array<i32>} : memref<64x128xf32, #tpu.memory_space<vmem>>, vector<16xf32>,
        %eq3A_2125 = arith.constant 1 : i32
        %eq3A_2126 = vector.broadcast %eq3A_2125 : i32 to vector<16xi32>
        %eq3A_2127 = arith.cmpi eq, %iota3A, %eq3A_2126 : vector<16xi32>
        %mul3A_2128 = arith.mulf %get3A_2121, %get3A_2124 : vector<16xf32>
        %reduce_sum3A_2129 = arith.constant true
        %reduce_sum3A_2130 = vector.broadcast %reduce_sum3A_2129 : i1 to vector<16xi1>
        %reduce_sum3A_2131 = tpu.scan <sum>, %mul3A_2128 masked %reduce_sum3A_2130 : vector<16xf32>, vector<16xi1> -> vector<16xf32>
        %reduce_sum3A_2132 = vector.extract %reduce_sum3A_2131[15] : f32 from vector<16xf32>
        %broadcast_in_dim3A_2133 = vector.broadcast %reduce_sum3A_2132 : f32 to vector<16xf32>
        %select_n3A_2134 = arith.select %eq3A_2127, %broadcast_in_dim3A_2133, %select_n3A_2118 : vector<16xi1>, vector<16xf32>
        %get3A_2135 = arith.index_cast %scan3A_2103 : i32 to index
        %get3A_2136 = arith.constant 32 : index
        %get3A_2137 = tpu.vector_load %arg10[%get3A_2135, %get3A_2136] {strides = array<i32>} : memref<64x256xf32, #tpu.memory_space<vmem>>, vector<16xf32>,
        %get3A_2138 = arith.index_cast %scan3A_2103 : i32 to index
        %get3A_2139 = arith.constant 32 : index
        %get3A_2140 = tpu.vector_load %arg11[%get3A_2138, %get3A_2139] {strides = array<i32>} : memref<64x128xf32, #tpu.memory_space<vmem>>, vector<16xf32>,
        %eq3A_2141 = arith.constant 2 : i32
        %eq3A_2142 = vector.broadcast %eq3A_2141 : i32 to vector<16xi32>
        %eq3A_2143 = arith.cmpi eq, %iota3A, %eq3A_2142 : vector<16xi32>
        %mul3A_2144 = arith.mulf %get3A_2137, %get3A_2140 : vector<16xf32>
        %reduce_sum3A_2145 = arith.constant true
        %reduce_sum3A_2146 = vector.broadcast %reduce_sum3A_2145 : i1 to vector<16xi1>
        %reduce_sum3A_2147 = tpu.scan <sum>, %mul3A_2144 masked %reduce_sum3A_2146 : vector<16xf32>, vector<16xi1> -> vector<16xf32>
        %reduce_sum3A_2148 = vector.extract %reduce_sum3A_2147[15] : f32 from vector<16xf32>
        %broadcast_in_dim3A_2149 = vector.broadcast %reduce_sum3A_2148 : f32 to vector<16xf32>
        %select_n3A_2150 = arith.select %eq3A_2143, %broadcast_in_dim3A_2149, %select_n3A_2134 : vector<16xi1>, vector<16xf32>
        %get3A_2151 = arith.index_cast %scan3A_2103 : i32 to index
        %get3A_2152 = arith.constant 48 : index
        %get3A_2153 = tpu.vector_load %arg10[%get3A_2151, %get3A_2152] {strides = array<i32>} : memref<64x256xf32, #tpu.memory_space<vmem>>, vector<16xf32>,
        %get3A_2154 = arith.index_cast %scan3A_2103 : i32 to index
        %get3A_2155 = arith.constant 48 : index
        %get3A_2156 = tpu.vector_load %arg11[%get3A_2154, %get3A_2155] {strides = array<i32>} : memref<64x128xf32, #tpu.memory_space<vmem>>, vector<16xf32>,
        %eq3A_2157 = arith.constant 3 : i32
        %eq3A_2158 = vector.broadcast %eq3A_2157 : i32 to vector<16xi32>
        %eq3A_2159 = arith.cmpi eq, %iota3A, %eq3A_2158 : vector<16xi32>
        %mul3A_2160 = arith.mulf %get3A_2153, %get3A_2156 : vector<16xf32>
        %reduce_sum3A_2161 = arith.constant true
        %reduce_sum3A_2162 = vector.broadcast %reduce_sum3A_2161 : i1 to vector<16xi1>
        %reduce_sum3A_2163 = tpu.scan <sum>, %mul3A_2160 masked %reduce_sum3A_2162 : vector<16xf32>, vector<16xi1> -> vector<16xf32>
        %reduce_sum3A_2164 = vector.extract %reduce_sum3A_2163[15] : f32 from vector<16xf32>
        %broadcast_in_dim3A_2165 = vector.broadcast %reduce_sum3A_2164 : f32 to vector<16xf32>
        %select_n3A_2166 = arith.select %eq3A_2159, %broadcast_in_dim3A_2165, %select_n3A_2150 : vector<16xi1>, vector<16xf32>
        %get3A_2167 = arith.index_cast %scan3A_2103 : i32 to index
        %get3A_2168 = arith.constant 64 : index
        %get3A_2169 = tpu.vector_load %arg10[%get3A_2167, %get3A_2168] {strides = array<i32>} : memref<64x256xf32, #tpu.memory_space<vmem>>, vector<16xf32>,
        %get3A_2170 = arith.index_cast %scan3A_2103 : i32 to index
        %get3A_2171 = arith.constant 64 : index
        %get3A_2172 = tpu.vector_load %arg11[%get3A_2170, %get3A_2171] {strides = array<i32>} : memref<64x128xf32, #tpu.memory_space<vmem>>, vector<16xf32>,
        %eq3A_2173 = arith.constant 4 : i32
        %eq3A_2174 = vector.broadcast %eq3A_2173 : i32 to vector<16xi32>
        %eq3A_2175 = arith.cmpi eq, %iota3A, %eq3A_2174 : vector<16xi32>
        %mul3A_2176 = arith.mulf %get3A_2169, %get3A_2172 : vector<16xf32>
        %reduce_sum3A_2177 = arith.constant true
        %reduce_sum3A_2178 = vector.broadcast %reduce_sum3A_2177 : i1 to vector<16xi1>
        %reduce_sum3A_2179 = tpu.scan <sum>, %mul3A_2176 masked %reduce_sum3A_2178 : vector<16xf32>, vector<16xi1> -> vector<16xf32>
        %reduce_sum3A_2180 = vector.extract %reduce_sum3A_2179[15] : f32 from vector<16xf32>
        %broadcast_in_dim3A_2181 = vector.broadcast %reduce_sum3A_2180 : f32 to vector<16xf32>
        %select_n3A_2182 = arith.select %eq3A_2175, %broadcast_in_dim3A_2181, %select_n3A_2166 : vector<16xi1>, vector<16xf32>
        %get3A_2183 = arith.index_cast %scan3A_2103 : i32 to index
        %get3A_2184 = arith.constant 80 : index
        %get3A_2185 = tpu.vector_load %arg10[%get3A_2183, %get3A_2184] {strides = array<i32>} : memref<64x256xf32, #tpu.memory_space<vmem>>, vector<16xf32>,
        %get3A_2186 = arith.index_cast %scan3A_2103 : i32 to index
        %get3A_2187 = arith.constant 80 : index
        %get3A_2188 = tpu.vector_load %arg11[%get3A_2186, %get3A_2187] {strides = array<i32>} : memref<64x128xf32, #tpu.memory_space<vmem>>, vector<16xf32>,
        %eq3A_2189 = arith.constant 5 : i32
        %eq3A_2190 = vector.broadcast %eq3A_2189 : i32 to vector<16xi32>
        %eq3A_2191 = arith.cmpi eq, %iota3A, %eq3A_2190 : vector<16xi32>
        %mul3A_2192 = arith.mulf %get3A_2185, %get3A_2188 : vector<16xf32>
        %reduce_sum3A_2193 = arith.constant true
        %reduce_sum3A_2194 = vector.broadcast %reduce_sum3A_2193 : i1 to vector<16xi1>
        %reduce_sum3A_2195 = tpu.scan <sum>, %mul3A_2192 masked %reduce_sum3A_2194 : vector<16xf32>, vector<16xi1> -> vector<16xf32>
        %reduce_sum3A_2196 = vector.extract %reduce_sum3A_2195[15] : f32 from vector<16xf32>
        %broadcast_in_dim3A_2197 = vector.broadcast %reduce_sum3A_2196 : f32 to vector<16xf32>
        %select_n3A_2198 = arith.select %eq3A_2191, %broadcast_in_dim3A_2197, %select_n3A_2182 : vector<16xi1>, vector<16xf32>
        %get3A_2199 = arith.index_cast %scan3A_2103 : i32 to index
        %get3A_2200 = arith.constant 96 : index
        %get3A_2201 = tpu.vector_load %arg10[%get3A_2199, %get3A_2200] {strides = array<i32>} : memref<64x256xf32, #tpu.memory_space<vmem>>, vector<16xf32>,
        %get3A_2202 = arith.index_cast %scan3A_2103 : i32 to index
        %get3A_2203 = arith.constant 96 : index
        %get3A_2204 = tpu.vector_load %arg11[%get3A_2202, %get3A_2203] {strides = array<i32>} : memref<64x128xf32, #tpu.memory_space<vmem>>, vector<16xf32>,
        %eq3A_2205 = arith.constant 6 : i32
        %eq3A_2206 = vector.broadcast %eq3A_2205 : i32 to vector<16xi32>
        %eq3A_2207 = arith.cmpi eq, %iota3A, %eq3A_2206 : vector<16xi32>
        %mul3A_2208 = arith.mulf %get3A_2201, %get3A_2204 : vector<16xf32>
        %reduce_sum3A_2209 = arith.constant true
        %reduce_sum3A_2210 = vector.broadcast %reduce_sum3A_2209 : i1 to vector<16xi1>
        %reduce_sum3A_2211 = tpu.scan <sum>, %mul3A_2208 masked %reduce_sum3A_2210 : vector<16xf32>, vector<16xi1> -> vector<16xf32>
        %reduce_sum3A_2212 = vector.extract %reduce_sum3A_2211[15] : f32 from vector<16xf32>
        %broadcast_in_dim3A_2213 = vector.broadcast %reduce_sum3A_2212 : f32 to vector<16xf32>
        %select_n3A_2214 = arith.select %eq3A_2207, %broadcast_in_dim3A_2213, %select_n3A_2198 : vector<16xi1>, vector<16xf32>
        %get3A_2215 = arith.index_cast %scan3A_2103 : i32 to index
        %get3A_2216 = arith.constant 112 : index
        %get3A_2217 = tpu.vector_load %arg10[%get3A_2215, %get3A_2216] {strides = array<i32>} : memref<64x256xf32, #tpu.memory_space<vmem>>, vector<16xf32>,
        %get3A_2218 = arith.index_cast %scan3A_2103 : i32 to index
        %get3A_2219 = arith.constant 112 : index
        %get3A_2220 = tpu.vector_load %arg11[%get3A_2218, %get3A_2219] {strides = array<i32>} : memref<64x128xf32, #tpu.memory_space<vmem>>, vector<16xf32>,
        %eq3A_2221 = arith.constant 7 : i32
        %eq3A_2222 = vector.broadcast %eq3A_2221 : i32 to vector<16xi32>
        %eq3A_2223 = arith.cmpi eq, %iota3A, %eq3A_2222 : vector<16xi32>
        %mul3A_2224 = arith.mulf %get3A_2217, %get3A_2220 : vector<16xf32>
        %reduce_sum3A_2225 = arith.constant true
        %reduce_sum3A_2226 = vector.broadcast %reduce_sum3A_2225 : i1 to vector<16xi1>
        %reduce_sum3A_2227 = tpu.scan <sum>, %mul3A_2224 masked %reduce_sum3A_2226 : vector<16xf32>, vector<16xi1> -> vector<16xf32>
        %reduce_sum3A_2228 = vector.extract %reduce_sum3A_2227[15] : f32 from vector<16xf32>
        %broadcast_in_dim3A_2229 = vector.broadcast %reduce_sum3A_2228 : f32 to vector<16xf32>
        %select_n3A_2230 = arith.select %eq3A_2223, %broadcast_in_dim3A_2229, %select_n3A_2214 : vector<16xi1>, vector<16xf32>
        %mul3A_2231 = arith.constant 2.500000e-01 : f32
        %mul3A_2232 = vector.broadcast %mul3A_2231 : f32 to vector<16xf32>
        %mul3A_2233 = arith.mulf %select_n3A_2230, %mul3A_2232 : vector<16xf32>
        %max3A = arith.constant -5.000000e+00 : f32
        %max3A_2234 = vector.broadcast %max3A : f32 to vector<16xf32>
        %max3A_2235 = arith.maximumf %mul3A_2233, %max3A_2234 : vector<16xf32>
        %min3A = arith.constant 5.000000e+00 : f32
        %min3A_2236 = vector.broadcast %min3A : f32 to vector<16xf32>
        %min3A_2237 = arith.minimumf %max3A_2235, %min3A_2236 : vector<16xf32>
        %exp3A = math.exp %min3A_2237 : vector<16xf32>
        %swap3A_2238 = arith.index_cast %scan3A_2103 : i32 to index
        %swap3A_2239 = arith.constant 0 : index
        %swap3A_2240 = tpu.vector_load %arg13[%swap3A_2238, %swap3A_2239] {strides = array<i32>} : memref<64x16xf32, #tpu.memory_space<vmem>>, vector<16xf32>,
        tpu.vector_store %arg13[%swap3A_2238, %swap3A_2239], %exp3A {strides = array<i32>} : memref<64x16xf32, #tpu.memory_space<vmem>>, vector<16xf32>,
        %get3A_2241 = arith.index_cast %scan3A_2103 : i32 to index
        %get3A_2242 = arith.constant 128 : index
        %get3A_2243 = tpu.vector_load %arg10[%get3A_2241, %get3A_2242] {strides = array<i32>} : memref<64x256xf32, #tpu.memory_space<vmem>>, vector<16xf32>,
        %slice3A = vector.extract_strided_slice %exp3A {offsets = [0], sizes = [1], strides = [1]} : vector<16xf32> to vector<1xf32>
        %squeeze3A = vector.extract %slice3A[0] : f32 from vector<1xf32>
        %mul3A_2244 = vector.broadcast %squeeze3A : f32 to vector<16xf32>
        %mul3A_2245 = arith.mulf %get3A_2243, %mul3A_2244 : vector<16xf32>
        %swap3A_2246 = arith.index_cast %scan3A_2103 : i32 to index
        %swap3A_2247 = arith.constant 0 : index
        %swap3A_2248 = tpu.vector_load %arg12[%swap3A_2246, %swap3A_2247] {strides = array<i32>} : memref<64x128xf32, #tpu.memory_space<vmem>>, vector<16xf32>,
        tpu.vector_store %arg12[%swap3A_2246, %swap3A_2247], %mul3A_2245 {strides = array<i32>} : memref<64x128xf32, #tpu.memory_space<vmem>>, vector<16xf32>,
        %get3A_2249 = arith.index_cast %scan3A_2103 : i32 to index
        %get3A_2250 = arith.constant 144 : index
        %get3A_2251 = tpu.vector_load %arg10[%get3A_2249, %get3A_2250] {strides = array<i32>} : memref<64x256xf32, #tpu.memory_space<vmem>>, vector<16xf32>,
        %slice3A_2252 = vector.extract_strided_slice %exp3A {offsets = [1], sizes = [1], strides = [1]} : vector<16xf32> to vector<1xf32>
        %squeeze3A_2253 = vector.extract %slice3A_2252[0] : f32 from vector<1xf32>
        %mul3A_2254 = vector.broadcast %squeeze3A_2253 : f32 to vector<16xf32>
        %mul3A_2255 = arith.mulf %get3A_2251, %mul3A_2254 : vector<16xf32>
        %swap3A_2256 = arith.index_cast %scan3A_2103 : i32 to index
        %swap3A_2257 = arith.constant 16 : index
        %swap3A_2258 = tpu.vector_load %arg12[%swap3A_2256, %swap3A_2257] {strides = array<i32>} : memref<64x128xf32, #tpu.memory_space<vmem>>, vector<16xf32>,
        tpu.vector_store %arg12[%swap3A_2256, %swap3A_2257], %mul3A_2255 {strides = array<i32>} : memref<64x128xf32, #tpu.memory_space<vmem>>, vector<16xf32>,
        %get3A_2259 = arith.index_cast %scan3A_2103 : i32 to index
        %get3A_2260 = arith.constant 160 : index
        %get3A_2261 = tpu.vector_load %arg10[%get3A_2259, %get3A_2260] {strides = array<i32>} : memref<64x256xf32, #tpu.memory_space<vmem>>, vector<16xf32>,
        %slice3A_2262 = vector.extract_strided_slice %exp3A {offsets = [2], sizes = [1], strides = [1]} : vector<16xf32> to vector<1xf32>
        %squeeze3A_2263 = vector.extract %slice3A_2262[0] : f32 from vector<1xf32>
        %mul3A_2264 = vector.broadcast %squeeze3A_2263 : f32 to vector<16xf32>
        %mul3A_2265 = arith.mulf %get3A_2261, %mul3A_2264 : vector<16xf32>
        %swap3A_2266 = arith.index_cast %scan3A_2103 : i32 to index
        %swap3A_2267 = arith.constant 32 : index
        %swap3A_2268 = tpu.vector_load %arg12[%swap3A_2266, %swap3A_2267] {strides = array<i32>} : memref<64x128xf32, #tpu.memory_space<vmem>>, vector<16xf32>,
        tpu.vector_store %arg12[%swap3A_2266, %swap3A_2267], %mul3A_2265 {strides = array<i32>} : memref<64x128xf32, #tpu.memory_space<vmem>>, vector<16xf32>,
        %get3A_2269 = arith.index_cast %scan3A_2103 : i32 to index
        %get3A_2270 = arith.constant 176 : index
        %get3A_2271 = tpu.vector_load %arg10[%get3A_2269, %get3A_2270] {strides = array<i32>} : memref<64x256xf32, #tpu.memory_space<vmem>>, vector<16xf32>,
        %slice3A_2272 = vector.extract_strided_slice %exp3A {offsets = [3], sizes = [1], strides = [1]} : vector<16xf32> to vector<1xf32>
        %squeeze3A_2273 = vector.extract %slice3A_2272[0] : f32 from vector<1xf32>
        %mul3A_2274 = vector.broadcast %squeeze3A_2273 : f32 to vector<16xf32>
        %mul3A_2275 = arith.mulf %get3A_2271, %mul3A_2274 : vector<16xf32>
        %swap3A_2276 = arith.index_cast %scan3A_2103 : i32 to index
        %swap3A_2277 = arith.constant 48 : index
        %swap3A_2278 = tpu.vector_load %arg12[%swap3A_2276, %swap3A_2277] {strides = array<i32>} : memref<64x128xf32, #tpu.memory_space<vmem>>, vector<16xf32>,
        tpu.vector_store %arg12[%swap3A_2276, %swap3A_2277], %mul3A_2275 {strides = array<i32>} : memref<64x128xf32, #tpu.memory_space<vmem>>, vector<16xf32>,
        %get3A_2279 = arith.index_cast %scan3A_2103 : i32 to index
        %get3A_2280 = arith.constant 192 : index
        %get3A_2281 = tpu.vector_load %arg10[%get3A_2279, %get3A_2280] {strides = array<i32>} : memref<64x256xf32, #tpu.memory_space<vmem>>, vector<16xf32>,
        %slice3A_2282 = vector.extract_strided_slice %exp3A {offsets = [4], sizes = [1], strides = [1]} : vector<16xf32> to vector<1xf32>
        %squeeze3A_2283 = vector.extract %slice3A_2282[0] : f32 from vector<1xf32>
        %mul3A_2284 = vector.broadcast %squeeze3A_2283 : f32 to vector<16xf32>
        %mul3A_2285 = arith.mulf %get3A_2281, %mul3A_2284 : vector<16xf32>
        %swap3A_2286 = arith.index_cast %scan3A_2103 : i32 to index
        %swap3A_2287 = arith.constant 64 : index
        %swap3A_2288 = tpu.vector_load %arg12[%swap3A_2286, %swap3A_2287] {strides = array<i32>} : memref<64x128xf32, #tpu.memory_space<vmem>>, vector<16xf32>,
        tpu.vector_store %arg12[%swap3A_2286, %swap3A_2287], %mul3A_2285 {strides = array<i32>} : memref<64x128xf32, #tpu.memory_space<vmem>>, vector<16xf32>,
        %get3A_2289 = arith.index_cast %scan3A_2103 : i32 to index
        %get3A_2290 = arith.constant 208 : index
        %get3A_2291 = tpu.vector_load %arg10[%get3A_2289, %get3A_2290] {strides = array<i32>} : memref<64x256xf32, #tpu.memory_space<vmem>>, vector<16xf32>,
        %slice3A_2292 = vector.extract_strided_slice %exp3A {offsets = [5], sizes = [1], strides = [1]} : vector<16xf32> to vector<1xf32>
        %squeeze3A_2293 = vector.extract %slice3A_2292[0] : f32 from vector<1xf32>
        %mul3A_2294 = vector.broadcast %squeeze3A_2293 : f32 to vector<16xf32>
        %mul3A_2295 = arith.mulf %get3A_2291, %mul3A_2294 : vector<16xf32>
        %swap3A_2296 = arith.index_cast %scan3A_2103 : i32 to index
        %swap3A_2297 = arith.constant 80 : index
        %swap3A_2298 = tpu.vector_load %arg12[%swap3A_2296, %swap3A_2297] {strides = array<i32>} : memref<64x128xf32, #tpu.memory_space<vmem>>, vector<16xf32>,
        tpu.vector_store %arg12[%swap3A_2296, %swap3A_2297], %mul3A_2295 {strides = array<i32>} : memref<64x128xf32, #tpu.memory_space<vmem>>, vector<16xf32>,
        %get3A_2299 = arith.index_cast %scan3A_2103 : i32 to index
        %get3A_2300 = arith.constant 224 : index
        %get3A_2301 = tpu.vector_load %arg10[%get3A_2299, %get3A_2300] {strides = array<i32>} : memref<64x256xf32, #tpu.memory_space<vmem>>, vector<16xf32>,
        %slice3A_2302 = vector.extract_strided_slice %exp3A {offsets = [6], sizes = [1], strides = [1]} : vector<16xf32> to vector<1xf32>
        %squeeze3A_2303 = vector.extract %slice3A_2302[0] : f32 from vector<1xf32>
        %mul3A_2304 = vector.broadcast %squeeze3A_2303 : f32 to vector<16xf32>
        %mul3A_2305 = arith.mulf %get3A_2301, %mul3A_2304 : vector<16xf32>
        %swap3A_2306 = arith.index_cast %scan3A_2103 : i32 to index
        %swap3A_2307 = arith.constant 96 : index
        %swap3A_2308 = tpu.vector_load %arg12[%swap3A_2306, %swap3A_2307] {strides = array<i32>} : memref<64x128xf32, #tpu.memory_space<vmem>>, vector<16xf32>,
        tpu.vector_store %arg12[%swap3A_2306, %swap3A_2307], %mul3A_2305 {strides = array<i32>} : memref<64x128xf32, #tpu.memory_space<vmem>>, vector<16xf32>,
        %get3A_2309 = arith.index_cast %scan3A_2103 : i32 to index
        %get3A_2310 = arith.constant 240 : index
        %get3A_2311 = tpu.vector_load %arg10[%get3A_2309, %get3A_2310] {strides = array<i32>} : memref<64x256xf32, #tpu.memory_space<vmem>>, vector<16xf32>,
        %slice3A_2312 = vector.extract_strided_slice %exp3A {offsets = [7], sizes = [1], strides = [1]} : vector<16xf32> to vector<1xf32>
        %squeeze3A_2313 = vector.extract %slice3A_2312[0] : f32 from vector<1xf32>
        %mul3A_2314 = vector.broadcast %squeeze3A_2313 : f32 to vector<16xf32>
        %mul3A_2315 = arith.mulf %get3A_2311, %mul3A_2314 : vector<16xf32>
        %swap3A_2316 = arith.index_cast %scan3A_2103 : i32 to index
        %swap3A_2317 = arith.constant 112 : index
        %swap3A_2318 = tpu.vector_load %arg12[%swap3A_2316, %swap3A_2317] {strides = array<i32>} : memref<64x128xf32, #tpu.memory_space<vmem>>, vector<16xf32>,
        tpu.vector_store %arg12[%swap3A_2316, %swap3A_2317], %mul3A_2315 {strides = array<i32>} : memref<64x128xf32, #tpu.memory_space<vmem>>, vector<16xf32>,
      }
      %scan3A_2087 = arith.constant 64 : i32
      %dma_start3A_2088 = arith.constant 0 : i32
      %dma_start3A_2089 = tpu.memref_slice %arg7[%multiple_of3A, %dma_start3A_2088] : memref<320000x16xf32, #tpu.memory_space<hbm>> -> memref<64x16xf32, #tpu.memory_space<hbm>>
      %dma_start3A_2090 = arith.constant 0 : i32
      %dma_start3A_2091 = tpu.memref_slice %arg7[%multiple_of3A, %dma_start3A_2090] : memref<320000x16xf32, #tpu.memory_space<hbm>> -> memref<64x16xf32, #tpu.memory_space<hbm>>
      tpu.enqueue_dma source(%arg13 : memref<64x16xf32, #tpu.memory_space<vmem>>) target(%dma_start3A_2091 : memref<64x16xf32, #tpu.memory_space<hbm>>) target_semaphore(%arg17 : memref<!tpu.dma_semaphore, #tpu.memory_space<semaphore_mem>>)
      %dma_start3A_2092 = arith.constant 1 : i32
      %dma_start3A_2093 = arith.constant 0 : i32
      %dma_start3A_2094 = tpu.memref_slice %arg9[%dma_start3A_2092, %dma_start3A_2093] : memref<2x64xi32, #tpu.memory_space<vmem>> -> memref<1x64xi32, #tpu.memory_space<vmem>>
      %dma_start3A_2095 = tpu.memref_squeeze %dma_start3A_2094 : memref<1x64xi32, #tpu.memory_space<vmem>> -> memref<64xi32, #tpu.memory_space<vmem>>
      %dma_start3A_2096 = arith.constant 0 : i32
      %dma_start3A_2097 = arith.constant 0 : i32
      %dma_start3A_2098 = tpu.memref_slice %arg8[%dma_start3A_2096, %dma_start3A_2097] : memref<10240x128xf32, #tpu.memory_space<vmem_shared>> -> memref<10240x128xf32, #tpu.memory_space<vmem_shared>>
      tpu.enqueue_indirect_dma source(%arg12 : memref<64x128xf32, #tpu.memory_space<vmem>>) target(%dma_start3A_2098 : memref<10240x128xf32, #tpu.memory_space<vmem_shared>>) offsets(%dma_start3A_2095 : memref<64xi32, #tpu.memory_space<vmem>>) semaphore(%arg16 : memref<!tpu.dma_semaphore, #tpu.memory_space<semaphore_mem>>) {add = true}
      %dma_wait3A_2099 = arith.constant 0 : i32
      %dma_wait3A_2100 = tpu.memref_slice %arg7[%multiple_of3A, %dma_wait3A_2099] : memref<320000x16xf32, #tpu.memory_space<hbm>> -> memref<64x16xf32, #tpu.memory_space<hbm>>
      %dma_wait3A_2101 = arith.constant 0 : i32
      %dma_wait3A_2102 = tpu.memref_slice %arg7[%multiple_of3A, %dma_wait3A_2101] : memref<320000x16xf32, #tpu.memory_space<hbm>> -> memref<64x16xf32, #tpu.memory_space<hbm>>
      tpu.wait_dma2 semaphore(%arg17 : memref<!tpu.dma_semaphore, #tpu.memory_space<semaphore_mem>>) src(%arg13 : memref<64x16xf32, #tpu.memory_space<vmem>>) dst(%dma_wait3A_2102 : memref<64x16xf32, #tpu.memory_space<hbm>>)
    }
    %dma_wait3A_534 = arith.constant 0 : i32
    %dma_wait3A_535 = arith.constant 0 : i32
    %dma_wait3A_536 = tpu.memref_slice %arg2[%dma_wait3A_534, %dma_wait3A_535] : memref<10000x128xf32, #tpu.memory_space<hbm>> -> memref<64x128xf32, #tpu.memory_space<hbm>>
    %dma_wait3A_537 = arith.constant 0 : i32
    %dma_wait3A_538 = arith.constant 0 : i32
    %dma_wait3A_539 = tpu.memref_slice %arg2[%dma_wait3A_537, %dma_wait3A_538] : memref<10000x128xf32, #tpu.memory_space<hbm>> -> memref<64x128xf32, #tpu.memory_space<hbm>>
    tpu.wait_dma2 semaphore(%arg16 : memref<!tpu.dma_semaphore, #tpu.memory_space<semaphore_mem>>) src(%dma_wait3A_539 : memref<64x128xf32, #tpu.memory_space<hbm>>) dst(%arg12 : memref<64x128xf32, #tpu.memory_space<vmem>>)
    %barrier3A_540 = arith.constant 0 : index
    tpu.barrier barrier_id(%barrier3A_540)
    %add3A_541 = arith.constant 0 : i32
    %add3A_542 = arith.addi %mul3A_2, %add3A_541 : i32
    %add3A_543 = arith.constant 0 : i32
    %add3A_544 = arith.addi %add3A_542, %add3A_543 : i32
    %add3A_545 = vector.broadcast %add3A_544 : i32 to vector<16xi32>
    %add3A_546 = arith.addi %add3A_545, %iota3A : vector<16xi32>
    %swap3A_547 = arith.constant 0 : i32
    %swap3A_548 = arith.index_cast %swap3A_547 : i32 to index
    %swap3A_549 = arith.constant 0 : index
    %swap3A_550 = tpu.vector_load %arg9[%swap3A_548, %swap3A_549] {strides = array<i32>} : memref<2x64xi32, #tpu.memory_space<vmem>>, vector<16xi32>,
    tpu.vector_store %arg9[%swap3A_548, %swap3A_549], %add3A_546 {strides = array<i32>} : memref<2x64xi32, #tpu.memory_space<vmem>>, vector<16xi32>,
    %add3A_551 = arith.constant 16 : i32
    %add3A_552 = arith.addi %add3A_542, %add3A_551 : i32
    %add3A_553 = vector.broadcast %add3A_552 : i32 to vector<16xi32>
    %add3A_554 = arith.addi %add3A_553, %iota3A : vector<16xi32>
    %swap3A_555 = arith.constant 0 : i32
    %swap3A_556 = arith.index_cast %swap3A_555 : i32 to index
    %swap3A_557 = arith.constant 16 : index
    %swap3A_558 = tpu.vector_load %arg9[%swap3A_556, %swap3A_557] {strides = array<i32>} : memref<2x64xi32, #tpu.memory_space<vmem>>, vector<16xi32>,
    tpu.vector_store %arg9[%swap3A_556, %swap3A_557], %add3A_554 {strides = array<i32>} : memref<2x64xi32, #tpu.memory_space<vmem>>, vector<16xi32>,
    %add3A_559 = arith.constant 32 : i32
    %add3A_560 = arith.addi %add3A_542, %add3A_559 : i32
    %add3A_561 = vector.broadcast %add3A_560 : i32 to vector<16xi32>
    %add3A_562 = arith.addi %add3A_561, %iota3A : vector<16xi32>
    %swap3A_563 = arith.constant 0 : i32
    %swap3A_564 = arith.index_cast %swap3A_563 : i32 to index
    %swap3A_565 = arith.constant 32 : index
    %swap3A_566 = tpu.vector_load %arg9[%swap3A_564, %swap3A_565] {strides = array<i32>} : memref<2x64xi32, #tpu.memory_space<vmem>>, vector<16xi32>,
    tpu.vector_store %arg9[%swap3A_564, %swap3A_565], %add3A_562 {strides = array<i32>} : memref<2x64xi32, #tpu.memory_space<vmem>>, vector<16xi32>,
    %add3A_567 = arith.constant 48 : i32
    %add3A_568 = arith.addi %add3A_542, %add3A_567 : i32
    %add3A_569 = vector.broadcast %add3A_568 : i32 to vector<16xi32>
    %add3A_570 = arith.addi %add3A_569, %iota3A : vector<16xi32>
    %swap3A_571 = arith.constant 0 : i32
    %swap3A_572 = arith.index_cast %swap3A_571 : i32 to index
    %swap3A_573 = arith.constant 48 : index
    %swap3A_574 = tpu.vector_load %arg9[%swap3A_572, %swap3A_573] {strides = array<i32>} : memref<2x64xi32, #tpu.memory_space<vmem>>, vector<16xi32>,
    tpu.vector_store %arg9[%swap3A_572, %swap3A_573], %add3A_570 {strides = array<i32>} : memref<2x64xi32, #tpu.memory_space<vmem>>, vector<16xi32>,
    %dma_start3A_575 = arith.constant 0 : i32
    %dma_start3A_576 = arith.constant 0 : i32
    %dma_start3A_577 = tpu.memref_slice %arg9[%dma_start3A_575, %dma_start3A_576] : memref<2x64xi32, #tpu.memory_space<vmem>> -> memref<1x64xi32, #tpu.memory_space<vmem>>
    %dma_start3A_578 = tpu.memref_squeeze %dma_start3A_577 : memref<1x64xi32, #tpu.memory_space<vmem>> -> memref<64xi32, #tpu.memory_space<vmem>>
    %dma_start3A_579 = arith.constant 0 : i32
    %dma_start3A_580 = arith.constant 0 : i32
    %dma_start3A_581 = tpu.memref_slice %arg8[%dma_start3A_579, %dma_start3A_580] : memref<10240x128xf32, #tpu.memory_space<vmem_shared>> -> memref<10240x128xf32, #tpu.memory_space<vmem_shared>>
    tpu.enqueue_indirect_dma source(%dma_start3A_581 : memref<10240x128xf32, #tpu.memory_space<vmem_shared>>) target(%arg12 : memref<64x128xf32, #tpu.memory_space<vmem>>) offsets(%dma_start3A_578 : memref<64xi32, #tpu.memory_space<vmem>>) semaphore(%arg14 : memref<!tpu.dma_semaphore, #tpu.memory_space<semaphore_mem>>)
    %dma_wait3A_582 = arith.constant 0 : i32
    %dma_wait3A_583 = arith.constant 0 : i32
    %dma_wait3A_584 = tpu.memref_slice %arg9[%dma_wait3A_582, %dma_wait3A_583] : memref<2x64xi32, #tpu.memory_space<vmem>> -> memref<1x64xi32, #tpu.memory_space<vmem>>
    %dma_wait3A_585 = tpu.memref_squeeze %dma_wait3A_584 : memref<1x64xi32, #tpu.memory_space<vmem>> -> memref<64xi32, #tpu.memory_space<vmem>>
    %dma_wait3A_586 = arith.constant 0 : i32
    %dma_wait3A_587 = arith.constant 0 : i32
    %dma_wait3A_588 = tpu.memref_slice %arg8[%dma_wait3A_586, %dma_wait3A_587] : memref<10240x128xf32, #tpu.memory_space<vmem_shared>> -> memref<10240x128xf32, #tpu.memory_space<vmem_shared>>
    tpu.wait_indirect_dma semaphore(%arg14 : memref<!tpu.dma_semaphore, #tpu.memory_space<semaphore_mem>>) src(%dma_wait3A_588 : memref<10240x128xf32, #tpu.memory_space<vmem_shared>>) dst(%arg12 : memref<64x128xf32, #tpu.memory_space<vmem>>)
    "tpu.region"() ({
      %run_scoped3A = tpu.sem_alloc : memref<!tpu.dma_semaphore, #tpu.memory_space<semaphore_mem>>
      %dma_start3A_2043 = arith.constant 0 : i32
      %dma_start3A_2044 = tpu.memref_slice %arg5[%arg0, %add3A_542, %dma_start3A_2043] : memref<2x10240x128xf32, #tpu.memory_space<hbm>> -> memref<1x64x128xf32, #tpu.memory_space<hbm>>
      %dma_start3A_2045 = tpu.memref_squeeze %dma_start3A_2044 : memref<1x64x128xf32, #tpu.memory_space<hbm>> -> memref<64x128xf32, #tpu.memory_space<hbm>>
      %dma_start3A_2046 = arith.constant 0 : i32
      %dma_start3A_2047 = tpu.memref_slice %arg5[%arg0, %add3A_542, %dma_start3A_2046] : memref<2x10240x128xf32, #tpu.memory_space<hbm>> -> memref<1x64x128xf32, #tpu.memory_space<hbm>>
      %dma_start3A_2048 = tpu.memref_squeeze %dma_start3A_2047 : memref<1x64x128xf32, #tpu.memory_space<hbm>> -> memref<64x128xf32, #tpu.memory_space<hbm>>
      tpu.enqueue_dma source(%arg12 : memref<64x128xf32, #tpu.memory_space<vmem>>) target(%dma_start3A_2048 : memref<64x128xf32, #tpu.memory_space<hbm>>) target_semaphore(%run_scoped3A : memref<!tpu.dma_semaphore, #tpu.memory_space<semaphore_mem>>)
      %dma_wait3A_2049 = arith.constant 0 : i32
      %dma_wait3A_2050 = tpu.memref_slice %arg5[%arg0, %add3A_542, %dma_wait3A_2049] : memref<2x10240x128xf32, #tpu.memory_space<hbm>> -> memref<1x64x128xf32, #tpu.memory_space<hbm>>
      %dma_wait3A_2051 = tpu.memref_squeeze %dma_wait3A_2050 : memref<1x64x128xf32, #tpu.memory_space<hbm>> -> memref<64x128xf32, #tpu.memory_space<hbm>>
      %dma_wait3A_2052 = arith.constant 0 : i32
      %dma_wait3A_2053 = tpu.memref_slice %arg5[%arg0, %add3A_542, %dma_wait3A_2052] : memref<2x10240x128xf32, #tpu.memory_space<hbm>> -> memref<1x64x128xf32, #tpu.memory_space<hbm>>
      %dma_wait3A_2054 = tpu.memref_squeeze %dma_wait3A_2053 : memref<1x64x128xf32, #tpu.memory_space<hbm>> -> memref<64x128xf32, #tpu.memory_space<hbm>>
      tpu.wait_dma2 semaphore(%run_scoped3A : memref<!tpu.dma_semaphore, #tpu.memory_space<semaphore_mem>>) src(%arg12 : memref<64x128xf32, #tpu.memory_space<vmem>>) dst(%dma_wait3A_2054 : memref<64x128xf32, #tpu.memory_space<hbm>>)
      tpu.yield
    }) : () -> ()
    %add3A_589 = arith.constant 64 : i32
    %add3A_590 = arith.addi %mul3A_2, %add3A_589 : i32
    %add3A_591 = arith.constant 0 : i32
    %add3A_592 = arith.addi %add3A_590, %add3A_591 : i32
    %add3A_593 = vector.broadcast %add3A_592 : i32 to vector<16xi32>
    %add3A_594 = arith.addi %add3A_593, %iota3A : vector<16xi32>
    %swap3A_595 = arith.constant 0 : i32
    %swap3A_596 = arith.index_cast %swap3A_595 : i32 to index
    %swap3A_597 = arith.constant 0 : index
    %swap3A_598 = tpu.vector_load %arg9[%swap3A_596, %swap3A_597] {strides = array<i32>} : memref<2x64xi32, #tpu.memory_space<vmem>>, vector<16xi32>,
    tpu.vector_store %arg9[%swap3A_596, %swap3A_597], %add3A_594 {strides = array<i32>} : memref<2x64xi32, #tpu.memory_space<vmem>>, vector<16xi32>,
    %add3A_599 = arith.constant 16 : i32
    %add3A_600 = arith.addi %add3A_590, %add3A_599 : i32
    %add3A_601 = vector.broadcast %add3A_600 : i32 to vector<16xi32>
    %add3A_602 = arith.addi %add3A_601, %iota3A : vector<16xi32>
    %swap3A_603 = arith.constant 0 : i32
    %swap3A_604 = arith.index_cast %swap3A_603 : i32 to index
    %swap3A_605 = arith.constant 16 : index
    %swap3A_606 = tpu.vector_load %arg9[%swap3A_604, %swap3A_605] {strides = array<i32>} : memref<2x64xi32, #tpu.memory_space<vmem>>, vector<16xi32>,
    tpu.vector_store %arg9[%swap3A_604, %swap3A_605], %add3A_602 {strides = array<i32>} : memref<2x64xi32, #tpu.memory_space<vmem>>, vector<16xi32>,
    %add3A_607 = arith.constant 32 : i32
    %add3A_608 = arith.addi %add3A_590, %add3A_607 : i32
    %add3A_609 = vector.broadcast %add3A_608 : i32 to vector<16xi32>
    %add3A_610 = arith.addi %add3A_609, %iota3A : vector<16xi32>
    %swap3A_611 = arith.constant 0 : i32
    %swap3A_612 = arith.index_cast %swap3A_611 : i32 to index
    %swap3A_613 = arith.constant 32 : index
    %swap3A_614 = tpu.vector_load %arg9[%swap3A_612, %swap3A_613] {strides = array<i32>} : memref<2x64xi32, #tpu.memory_space<vmem>>, vector<16xi32>,
    tpu.vector_store %arg9[%swap3A_612, %swap3A_613], %add3A_610 {strides = array<i32>} : memref<2x64xi32, #tpu.memory_space<vmem>>, vector<16xi32>,
    %add3A_615 = arith.constant 48 : i32
    %add3A_616 = arith.addi %add3A_590, %add3A_615 : i32
    %add3A_617 = vector.broadcast %add3A_616 : i32 to vector<16xi32>
    %add3A_618 = arith.addi %add3A_617, %iota3A : vector<16xi32>
    %swap3A_619 = arith.constant 0 : i32
    %swap3A_620 = arith.index_cast %swap3A_619 : i32 to index
    %swap3A_621 = arith.constant 48 : index
    %swap3A_622 = tpu.vector_load %arg9[%swap3A_620, %swap3A_621] {strides = array<i32>} : memref<2x64xi32, #tpu.memory_space<vmem>>, vector<16xi32>,
    tpu.vector_store %arg9[%swap3A_620, %swap3A_621], %add3A_618 {strides = array<i32>} : memref<2x64xi32, #tpu.memory_space<vmem>>, vector<16xi32>,
    %dma_start3A_623 = arith.constant 0 : i32
    %dma_start3A_624 = arith.constant 0 : i32
    %dma_start3A_625 = tpu.memref_slice %arg9[%dma_start3A_623, %dma_start3A_624] : memref<2x64xi32, #tpu.memory_space<vmem>> -> memref<1x64xi32, #tpu.memory_space<vmem>>
    %dma_start3A_626 = tpu.memref_squeeze %dma_start3A_625 : memref<1x64xi32, #tpu.memory_space<vmem>> -> memref<64xi32, #tpu.memory_space<vmem>>
    %dma_start3A_627 = arith.constant 0 : i32
    %dma_start3A_628 = arith.constant 0 : i32
    %dma_start3A_629 = tpu.memref_slice %arg8[%dma_start3A_627, %dma_start3A_628] : memref<10240x128xf32, #tpu.memory_space<vmem_shared>> -> memref<10240x128xf32, #tpu.memory_space<vmem_shared>>
    tpu.enqueue_indirect_dma source(%dma_start3A_629 : memref<10240x128xf32, #tpu.memory_space<vmem_shared>>) target(%arg12 : memref<64x128xf32, #tpu.memory_space<vmem>>) offsets(%dma_start3A_626 : memref<64xi32, #tpu.memory_space<vmem>>) semaphore(%arg14 : memref<!tpu.dma_semaphore, #tpu.memory_space<semaphore_mem>>)
    %dma_wait3A_630 = arith.constant 0 : i32
    %dma_wait3A_631 = arith.constant 0 : i32
    %dma_wait3A_632 = tpu.memref_slice %arg9[%dma_wait3A_630, %dma_wait3A_631] : memref<2x64xi32, #tpu.memory_space<vmem>> -> memref<1x64xi32, #tpu.memory_space<vmem>>
    %dma_wait3A_633 = tpu.memref_squeeze %dma_wait3A_632 : memref<1x64xi32, #tpu.memory_space<vmem>> -> memref<64xi32, #tpu.memory_space<vmem>>
    %dma_wait3A_634 = arith.constant 0 : i32
    %dma_wait3A_635 = arith.constant 0 : i32
    %dma_wait3A_636 = tpu.memref_slice %arg8[%dma_wait3A_634, %dma_wait3A_635] : memref<10240x128xf32, #tpu.memory_space<vmem_shared>> -> memref<10240x128xf32, #tpu.memory_space<vmem_shared>>
    tpu.wait_indirect_dma semaphore(%arg14 : memref<!tpu.dma_semaphore, #tpu.memory_space<semaphore_mem>>) src(%dma_wait3A_636 : memref<10240x128xf32, #tpu.memory_space<vmem_shared>>) dst(%arg12 : memref<64x128xf32, #tpu.memory_space<vmem>>)
    "tpu.region"() ({
      %run_scoped3A = tpu.sem_alloc : memref<!tpu.dma_semaphore, #tpu.memory_space<semaphore_mem>>
      %dma_start3A_2043 = arith.constant 0 : i32
      %dma_start3A_2044 = tpu.memref_slice %arg5[%arg0, %add3A_590, %dma_start3A_2043] : memref<2x10240x128xf32, #tpu.memory_space<hbm>> -> memref<1x64x128xf32, #tpu.memory_space<hbm>>
      %dma_start3A_2045 = tpu.memref_squeeze %dma_start3A_2044 : memref<1x64x128xf32, #tpu.memory_space<hbm>> -> memref<64x128xf32, #tpu.memory_space<hbm>>
      %dma_start3A_2046 = arith.constant 0 : i32
      %dma_start3A_2047 = tpu.memref_slice %arg5[%arg0, %add3A_590, %dma_start3A_2046] : memref<2x10240x128xf32, #tpu.memory_space<hbm>> -> memref<1x64x128xf32, #tpu.memory_space<hbm>>
      %dma_start3A_2048 = tpu.memref_squeeze %dma_start3A_2047 : memref<1x64x128xf32, #tpu.memory_space<hbm>> -> memref<64x128xf32, #tpu.memory_space<hbm>>
      tpu.enqueue_dma source(%arg12 : memref<64x128xf32, #tpu.memory_space<vmem>>) target(%dma_start3A_2048 : memref<64x128xf32, #tpu.memory_space<hbm>>) target_semaphore(%run_scoped3A : memref<!tpu.dma_semaphore, #tpu.memory_space<semaphore_mem>>)
      %dma_wait3A_2049 = arith.constant 0 : i32
      %dma_wait3A_2050 = tpu.memref_slice %arg5[%arg0, %add3A_590, %dma_wait3A_2049] : memref<2x10240x128xf32, #tpu.memory_space<hbm>> -> memref<1x64x128xf32, #tpu.memory_space<hbm>>
      %dma_wait3A_2051 = tpu.memref_squeeze %dma_wait3A_2050 : memref<1x64x128xf32, #tpu.memory_space<hbm>> -> memref<64x128xf32, #tpu.memory_space<hbm>>
      %dma_wait3A_2052 = arith.constant 0 : i32
      %dma_wait3A_2053 = tpu.memref_slice %arg5[%arg0, %add3A_590, %dma_wait3A_2052] : memref<2x10240x128xf32, #tpu.memory_space<hbm>> -> memref<1x64x128xf32, #tpu.memory_space<hbm>>
      %dma_wait3A_2054 = tpu.memref_squeeze %dma_wait3A_2053 : memref<1x64x128xf32, #tpu.memory_space<hbm>> -> memref<64x128xf32, #tpu.memory_space<hbm>>
      tpu.wait_dma2 semaphore(%run_scoped3A : memref<!tpu.dma_semaphore, #tpu.memory_space<semaphore_mem>>) src(%arg12 : memref<64x128xf32, #tpu.memory_space<vmem>>) dst(%dma_wait3A_2054 : memref<64x128xf32, #tpu.memory_space<hbm>>)
      tpu.yield
    }) : () -> ()
    %add3A_637 = arith.constant 128 : i32
    %add3A_638 = arith.addi %mul3A_2, %add3A_637 : i32
    %add3A_639 = arith.constant 0 : i32
    %add3A_640 = arith.addi %add3A_638, %add3A_639 : i32
    %add3A_641 = vector.broadcast %add3A_640 : i32 to vector<16xi32>
    %add3A_642 = arith.addi %add3A_641, %iota3A : vector<16xi32>
    %swap3A_643 = arith.constant 0 : i32
    %swap3A_644 = arith.index_cast %swap3A_643 : i32 to index
    %swap3A_645 = arith.constant 0 : index
    %swap3A_646 = tpu.vector_load %arg9[%swap3A_644, %swap3A_645] {strides = array<i32>} : memref<2x64xi32, #tpu.memory_space<vmem>>, vector<16xi32>,
    tpu.vector_store %arg9[%swap3A_644, %swap3A_645], %add3A_642 {strides = array<i32>} : memref<2x64xi32, #tpu.memory_space<vmem>>, vector<16xi32>,
    %add3A_647 = arith.constant 16 : i32
    %add3A_648 = arith.addi %add3A_638, %add3A_647 : i32
    %add3A_649 = vector.broadcast %add3A_648 : i32 to vector<16xi32>
    %add3A_650 = arith.addi %add3A_649, %iota3A : vector<16xi32>
    %swap3A_651 = arith.constant 0 : i32
    %swap3A_652 = arith.index_cast %swap3A_651 : i32 to index
    %swap3A_653 = arith.constant 16 : index
    %swap3A_654 = tpu.vector_load %arg9[%swap3A_652, %swap3A_653] {strides = array<i32>} : memref<2x64xi32, #tpu.memory_space<vmem>>, vector<16xi32>,
    tpu.vector_store %arg9[%swap3A_652, %swap3A_653], %add3A_650 {strides = array<i32>} : memref<2x64xi32, #tpu.memory_space<vmem>>, vector<16xi32>,
    %add3A_655 = arith.constant 32 : i32
    %add3A_656 = arith.addi %add3A_638, %add3A_655 : i32
    %add3A_657 = vector.broadcast %add3A_656 : i32 to vector<16xi32>
    %add3A_658 = arith.addi %add3A_657, %iota3A : vector<16xi32>
    %swap3A_659 = arith.constant 0 : i32
    %swap3A_660 = arith.index_cast %swap3A_659 : i32 to index
    %swap3A_661 = arith.constant 32 : index
    %swap3A_662 = tpu.vector_load %arg9[%swap3A_660, %swap3A_661] {strides = array<i32>} : memref<2x64xi32, #tpu.memory_space<vmem>>, vector<16xi32>,
    tpu.vector_store %arg9[%swap3A_660, %swap3A_661], %add3A_658 {strides = array<i32>} : memref<2x64xi32, #tpu.memory_space<vmem>>, vector<16xi32>,
    %add3A_663 = arith.constant 48 : i32
    %add3A_664 = arith.addi %add3A_638, %add3A_663 : i32
    %add3A_665 = vector.broadcast %add3A_664 : i32 to vector<16xi32>
    %add3A_666 = arith.addi %add3A_665, %iota3A : vector<16xi32>
    %swap3A_667 = arith.constant 0 : i32
    %swap3A_668 = arith.index_cast %swap3A_667 : i32 to index
    %swap3A_669 = arith.constant 48 : index
    %swap3A_670 = tpu.vector_load %arg9[%swap3A_668, %swap3A_669] {strides = array<i32>} : memref<2x64xi32, #tpu.memory_space<vmem>>, vector<16xi32>,
    tpu.vector_store %arg9[%swap3A_668, %swap3A_669], %add3A_666 {strides = array<i32>} : memref<2x64xi32, #tpu.memory_space<vmem>>, vector<16xi32>,
    %dma_start3A_671 = arith.constant 0 : i32
    %dma_start3A_672 = arith.constant 0 : i32
    %dma_start3A_673 = tpu.memref_slice %arg9[%dma_start3A_671, %dma_start3A_672] : memref<2x64xi32, #tpu.memory_space<vmem>> -> memref<1x64xi32, #tpu.memory_space<vmem>>
    %dma_start3A_674 = tpu.memref_squeeze %dma_start3A_673 : memref<1x64xi32, #tpu.memory_space<vmem>> -> memref<64xi32, #tpu.memory_space<vmem>>
    %dma_start3A_675 = arith.constant 0 : i32
    %dma_start3A_676 = arith.constant 0 : i32
    %dma_start3A_677 = tpu.memref_slice %arg8[%dma_start3A_675, %dma_start3A_676] : memref<10240x128xf32, #tpu.memory_space<vmem_shared>> -> memref<10240x128xf32, #tpu.memory_space<vmem_shared>>
    tpu.enqueue_indirect_dma source(%dma_start3A_677 : memref<10240x128xf32, #tpu.memory_space<vmem_shared>>) target(%arg12 : memref<64x128xf32, #tpu.memory_space<vmem>>) offsets(%dma_start3A_674 : memref<64xi32, #tpu.memory_space<vmem>>) semaphore(%arg14 : memref<!tpu.dma_semaphore, #tpu.memory_space<semaphore_mem>>)
    %dma_wait3A_678 = arith.constant 0 : i32
    %dma_wait3A_679 = arith.constant 0 : i32
    %dma_wait3A_680 = tpu.memref_slice %arg9[%dma_wait3A_678, %dma_wait3A_679] : memref<2x64xi32, #tpu.memory_space<vmem>> -> memref<1x64xi32, #tpu.memory_space<vmem>>
    %dma_wait3A_681 = tpu.memref_squeeze %dma_wait3A_680 : memref<1x64xi32, #tpu.memory_space<vmem>> -> memref<64xi32, #tpu.memory_space<vmem>>
    %dma_wait3A_682 = arith.constant 0 : i32
    %dma_wait3A_683 = arith.constant 0 : i32
    %dma_wait3A_684 = tpu.memref_slice %arg8[%dma_wait3A_682, %dma_wait3A_683] : memref<10240x128xf32, #tpu.memory_space<vmem_shared>> -> memref<10240x128xf32, #tpu.memory_space<vmem_shared>>
    tpu.wait_indirect_dma semaphore(%arg14 : memref<!tpu.dma_semaphore, #tpu.memory_space<semaphore_mem>>) src(%dma_wait3A_684 : memref<10240x128xf32, #tpu.memory_space<vmem_shared>>) dst(%arg12 : memref<64x128xf32, #tpu.memory_space<vmem>>)
    "tpu.region"() ({
      %run_scoped3A = tpu.sem_alloc : memref<!tpu.dma_semaphore, #tpu.memory_space<semaphore_mem>>
      %dma_start3A_2043 = arith.constant 0 : i32
      %dma_start3A_2044 = tpu.memref_slice %arg5[%arg0, %add3A_638, %dma_start3A_2043] : memref<2x10240x128xf32, #tpu.memory_space<hbm>> -> memref<1x64x128xf32, #tpu.memory_space<hbm>>
      %dma_start3A_2045 = tpu.memref_squeeze %dma_start3A_2044 : memref<1x64x128xf32, #tpu.memory_space<hbm>> -> memref<64x128xf32, #tpu.memory_space<hbm>>
      %dma_start3A_2046 = arith.constant 0 : i32
      %dma_start3A_2047 = tpu.memref_slice %arg5[%arg0, %add3A_638, %dma_start3A_2046] : memref<2x10240x128xf32, #tpu.memory_space<hbm>> -> memref<1x64x128xf32, #tpu.memory_space<hbm>>
      %dma_start3A_2048 = tpu.memref_squeeze %dma_start3A_2047 : memref<1x64x128xf32, #tpu.memory_space<hbm>> -> memref<64x128xf32, #tpu.memory_space<hbm>>
      tpu.enqueue_dma source(%arg12 : memref<64x128xf32, #tpu.memory_space<vmem>>) target(%dma_start3A_2048 : memref<64x128xf32, #tpu.memory_space<hbm>>) target_semaphore(%run_scoped3A : memref<!tpu.dma_semaphore, #tpu.memory_space<semaphore_mem>>)
      %dma_wait3A_2049 = arith.constant 0 : i32
      %dma_wait3A_2050 = tpu.memref_slice %arg5[%arg0, %add3A_638, %dma_wait3A_2049] : memref<2x10240x128xf32, #tpu.memory_space<hbm>> -> memref<1x64x128xf32, #tpu.memory_space<hbm>>
      %dma_wait3A_2051 = tpu.memref_squeeze %dma_wait3A_2050 : memref<1x64x128xf32, #tpu.memory_space<hbm>> -> memref<64x128xf32, #tpu.memory_space<hbm>>
      %dma_wait3A_2052 = arith.constant 0 : i32
      %dma_wait3A_2053 = tpu.memref_slice %arg5[%arg0, %add3A_638, %dma_wait3A_2052] : memref<2x10240x128xf32, #tpu.memory_space<hbm>> -> memref<1x64x128xf32, #tpu.memory_space<hbm>>
      %dma_wait3A_2054 = tpu.memref_squeeze %dma_wait3A_2053 : memref<1x64x128xf32, #tpu.memory_space<hbm>> -> memref<64x128xf32, #tpu.memory_space<hbm>>
      tpu.wait_dma2 semaphore(%run_scoped3A : memref<!tpu.dma_semaphore, #tpu.memory_space<semaphore_mem>>) src(%arg12 : memref<64x128xf32, #tpu.memory_space<vmem>>) dst(%dma_wait3A_2054 : memref<64x128xf32, #tpu.memory_space<hbm>>)
      tpu.yield
    }) : () -> ()
    %add3A_685 = arith.constant 192 : i32
    %add3A_686 = arith.addi %mul3A_2, %add3A_685 : i32
    %add3A_687 = arith.constant 0 : i32
    %add3A_688 = arith.addi %add3A_686, %add3A_687 : i32
    %add3A_689 = vector.broadcast %add3A_688 : i32 to vector<16xi32>
    %add3A_690 = arith.addi %add3A_689, %iota3A : vector<16xi32>
    %swap3A_691 = arith.constant 0 : i32
    %swap3A_692 = arith.index_cast %swap3A_691 : i32 to index
    %swap3A_693 = arith.constant 0 : index
    %swap3A_694 = tpu.vector_load %arg9[%swap3A_692, %swap3A_693] {strides = array<i32>} : memref<2x64xi32, #tpu.memory_space<vmem>>, vector<16xi32>,
    tpu.vector_store %arg9[%swap3A_692, %swap3A_693], %add3A_690 {strides = array<i32>} : memref<2x64xi32, #tpu.memory_space<vmem>>, vector<16xi32>,
    %add3A_695 = arith.constant 16 : i32
    %add3A_696 = arith.addi %add3A_686, %add3A_695 : i32
    %add3A_697 = vector.broadcast %add3A_696 : i32 to vector<16xi32>
    %add3A_698 = arith.addi %add3A_697, %iota3A : vector<16xi32>
    %swap3A_699 = arith.constant 0 : i32
    %swap3A_700 = arith.index_cast %swap3A_699 : i32 to index
    %swap3A_701 = arith.constant 16 : index
    %swap3A_702 = tpu.vector_load %arg9[%swap3A_700, %swap3A_701] {strides = array<i32>} : memref<2x64xi32, #tpu.memory_space<vmem>>, vector<16xi32>,
    tpu.vector_store %arg9[%swap3A_700, %swap3A_701], %add3A_698 {strides = array<i32>} : memref<2x64xi32, #tpu.memory_space<vmem>>, vector<16xi32>,
    %add3A_703 = arith.constant 32 : i32
    %add3A_704 = arith.addi %add3A_686, %add3A_703 : i32
    %add3A_705 = vector.broadcast %add3A_704 : i32 to vector<16xi32>
    %add3A_706 = arith.addi %add3A_705, %iota3A : vector<16xi32>
    %swap3A_707 = arith.constant 0 : i32
    %swap3A_708 = arith.index_cast %swap3A_707 : i32 to index
    %swap3A_709 = arith.constant 32 : index
    %swap3A_710 = tpu.vector_load %arg9[%swap3A_708, %swap3A_709] {strides = array<i32>} : memref<2x64xi32, #tpu.memory_space<vmem>>, vector<16xi32>,
    tpu.vector_store %arg9[%swap3A_708, %swap3A_709], %add3A_706 {strides = array<i32>} : memref<2x64xi32, #tpu.memory_space<vmem>>, vector<16xi32>,
    %add3A_711 = arith.constant 48 : i32
    %add3A_712 = arith.addi %add3A_686, %add3A_711 : i32
    %add3A_713 = vector.broadcast %add3A_712 : i32 to vector<16xi32>
    %add3A_714 = arith.addi %add3A_713, %iota3A : vector<16xi32>
    %swap3A_715 = arith.constant 0 : i32
    %swap3A_716 = arith.index_cast %swap3A_715 : i32 to index
    %swap3A_717 = arith.constant 48 : index
    %swap3A_718 = tpu.vector_load %arg9[%swap3A_716, %swap3A_717] {strides = array<i32>} : memref<2x64xi32, #tpu.memory_space<vmem>>, vector<16xi32>,
    tpu.vector_store %arg9[%swap3A_716, %swap3A_717], %add3A_714 {strides = array<i32>} : memref<2x64xi32, #tpu.memory_space<vmem>>, vector<16xi32>,
    %dma_start3A_719 = arith.constant 0 : i32
    %dma_start3A_720 = arith.constant 0 : i32
    %dma_start3A_721 = tpu.memref_slice %arg9[%dma_start3A_719, %dma_start3A_720] : memref<2x64xi32, #tpu.memory_space<vmem>> -> memref<1x64xi32, #tpu.memory_space<vmem>>
    %dma_start3A_722 = tpu.memref_squeeze %dma_start3A_721 : memref<1x64xi32, #tpu.memory_space<vmem>> -> memref<64xi32, #tpu.memory_space<vmem>>
    %dma_start3A_723 = arith.constant 0 : i32
    %dma_start3A_724 = arith.constant 0 : i32
    %dma_start3A_725 = tpu.memref_slice %arg8[%dma_start3A_723, %dma_start3A_724] : memref<10240x128xf32, #tpu.memory_space<vmem_shared>> -> memref<10240x128xf32, #tpu.memory_space<vmem_shared>>
    tpu.enqueue_indirect_dma source(%dma_start3A_725 : memref<10240x128xf32, #tpu.memory_space<vmem_shared>>) target(%arg12 : memref<64x128xf32, #tpu.memory_space<vmem>>) offsets(%dma_start3A_722 : memref<64xi32, #tpu.memory_space<vmem>>) semaphore(%arg14 : memref<!tpu.dma_semaphore, #tpu.memory_space<semaphore_mem>>)
    %dma_wait3A_726 = arith.constant 0 : i32
    %dma_wait3A_727 = arith.constant 0 : i32
    %dma_wait3A_728 = tpu.memref_slice %arg9[%dma_wait3A_726, %dma_wait3A_727] : memref<2x64xi32, #tpu.memory_space<vmem>> -> memref<1x64xi32, #tpu.memory_space<vmem>>
    %dma_wait3A_729 = tpu.memref_squeeze %dma_wait3A_728 : memref<1x64xi32, #tpu.memory_space<vmem>> -> memref<64xi32, #tpu.memory_space<vmem>>
    %dma_wait3A_730 = arith.constant 0 : i32
    %dma_wait3A_731 = arith.constant 0 : i32
    %dma_wait3A_732 = tpu.memref_slice %arg8[%dma_wait3A_730, %dma_wait3A_731] : memref<10240x128xf32, #tpu.memory_space<vmem_shared>> -> memref<10240x128xf32, #tpu.memory_space<vmem_shared>>
    tpu.wait_indirect_dma semaphore(%arg14 : memref<!tpu.dma_semaphore, #tpu.memory_space<semaphore_mem>>) src(%dma_wait3A_732 : memref<10240x128xf32, #tpu.memory_space<vmem_shared>>) dst(%arg12 : memref<64x128xf32, #tpu.memory_space<vmem>>)
    "tpu.region"() ({
      %run_scoped3A = tpu.sem_alloc : memref<!tpu.dma_semaphore, #tpu.memory_space<semaphore_mem>>
      %dma_start3A_2043 = arith.constant 0 : i32
      %dma_start3A_2044 = tpu.memref_slice %arg5[%arg0, %add3A_686, %dma_start3A_2043] : memref<2x10240x128xf32, #tpu.memory_space<hbm>> -> memref<1x64x128xf32, #tpu.memory_space<hbm>>
      %dma_start3A_2045 = tpu.memref_squeeze %dma_start3A_2044 : memref<1x64x128xf32, #tpu.memory_space<hbm>> -> memref<64x128xf32, #tpu.memory_space<hbm>>
      %dma_start3A_2046 = arith.constant 0 : i32
      %dma_start3A_2047 = tpu.memref_slice %arg5[%arg0, %add3A_686, %dma_start3A_2046] : memref<2x10240x128xf32, #tpu.memory_space<hbm>> -> memref<1x64x128xf32, #tpu.memory_space<hbm>>
      %dma_start3A_2048 = tpu.memref_squeeze %dma_start3A_2047 : memref<1x64x128xf32, #tpu.memory_space<hbm>> -> memref<64x128xf32, #tpu.memory_space<hbm>>
      tpu.enqueue_dma source(%arg12 : memref<64x128xf32, #tpu.memory_space<vmem>>) target(%dma_start3A_2048 : memref<64x128xf32, #tpu.memory_space<hbm>>) target_semaphore(%run_scoped3A : memref<!tpu.dma_semaphore, #tpu.memory_space<semaphore_mem>>)
      %dma_wait3A_2049 = arith.constant 0 : i32
      %dma_wait3A_2050 = tpu.memref_slice %arg5[%arg0, %add3A_686, %dma_wait3A_2049] : memref<2x10240x128xf32, #tpu.memory_space<hbm>> -> memref<1x64x128xf32, #tpu.memory_space<hbm>>
      %dma_wait3A_2051 = tpu.memref_squeeze %dma_wait3A_2050 : memref<1x64x128xf32, #tpu.memory_space<hbm>> -> memref<64x128xf32, #tpu.memory_space<hbm>>
      %dma_wait3A_2052 = arith.constant 0 : i32
      %dma_wait3A_2053 = tpu.memref_slice %arg5[%arg0, %add3A_686, %dma_wait3A_2052] : memref<2x10240x128xf32, #tpu.memory_space<hbm>> -> memref<1x64x128xf32, #tpu.memory_space<hbm>>
      %dma_wait3A_2054 = tpu.memref_squeeze %dma_wait3A_2053 : memref<1x64x128xf32, #tpu.memory_space<hbm>> -> memref<64x128xf32, #tpu.memory_space<hbm>>
      tpu.wait_dma2 semaphore(%run_scoped3A : memref<!tpu.dma_semaphore, #tpu.memory_space<semaphore_mem>>) src(%arg12 : memref<64x128xf32, #tpu.memory_space<vmem>>) dst(%dma_wait3A_2054 : memref<64x128xf32, #tpu.memory_space<hbm>>)
      tpu.yield
    }) : () -> ()
    %add3A_733 = arith.constant 256 : i32
    %add3A_734 = arith.addi %mul3A_2, %add3A_733 : i32
    %add3A_735 = arith.constant 0 : i32
    %add3A_736 = arith.addi %add3A_734, %add3A_735 : i32
    %add3A_737 = vector.broadcast %add3A_736 : i32 to vector<16xi32>
    %add3A_738 = arith.addi %add3A_737, %iota3A : vector<16xi32>
    %swap3A_739 = arith.constant 0 : i32
    %swap3A_740 = arith.index_cast %swap3A_739 : i32 to index
    %swap3A_741 = arith.constant 0 : index
    %swap3A_742 = tpu.vector_load %arg9[%swap3A_740, %swap3A_741] {strides = array<i32>} : memref<2x64xi32, #tpu.memory_space<vmem>>, vector<16xi32>,
    tpu.vector_store %arg9[%swap3A_740, %swap3A_741], %add3A_738 {strides = array<i32>} : memref<2x64xi32, #tpu.memory_space<vmem>>, vector<16xi32>,
    %add3A_743 = arith.constant 16 : i32
    %add3A_744 = arith.addi %add3A_734, %add3A_743 : i32
    %add3A_745 = vector.broadcast %add3A_744 : i32 to vector<16xi32>
    %add3A_746 = arith.addi %add3A_745, %iota3A : vector<16xi32>
    %swap3A_747 = arith.constant 0 : i32
    %swap3A_748 = arith.index_cast %swap3A_747 : i32 to index
    %swap3A_749 = arith.constant 16 : index
    %swap3A_750 = tpu.vector_load %arg9[%swap3A_748, %swap3A_749] {strides = array<i32>} : memref<2x64xi32, #tpu.memory_space<vmem>>, vector<16xi32>,
    tpu.vector_store %arg9[%swap3A_748, %swap3A_749], %add3A_746 {strides = array<i32>} : memref<2x64xi32, #tpu.memory_space<vmem>>, vector<16xi32>,
    %add3A_751 = arith.constant 32 : i32
    %add3A_752 = arith.addi %add3A_734, %add3A_751 : i32
    %add3A_753 = vector.broadcast %add3A_752 : i32 to vector<16xi32>
    %add3A_754 = arith.addi %add3A_753, %iota3A : vector<16xi32>
    %swap3A_755 = arith.constant 0 : i32
    %swap3A_756 = arith.index_cast %swap3A_755 : i32 to index
    %swap3A_757 = arith.constant 32 : index
    %swap3A_758 = tpu.vector_load %arg9[%swap3A_756, %swap3A_757] {strides = array<i32>} : memref<2x64xi32, #tpu.memory_space<vmem>>, vector<16xi32>,
    tpu.vector_store %arg9[%swap3A_756, %swap3A_757], %add3A_754 {strides = array<i32>} : memref<2x64xi32, #tpu.memory_space<vmem>>, vector<16xi32>,
    %add3A_759 = arith.constant 48 : i32
    %add3A_760 = arith.addi %add3A_734, %add3A_759 : i32
    %add3A_761 = vector.broadcast %add3A_760 : i32 to vector<16xi32>
    %add3A_762 = arith.addi %add3A_761, %iota3A : vector<16xi32>
    %swap3A_763 = arith.constant 0 : i32
    %swap3A_764 = arith.index_cast %swap3A_763 : i32 to index
    %swap3A_765 = arith.constant 48 : index
    %swap3A_766 = tpu.vector_load %arg9[%swap3A_764, %swap3A_765] {strides = array<i32>} : memref<2x64xi32, #tpu.memory_space<vmem>>, vector<16xi32>,
    tpu.vector_store %arg9[%swap3A_764, %swap3A_765], %add3A_762 {strides = array<i32>} : memref<2x64xi32, #tpu.memory_space<vmem>>, vector<16xi32>,
    %dma_start3A_767 = arith.constant 0 : i32
    %dma_start3A_768 = arith.constant 0 : i32
    %dma_start3A_769 = tpu.memref_slice %arg9[%dma_start3A_767, %dma_start3A_768] : memref<2x64xi32, #tpu.memory_space<vmem>> -> memref<1x64xi32, #tpu.memory_space<vmem>>
    %dma_start3A_770 = tpu.memref_squeeze %dma_start3A_769 : memref<1x64xi32, #tpu.memory_space<vmem>> -> memref<64xi32, #tpu.memory_space<vmem>>
    %dma_start3A_771 = arith.constant 0 : i32
    %dma_start3A_772 = arith.constant 0 : i32
    %dma_start3A_773 = tpu.memref_slice %arg8[%dma_start3A_771, %dma_start3A_772] : memref<10240x128xf32, #tpu.memory_space<vmem_shared>> -> memref<10240x128xf32, #tpu.memory_space<vmem_shared>>
    tpu.enqueue_indirect_dma source(%dma_start3A_773 : memref<10240x128xf32, #tpu.memory_space<vmem_shared>>) target(%arg12 : memref<64x128xf32, #tpu.memory_space<vmem>>) offsets(%dma_start3A_770 : memref<64xi32, #tpu.memory_space<vmem>>) semaphore(%arg14 : memref<!tpu.dma_semaphore, #tpu.memory_space<semaphore_mem>>)
    %dma_wait3A_774 = arith.constant 0 : i32
    %dma_wait3A_775 = arith.constant 0 : i32
    %dma_wait3A_776 = tpu.memref_slice %arg9[%dma_wait3A_774, %dma_wait3A_775] : memref<2x64xi32, #tpu.memory_space<vmem>> -> memref<1x64xi32, #tpu.memory_space<vmem>>
    %dma_wait3A_777 = tpu.memref_squeeze %dma_wait3A_776 : memref<1x64xi32, #tpu.memory_space<vmem>> -> memref<64xi32, #tpu.memory_space<vmem>>
    %dma_wait3A_778 = arith.constant 0 : i32
    %dma_wait3A_779 = arith.constant 0 : i32
    %dma_wait3A_780 = tpu.memref_slice %arg8[%dma_wait3A_778, %dma_wait3A_779] : memref<10240x128xf32, #tpu.memory_space<vmem_shared>> -> memref<10240x128xf32, #tpu.memory_space<vmem_shared>>
    tpu.wait_indirect_dma semaphore(%arg14 : memref<!tpu.dma_semaphore, #tpu.memory_space<semaphore_mem>>) src(%dma_wait3A_780 : memref<10240x128xf32, #tpu.memory_space<vmem_shared>>) dst(%arg12 : memref<64x128xf32, #tpu.memory_space<vmem>>)
    "tpu.region"() ({
      %run_scoped3A = tpu.sem_alloc : memref<!tpu.dma_semaphore, #tpu.memory_space<semaphore_mem>>
      %dma_start3A_2043 = arith.constant 0 : i32
      %dma_start3A_2044 = tpu.memref_slice %arg5[%arg0, %add3A_734, %dma_start3A_2043] : memref<2x10240x128xf32, #tpu.memory_space<hbm>> -> memref<1x64x128xf32, #tpu.memory_space<hbm>>
      %dma_start3A_2045 = tpu.memref_squeeze %dma_start3A_2044 : memref<1x64x128xf32, #tpu.memory_space<hbm>> -> memref<64x128xf32, #tpu.memory_space<hbm>>
      %dma_start3A_2046 = arith.constant 0 : i32
      %dma_start3A_2047 = tpu.memref_slice %arg5[%arg0, %add3A_734, %dma_start3A_2046] : memref<2x10240x128xf32, #tpu.memory_space<hbm>> -> memref<1x64x128xf32, #tpu.memory_space<hbm>>
      %dma_start3A_2048 = tpu.memref_squeeze %dma_start3A_2047 : memref<1x64x128xf32, #tpu.memory_space<hbm>> -> memref<64x128xf32, #tpu.memory_space<hbm>>
      tpu.enqueue_dma source(%arg12 : memref<64x128xf32, #tpu.memory_space<vmem>>) target(%dma_start3A_2048 : memref<64x128xf32, #tpu.memory_space<hbm>>) target_semaphore(%run_scoped3A : memref<!tpu.dma_semaphore, #tpu.memory_space<semaphore_mem>>)
      %dma_wait3A_2049 = arith.constant 0 : i32
      %dma_wait3A_2050 = tpu.memref_slice %arg5[%arg0, %add3A_734, %dma_wait3A_2049] : memref<2x10240x128xf32, #tpu.memory_space<hbm>> -> memref<1x64x128xf32, #tpu.memory_space<hbm>>
      %dma_wait3A_2051 = tpu.memref_squeeze %dma_wait3A_2050 : memref<1x64x128xf32, #tpu.memory_space<hbm>> -> memref<64x128xf32, #tpu.memory_space<hbm>>
      %dma_wait3A_2052 = arith.constant 0 : i32
      %dma_wait3A_2053 = tpu.memref_slice %arg5[%arg0, %add3A_734, %dma_wait3A_2052] : memref<2x10240x128xf32, #tpu.memory_space<hbm>> -> memref<1x64x128xf32, #tpu.memory_space<hbm>>
      %dma_wait3A_2054 = tpu.memref_squeeze %dma_wait3A_2053 : memref<1x64x128xf32, #tpu.memory_space<hbm>> -> memref<64x128xf32, #tpu.memory_space<hbm>>
      tpu.wait_dma2 semaphore(%run_scoped3A : memref<!tpu.dma_semaphore, #tpu.memory_space<semaphore_mem>>) src(%arg12 : memref<64x128xf32, #tpu.memory_space<vmem>>) dst(%dma_wait3A_2054 : memref<64x128xf32, #tpu.memory_space<hbm>>)
      tpu.yield
    }) : () -> ()
    %add3A_781 = arith.constant 320 : i32
    %add3A_782 = arith.addi %mul3A_2, %add3A_781 : i32
    %add3A_783 = arith.constant 0 : i32
    %add3A_784 = arith.addi %add3A_782, %add3A_783 : i32
    %add3A_785 = vector.broadcast %add3A_784 : i32 to vector<16xi32>
    %add3A_786 = arith.addi %add3A_785, %iota3A : vector<16xi32>
    %swap3A_787 = arith.constant 0 : i32
    %swap3A_788 = arith.index_cast %swap3A_787 : i32 to index
    %swap3A_789 = arith.constant 0 : index
    %swap3A_790 = tpu.vector_load %arg9[%swap3A_788, %swap3A_789] {strides = array<i32>} : memref<2x64xi32, #tpu.memory_space<vmem>>, vector<16xi32>,
    tpu.vector_store %arg9[%swap3A_788, %swap3A_789], %add3A_786 {strides = array<i32>} : memref<2x64xi32, #tpu.memory_space<vmem>>, vector<16xi32>,
    %add3A_791 = arith.constant 16 : i32
    %add3A_792 = arith.addi %add3A_782, %add3A_791 : i32
    %add3A_793 = vector.broadcast %add3A_792 : i32 to vector<16xi32>
    %add3A_794 = arith.addi %add3A_793, %iota3A : vector<16xi32>
    %swap3A_795 = arith.constant 0 : i32
    %swap3A_796 = arith.index_cast %swap3A_795 : i32 to index
    %swap3A_797 = arith.constant 16 : index
    %swap3A_798 = tpu.vector_load %arg9[%swap3A_796, %swap3A_797] {strides = array<i32>} : memref<2x64xi32, #tpu.memory_space<vmem>>, vector<16xi32>,
    tpu.vector_store %arg9[%swap3A_796, %swap3A_797], %add3A_794 {strides = array<i32>} : memref<2x64xi32, #tpu.memory_space<vmem>>, vector<16xi32>,
    %add3A_799 = arith.constant 32 : i32
    %add3A_800 = arith.addi %add3A_782, %add3A_799 : i32
    %add3A_801 = vector.broadcast %add3A_800 : i32 to vector<16xi32>
    %add3A_802 = arith.addi %add3A_801, %iota3A : vector<16xi32>
    %swap3A_803 = arith.constant 0 : i32
    %swap3A_804 = arith.index_cast %swap3A_803 : i32 to index
    %swap3A_805 = arith.constant 32 : index
    %swap3A_806 = tpu.vector_load %arg9[%swap3A_804, %swap3A_805] {strides = array<i32>} : memref<2x64xi32, #tpu.memory_space<vmem>>, vector<16xi32>,
    tpu.vector_store %arg9[%swap3A_804, %swap3A_805], %add3A_802 {strides = array<i32>} : memref<2x64xi32, #tpu.memory_space<vmem>>, vector<16xi32>,
    %add3A_807 = arith.constant 48 : i32
    %add3A_808 = arith.addi %add3A_782, %add3A_807 : i32
    %add3A_809 = vector.broadcast %add3A_808 : i32 to vector<16xi32>
    %add3A_810 = arith.addi %add3A_809, %iota3A : vector<16xi32>
    %swap3A_811 = arith.constant 0 : i32
    %swap3A_812 = arith.index_cast %swap3A_811 : i32 to index
    %swap3A_813 = arith.constant 48 : index
    %swap3A_814 = tpu.vector_load %arg9[%swap3A_812, %swap3A_813] {strides = array<i32>} : memref<2x64xi32, #tpu.memory_space<vmem>>, vector<16xi32>,
    tpu.vector_store %arg9[%swap3A_812, %swap3A_813], %add3A_810 {strides = array<i32>} : memref<2x64xi32, #tpu.memory_space<vmem>>, vector<16xi32>,
    %dma_start3A_815 = arith.constant 0 : i32
    %dma_start3A_816 = arith.constant 0 : i32
    %dma_start3A_817 = tpu.memref_slice %arg9[%dma_start3A_815, %dma_start3A_816] : memref<2x64xi32, #tpu.memory_space<vmem>> -> memref<1x64xi32, #tpu.memory_space<vmem>>
    %dma_start3A_818 = tpu.memref_squeeze %dma_start3A_817 : memref<1x64xi32, #tpu.memory_space<vmem>> -> memref<64xi32, #tpu.memory_space<vmem>>
    %dma_start3A_819 = arith.constant 0 : i32
    %dma_start3A_820 = arith.constant 0 : i32
    %dma_start3A_821 = tpu.memref_slice %arg8[%dma_start3A_819, %dma_start3A_820] : memref<10240x128xf32, #tpu.memory_space<vmem_shared>> -> memref<10240x128xf32, #tpu.memory_space<vmem_shared>>
    tpu.enqueue_indirect_dma source(%dma_start3A_821 : memref<10240x128xf32, #tpu.memory_space<vmem_shared>>) target(%arg12 : memref<64x128xf32, #tpu.memory_space<vmem>>) offsets(%dma_start3A_818 : memref<64xi32, #tpu.memory_space<vmem>>) semaphore(%arg14 : memref<!tpu.dma_semaphore, #tpu.memory_space<semaphore_mem>>)
    %dma_wait3A_822 = arith.constant 0 : i32
    %dma_wait3A_823 = arith.constant 0 : i32
    %dma_wait3A_824 = tpu.memref_slice %arg9[%dma_wait3A_822, %dma_wait3A_823] : memref<2x64xi32, #tpu.memory_space<vmem>> -> memref<1x64xi32, #tpu.memory_space<vmem>>
    %dma_wait3A_825 = tpu.memref_squeeze %dma_wait3A_824 : memref<1x64xi32, #tpu.memory_space<vmem>> -> memref<64xi32, #tpu.memory_space<vmem>>
    %dma_wait3A_826 = arith.constant 0 : i32
    %dma_wait3A_827 = arith.constant 0 : i32
    %dma_wait3A_828 = tpu.memref_slice %arg8[%dma_wait3A_826, %dma_wait3A_827] : memref<10240x128xf32, #tpu.memory_space<vmem_shared>> -> memref<10240x128xf32, #tpu.memory_space<vmem_shared>>
    tpu.wait_indirect_dma semaphore(%arg14 : memref<!tpu.dma_semaphore, #tpu.memory_space<semaphore_mem>>) src(%dma_wait3A_828 : memref<10240x128xf32, #tpu.memory_space<vmem_shared>>) dst(%arg12 : memref<64x128xf32, #tpu.memory_space<vmem>>)
    "tpu.region"() ({
      %run_scoped3A = tpu.sem_alloc : memref<!tpu.dma_semaphore, #tpu.memory_space<semaphore_mem>>
      %dma_start3A_2043 = arith.constant 0 : i32
      %dma_start3A_2044 = tpu.memref_slice %arg5[%arg0, %add3A_782, %dma_start3A_2043] : memref<2x10240x128xf32, #tpu.memory_space<hbm>> -> memref<1x64x128xf32, #tpu.memory_space<hbm>>
      %dma_start3A_2045 = tpu.memref_squeeze %dma_start3A_2044 : memref<1x64x128xf32, #tpu.memory_space<hbm>> -> memref<64x128xf32, #tpu.memory_space<hbm>>
      %dma_start3A_2046 = arith.constant 0 : i32
      %dma_start3A_2047 = tpu.memref_slice %arg5[%arg0, %add3A_782, %dma_start3A_2046] : memref<2x10240x128xf32, #tpu.memory_space<hbm>> -> memref<1x64x128xf32, #tpu.memory_space<hbm>>
      %dma_start3A_2048 = tpu.memref_squeeze %dma_start3A_2047 : memref<1x64x128xf32, #tpu.memory_space<hbm>> -> memref<64x128xf32, #tpu.memory_space<hbm>>
      tpu.enqueue_dma source(%arg12 : memref<64x128xf32, #tpu.memory_space<vmem>>) target(%dma_start3A_2048 : memref<64x128xf32, #tpu.memory_space<hbm>>) target_semaphore(%run_scoped3A : memref<!tpu.dma_semaphore, #tpu.memory_space<semaphore_mem>>)
      %dma_wait3A_2049 = arith.constant 0 : i32
      %dma_wait3A_2050 = tpu.memref_slice %arg5[%arg0, %add3A_782, %dma_wait3A_2049] : memref<2x10240x128xf32, #tpu.memory_space<hbm>> -> memref<1x64x128xf32, #tpu.memory_space<hbm>>
      %dma_wait3A_2051 = tpu.memref_squeeze %dma_wait3A_2050 : memref<1x64x128xf32, #tpu.memory_space<hbm>> -> memref<64x128xf32, #tpu.memory_space<hbm>>
      %dma_wait3A_2052 = arith.constant 0 : i32
      %dma_wait3A_2053 = tpu.memref_slice %arg5[%arg0, %add3A_782, %dma_wait3A_2052] : memref<2x10240x128xf32, #tpu.memory_space<hbm>> -> memref<1x64x128xf32, #tpu.memory_space<hbm>>
      %dma_wait3A_2054 = tpu.memref_squeeze %dma_wait3A_2053 : memref<1x64x128xf32, #tpu.memory_space<hbm>> -> memref<64x128xf32, #tpu.memory_space<hbm>>
      tpu.wait_dma2 semaphore(%run_scoped3A : memref<!tpu.dma_semaphore, #tpu.memory_space<semaphore_mem>>) src(%arg12 : memref<64x128xf32, #tpu.memory_space<vmem>>) dst(%dma_wait3A_2054 : memref<64x128xf32, #tpu.memory_space<hbm>>)
      tpu.yield
    }) : () -> ()
    %add3A_829 = arith.constant 384 : i32
    %add3A_830 = arith.addi %mul3A_2, %add3A_829 : i32
    %add3A_831 = arith.constant 0 : i32
    %add3A_832 = arith.addi %add3A_830, %add3A_831 : i32
    %add3A_833 = vector.broadcast %add3A_832 : i32 to vector<16xi32>
    %add3A_834 = arith.addi %add3A_833, %iota3A : vector<16xi32>
    %swap3A_835 = arith.constant 0 : i32
    %swap3A_836 = arith.index_cast %swap3A_835 : i32 to index
    %swap3A_837 = arith.constant 0 : index
    %swap3A_838 = tpu.vector_load %arg9[%swap3A_836, %swap3A_837] {strides = array<i32>} : memref<2x64xi32, #tpu.memory_space<vmem>>, vector<16xi32>,
    tpu.vector_store %arg9[%swap3A_836, %swap3A_837], %add3A_834 {strides = array<i32>} : memref<2x64xi32, #tpu.memory_space<vmem>>, vector<16xi32>,
    %add3A_839 = arith.constant 16 : i32
    %add3A_840 = arith.addi %add3A_830, %add3A_839 : i32
    %add3A_841 = vector.broadcast %add3A_840 : i32 to vector<16xi32>
    %add3A_842 = arith.addi %add3A_841, %iota3A : vector<16xi32>
    %swap3A_843 = arith.constant 0 : i32
    %swap3A_844 = arith.index_cast %swap3A_843 : i32 to index
    %swap3A_845 = arith.constant 16 : index
    %swap3A_846 = tpu.vector_load %arg9[%swap3A_844, %swap3A_845] {strides = array<i32>} : memref<2x64xi32, #tpu.memory_space<vmem>>, vector<16xi32>,
    tpu.vector_store %arg9[%swap3A_844, %swap3A_845], %add3A_842 {strides = array<i32>} : memref<2x64xi32, #tpu.memory_space<vmem>>, vector<16xi32>,
    %add3A_847 = arith.constant 32 : i32
    %add3A_848 = arith.addi %add3A_830, %add3A_847 : i32
    %add3A_849 = vector.broadcast %add3A_848 : i32 to vector<16xi32>
    %add3A_850 = arith.addi %add3A_849, %iota3A : vector<16xi32>
    %swap3A_851 = arith.constant 0 : i32
    %swap3A_852 = arith.index_cast %swap3A_851 : i32 to index
    %swap3A_853 = arith.constant 32 : index
    %swap3A_854 = tpu.vector_load %arg9[%swap3A_852, %swap3A_853] {strides = array<i32>} : memref<2x64xi32, #tpu.memory_space<vmem>>, vector<16xi32>,
    tpu.vector_store %arg9[%swap3A_852, %swap3A_853], %add3A_850 {strides = array<i32>} : memref<2x64xi32, #tpu.memory_space<vmem>>, vector<16xi32>,
    %add3A_855 = arith.constant 48 : i32
    %add3A_856 = arith.addi %add3A_830, %add3A_855 : i32
    %add3A_857 = vector.broadcast %add3A_856 : i32 to vector<16xi32>
    %add3A_858 = arith.addi %add3A_857, %iota3A : vector<16xi32>
    %swap3A_859 = arith.constant 0 : i32
    %swap3A_860 = arith.index_cast %swap3A_859 : i32 to index
    %swap3A_861 = arith.constant 48 : index
    %swap3A_862 = tpu.vector_load %arg9[%swap3A_860, %swap3A_861] {strides = array<i32>} : memref<2x64xi32, #tpu.memory_space<vmem>>, vector<16xi32>,
    tpu.vector_store %arg9[%swap3A_860, %swap3A_861], %add3A_858 {strides = array<i32>} : memref<2x64xi32, #tpu.memory_space<vmem>>, vector<16xi32>,
    %dma_start3A_863 = arith.constant 0 : i32
    %dma_start3A_864 = arith.constant 0 : i32
    %dma_start3A_865 = tpu.memref_slice %arg9[%dma_start3A_863, %dma_start3A_864] : memref<2x64xi32, #tpu.memory_space<vmem>> -> memref<1x64xi32, #tpu.memory_space<vmem>>
    %dma_start3A_866 = tpu.memref_squeeze %dma_start3A_865 : memref<1x64xi32, #tpu.memory_space<vmem>> -> memref<64xi32, #tpu.memory_space<vmem>>
    %dma_start3A_867 = arith.constant 0 : i32
    %dma_start3A_868 = arith.constant 0 : i32
    %dma_start3A_869 = tpu.memref_slice %arg8[%dma_start3A_867, %dma_start3A_868] : memref<10240x128xf32, #tpu.memory_space<vmem_shared>> -> memref<10240x128xf32, #tpu.memory_space<vmem_shared>>
    tpu.enqueue_indirect_dma source(%dma_start3A_869 : memref<10240x128xf32, #tpu.memory_space<vmem_shared>>) target(%arg12 : memref<64x128xf32, #tpu.memory_space<vmem>>) offsets(%dma_start3A_866 : memref<64xi32, #tpu.memory_space<vmem>>) semaphore(%arg14 : memref<!tpu.dma_semaphore, #tpu.memory_space<semaphore_mem>>)
    %dma_wait3A_870 = arith.constant 0 : i32
    %dma_wait3A_871 = arith.constant 0 : i32
    %dma_wait3A_872 = tpu.memref_slice %arg9[%dma_wait3A_870, %dma_wait3A_871] : memref<2x64xi32, #tpu.memory_space<vmem>> -> memref<1x64xi32, #tpu.memory_space<vmem>>
    %dma_wait3A_873 = tpu.memref_squeeze %dma_wait3A_872 : memref<1x64xi32, #tpu.memory_space<vmem>> -> memref<64xi32, #tpu.memory_space<vmem>>
    %dma_wait3A_874 = arith.constant 0 : i32
    %dma_wait3A_875 = arith.constant 0 : i32
    %dma_wait3A_876 = tpu.memref_slice %arg8[%dma_wait3A_874, %dma_wait3A_875] : memref<10240x128xf32, #tpu.memory_space<vmem_shared>> -> memref<10240x128xf32, #tpu.memory_space<vmem_shared>>
    tpu.wait_indirect_dma semaphore(%arg14 : memref<!tpu.dma_semaphore, #tpu.memory_space<semaphore_mem>>) src(%dma_wait3A_876 : memref<10240x128xf32, #tpu.memory_space<vmem_shared>>) dst(%arg12 : memref<64x128xf32, #tpu.memory_space<vmem>>)
    "tpu.region"() ({
      %run_scoped3A = tpu.sem_alloc : memref<!tpu.dma_semaphore, #tpu.memory_space<semaphore_mem>>
      %dma_start3A_2043 = arith.constant 0 : i32
      %dma_start3A_2044 = tpu.memref_slice %arg5[%arg0, %add3A_830, %dma_start3A_2043] : memref<2x10240x128xf32, #tpu.memory_space<hbm>> -> memref<1x64x128xf32, #tpu.memory_space<hbm>>
      %dma_start3A_2045 = tpu.memref_squeeze %dma_start3A_2044 : memref<1x64x128xf32, #tpu.memory_space<hbm>> -> memref<64x128xf32, #tpu.memory_space<hbm>>
      %dma_start3A_2046 = arith.constant 0 : i32
      %dma_start3A_2047 = tpu.memref_slice %arg5[%arg0, %add3A_830, %dma_start3A_2046] : memref<2x10240x128xf32, #tpu.memory_space<hbm>> -> memref<1x64x128xf32, #tpu.memory_space<hbm>>
      %dma_start3A_2048 = tpu.memref_squeeze %dma_start3A_2047 : memref<1x64x128xf32, #tpu.memory_space<hbm>> -> memref<64x128xf32, #tpu.memory_space<hbm>>
      tpu.enqueue_dma source(%arg12 : memref<64x128xf32, #tpu.memory_space<vmem>>) target(%dma_start3A_2048 : memref<64x128xf32, #tpu.memory_space<hbm>>) target_semaphore(%run_scoped3A : memref<!tpu.dma_semaphore, #tpu.memory_space<semaphore_mem>>)
      %dma_wait3A_2049 = arith.constant 0 : i32
      %dma_wait3A_2050 = tpu.memref_slice %arg5[%arg0, %add3A_830, %dma_wait3A_2049] : memref<2x10240x128xf32, #tpu.memory_space<hbm>> -> memref<1x64x128xf32, #tpu.memory_space<hbm>>
      %dma_wait3A_2051 = tpu.memref_squeeze %dma_wait3A_2050 : memref<1x64x128xf32, #tpu.memory_space<hbm>> -> memref<64x128xf32, #tpu.memory_space<hbm>>
      %dma_wait3A_2052 = arith.constant 0 : i32
      %dma_wait3A_2053 = tpu.memref_slice %arg5[%arg0, %add3A_830, %dma_wait3A_2052] : memref<2x10240x128xf32, #tpu.memory_space<hbm>> -> memref<1x64x128xf32, #tpu.memory_space<hbm>>
      %dma_wait3A_2054 = tpu.memref_squeeze %dma_wait3A_2053 : memref<1x64x128xf32, #tpu.memory_space<hbm>> -> memref<64x128xf32, #tpu.memory_space<hbm>>
      tpu.wait_dma2 semaphore(%run_scoped3A : memref<!tpu.dma_semaphore, #tpu.memory_space<semaphore_mem>>) src(%arg12 : memref<64x128xf32, #tpu.memory_space<vmem>>) dst(%dma_wait3A_2054 : memref<64x128xf32, #tpu.memory_space<hbm>>)
      tpu.yield
    }) : () -> ()
    %add3A_877 = arith.constant 448 : i32
    %add3A_878 = arith.addi %mul3A_2, %add3A_877 : i32
    %add3A_879 = arith.constant 0 : i32
    %add3A_880 = arith.addi %add3A_878, %add3A_879 : i32
    %add3A_881 = vector.broadcast %add3A_880 : i32 to vector<16xi32>
    %add3A_882 = arith.addi %add3A_881, %iota3A : vector<16xi32>
    %swap3A_883 = arith.constant 0 : i32
    %swap3A_884 = arith.index_cast %swap3A_883 : i32 to index
    %swap3A_885 = arith.constant 0 : index
    %swap3A_886 = tpu.vector_load %arg9[%swap3A_884, %swap3A_885] {strides = array<i32>} : memref<2x64xi32, #tpu.memory_space<vmem>>, vector<16xi32>,
    tpu.vector_store %arg9[%swap3A_884, %swap3A_885], %add3A_882 {strides = array<i32>} : memref<2x64xi32, #tpu.memory_space<vmem>>, vector<16xi32>,
    %add3A_887 = arith.constant 16 : i32
    %add3A_888 = arith.addi %add3A_878, %add3A_887 : i32
    %add3A_889 = vector.broadcast %add3A_888 : i32 to vector<16xi32>
    %add3A_890 = arith.addi %add3A_889, %iota3A : vector<16xi32>
    %swap3A_891 = arith.constant 0 : i32
    %swap3A_892 = arith.index_cast %swap3A_891 : i32 to index
    %swap3A_893 = arith.constant 16 : index
    %swap3A_894 = tpu.vector_load %arg9[%swap3A_892, %swap3A_893] {strides = array<i32>} : memref<2x64xi32, #tpu.memory_space<vmem>>, vector<16xi32>,
    tpu.vector_store %arg9[%swap3A_892, %swap3A_893], %add3A_890 {strides = array<i32>} : memref<2x64xi32, #tpu.memory_space<vmem>>, vector<16xi32>,
    %add3A_895 = arith.constant 32 : i32
    %add3A_896 = arith.addi %add3A_878, %add3A_895 : i32
    %add3A_897 = vector.broadcast %add3A_896 : i32 to vector<16xi32>
    %add3A_898 = arith.addi %add3A_897, %iota3A : vector<16xi32>
    %swap3A_899 = arith.constant 0 : i32
    %swap3A_900 = arith.index_cast %swap3A_899 : i32 to index
    %swap3A_901 = arith.constant 32 : index
    %swap3A_902 = tpu.vector_load %arg9[%swap3A_900, %swap3A_901] {strides = array<i32>} : memref<2x64xi32, #tpu.memory_space<vmem>>, vector<16xi32>,
    tpu.vector_store %arg9[%swap3A_900, %swap3A_901], %add3A_898 {strides = array<i32>} : memref<2x64xi32, #tpu.memory_space<vmem>>, vector<16xi32>,
    %add3A_903 = arith.constant 48 : i32
    %add3A_904 = arith.addi %add3A_878, %add3A_903 : i32
    %add3A_905 = vector.broadcast %add3A_904 : i32 to vector<16xi32>
    %add3A_906 = arith.addi %add3A_905, %iota3A : vector<16xi32>
    %swap3A_907 = arith.constant 0 : i32
    %swap3A_908 = arith.index_cast %swap3A_907 : i32 to index
    %swap3A_909 = arith.constant 48 : index
    %swap3A_910 = tpu.vector_load %arg9[%swap3A_908, %swap3A_909] {strides = array<i32>} : memref<2x64xi32, #tpu.memory_space<vmem>>, vector<16xi32>,
    tpu.vector_store %arg9[%swap3A_908, %swap3A_909], %add3A_906 {strides = array<i32>} : memref<2x64xi32, #tpu.memory_space<vmem>>, vector<16xi32>,
    %dma_start3A_911 = arith.constant 0 : i32
    %dma_start3A_912 = arith.constant 0 : i32
    %dma_start3A_913 = tpu.memref_slice %arg9[%dma_start3A_911, %dma_start3A_912] : memref<2x64xi32, #tpu.memory_space<vmem>> -> memref<1x64xi32, #tpu.memory_space<vmem>>
    %dma_start3A_914 = tpu.memref_squeeze %dma_start3A_913 : memref<1x64xi32, #tpu.memory_space<vmem>> -> memref<64xi32, #tpu.memory_space<vmem>>
    %dma_start3A_915 = arith.constant 0 : i32
    %dma_start3A_916 = arith.constant 0 : i32
    %dma_start3A_917 = tpu.memref_slice %arg8[%dma_start3A_915, %dma_start3A_916] : memref<10240x128xf32, #tpu.memory_space<vmem_shared>> -> memref<10240x128xf32, #tpu.memory_space<vmem_shared>>
    tpu.enqueue_indirect_dma source(%dma_start3A_917 : memref<10240x128xf32, #tpu.memory_space<vmem_shared>>) target(%arg12 : memref<64x128xf32, #tpu.memory_space<vmem>>) offsets(%dma_start3A_914 : memref<64xi32, #tpu.memory_space<vmem>>) semaphore(%arg14 : memref<!tpu.dma_semaphore, #tpu.memory_space<semaphore_mem>>)
    %dma_wait3A_918 = arith.constant 0 : i32
    %dma_wait3A_919 = arith.constant 0 : i32
    %dma_wait3A_920 = tpu.memref_slice %arg9[%dma_wait3A_918, %dma_wait3A_919] : memref<2x64xi32, #tpu.memory_space<vmem>> -> memref<1x64xi32, #tpu.memory_space<vmem>>
    %dma_wait3A_921 = tpu.memref_squeeze %dma_wait3A_920 : memref<1x64xi32, #tpu.memory_space<vmem>> -> memref<64xi32, #tpu.memory_space<vmem>>
    %dma_wait3A_922 = arith.constant 0 : i32
    %dma_wait3A_923 = arith.constant 0 : i32
    %dma_wait3A_924 = tpu.memref_slice %arg8[%dma_wait3A_922, %dma_wait3A_923] : memref<10240x128xf32, #tpu.memory_space<vmem_shared>> -> memref<10240x128xf32, #tpu.memory_space<vmem_shared>>
    tpu.wait_indirect_dma semaphore(%arg14 : memref<!tpu.dma_semaphore, #tpu.memory_space<semaphore_mem>>) src(%dma_wait3A_924 : memref<10240x128xf32, #tpu.memory_space<vmem_shared>>) dst(%arg12 : memref<64x128xf32, #tpu.memory_space<vmem>>)
    "tpu.region"() ({
      %run_scoped3A = tpu.sem_alloc : memref<!tpu.dma_semaphore, #tpu.memory_space<semaphore_mem>>
      %dma_start3A_2043 = arith.constant 0 : i32
      %dma_start3A_2044 = tpu.memref_slice %arg5[%arg0, %add3A_878, %dma_start3A_2043] : memref<2x10240x128xf32, #tpu.memory_space<hbm>> -> memref<1x64x128xf32, #tpu.memory_space<hbm>>
      %dma_start3A_2045 = tpu.memref_squeeze %dma_start3A_2044 : memref<1x64x128xf32, #tpu.memory_space<hbm>> -> memref<64x128xf32, #tpu.memory_space<hbm>>
      %dma_start3A_2046 = arith.constant 0 : i32
      %dma_start3A_2047 = tpu.memref_slice %arg5[%arg0, %add3A_878, %dma_start3A_2046] : memref<2x10240x128xf32, #tpu.memory_space<hbm>> -> memref<1x64x128xf32, #tpu.memory_space<hbm>>
      %dma_start3A_2048 = tpu.memref_squeeze %dma_start3A_2047 : memref<1x64x128xf32, #tpu.memory_space<hbm>> -> memref<64x128xf32, #tpu.memory_space<hbm>>
      tpu.enqueue_dma source(%arg12 : memref<64x128xf32, #tpu.memory_space<vmem>>) target(%dma_start3A_2048 : memref<64x128xf32, #tpu.memory_space<hbm>>) target_semaphore(%run_scoped3A : memref<!tpu.dma_semaphore, #tpu.memory_space<semaphore_mem>>)
      %dma_wait3A_2049 = arith.constant 0 : i32
      %dma_wait3A_2050 = tpu.memref_slice %arg5[%arg0, %add3A_878, %dma_wait3A_2049] : memref<2x10240x128xf32, #tpu.memory_space<hbm>> -> memref<1x64x128xf32, #tpu.memory_space<hbm>>
      %dma_wait3A_2051 = tpu.memref_squeeze %dma_wait3A_2050 : memref<1x64x128xf32, #tpu.memory_space<hbm>> -> memref<64x128xf32, #tpu.memory_space<hbm>>
      %dma_wait3A_2052 = arith.constant 0 : i32
      %dma_wait3A_2053 = tpu.memref_slice %arg5[%arg0, %add3A_878, %dma_wait3A_2052] : memref<2x10240x128xf32, #tpu.memory_space<hbm>> -> memref<1x64x128xf32, #tpu.memory_space<hbm>>
      %dma_wait3A_2054 = tpu.memref_squeeze %dma_wait3A_2053 : memref<1x64x128xf32, #tpu.memory_space<hbm>> -> memref<64x128xf32, #tpu.memory_space<hbm>>
      tpu.wait_dma2 semaphore(%run_scoped3A : memref<!tpu.dma_semaphore, #tpu.memory_space<semaphore_mem>>) src(%arg12 : memref<64x128xf32, #tpu.memory_space<vmem>>) dst(%dma_wait3A_2054 : memref<64x128xf32, #tpu.memory_space<hbm>>)
      tpu.yield
    }) : () -> ()
    %add3A_925 = arith.constant 512 : i32
    %add3A_926 = arith.addi %mul3A_2, %add3A_925 : i32
    %add3A_927 = arith.constant 0 : i32
    %add3A_928 = arith.addi %add3A_926, %add3A_927 : i32
    %add3A_929 = vector.broadcast %add3A_928 : i32 to vector<16xi32>
    %add3A_930 = arith.addi %add3A_929, %iota3A : vector<16xi32>
    %swap3A_931 = arith.constant 0 : i32
    %swap3A_932 = arith.index_cast %swap3A_931 : i32 to index
    %swap3A_933 = arith.constant 0 : index
    %swap3A_934 = tpu.vector_load %arg9[%swap3A_932, %swap3A_933] {strides = array<i32>} : memref<2x64xi32, #tpu.memory_space<vmem>>, vector<16xi32>,
    tpu.vector_store %arg9[%swap3A_932, %swap3A_933], %add3A_930 {strides = array<i32>} : memref<2x64xi32, #tpu.memory_space<vmem>>, vector<16xi32>,
    %add3A_935 = arith.constant 16 : i32
    %add3A_936 = arith.addi %add3A_926, %add3A_935 : i32
    %add3A_937 = vector.broadcast %add3A_936 : i32 to vector<16xi32>
    %add3A_938 = arith.addi %add3A_937, %iota3A : vector<16xi32>
    %swap3A_939 = arith.constant 0 : i32
    %swap3A_940 = arith.index_cast %swap3A_939 : i32 to index
    %swap3A_941 = arith.constant 16 : index
    %swap3A_942 = tpu.vector_load %arg9[%swap3A_940, %swap3A_941] {strides = array<i32>} : memref<2x64xi32, #tpu.memory_space<vmem>>, vector<16xi32>,
    tpu.vector_store %arg9[%swap3A_940, %swap3A_941], %add3A_938 {strides = array<i32>} : memref<2x64xi32, #tpu.memory_space<vmem>>, vector<16xi32>,
    %add3A_943 = arith.constant 32 : i32
    %add3A_944 = arith.addi %add3A_926, %add3A_943 : i32
    %add3A_945 = vector.broadcast %add3A_944 : i32 to vector<16xi32>
    %add3A_946 = arith.addi %add3A_945, %iota3A : vector<16xi32>
    %swap3A_947 = arith.constant 0 : i32
    %swap3A_948 = arith.index_cast %swap3A_947 : i32 to index
    %swap3A_949 = arith.constant 32 : index
    %swap3A_950 = tpu.vector_load %arg9[%swap3A_948, %swap3A_949] {strides = array<i32>} : memref<2x64xi32, #tpu.memory_space<vmem>>, vector<16xi32>,
    tpu.vector_store %arg9[%swap3A_948, %swap3A_949], %add3A_946 {strides = array<i32>} : memref<2x64xi32, #tpu.memory_space<vmem>>, vector<16xi32>,
    %add3A_951 = arith.constant 48 : i32
    %add3A_952 = arith.addi %add3A_926, %add3A_951 : i32
    %add3A_953 = vector.broadcast %add3A_952 : i32 to vector<16xi32>
    %add3A_954 = arith.addi %add3A_953, %iota3A : vector<16xi32>
    %swap3A_955 = arith.constant 0 : i32
    %swap3A_956 = arith.index_cast %swap3A_955 : i32 to index
    %swap3A_957 = arith.constant 48 : index
    %swap3A_958 = tpu.vector_load %arg9[%swap3A_956, %swap3A_957] {strides = array<i32>} : memref<2x64xi32, #tpu.memory_space<vmem>>, vector<16xi32>,
    tpu.vector_store %arg9[%swap3A_956, %swap3A_957], %add3A_954 {strides = array<i32>} : memref<2x64xi32, #tpu.memory_space<vmem>>, vector<16xi32>,
    %dma_start3A_959 = arith.constant 0 : i32
    %dma_start3A_960 = arith.constant 0 : i32
    %dma_start3A_961 = tpu.memref_slice %arg9[%dma_start3A_959, %dma_start3A_960] : memref<2x64xi32, #tpu.memory_space<vmem>> -> memref<1x64xi32, #tpu.memory_space<vmem>>
    %dma_start3A_962 = tpu.memref_squeeze %dma_start3A_961 : memref<1x64xi32, #tpu.memory_space<vmem>> -> memref<64xi32, #tpu.memory_space<vmem>>
    %dma_start3A_963 = arith.constant 0 : i32
    %dma_start3A_964 = arith.constant 0 : i32
    %dma_start3A_965 = tpu.memref_slice %arg8[%dma_start3A_963, %dma_start3A_964] : memref<10240x128xf32, #tpu.memory_space<vmem_shared>> -> memref<10240x128xf32, #tpu.memory_space<vmem_shared>>
    tpu.enqueue_indirect_dma source(%dma_start3A_965 : memref<10240x128xf32, #tpu.memory_space<vmem_shared>>) target(%arg12 : memref<64x128xf32, #tpu.memory_space<vmem>>) offsets(%dma_start3A_962 : memref<64xi32, #tpu.memory_space<vmem>>) semaphore(%arg14 : memref<!tpu.dma_semaphore, #tpu.memory_space<semaphore_mem>>)
    %dma_wait3A_966 = arith.constant 0 : i32
    %dma_wait3A_967 = arith.constant 0 : i32
    %dma_wait3A_968 = tpu.memref_slice %arg9[%dma_wait3A_966, %dma_wait3A_967] : memref<2x64xi32, #tpu.memory_space<vmem>> -> memref<1x64xi32, #tpu.memory_space<vmem>>
    %dma_wait3A_969 = tpu.memref_squeeze %dma_wait3A_968 : memref<1x64xi32, #tpu.memory_space<vmem>> -> memref<64xi32, #tpu.memory_space<vmem>>
    %dma_wait3A_970 = arith.constant 0 : i32
    %dma_wait3A_971 = arith.constant 0 : i32
    %dma_wait3A_972 = tpu.memref_slice %arg8[%dma_wait3A_970, %dma_wait3A_971] : memref<10240x128xf32, #tpu.memory_space<vmem_shared>> -> memref<10240x128xf32, #tpu.memory_space<vmem_shared>>
    tpu.wait_indirect_dma semaphore(%arg14 : memref<!tpu.dma_semaphore, #tpu.memory_space<semaphore_mem>>) src(%dma_wait3A_972 : memref<10240x128xf32, #tpu.memory_space<vmem_shared>>) dst(%arg12 : memref<64x128xf32, #tpu.memory_space<vmem>>)
    "tpu.region"() ({
      %run_scoped3A = tpu.sem_alloc : memref<!tpu.dma_semaphore, #tpu.memory_space<semaphore_mem>>
      %dma_start3A_2043 = arith.constant 0 : i32
      %dma_start3A_2044 = tpu.memref_slice %arg5[%arg0, %add3A_926, %dma_start3A_2043] : memref<2x10240x128xf32, #tpu.memory_space<hbm>> -> memref<1x64x128xf32, #tpu.memory_space<hbm>>
      %dma_start3A_2045 = tpu.memref_squeeze %dma_start3A_2044 : memref<1x64x128xf32, #tpu.memory_space<hbm>> -> memref<64x128xf32, #tpu.memory_space<hbm>>
      %dma_start3A_2046 = arith.constant 0 : i32
      %dma_start3A_2047 = tpu.memref_slice %arg5[%arg0, %add3A_926, %dma_start3A_2046] : memref<2x10240x128xf32, #tpu.memory_space<hbm>> -> memref<1x64x128xf32, #tpu.memory_space<hbm>>
      %dma_start3A_2048 = tpu.memref_squeeze %dma_start3A_2047 : memref<1x64x128xf32, #tpu.memory_space<hbm>> -> memref<64x128xf32, #tpu.memory_space<hbm>>
      tpu.enqueue_dma source(%arg12 : memref<64x128xf32, #tpu.memory_space<vmem>>) target(%dma_start3A_2048 : memref<64x128xf32, #tpu.memory_space<hbm>>) target_semaphore(%run_scoped3A : memref<!tpu.dma_semaphore, #tpu.memory_space<semaphore_mem>>)
      %dma_wait3A_2049 = arith.constant 0 : i32
      %dma_wait3A_2050 = tpu.memref_slice %arg5[%arg0, %add3A_926, %dma_wait3A_2049] : memref<2x10240x128xf32, #tpu.memory_space<hbm>> -> memref<1x64x128xf32, #tpu.memory_space<hbm>>
      %dma_wait3A_2051 = tpu.memref_squeeze %dma_wait3A_2050 : memref<1x64x128xf32, #tpu.memory_space<hbm>> -> memref<64x128xf32, #tpu.memory_space<hbm>>
      %dma_wait3A_2052 = arith.constant 0 : i32
      %dma_wait3A_2053 = tpu.memref_slice %arg5[%arg0, %add3A_926, %dma_wait3A_2052] : memref<2x10240x128xf32, #tpu.memory_space<hbm>> -> memref<1x64x128xf32, #tpu.memory_space<hbm>>
      %dma_wait3A_2054 = tpu.memref_squeeze %dma_wait3A_2053 : memref<1x64x128xf32, #tpu.memory_space<hbm>> -> memref<64x128xf32, #tpu.memory_space<hbm>>
      tpu.wait_dma2 semaphore(%run_scoped3A : memref<!tpu.dma_semaphore, #tpu.memory_space<semaphore_mem>>) src(%arg12 : memref<64x128xf32, #tpu.memory_space<vmem>>) dst(%dma_wait3A_2054 : memref<64x128xf32, #tpu.memory_space<hbm>>)
      tpu.yield
    }) : () -> ()
    %add3A_973 = arith.constant 576 : i32
    %add3A_974 = arith.addi %mul3A_2, %add3A_973 : i32
    %add3A_975 = arith.constant 0 : i32
    %add3A_976 = arith.addi %add3A_974, %add3A_975 : i32
    %add3A_977 = vector.broadcast %add3A_976 : i32 to vector<16xi32>
    %add3A_978 = arith.addi %add3A_977, %iota3A : vector<16xi32>
    %swap3A_979 = arith.constant 0 : i32
    %swap3A_980 = arith.index_cast %swap3A_979 : i32 to index
    %swap3A_981 = arith.constant 0 : index
    %swap3A_982 = tpu.vector_load %arg9[%swap3A_980, %swap3A_981] {strides = array<i32>} : memref<2x64xi32, #tpu.memory_space<vmem>>, vector<16xi32>,
    tpu.vector_store %arg9[%swap3A_980, %swap3A_981], %add3A_978 {strides = array<i32>} : memref<2x64xi32, #tpu.memory_space<vmem>>, vector<16xi32>,
    %add3A_983 = arith.constant 16 : i32
    %add3A_984 = arith.addi %add3A_974, %add3A_983 : i32
    %add3A_985 = vector.broadcast %add3A_984 : i32 to vector<16xi32>
    %add3A_986 = arith.addi %add3A_985, %iota3A : vector<16xi32>
    %swap3A_987 = arith.constant 0 : i32
    %swap3A_988 = arith.index_cast %swap3A_987 : i32 to index
    %swap3A_989 = arith.constant 16 : index
    %swap3A_990 = tpu.vector_load %arg9[%swap3A_988, %swap3A_989] {strides = array<i32>} : memref<2x64xi32, #tpu.memory_space<vmem>>, vector<16xi32>,
    tpu.vector_store %arg9[%swap3A_988, %swap3A_989], %add3A_986 {strides = array<i32>} : memref<2x64xi32, #tpu.memory_space<vmem>>, vector<16xi32>,
    %add3A_991 = arith.constant 32 : i32
    %add3A_992 = arith.addi %add3A_974, %add3A_991 : i32
    %add3A_993 = vector.broadcast %add3A_992 : i32 to vector<16xi32>
    %add3A_994 = arith.addi %add3A_993, %iota3A : vector<16xi32>
    %swap3A_995 = arith.constant 0 : i32
    %swap3A_996 = arith.index_cast %swap3A_995 : i32 to index
    %swap3A_997 = arith.constant 32 : index
    %swap3A_998 = tpu.vector_load %arg9[%swap3A_996, %swap3A_997] {strides = array<i32>} : memref<2x64xi32, #tpu.memory_space<vmem>>, vector<16xi32>,
    tpu.vector_store %arg9[%swap3A_996, %swap3A_997], %add3A_994 {strides = array<i32>} : memref<2x64xi32, #tpu.memory_space<vmem>>, vector<16xi32>,
    %add3A_999 = arith.constant 48 : i32
    %add3A_1000 = arith.addi %add3A_974, %add3A_999 : i32
    %add3A_1001 = vector.broadcast %add3A_1000 : i32 to vector<16xi32>
    %add3A_1002 = arith.addi %add3A_1001, %iota3A : vector<16xi32>
    %swap3A_1003 = arith.constant 0 : i32
    %swap3A_1004 = arith.index_cast %swap3A_1003 : i32 to index
    %swap3A_1005 = arith.constant 48 : index
    %swap3A_1006 = tpu.vector_load %arg9[%swap3A_1004, %swap3A_1005] {strides = array<i32>} : memref<2x64xi32, #tpu.memory_space<vmem>>, vector<16xi32>,
    tpu.vector_store %arg9[%swap3A_1004, %swap3A_1005], %add3A_1002 {strides = array<i32>} : memref<2x64xi32, #tpu.memory_space<vmem>>, vector<16xi32>,
    %dma_start3A_1007 = arith.constant 0 : i32
    %dma_start3A_1008 = arith.constant 0 : i32
    %dma_start3A_1009 = tpu.memref_slice %arg9[%dma_start3A_1007, %dma_start3A_1008] : memref<2x64xi32, #tpu.memory_space<vmem>> -> memref<1x64xi32, #tpu.memory_space<vmem>>
    %dma_start3A_1010 = tpu.memref_squeeze %dma_start3A_1009 : memref<1x64xi32, #tpu.memory_space<vmem>> -> memref<64xi32, #tpu.memory_space<vmem>>
    %dma_start3A_1011 = arith.constant 0 : i32
    %dma_start3A_1012 = arith.constant 0 : i32
    %dma_start3A_1013 = tpu.memref_slice %arg8[%dma_start3A_1011, %dma_start3A_1012] : memref<10240x128xf32, #tpu.memory_space<vmem_shared>> -> memref<10240x128xf32, #tpu.memory_space<vmem_shared>>
    tpu.enqueue_indirect_dma source(%dma_start3A_1013 : memref<10240x128xf32, #tpu.memory_space<vmem_shared>>) target(%arg12 : memref<64x128xf32, #tpu.memory_space<vmem>>) offsets(%dma_start3A_1010 : memref<64xi32, #tpu.memory_space<vmem>>) semaphore(%arg14 : memref<!tpu.dma_semaphore, #tpu.memory_space<semaphore_mem>>)
    %dma_wait3A_1014 = arith.constant 0 : i32
    %dma_wait3A_1015 = arith.constant 0 : i32
    %dma_wait3A_1016 = tpu.memref_slice %arg9[%dma_wait3A_1014, %dma_wait3A_1015] : memref<2x64xi32, #tpu.memory_space<vmem>> -> memref<1x64xi32, #tpu.memory_space<vmem>>
    %dma_wait3A_1017 = tpu.memref_squeeze %dma_wait3A_1016 : memref<1x64xi32, #tpu.memory_space<vmem>> -> memref<64xi32, #tpu.memory_space<vmem>>
    %dma_wait3A_1018 = arith.constant 0 : i32
    %dma_wait3A_1019 = arith.constant 0 : i32
    %dma_wait3A_1020 = tpu.memref_slice %arg8[%dma_wait3A_1018, %dma_wait3A_1019] : memref<10240x128xf32, #tpu.memory_space<vmem_shared>> -> memref<10240x128xf32, #tpu.memory_space<vmem_shared>>
    tpu.wait_indirect_dma semaphore(%arg14 : memref<!tpu.dma_semaphore, #tpu.memory_space<semaphore_mem>>) src(%dma_wait3A_1020 : memref<10240x128xf32, #tpu.memory_space<vmem_shared>>) dst(%arg12 : memref<64x128xf32, #tpu.memory_space<vmem>>)
    "tpu.region"() ({
      %run_scoped3A = tpu.sem_alloc : memref<!tpu.dma_semaphore, #tpu.memory_space<semaphore_mem>>
      %dma_start3A_2043 = arith.constant 0 : i32
      %dma_start3A_2044 = tpu.memref_slice %arg5[%arg0, %add3A_974, %dma_start3A_2043] : memref<2x10240x128xf32, #tpu.memory_space<hbm>> -> memref<1x64x128xf32, #tpu.memory_space<hbm>>
      %dma_start3A_2045 = tpu.memref_squeeze %dma_start3A_2044 : memref<1x64x128xf32, #tpu.memory_space<hbm>> -> memref<64x128xf32, #tpu.memory_space<hbm>>
      %dma_start3A_2046 = arith.constant 0 : i32
      %dma_start3A_2047 = tpu.memref_slice %arg5[%arg0, %add3A_974, %dma_start3A_2046] : memref<2x10240x128xf32, #tpu.memory_space<hbm>> -> memref<1x64x128xf32, #tpu.memory_space<hbm>>
      %dma_start3A_2048 = tpu.memref_squeeze %dma_start3A_2047 : memref<1x64x128xf32, #tpu.memory_space<hbm>> -> memref<64x128xf32, #tpu.memory_space<hbm>>
      tpu.enqueue_dma source(%arg12 : memref<64x128xf32, #tpu.memory_space<vmem>>) target(%dma_start3A_2048 : memref<64x128xf32, #tpu.memory_space<hbm>>) target_semaphore(%run_scoped3A : memref<!tpu.dma_semaphore, #tpu.memory_space<semaphore_mem>>)
      %dma_wait3A_2049 = arith.constant 0 : i32
      %dma_wait3A_2050 = tpu.memref_slice %arg5[%arg0, %add3A_974, %dma_wait3A_2049] : memref<2x10240x128xf32, #tpu.memory_space<hbm>> -> memref<1x64x128xf32, #tpu.memory_space<hbm>>
      %dma_wait3A_2051 = tpu.memref_squeeze %dma_wait3A_2050 : memref<1x64x128xf32, #tpu.memory_space<hbm>> -> memref<64x128xf32, #tpu.memory_space<hbm>>
      %dma_wait3A_2052 = arith.constant 0 : i32
      %dma_wait3A_2053 = tpu.memref_slice %arg5[%arg0, %add3A_974, %dma_wait3A_2052] : memref<2x10240x128xf32, #tpu.memory_space<hbm>> -> memref<1x64x128xf32, #tpu.memory_space<hbm>>
      %dma_wait3A_2054 = tpu.memref_squeeze %dma_wait3A_2053 : memref<1x64x128xf32, #tpu.memory_space<hbm>> -> memref<64x128xf32, #tpu.memory_space<hbm>>
      tpu.wait_dma2 semaphore(%run_scoped3A : memref<!tpu.dma_semaphore, #tpu.memory_space<semaphore_mem>>) src(%arg12 : memref<64x128xf32, #tpu.memory_space<vmem>>) dst(%dma_wait3A_2054 : memref<64x128xf32, #tpu.memory_space<hbm>>)
      tpu.yield
    }) : () -> ()
    %barrier3A_1021 = arith.constant 0 : index
    tpu.barrier barrier_id(%barrier3A_1021)
    %scan3A_1022 = arith.constant 0 : i32
    %scan3A_1023 = arith.constant 512 : i32
    %scan3A_1024 = arith.addi %scan3A_1022, %scan3A_1023 : i32
    %scan3A_1025 = arith.constant 1 : i32
    scf.for %scan3A_2043 = %scan3A_1022 to %scan3A_1024 step %scan3A_1025  : i32 {
      %jit3A_2044 = arith.constant 8 : i32
      %div3A = arith.divsi %scan3A_2043, %jit3A_2044 : i32
      %sign3A = arith.constant 0 : i32
      %sign3A_2045 = arith.cmpi sgt, %scan3A_2043, %sign3A : i32
      %sign3A_2046 = arith.extui %sign3A_2045 : i1 to i32
      %sign3A_2047 = arith.constant 0 : i32
      %sign3A_2048 = arith.cmpi slt, %scan3A_2043, %sign3A_2047 : i32
      %sign3A_2049 = arith.extui %sign3A_2048 : i1 to i32
      %sign3A_2050 = arith.subi %sign3A_2046, %sign3A_2049 : i32
      %sign3A_2051 = arith.constant 0 : i32
      %sign3A_2052 = arith.cmpi sgt, %jit3A_2044, %sign3A_2051 : i32
      %sign3A_2053 = arith.extui %sign3A_2052 : i1 to i32
      %sign3A_2054 = arith.constant 0 : i32
      %sign3A_2055 = arith.cmpi slt, %jit3A_2044, %sign3A_2054 : i32
      %sign3A_2056 = arith.extui %sign3A_2055 : i1 to i32
      %sign3A_2057 = arith.subi %sign3A_2053, %sign3A_2056 : i32
      %ne3A = arith.cmpi ne, %sign3A_2050, %sign3A_2057 : i32
      %rem3A = arith.remsi %scan3A_2043, %jit3A_2044 : i32
      %ne3A_2058 = arith.constant 0 : i32
      %ne3A_2059 = arith.cmpi ne, %rem3A, %ne3A_2058 : i32
      %and3A = arith.andi %ne3A, %ne3A_2059 : i1
      %sub3A = arith.constant 1 : i32
      %sub3A_2060 = arith.subi %div3A, %sub3A : i32
      %select_n3A_2061 = arith.select %and3A, %sub3A_2060, %div3A : i32
      %jit3A_2062 = arith.constant 8 : i32
      %eq3A = arith.constant 0 : i32
      %eq3A_2063 = arith.cmpi eq, %jit3A_2062, %eq3A : i32
      %jit3A_2064 = arith.constant 1 : i32
      %select_n3A_2065 = arith.select %eq3A_2063, %jit3A_2064, %jit3A_2062 : i32
      %rem3A_2066 = arith.remsi %scan3A_2043, %select_n3A_2065 : i32
      %ne3A_2067 = arith.constant 0 : i32
      %ne3A_2068 = arith.cmpi ne, %rem3A_2066, %ne3A_2067 : i32
      %lt3A_2069 = arith.constant 0 : i32
      %lt3A_2070 = arith.cmpi slt, %rem3A_2066, %lt3A_2069 : i32
      %lt3A_2071 = arith.constant 0 : i32
      %lt3A_2072 = arith.cmpi slt, %select_n3A_2065, %lt3A_2071 : i32
      %ne3A_2073 = arith.xori %lt3A_2070, %lt3A_2072 : i1
      %and3A_2074 = arith.andi %ne3A_2073, %ne3A_2068 : i1
      %add3A_2075 = arith.addi %rem3A_2066, %select_n3A_2065 : i32
      %select_n3A_2076 = arith.select %and3A_2074, %add3A_2075, %rem3A_2066 : i32
      %mul3A_2077 = arith.constant 16 : i32
      %mul3A_2078 = arith.muli %select_n3A_2076, %mul3A_2077 : i32
      %swap3A_2079 = arith.index_cast %select_n3A_2061 : i32 to index
      %swap3A_2080 = arith.index_cast %mul3A_2078 : i32 to index
      %swap3A_2081 = tpu.vector_load %arg12[%swap3A_2079, %swap3A_2080] {strides = array<i32>} : memref<64x128xf32, #tpu.memory_space<vmem>>, vector<16xf32>,
      tpu.vector_store %arg12[%swap3A_2079, %swap3A_2080], %broadcast_in_dim3A_3 {strides = array<i32>} : memref<64x128xf32, #tpu.memory_space<vmem>>, vector<16xf32>,
    }
    %scan3A_1026 = arith.constant 512 : i32
    %add3A_1027 = arith.constant 0 : i32
    %add3A_1028 = arith.addi %mul3A_2, %add3A_1027 : i32
    %add3A_1029 = arith.constant 0 : i32
    %add3A_1030 = arith.addi %add3A_1028, %add3A_1029 : i32
    %add3A_1031 = vector.broadcast %add3A_1030 : i32 to vector<16xi32>
    %add3A_1032 = arith.addi %add3A_1031, %iota3A : vector<16xi32>
    %swap3A_1033 = arith.constant 0 : i32
    %swap3A_1034 = arith.index_cast %swap3A_1033 : i32 to index
    %swap3A_1035 = arith.constant 0 : index
    %swap3A_1036 = tpu.vector_load %arg9[%swap3A_1034, %swap3A_1035] {strides = array<i32>} : memref<2x64xi32, #tpu.memory_space<vmem>>, vector<16xi32>,
    tpu.vector_store %arg9[%swap3A_1034, %swap3A_1035], %add3A_1032 {strides = array<i32>} : memref<2x64xi32, #tpu.memory_space<vmem>>, vector<16xi32>,
    %add3A_1037 = arith.constant 16 : i32
    %add3A_1038 = arith.addi %add3A_1028, %add3A_1037 : i32
    %add3A_1039 = vector.broadcast %add3A_1038 : i32 to vector<16xi32>
    %add3A_1040 = arith.addi %add3A_1039, %iota3A : vector<16xi32>
    %swap3A_1041 = arith.constant 0 : i32
    %swap3A_1042 = arith.index_cast %swap3A_1041 : i32 to index
    %swap3A_1043 = arith.constant 16 : index
    %swap3A_1044 = tpu.vector_load %arg9[%swap3A_1042, %swap3A_1043] {strides = array<i32>} : memref<2x64xi32, #tpu.memory_space<vmem>>, vector<16xi32>,
    tpu.vector_store %arg9[%swap3A_1042, %swap3A_1043], %add3A_1040 {strides = array<i32>} : memref<2x64xi32, #tpu.memory_space<vmem>>, vector<16xi32>,
    %add3A_1045 = arith.constant 32 : i32
    %add3A_1046 = arith.addi %add3A_1028, %add3A_1045 : i32
    %add3A_1047 = vector.broadcast %add3A_1046 : i32 to vector<16xi32>
    %add3A_1048 = arith.addi %add3A_1047, %iota3A : vector<16xi32>
    %swap3A_1049 = arith.constant 0 : i32
    %swap3A_1050 = arith.index_cast %swap3A_1049 : i32 to index
    %swap3A_1051 = arith.constant 32 : index
    %swap3A_1052 = tpu.vector_load %arg9[%swap3A_1050, %swap3A_1051] {strides = array<i32>} : memref<2x64xi32, #tpu.memory_space<vmem>>, vector<16xi32>,
    tpu.vector_store %arg9[%swap3A_1050, %swap3A_1051], %add3A_1048 {strides = array<i32>} : memref<2x64xi32, #tpu.memory_space<vmem>>, vector<16xi32>,
    %add3A_1053 = arith.constant 48 : i32
    %add3A_1054 = arith.addi %add3A_1028, %add3A_1053 : i32
    %add3A_1055 = vector.broadcast %add3A_1054 : i32 to vector<16xi32>
    %add3A_1056 = arith.addi %add3A_1055, %iota3A : vector<16xi32>
    %swap3A_1057 = arith.constant 0 : i32
    %swap3A_1058 = arith.index_cast %swap3A_1057 : i32 to index
    %swap3A_1059 = arith.constant 48 : index
    %swap3A_1060 = tpu.vector_load %arg9[%swap3A_1058, %swap3A_1059] {strides = array<i32>} : memref<2x64xi32, #tpu.memory_space<vmem>>, vector<16xi32>,
    tpu.vector_store %arg9[%swap3A_1058, %swap3A_1059], %add3A_1056 {strides = array<i32>} : memref<2x64xi32, #tpu.memory_space<vmem>>, vector<16xi32>,
    %dma_start3A_1061 = arith.constant 0 : i32
    %dma_start3A_1062 = arith.constant 0 : i32
    %dma_start3A_1063 = tpu.memref_slice %arg9[%dma_start3A_1061, %dma_start3A_1062] : memref<2x64xi32, #tpu.memory_space<vmem>> -> memref<1x64xi32, #tpu.memory_space<vmem>>
    %dma_start3A_1064 = tpu.memref_squeeze %dma_start3A_1063 : memref<1x64xi32, #tpu.memory_space<vmem>> -> memref<64xi32, #tpu.memory_space<vmem>>
    %dma_start3A_1065 = arith.constant 0 : i32
    %dma_start3A_1066 = arith.constant 0 : i32
    %dma_start3A_1067 = tpu.memref_slice %arg8[%dma_start3A_1065, %dma_start3A_1066] : memref<10240x128xf32, #tpu.memory_space<vmem_shared>> -> memref<10240x128xf32, #tpu.memory_space<vmem_shared>>
    tpu.enqueue_indirect_dma source(%arg12 : memref<64x128xf32, #tpu.memory_space<vmem>>) target(%dma_start3A_1067 : memref<10240x128xf32, #tpu.memory_space<vmem_shared>>) offsets(%dma_start3A_1064 : memref<64xi32, #tpu.memory_space<vmem>>) semaphore(%arg14 : memref<!tpu.dma_semaphore, #tpu.memory_space<semaphore_mem>>)
    %dma_wait3A_1068 = arith.constant 0 : i32
    %dma_wait3A_1069 = arith.constant 0 : i32
    %dma_wait3A_1070 = tpu.memref_slice %arg9[%dma_wait3A_1068, %dma_wait3A_1069] : memref<2x64xi32, #tpu.memory_space<vmem>> -> memref<1x64xi32, #tpu.memory_space<vmem>>
    %dma_wait3A_1071 = tpu.memref_squeeze %dma_wait3A_1070 : memref<1x64xi32, #tpu.memory_space<vmem>> -> memref<64xi32, #tpu.memory_space<vmem>>
    %dma_wait3A_1072 = arith.constant 0 : i32
    %dma_wait3A_1073 = arith.constant 0 : i32
    %dma_wait3A_1074 = tpu.memref_slice %arg8[%dma_wait3A_1072, %dma_wait3A_1073] : memref<10240x128xf32, #tpu.memory_space<vmem_shared>> -> memref<10240x128xf32, #tpu.memory_space<vmem_shared>>
    tpu.wait_indirect_dma semaphore(%arg14 : memref<!tpu.dma_semaphore, #tpu.memory_space<semaphore_mem>>) src(%arg12 : memref<64x128xf32, #tpu.memory_space<vmem>>) dst(%dma_wait3A_1074 : memref<10240x128xf32, #tpu.memory_space<vmem_shared>>)
    %add3A_1075 = arith.constant 64 : i32
    %add3A_1076 = arith.addi %mul3A_2, %add3A_1075 : i32
    %add3A_1077 = arith.constant 0 : i32
    %add3A_1078 = arith.addi %add3A_1076, %add3A_1077 : i32
    %add3A_1079 = vector.broadcast %add3A_1078 : i32 to vector<16xi32>
    %add3A_1080 = arith.addi %add3A_1079, %iota3A : vector<16xi32>
    %swap3A_1081 = arith.constant 0 : i32
    %swap3A_1082 = arith.index_cast %swap3A_1081 : i32 to index
    %swap3A_1083 = arith.constant 0 : index
    %swap3A_1084 = tpu.vector_load %arg9[%swap3A_1082, %swap3A_1083] {strides = array<i32>} : memref<2x64xi32, #tpu.memory_space<vmem>>, vector<16xi32>,
    tpu.vector_store %arg9[%swap3A_1082, %swap3A_1083], %add3A_1080 {strides = array<i32>} : memref<2x64xi32, #tpu.memory_space<vmem>>, vector<16xi32>,
    %add3A_1085 = arith.constant 16 : i32
    %add3A_1086 = arith.addi %add3A_1076, %add3A_1085 : i32
    %add3A_1087 = vector.broadcast %add3A_1086 : i32 to vector<16xi32>
    %add3A_1088 = arith.addi %add3A_1087, %iota3A : vector<16xi32>
    %swap3A_1089 = arith.constant 0 : i32
    %swap3A_1090 = arith.index_cast %swap3A_1089 : i32 to index
    %swap3A_1091 = arith.constant 16 : index
    %swap3A_1092 = tpu.vector_load %arg9[%swap3A_1090, %swap3A_1091] {strides = array<i32>} : memref<2x64xi32, #tpu.memory_space<vmem>>, vector<16xi32>,
    tpu.vector_store %arg9[%swap3A_1090, %swap3A_1091], %add3A_1088 {strides = array<i32>} : memref<2x64xi32, #tpu.memory_space<vmem>>, vector<16xi32>,
    %add3A_1093 = arith.constant 32 : i32
    %add3A_1094 = arith.addi %add3A_1076, %add3A_1093 : i32
    %add3A_1095 = vector.broadcast %add3A_1094 : i32 to vector<16xi32>
    %add3A_1096 = arith.addi %add3A_1095, %iota3A : vector<16xi32>
    %swap3A_1097 = arith.constant 0 : i32
    %swap3A_1098 = arith.index_cast %swap3A_1097 : i32 to index
    %swap3A_1099 = arith.constant 32 : index
    %swap3A_1100 = tpu.vector_load %arg9[%swap3A_1098, %swap3A_1099] {strides = array<i32>} : memref<2x64xi32, #tpu.memory_space<vmem>>, vector<16xi32>,
    tpu.vector_store %arg9[%swap3A_1098, %swap3A_1099], %add3A_1096 {strides = array<i32>} : memref<2x64xi32, #tpu.memory_space<vmem>>, vector<16xi32>,
    %add3A_1101 = arith.constant 48 : i32
    %add3A_1102 = arith.addi %add3A_1076, %add3A_1101 : i32
    %add3A_1103 = vector.broadcast %add3A_1102 : i32 to vector<16xi32>
    %add3A_1104 = arith.addi %add3A_1103, %iota3A : vector<16xi32>
    %swap3A_1105 = arith.constant 0 : i32
    %swap3A_1106 = arith.index_cast %swap3A_1105 : i32 to index
    %swap3A_1107 = arith.constant 48 : index
    %swap3A_1108 = tpu.vector_load %arg9[%swap3A_1106, %swap3A_1107] {strides = array<i32>} : memref<2x64xi32, #tpu.memory_space<vmem>>, vector<16xi32>,
    tpu.vector_store %arg9[%swap3A_1106, %swap3A_1107], %add3A_1104 {strides = array<i32>} : memref<2x64xi32, #tpu.memory_space<vmem>>, vector<16xi32>,
    %dma_start3A_1109 = arith.constant 0 : i32
    %dma_start3A_1110 = arith.constant 0 : i32
    %dma_start3A_1111 = tpu.memref_slice %arg9[%dma_start3A_1109, %dma_start3A_1110] : memref<2x64xi32, #tpu.memory_space<vmem>> -> memref<1x64xi32, #tpu.memory_space<vmem>>
    %dma_start3A_1112 = tpu.memref_squeeze %dma_start3A_1111 : memref<1x64xi32, #tpu.memory_space<vmem>> -> memref<64xi32, #tpu.memory_space<vmem>>
    %dma_start3A_1113 = arith.constant 0 : i32
    %dma_start3A_1114 = arith.constant 0 : i32
    %dma_start3A_1115 = tpu.memref_slice %arg8[%dma_start3A_1113, %dma_start3A_1114] : memref<10240x128xf32, #tpu.memory_space<vmem_shared>> -> memref<10240x128xf32, #tpu.memory_space<vmem_shared>>
    tpu.enqueue_indirect_dma source(%arg12 : memref<64x128xf32, #tpu.memory_space<vmem>>) target(%dma_start3A_1115 : memref<10240x128xf32, #tpu.memory_space<vmem_shared>>) offsets(%dma_start3A_1112 : memref<64xi32, #tpu.memory_space<vmem>>) semaphore(%arg14 : memref<!tpu.dma_semaphore, #tpu.memory_space<semaphore_mem>>)
    %dma_wait3A_1116 = arith.constant 0 : i32
    %dma_wait3A_1117 = arith.constant 0 : i32
    %dma_wait3A_1118 = tpu.memref_slice %arg9[%dma_wait3A_1116, %dma_wait3A_1117] : memref<2x64xi32, #tpu.memory_space<vmem>> -> memref<1x64xi32, #tpu.memory_space<vmem>>
    %dma_wait3A_1119 = tpu.memref_squeeze %dma_wait3A_1118 : memref<1x64xi32, #tpu.memory_space<vmem>> -> memref<64xi32, #tpu.memory_space<vmem>>
    %dma_wait3A_1120 = arith.constant 0 : i32
    %dma_wait3A_1121 = arith.constant 0 : i32
    %dma_wait3A_1122 = tpu.memref_slice %arg8[%dma_wait3A_1120, %dma_wait3A_1121] : memref<10240x128xf32, #tpu.memory_space<vmem_shared>> -> memref<10240x128xf32, #tpu.memory_space<vmem_shared>>
    tpu.wait_indirect_dma semaphore(%arg14 : memref<!tpu.dma_semaphore, #tpu.memory_space<semaphore_mem>>) src(%arg12 : memref<64x128xf32, #tpu.memory_space<vmem>>) dst(%dma_wait3A_1122 : memref<10240x128xf32, #tpu.memory_space<vmem_shared>>)
    %add3A_1123 = arith.constant 128 : i32
    %add3A_1124 = arith.addi %mul3A_2, %add3A_1123 : i32
    %add3A_1125 = arith.constant 0 : i32
    %add3A_1126 = arith.addi %add3A_1124, %add3A_1125 : i32
    %add3A_1127 = vector.broadcast %add3A_1126 : i32 to vector<16xi32>
    %add3A_1128 = arith.addi %add3A_1127, %iota3A : vector<16xi32>
    %swap3A_1129 = arith.constant 0 : i32
    %swap3A_1130 = arith.index_cast %swap3A_1129 : i32 to index
    %swap3A_1131 = arith.constant 0 : index
    %swap3A_1132 = tpu.vector_load %arg9[%swap3A_1130, %swap3A_1131] {strides = array<i32>} : memref<2x64xi32, #tpu.memory_space<vmem>>, vector<16xi32>,
    tpu.vector_store %arg9[%swap3A_1130, %swap3A_1131], %add3A_1128 {strides = array<i32>} : memref<2x64xi32, #tpu.memory_space<vmem>>, vector<16xi32>,
    %add3A_1133 = arith.constant 16 : i32
    %add3A_1134 = arith.addi %add3A_1124, %add3A_1133 : i32
    %add3A_1135 = vector.broadcast %add3A_1134 : i32 to vector<16xi32>
    %add3A_1136 = arith.addi %add3A_1135, %iota3A : vector<16xi32>
    %swap3A_1137 = arith.constant 0 : i32
    %swap3A_1138 = arith.index_cast %swap3A_1137 : i32 to index
    %swap3A_1139 = arith.constant 16 : index
    %swap3A_1140 = tpu.vector_load %arg9[%swap3A_1138, %swap3A_1139] {strides = array<i32>} : memref<2x64xi32, #tpu.memory_space<vmem>>, vector<16xi32>,
    tpu.vector_store %arg9[%swap3A_1138, %swap3A_1139], %add3A_1136 {strides = array<i32>} : memref<2x64xi32, #tpu.memory_space<vmem>>, vector<16xi32>,
    %add3A_1141 = arith.constant 32 : i32
    %add3A_1142 = arith.addi %add3A_1124, %add3A_1141 : i32
    %add3A_1143 = vector.broadcast %add3A_1142 : i32 to vector<16xi32>
    %add3A_1144 = arith.addi %add3A_1143, %iota3A : vector<16xi32>
    %swap3A_1145 = arith.constant 0 : i32
    %swap3A_1146 = arith.index_cast %swap3A_1145 : i32 to index
    %swap3A_1147 = arith.constant 32 : index
    %swap3A_1148 = tpu.vector_load %arg9[%swap3A_1146, %swap3A_1147] {strides = array<i32>} : memref<2x64xi32, #tpu.memory_space<vmem>>, vector<16xi32>,
    tpu.vector_store %arg9[%swap3A_1146, %swap3A_1147], %add3A_1144 {strides = array<i32>} : memref<2x64xi32, #tpu.memory_space<vmem>>, vector<16xi32>,
    %add3A_1149 = arith.constant 48 : i32
    %add3A_1150 = arith.addi %add3A_1124, %add3A_1149 : i32
    %add3A_1151 = vector.broadcast %add3A_1150 : i32 to vector<16xi32>
    %add3A_1152 = arith.addi %add3A_1151, %iota3A : vector<16xi32>
    %swap3A_1153 = arith.constant 0 : i32
    %swap3A_1154 = arith.index_cast %swap3A_1153 : i32 to index
    %swap3A_1155 = arith.constant 48 : index
    %swap3A_1156 = tpu.vector_load %arg9[%swap3A_1154, %swap3A_1155] {strides = array<i32>} : memref<2x64xi32, #tpu.memory_space<vmem>>, vector<16xi32>,
    tpu.vector_store %arg9[%swap3A_1154, %swap3A_1155], %add3A_1152 {strides = array<i32>} : memref<2x64xi32, #tpu.memory_space<vmem>>, vector<16xi32>,
    %dma_start3A_1157 = arith.constant 0 : i32
    %dma_start3A_1158 = arith.constant 0 : i32
    %dma_start3A_1159 = tpu.memref_slice %arg9[%dma_start3A_1157, %dma_start3A_1158] : memref<2x64xi32, #tpu.memory_space<vmem>> -> memref<1x64xi32, #tpu.memory_space<vmem>>
    %dma_start3A_1160 = tpu.memref_squeeze %dma_start3A_1159 : memref<1x64xi32, #tpu.memory_space<vmem>> -> memref<64xi32, #tpu.memory_space<vmem>>
    %dma_start3A_1161 = arith.constant 0 : i32
    %dma_start3A_1162 = arith.constant 0 : i32
    %dma_start3A_1163 = tpu.memref_slice %arg8[%dma_start3A_1161, %dma_start3A_1162] : memref<10240x128xf32, #tpu.memory_space<vmem_shared>> -> memref<10240x128xf32, #tpu.memory_space<vmem_shared>>
    tpu.enqueue_indirect_dma source(%arg12 : memref<64x128xf32, #tpu.memory_space<vmem>>) target(%dma_start3A_1163 : memref<10240x128xf32, #tpu.memory_space<vmem_shared>>) offsets(%dma_start3A_1160 : memref<64xi32, #tpu.memory_space<vmem>>) semaphore(%arg14 : memref<!tpu.dma_semaphore, #tpu.memory_space<semaphore_mem>>)
    %dma_wait3A_1164 = arith.constant 0 : i32
    %dma_wait3A_1165 = arith.constant 0 : i32
    %dma_wait3A_1166 = tpu.memref_slice %arg9[%dma_wait3A_1164, %dma_wait3A_1165] : memref<2x64xi32, #tpu.memory_space<vmem>> -> memref<1x64xi32, #tpu.memory_space<vmem>>
    %dma_wait3A_1167 = tpu.memref_squeeze %dma_wait3A_1166 : memref<1x64xi32, #tpu.memory_space<vmem>> -> memref<64xi32, #tpu.memory_space<vmem>>
    %dma_wait3A_1168 = arith.constant 0 : i32
    %dma_wait3A_1169 = arith.constant 0 : i32
    %dma_wait3A_1170 = tpu.memref_slice %arg8[%dma_wait3A_1168, %dma_wait3A_1169] : memref<10240x128xf32, #tpu.memory_space<vmem_shared>> -> memref<10240x128xf32, #tpu.memory_space<vmem_shared>>
    tpu.wait_indirect_dma semaphore(%arg14 : memref<!tpu.dma_semaphore, #tpu.memory_space<semaphore_mem>>) src(%arg12 : memref<64x128xf32, #tpu.memory_space<vmem>>) dst(%dma_wait3A_1170 : memref<10240x128xf32, #tpu.memory_space<vmem_shared>>)
    %add3A_1171 = arith.constant 192 : i32
    %add3A_1172 = arith.addi %mul3A_2, %add3A_1171 : i32
    %add3A_1173 = arith.constant 0 : i32
    %add3A_1174 = arith.addi %add3A_1172, %add3A_1173 : i32
    %add3A_1175 = vector.broadcast %add3A_1174 : i32 to vector<16xi32>
    %add3A_1176 = arith.addi %add3A_1175, %iota3A : vector<16xi32>
    %swap3A_1177 = arith.constant 0 : i32
    %swap3A_1178 = arith.index_cast %swap3A_1177 : i32 to index
    %swap3A_1179 = arith.constant 0 : index
    %swap3A_1180 = tpu.vector_load %arg9[%swap3A_1178, %swap3A_1179] {strides = array<i32>} : memref<2x64xi32, #tpu.memory_space<vmem>>, vector<16xi32>,
    tpu.vector_store %arg9[%swap3A_1178, %swap3A_1179], %add3A_1176 {strides = array<i32>} : memref<2x64xi32, #tpu.memory_space<vmem>>, vector<16xi32>,
    %add3A_1181 = arith.constant 16 : i32
    %add3A_1182 = arith.addi %add3A_1172, %add3A_1181 : i32
    %add3A_1183 = vector.broadcast %add3A_1182 : i32 to vector<16xi32>
    %add3A_1184 = arith.addi %add3A_1183, %iota3A : vector<16xi32>
    %swap3A_1185 = arith.constant 0 : i32
    %swap3A_1186 = arith.index_cast %swap3A_1185 : i32 to index
    %swap3A_1187 = arith.constant 16 : index
    %swap3A_1188 = tpu.vector_load %arg9[%swap3A_1186, %swap3A_1187] {strides = array<i32>} : memref<2x64xi32, #tpu.memory_space<vmem>>, vector<16xi32>,
    tpu.vector_store %arg9[%swap3A_1186, %swap3A_1187], %add3A_1184 {strides = array<i32>} : memref<2x64xi32, #tpu.memory_space<vmem>>, vector<16xi32>,
    %add3A_1189 = arith.constant 32 : i32
    %add3A_1190 = arith.addi %add3A_1172, %add3A_1189 : i32
    %add3A_1191 = vector.broadcast %add3A_1190 : i32 to vector<16xi32>
    %add3A_1192 = arith.addi %add3A_1191, %iota3A : vector<16xi32>
    %swap3A_1193 = arith.constant 0 : i32
    %swap3A_1194 = arith.index_cast %swap3A_1193 : i32 to index
    %swap3A_1195 = arith.constant 32 : index
    %swap3A_1196 = tpu.vector_load %arg9[%swap3A_1194, %swap3A_1195] {strides = array<i32>} : memref<2x64xi32, #tpu.memory_space<vmem>>, vector<16xi32>,
    tpu.vector_store %arg9[%swap3A_1194, %swap3A_1195], %add3A_1192 {strides = array<i32>} : memref<2x64xi32, #tpu.memory_space<vmem>>, vector<16xi32>,
    %add3A_1197 = arith.constant 48 : i32
    %add3A_1198 = arith.addi %add3A_1172, %add3A_1197 : i32
    %add3A_1199 = vector.broadcast %add3A_1198 : i32 to vector<16xi32>
    %add3A_1200 = arith.addi %add3A_1199, %iota3A : vector<16xi32>
    %swap3A_1201 = arith.constant 0 : i32
    %swap3A_1202 = arith.index_cast %swap3A_1201 : i32 to index
    %swap3A_1203 = arith.constant 48 : index
    %swap3A_1204 = tpu.vector_load %arg9[%swap3A_1202, %swap3A_1203] {strides = array<i32>} : memref<2x64xi32, #tpu.memory_space<vmem>>, vector<16xi32>,
    tpu.vector_store %arg9[%swap3A_1202, %swap3A_1203], %add3A_1200 {strides = array<i32>} : memref<2x64xi32, #tpu.memory_space<vmem>>, vector<16xi32>,
    %dma_start3A_1205 = arith.constant 0 : i32
    %dma_start3A_1206 = arith.constant 0 : i32
    %dma_start3A_1207 = tpu.memref_slice %arg9[%dma_start3A_1205, %dma_start3A_1206] : memref<2x64xi32, #tpu.memory_space<vmem>> -> memref<1x64xi32, #tpu.memory_space<vmem>>
    %dma_start3A_1208 = tpu.memref_squeeze %dma_start3A_1207 : memref<1x64xi32, #tpu.memory_space<vmem>> -> memref<64xi32, #tpu.memory_space<vmem>>
    %dma_start3A_1209 = arith.constant 0 : i32
    %dma_start3A_1210 = arith.constant 0 : i32
    %dma_start3A_1211 = tpu.memref_slice %arg8[%dma_start3A_1209, %dma_start3A_1210] : memref<10240x128xf32, #tpu.memory_space<vmem_shared>> -> memref<10240x128xf32, #tpu.memory_space<vmem_shared>>
    tpu.enqueue_indirect_dma source(%arg12 : memref<64x128xf32, #tpu.memory_space<vmem>>) target(%dma_start3A_1211 : memref<10240x128xf32, #tpu.memory_space<vmem_shared>>) offsets(%dma_start3A_1208 : memref<64xi32, #tpu.memory_space<vmem>>) semaphore(%arg14 : memref<!tpu.dma_semaphore, #tpu.memory_space<semaphore_mem>>)
    %dma_wait3A_1212 = arith.constant 0 : i32
    %dma_wait3A_1213 = arith.constant 0 : i32
    %dma_wait3A_1214 = tpu.memref_slice %arg9[%dma_wait3A_1212, %dma_wait3A_1213] : memref<2x64xi32, #tpu.memory_space<vmem>> -> memref<1x64xi32, #tpu.memory_space<vmem>>
    %dma_wait3A_1215 = tpu.memref_squeeze %dma_wait3A_1214 : memref<1x64xi32, #tpu.memory_space<vmem>> -> memref<64xi32, #tpu.memory_space<vmem>>
    %dma_wait3A_1216 = arith.constant 0 : i32
    %dma_wait3A_1217 = arith.constant 0 : i32
    %dma_wait3A_1218 = tpu.memref_slice %arg8[%dma_wait3A_1216, %dma_wait3A_1217] : memref<10240x128xf32, #tpu.memory_space<vmem_shared>> -> memref<10240x128xf32, #tpu.memory_space<vmem_shared>>
    tpu.wait_indirect_dma semaphore(%arg14 : memref<!tpu.dma_semaphore, #tpu.memory_space<semaphore_mem>>) src(%arg12 : memref<64x128xf32, #tpu.memory_space<vmem>>) dst(%dma_wait3A_1218 : memref<10240x128xf32, #tpu.memory_space<vmem_shared>>)
    %add3A_1219 = arith.constant 256 : i32
    %add3A_1220 = arith.addi %mul3A_2, %add3A_1219 : i32
    %add3A_1221 = arith.constant 0 : i32
    %add3A_1222 = arith.addi %add3A_1220, %add3A_1221 : i32
    %add3A_1223 = vector.broadcast %add3A_1222 : i32 to vector<16xi32>
    %add3A_1224 = arith.addi %add3A_1223, %iota3A : vector<16xi32>
    %swap3A_1225 = arith.constant 0 : i32
    %swap3A_1226 = arith.index_cast %swap3A_1225 : i32 to index
    %swap3A_1227 = arith.constant 0 : index
    %swap3A_1228 = tpu.vector_load %arg9[%swap3A_1226, %swap3A_1227] {strides = array<i32>} : memref<2x64xi32, #tpu.memory_space<vmem>>, vector<16xi32>,
    tpu.vector_store %arg9[%swap3A_1226, %swap3A_1227], %add3A_1224 {strides = array<i32>} : memref<2x64xi32, #tpu.memory_space<vmem>>, vector<16xi32>,
    %add3A_1229 = arith.constant 16 : i32
    %add3A_1230 = arith.addi %add3A_1220, %add3A_1229 : i32
    %add3A_1231 = vector.broadcast %add3A_1230 : i32 to vector<16xi32>
    %add3A_1232 = arith.addi %add3A_1231, %iota3A : vector<16xi32>
    %swap3A_1233 = arith.constant 0 : i32
    %swap3A_1234 = arith.index_cast %swap3A_1233 : i32 to index
    %swap3A_1235 = arith.constant 16 : index
    %swap3A_1236 = tpu.vector_load %arg9[%swap3A_1234, %swap3A_1235] {strides = array<i32>} : memref<2x64xi32, #tpu.memory_space<vmem>>, vector<16xi32>,
    tpu.vector_store %arg9[%swap3A_1234, %swap3A_1235], %add3A_1232 {strides = array<i32>} : memref<2x64xi32, #tpu.memory_space<vmem>>, vector<16xi32>,
    %add3A_1237 = arith.constant 32 : i32
    %add3A_1238 = arith.addi %add3A_1220, %add3A_1237 : i32
    %add3A_1239 = vector.broadcast %add3A_1238 : i32 to vector<16xi32>
    %add3A_1240 = arith.addi %add3A_1239, %iota3A : vector<16xi32>
    %swap3A_1241 = arith.constant 0 : i32
    %swap3A_1242 = arith.index_cast %swap3A_1241 : i32 to index
    %swap3A_1243 = arith.constant 32 : index
    %swap3A_1244 = tpu.vector_load %arg9[%swap3A_1242, %swap3A_1243] {strides = array<i32>} : memref<2x64xi32, #tpu.memory_space<vmem>>, vector<16xi32>,
    tpu.vector_store %arg9[%swap3A_1242, %swap3A_1243], %add3A_1240 {strides = array<i32>} : memref<2x64xi32, #tpu.memory_space<vmem>>, vector<16xi32>,
    %add3A_1245 = arith.constant 48 : i32
    %add3A_1246 = arith.addi %add3A_1220, %add3A_1245 : i32
    %add3A_1247 = vector.broadcast %add3A_1246 : i32 to vector<16xi32>
    %add3A_1248 = arith.addi %add3A_1247, %iota3A : vector<16xi32>
    %swap3A_1249 = arith.constant 0 : i32
    %swap3A_1250 = arith.index_cast %swap3A_1249 : i32 to index
    %swap3A_1251 = arith.constant 48 : index
    %swap3A_1252 = tpu.vector_load %arg9[%swap3A_1250, %swap3A_1251] {strides = array<i32>} : memref<2x64xi32, #tpu.memory_space<vmem>>, vector<16xi32>,
    tpu.vector_store %arg9[%swap3A_1250, %swap3A_1251], %add3A_1248 {strides = array<i32>} : memref<2x64xi32, #tpu.memory_space<vmem>>, vector<16xi32>,
    %dma_start3A_1253 = arith.constant 0 : i32
    %dma_start3A_1254 = arith.constant 0 : i32
    %dma_start3A_1255 = tpu.memref_slice %arg9[%dma_start3A_1253, %dma_start3A_1254] : memref<2x64xi32, #tpu.memory_space<vmem>> -> memref<1x64xi32, #tpu.memory_space<vmem>>
    %dma_start3A_1256 = tpu.memref_squeeze %dma_start3A_1255 : memref<1x64xi32, #tpu.memory_space<vmem>> -> memref<64xi32, #tpu.memory_space<vmem>>
    %dma_start3A_1257 = arith.constant 0 : i32
    %dma_start3A_1258 = arith.constant 0 : i32
    %dma_start3A_1259 = tpu.memref_slice %arg8[%dma_start3A_1257, %dma_start3A_1258] : memref<10240x128xf32, #tpu.memory_space<vmem_shared>> -> memref<10240x128xf32, #tpu.memory_space<vmem_shared>>
    tpu.enqueue_indirect_dma source(%arg12 : memref<64x128xf32, #tpu.memory_space<vmem>>) target(%dma_start3A_1259 : memref<10240x128xf32, #tpu.memory_space<vmem_shared>>) offsets(%dma_start3A_1256 : memref<64xi32, #tpu.memory_space<vmem>>) semaphore(%arg14 : memref<!tpu.dma_semaphore, #tpu.memory_space<semaphore_mem>>)
    %dma_wait3A_1260 = arith.constant 0 : i32
    %dma_wait3A_1261 = arith.constant 0 : i32
    %dma_wait3A_1262 = tpu.memref_slice %arg9[%dma_wait3A_1260, %dma_wait3A_1261] : memref<2x64xi32, #tpu.memory_space<vmem>> -> memref<1x64xi32, #tpu.memory_space<vmem>>
    %dma_wait3A_1263 = tpu.memref_squeeze %dma_wait3A_1262 : memref<1x64xi32, #tpu.memory_space<vmem>> -> memref<64xi32, #tpu.memory_space<vmem>>
    %dma_wait3A_1264 = arith.constant 0 : i32
    %dma_wait3A_1265 = arith.constant 0 : i32
    %dma_wait3A_1266 = tpu.memref_slice %arg8[%dma_wait3A_1264, %dma_wait3A_1265] : memref<10240x128xf32, #tpu.memory_space<vmem_shared>> -> memref<10240x128xf32, #tpu.memory_space<vmem_shared>>
    tpu.wait_indirect_dma semaphore(%arg14 : memref<!tpu.dma_semaphore, #tpu.memory_space<semaphore_mem>>) src(%arg12 : memref<64x128xf32, #tpu.memory_space<vmem>>) dst(%dma_wait3A_1266 : memref<10240x128xf32, #tpu.memory_space<vmem_shared>>)
    %add3A_1267 = arith.constant 320 : i32
    %add3A_1268 = arith.addi %mul3A_2, %add3A_1267 : i32
    %add3A_1269 = arith.constant 0 : i32
    %add3A_1270 = arith.addi %add3A_1268, %add3A_1269 : i32
    %add3A_1271 = vector.broadcast %add3A_1270 : i32 to vector<16xi32>
    %add3A_1272 = arith.addi %add3A_1271, %iota3A : vector<16xi32>
    %swap3A_1273 = arith.constant 0 : i32
    %swap3A_1274 = arith.index_cast %swap3A_1273 : i32 to index
    %swap3A_1275 = arith.constant 0 : index
    %swap3A_1276 = tpu.vector_load %arg9[%swap3A_1274, %swap3A_1275] {strides = array<i32>} : memref<2x64xi32, #tpu.memory_space<vmem>>, vector<16xi32>,
    tpu.vector_store %arg9[%swap3A_1274, %swap3A_1275], %add3A_1272 {strides = array<i32>} : memref<2x64xi32, #tpu.memory_space<vmem>>, vector<16xi32>,
    %add3A_1277 = arith.constant 16 : i32
    %add3A_1278 = arith.addi %add3A_1268, %add3A_1277 : i32
    %add3A_1279 = vector.broadcast %add3A_1278 : i32 to vector<16xi32>
    %add3A_1280 = arith.addi %add3A_1279, %iota3A : vector<16xi32>
    %swap3A_1281 = arith.constant 0 : i32
    %swap3A_1282 = arith.index_cast %swap3A_1281 : i32 to index
    %swap3A_1283 = arith.constant 16 : index
    %swap3A_1284 = tpu.vector_load %arg9[%swap3A_1282, %swap3A_1283] {strides = array<i32>} : memref<2x64xi32, #tpu.memory_space<vmem>>, vector<16xi32>,
    tpu.vector_store %arg9[%swap3A_1282, %swap3A_1283], %add3A_1280 {strides = array<i32>} : memref<2x64xi32, #tpu.memory_space<vmem>>, vector<16xi32>,
    %add3A_1285 = arith.constant 32 : i32
    %add3A_1286 = arith.addi %add3A_1268, %add3A_1285 : i32
    %add3A_1287 = vector.broadcast %add3A_1286 : i32 to vector<16xi32>
    %add3A_1288 = arith.addi %add3A_1287, %iota3A : vector<16xi32>
    %swap3A_1289 = arith.constant 0 : i32
    %swap3A_1290 = arith.index_cast %swap3A_1289 : i32 to index
    %swap3A_1291 = arith.constant 32 : index
    %swap3A_1292 = tpu.vector_load %arg9[%swap3A_1290, %swap3A_1291] {strides = array<i32>} : memref<2x64xi32, #tpu.memory_space<vmem>>, vector<16xi32>,
    tpu.vector_store %arg9[%swap3A_1290, %swap3A_1291], %add3A_1288 {strides = array<i32>} : memref<2x64xi32, #tpu.memory_space<vmem>>, vector<16xi32>,
    %add3A_1293 = arith.constant 48 : i32
    %add3A_1294 = arith.addi %add3A_1268, %add3A_1293 : i32
    %add3A_1295 = vector.broadcast %add3A_1294 : i32 to vector<16xi32>
    %add3A_1296 = arith.addi %add3A_1295, %iota3A : vector<16xi32>
    %swap3A_1297 = arith.constant 0 : i32
    %swap3A_1298 = arith.index_cast %swap3A_1297 : i32 to index
    %swap3A_1299 = arith.constant 48 : index
    %swap3A_1300 = tpu.vector_load %arg9[%swap3A_1298, %swap3A_1299] {strides = array<i32>} : memref<2x64xi32, #tpu.memory_space<vmem>>, vector<16xi32>,
    tpu.vector_store %arg9[%swap3A_1298, %swap3A_1299], %add3A_1296 {strides = array<i32>} : memref<2x64xi32, #tpu.memory_space<vmem>>, vector<16xi32>,
    %dma_start3A_1301 = arith.constant 0 : i32
    %dma_start3A_1302 = arith.constant 0 : i32
    %dma_start3A_1303 = tpu.memref_slice %arg9[%dma_start3A_1301, %dma_start3A_1302] : memref<2x64xi32, #tpu.memory_space<vmem>> -> memref<1x64xi32, #tpu.memory_space<vmem>>
    %dma_start3A_1304 = tpu.memref_squeeze %dma_start3A_1303 : memref<1x64xi32, #tpu.memory_space<vmem>> -> memref<64xi32, #tpu.memory_space<vmem>>
    %dma_start3A_1305 = arith.constant 0 : i32
    %dma_start3A_1306 = arith.constant 0 : i32
    %dma_start3A_1307 = tpu.memref_slice %arg8[%dma_start3A_1305, %dma_start3A_1306] : memref<10240x128xf32, #tpu.memory_space<vmem_shared>> -> memref<10240x128xf32, #tpu.memory_space<vmem_shared>>
    tpu.enqueue_indirect_dma source(%arg12 : memref<64x128xf32, #tpu.memory_space<vmem>>) target(%dma_start3A_1307 : memref<10240x128xf32, #tpu.memory_space<vmem_shared>>) offsets(%dma_start3A_1304 : memref<64xi32, #tpu.memory_space<vmem>>) semaphore(%arg14 : memref<!tpu.dma_semaphore, #tpu.memory_space<semaphore_mem>>)
    %dma_wait3A_1308 = arith.constant 0 : i32
    %dma_wait3A_1309 = arith.constant 0 : i32
    %dma_wait3A_1310 = tpu.memref_slice %arg9[%dma_wait3A_1308, %dma_wait3A_1309] : memref<2x64xi32, #tpu.memory_space<vmem>> -> memref<1x64xi32, #tpu.memory_space<vmem>>
    %dma_wait3A_1311 = tpu.memref_squeeze %dma_wait3A_1310 : memref<1x64xi32, #tpu.memory_space<vmem>> -> memref<64xi32, #tpu.memory_space<vmem>>
    %dma_wait3A_1312 = arith.constant 0 : i32
    %dma_wait3A_1313 = arith.constant 0 : i32
    %dma_wait3A_1314 = tpu.memref_slice %arg8[%dma_wait3A_1312, %dma_wait3A_1313] : memref<10240x128xf32, #tpu.memory_space<vmem_shared>> -> memref<10240x128xf32, #tpu.memory_space<vmem_shared>>
    tpu.wait_indirect_dma semaphore(%arg14 : memref<!tpu.dma_semaphore, #tpu.memory_space<semaphore_mem>>) src(%arg12 : memref<64x128xf32, #tpu.memory_space<vmem>>) dst(%dma_wait3A_1314 : memref<10240x128xf32, #tpu.memory_space<vmem_shared>>)
    %add3A_1315 = arith.constant 384 : i32
    %add3A_1316 = arith.addi %mul3A_2, %add3A_1315 : i32
    %add3A_1317 = arith.constant 0 : i32
    %add3A_1318 = arith.addi %add3A_1316, %add3A_1317 : i32
    %add3A_1319 = vector.broadcast %add3A_1318 : i32 to vector<16xi32>
    %add3A_1320 = arith.addi %add3A_1319, %iota3A : vector<16xi32>
    %swap3A_1321 = arith.constant 0 : i32
    %swap3A_1322 = arith.index_cast %swap3A_1321 : i32 to index
    %swap3A_1323 = arith.constant 0 : index
    %swap3A_1324 = tpu.vector_load %arg9[%swap3A_1322, %swap3A_1323] {strides = array<i32>} : memref<2x64xi32, #tpu.memory_space<vmem>>, vector<16xi32>,
    tpu.vector_store %arg9[%swap3A_1322, %swap3A_1323], %add3A_1320 {strides = array<i32>} : memref<2x64xi32, #tpu.memory_space<vmem>>, vector<16xi32>,
    %add3A_1325 = arith.constant 16 : i32
    %add3A_1326 = arith.addi %add3A_1316, %add3A_1325 : i32
    %add3A_1327 = vector.broadcast %add3A_1326 : i32 to vector<16xi32>
    %add3A_1328 = arith.addi %add3A_1327, %iota3A : vector<16xi32>
    %swap3A_1329 = arith.constant 0 : i32
    %swap3A_1330 = arith.index_cast %swap3A_1329 : i32 to index
    %swap3A_1331 = arith.constant 16 : index
    %swap3A_1332 = tpu.vector_load %arg9[%swap3A_1330, %swap3A_1331] {strides = array<i32>} : memref<2x64xi32, #tpu.memory_space<vmem>>, vector<16xi32>,
    tpu.vector_store %arg9[%swap3A_1330, %swap3A_1331], %add3A_1328 {strides = array<i32>} : memref<2x64xi32, #tpu.memory_space<vmem>>, vector<16xi32>,
    %add3A_1333 = arith.constant 32 : i32
    %add3A_1334 = arith.addi %add3A_1316, %add3A_1333 : i32
    %add3A_1335 = vector.broadcast %add3A_1334 : i32 to vector<16xi32>
    %add3A_1336 = arith.addi %add3A_1335, %iota3A : vector<16xi32>
    %swap3A_1337 = arith.constant 0 : i32
    %swap3A_1338 = arith.index_cast %swap3A_1337 : i32 to index
    %swap3A_1339 = arith.constant 32 : index
    %swap3A_1340 = tpu.vector_load %arg9[%swap3A_1338, %swap3A_1339] {strides = array<i32>} : memref<2x64xi32, #tpu.memory_space<vmem>>, vector<16xi32>,
    tpu.vector_store %arg9[%swap3A_1338, %swap3A_1339], %add3A_1336 {strides = array<i32>} : memref<2x64xi32, #tpu.memory_space<vmem>>, vector<16xi32>,
    %add3A_1341 = arith.constant 48 : i32
    %add3A_1342 = arith.addi %add3A_1316, %add3A_1341 : i32
    %add3A_1343 = vector.broadcast %add3A_1342 : i32 to vector<16xi32>
    %add3A_1344 = arith.addi %add3A_1343, %iota3A : vector<16xi32>
    %swap3A_1345 = arith.constant 0 : i32
    %swap3A_1346 = arith.index_cast %swap3A_1345 : i32 to index
    %swap3A_1347 = arith.constant 48 : index
    %swap3A_1348 = tpu.vector_load %arg9[%swap3A_1346, %swap3A_1347] {strides = array<i32>} : memref<2x64xi32, #tpu.memory_space<vmem>>, vector<16xi32>,
    tpu.vector_store %arg9[%swap3A_1346, %swap3A_1347], %add3A_1344 {strides = array<i32>} : memref<2x64xi32, #tpu.memory_space<vmem>>, vector<16xi32>,
    %dma_start3A_1349 = arith.constant 0 : i32
    %dma_start3A_1350 = arith.constant 0 : i32
    %dma_start3A_1351 = tpu.memref_slice %arg9[%dma_start3A_1349, %dma_start3A_1350] : memref<2x64xi32, #tpu.memory_space<vmem>> -> memref<1x64xi32, #tpu.memory_space<vmem>>
    %dma_start3A_1352 = tpu.memref_squeeze %dma_start3A_1351 : memref<1x64xi32, #tpu.memory_space<vmem>> -> memref<64xi32, #tpu.memory_space<vmem>>
    %dma_start3A_1353 = arith.constant 0 : i32
    %dma_start3A_1354 = arith.constant 0 : i32
    %dma_start3A_1355 = tpu.memref_slice %arg8[%dma_start3A_1353, %dma_start3A_1354] : memref<10240x128xf32, #tpu.memory_space<vmem_shared>> -> memref<10240x128xf32, #tpu.memory_space<vmem_shared>>
    tpu.enqueue_indirect_dma source(%arg12 : memref<64x128xf32, #tpu.memory_space<vmem>>) target(%dma_start3A_1355 : memref<10240x128xf32, #tpu.memory_space<vmem_shared>>) offsets(%dma_start3A_1352 : memref<64xi32, #tpu.memory_space<vmem>>) semaphore(%arg14 : memref<!tpu.dma_semaphore, #tpu.memory_space<semaphore_mem>>)
    %dma_wait3A_1356 = arith.constant 0 : i32
    %dma_wait3A_1357 = arith.constant 0 : i32
    %dma_wait3A_1358 = tpu.memref_slice %arg9[%dma_wait3A_1356, %dma_wait3A_1357] : memref<2x64xi32, #tpu.memory_space<vmem>> -> memref<1x64xi32, #tpu.memory_space<vmem>>
    %dma_wait3A_1359 = tpu.memref_squeeze %dma_wait3A_1358 : memref<1x64xi32, #tpu.memory_space<vmem>> -> memref<64xi32, #tpu.memory_space<vmem>>
    %dma_wait3A_1360 = arith.constant 0 : i32
    %dma_wait3A_1361 = arith.constant 0 : i32
    %dma_wait3A_1362 = tpu.memref_slice %arg8[%dma_wait3A_1360, %dma_wait3A_1361] : memref<10240x128xf32, #tpu.memory_space<vmem_shared>> -> memref<10240x128xf32, #tpu.memory_space<vmem_shared>>
    tpu.wait_indirect_dma semaphore(%arg14 : memref<!tpu.dma_semaphore, #tpu.memory_space<semaphore_mem>>) src(%arg12 : memref<64x128xf32, #tpu.memory_space<vmem>>) dst(%dma_wait3A_1362 : memref<10240x128xf32, #tpu.memory_space<vmem_shared>>)
    %add3A_1363 = arith.constant 448 : i32
    %add3A_1364 = arith.addi %mul3A_2, %add3A_1363 : i32
    %add3A_1365 = arith.constant 0 : i32
    %add3A_1366 = arith.addi %add3A_1364, %add3A_1365 : i32
    %add3A_1367 = vector.broadcast %add3A_1366 : i32 to vector<16xi32>
    %add3A_1368 = arith.addi %add3A_1367, %iota3A : vector<16xi32>
    %swap3A_1369 = arith.constant 0 : i32
    %swap3A_1370 = arith.index_cast %swap3A_1369 : i32 to index
    %swap3A_1371 = arith.constant 0 : index
    %swap3A_1372 = tpu.vector_load %arg9[%swap3A_1370, %swap3A_1371] {strides = array<i32>} : memref<2x64xi32, #tpu.memory_space<vmem>>, vector<16xi32>,
    tpu.vector_store %arg9[%swap3A_1370, %swap3A_1371], %add3A_1368 {strides = array<i32>} : memref<2x64xi32, #tpu.memory_space<vmem>>, vector<16xi32>,
    %add3A_1373 = arith.constant 16 : i32
    %add3A_1374 = arith.addi %add3A_1364, %add3A_1373 : i32
    %add3A_1375 = vector.broadcast %add3A_1374 : i32 to vector<16xi32>
    %add3A_1376 = arith.addi %add3A_1375, %iota3A : vector<16xi32>
    %swap3A_1377 = arith.constant 0 : i32
    %swap3A_1378 = arith.index_cast %swap3A_1377 : i32 to index
    %swap3A_1379 = arith.constant 16 : index
    %swap3A_1380 = tpu.vector_load %arg9[%swap3A_1378, %swap3A_1379] {strides = array<i32>} : memref<2x64xi32, #tpu.memory_space<vmem>>, vector<16xi32>,
    tpu.vector_store %arg9[%swap3A_1378, %swap3A_1379], %add3A_1376 {strides = array<i32>} : memref<2x64xi32, #tpu.memory_space<vmem>>, vector<16xi32>,
    %add3A_1381 = arith.constant 32 : i32
    %add3A_1382 = arith.addi %add3A_1364, %add3A_1381 : i32
    %add3A_1383 = vector.broadcast %add3A_1382 : i32 to vector<16xi32>
    %add3A_1384 = arith.addi %add3A_1383, %iota3A : vector<16xi32>
    %swap3A_1385 = arith.constant 0 : i32
    %swap3A_1386 = arith.index_cast %swap3A_1385 : i32 to index
    %swap3A_1387 = arith.constant 32 : index
    %swap3A_1388 = tpu.vector_load %arg9[%swap3A_1386, %swap3A_1387] {strides = array<i32>} : memref<2x64xi32, #tpu.memory_space<vmem>>, vector<16xi32>,
    tpu.vector_store %arg9[%swap3A_1386, %swap3A_1387], %add3A_1384 {strides = array<i32>} : memref<2x64xi32, #tpu.memory_space<vmem>>, vector<16xi32>,
    %add3A_1389 = arith.constant 48 : i32
    %add3A_1390 = arith.addi %add3A_1364, %add3A_1389 : i32
    %add3A_1391 = vector.broadcast %add3A_1390 : i32 to vector<16xi32>
    %add3A_1392 = arith.addi %add3A_1391, %iota3A : vector<16xi32>
    %swap3A_1393 = arith.constant 0 : i32
    %swap3A_1394 = arith.index_cast %swap3A_1393 : i32 to index
    %swap3A_1395 = arith.constant 48 : index
    %swap3A_1396 = tpu.vector_load %arg9[%swap3A_1394, %swap3A_1395] {strides = array<i32>} : memref<2x64xi32, #tpu.memory_space<vmem>>, vector<16xi32>,
    tpu.vector_store %arg9[%swap3A_1394, %swap3A_1395], %add3A_1392 {strides = array<i32>} : memref<2x64xi32, #tpu.memory_space<vmem>>, vector<16xi32>,
    %dma_start3A_1397 = arith.constant 0 : i32
    %dma_start3A_1398 = arith.constant 0 : i32
    %dma_start3A_1399 = tpu.memref_slice %arg9[%dma_start3A_1397, %dma_start3A_1398] : memref<2x64xi32, #tpu.memory_space<vmem>> -> memref<1x64xi32, #tpu.memory_space<vmem>>
    %dma_start3A_1400 = tpu.memref_squeeze %dma_start3A_1399 : memref<1x64xi32, #tpu.memory_space<vmem>> -> memref<64xi32, #tpu.memory_space<vmem>>
    %dma_start3A_1401 = arith.constant 0 : i32
    %dma_start3A_1402 = arith.constant 0 : i32
    %dma_start3A_1403 = tpu.memref_slice %arg8[%dma_start3A_1401, %dma_start3A_1402] : memref<10240x128xf32, #tpu.memory_space<vmem_shared>> -> memref<10240x128xf32, #tpu.memory_space<vmem_shared>>
    tpu.enqueue_indirect_dma source(%arg12 : memref<64x128xf32, #tpu.memory_space<vmem>>) target(%dma_start3A_1403 : memref<10240x128xf32, #tpu.memory_space<vmem_shared>>) offsets(%dma_start3A_1400 : memref<64xi32, #tpu.memory_space<vmem>>) semaphore(%arg14 : memref<!tpu.dma_semaphore, #tpu.memory_space<semaphore_mem>>)
    %dma_wait3A_1404 = arith.constant 0 : i32
    %dma_wait3A_1405 = arith.constant 0 : i32
    %dma_wait3A_1406 = tpu.memref_slice %arg9[%dma_wait3A_1404, %dma_wait3A_1405] : memref<2x64xi32, #tpu.memory_space<vmem>> -> memref<1x64xi32, #tpu.memory_space<vmem>>
    %dma_wait3A_1407 = tpu.memref_squeeze %dma_wait3A_1406 : memref<1x64xi32, #tpu.memory_space<vmem>> -> memref<64xi32, #tpu.memory_space<vmem>>
    %dma_wait3A_1408 = arith.constant 0 : i32
    %dma_wait3A_1409 = arith.constant 0 : i32
    %dma_wait3A_1410 = tpu.memref_slice %arg8[%dma_wait3A_1408, %dma_wait3A_1409] : memref<10240x128xf32, #tpu.memory_space<vmem_shared>> -> memref<10240x128xf32, #tpu.memory_space<vmem_shared>>
    tpu.wait_indirect_dma semaphore(%arg14 : memref<!tpu.dma_semaphore, #tpu.memory_space<semaphore_mem>>) src(%arg12 : memref<64x128xf32, #tpu.memory_space<vmem>>) dst(%dma_wait3A_1410 : memref<10240x128xf32, #tpu.memory_space<vmem_shared>>)
    %add3A_1411 = arith.constant 512 : i32
    %add3A_1412 = arith.addi %mul3A_2, %add3A_1411 : i32
    %add3A_1413 = arith.constant 0 : i32
    %add3A_1414 = arith.addi %add3A_1412, %add3A_1413 : i32
    %add3A_1415 = vector.broadcast %add3A_1414 : i32 to vector<16xi32>
    %add3A_1416 = arith.addi %add3A_1415, %iota3A : vector<16xi32>
    %swap3A_1417 = arith.constant 0 : i32
    %swap3A_1418 = arith.index_cast %swap3A_1417 : i32 to index
    %swap3A_1419 = arith.constant 0 : index
    %swap3A_1420 = tpu.vector_load %arg9[%swap3A_1418, %swap3A_1419] {strides = array<i32>} : memref<2x64xi32, #tpu.memory_space<vmem>>, vector<16xi32>,
    tpu.vector_store %arg9[%swap3A_1418, %swap3A_1419], %add3A_1416 {strides = array<i32>} : memref<2x64xi32, #tpu.memory_space<vmem>>, vector<16xi32>,
    %add3A_1421 = arith.constant 16 : i32
    %add3A_1422 = arith.addi %add3A_1412, %add3A_1421 : i32
    %add3A_1423 = vector.broadcast %add3A_1422 : i32 to vector<16xi32>
    %add3A_1424 = arith.addi %add3A_1423, %iota3A : vector<16xi32>
    %swap3A_1425 = arith.constant 0 : i32
    %swap3A_1426 = arith.index_cast %swap3A_1425 : i32 to index
    %swap3A_1427 = arith.constant 16 : index
    %swap3A_1428 = tpu.vector_load %arg9[%swap3A_1426, %swap3A_1427] {strides = array<i32>} : memref<2x64xi32, #tpu.memory_space<vmem>>, vector<16xi32>,
    tpu.vector_store %arg9[%swap3A_1426, %swap3A_1427], %add3A_1424 {strides = array<i32>} : memref<2x64xi32, #tpu.memory_space<vmem>>, vector<16xi32>,
    %add3A_1429 = arith.constant 32 : i32
    %add3A_1430 = arith.addi %add3A_1412, %add3A_1429 : i32
    %add3A_1431 = vector.broadcast %add3A_1430 : i32 to vector<16xi32>
    %add3A_1432 = arith.addi %add3A_1431, %iota3A : vector<16xi32>
    %swap3A_1433 = arith.constant 0 : i32
    %swap3A_1434 = arith.index_cast %swap3A_1433 : i32 to index
    %swap3A_1435 = arith.constant 32 : index
    %swap3A_1436 = tpu.vector_load %arg9[%swap3A_1434, %swap3A_1435] {strides = array<i32>} : memref<2x64xi32, #tpu.memory_space<vmem>>, vector<16xi32>,
    tpu.vector_store %arg9[%swap3A_1434, %swap3A_1435], %add3A_1432 {strides = array<i32>} : memref<2x64xi32, #tpu.memory_space<vmem>>, vector<16xi32>,
    %add3A_1437 = arith.constant 48 : i32
    %add3A_1438 = arith.addi %add3A_1412, %add3A_1437 : i32
    %add3A_1439 = vector.broadcast %add3A_1438 : i32 to vector<16xi32>
    %add3A_1440 = arith.addi %add3A_1439, %iota3A : vector<16xi32>
    %swap3A_1441 = arith.constant 0 : i32
    %swap3A_1442 = arith.index_cast %swap3A_1441 : i32 to index
    %swap3A_1443 = arith.constant 48 : index
    %swap3A_1444 = tpu.vector_load %arg9[%swap3A_1442, %swap3A_1443] {strides = array<i32>} : memref<2x64xi32, #tpu.memory_space<vmem>>, vector<16xi32>,
    tpu.vector_store %arg9[%swap3A_1442, %swap3A_1443], %add3A_1440 {strides = array<i32>} : memref<2x64xi32, #tpu.memory_space<vmem>>, vector<16xi32>,
    %dma_start3A_1445 = arith.constant 0 : i32
    %dma_start3A_1446 = arith.constant 0 : i32
    %dma_start3A_1447 = tpu.memref_slice %arg9[%dma_start3A_1445, %dma_start3A_1446] : memref<2x64xi32, #tpu.memory_space<vmem>> -> memref<1x64xi32, #tpu.memory_space<vmem>>
    %dma_start3A_1448 = tpu.memref_squeeze %dma_start3A_1447 : memref<1x64xi32, #tpu.memory_space<vmem>> -> memref<64xi32, #tpu.memory_space<vmem>>
    %dma_start3A_1449 = arith.constant 0 : i32
    %dma_start3A_1450 = arith.constant 0 : i32
    %dma_start3A_1451 = tpu.memref_slice %arg8[%dma_start3A_1449, %dma_start3A_1450] : memref<10240x128xf32, #tpu.memory_space<vmem_shared>> -> memref<10240x128xf32, #tpu.memory_space<vmem_shared>>
    tpu.enqueue_indirect_dma source(%arg12 : memref<64x128xf32, #tpu.memory_space<vmem>>) target(%dma_start3A_1451 : memref<10240x128xf32, #tpu.memory_space<vmem_shared>>) offsets(%dma_start3A_1448 : memref<64xi32, #tpu.memory_space<vmem>>) semaphore(%arg14 : memref<!tpu.dma_semaphore, #tpu.memory_space<semaphore_mem>>)
    %dma_wait3A_1452 = arith.constant 0 : i32
    %dma_wait3A_1453 = arith.constant 0 : i32
    %dma_wait3A_1454 = tpu.memref_slice %arg9[%dma_wait3A_1452, %dma_wait3A_1453] : memref<2x64xi32, #tpu.memory_space<vmem>> -> memref<1x64xi32, #tpu.memory_space<vmem>>
    %dma_wait3A_1455 = tpu.memref_squeeze %dma_wait3A_1454 : memref<1x64xi32, #tpu.memory_space<vmem>> -> memref<64xi32, #tpu.memory_space<vmem>>
    %dma_wait3A_1456 = arith.constant 0 : i32
    %dma_wait3A_1457 = arith.constant 0 : i32
    %dma_wait3A_1458 = tpu.memref_slice %arg8[%dma_wait3A_1456, %dma_wait3A_1457] : memref<10240x128xf32, #tpu.memory_space<vmem_shared>> -> memref<10240x128xf32, #tpu.memory_space<vmem_shared>>
    tpu.wait_indirect_dma semaphore(%arg14 : memref<!tpu.dma_semaphore, #tpu.memory_space<semaphore_mem>>) src(%arg12 : memref<64x128xf32, #tpu.memory_space<vmem>>) dst(%dma_wait3A_1458 : memref<10240x128xf32, #tpu.memory_space<vmem_shared>>)
    %add3A_1459 = arith.constant 576 : i32
    %add3A_1460 = arith.addi %mul3A_2, %add3A_1459 : i32
    %add3A_1461 = arith.constant 0 : i32
    %add3A_1462 = arith.addi %add3A_1460, %add3A_1461 : i32
    %add3A_1463 = vector.broadcast %add3A_1462 : i32 to vector<16xi32>
    %add3A_1464 = arith.addi %add3A_1463, %iota3A : vector<16xi32>
    %swap3A_1465 = arith.constant 0 : i32
    %swap3A_1466 = arith.index_cast %swap3A_1465 : i32 to index
    %swap3A_1467 = arith.constant 0 : index
    %swap3A_1468 = tpu.vector_load %arg9[%swap3A_1466, %swap3A_1467] {strides = array<i32>} : memref<2x64xi32, #tpu.memory_space<vmem>>, vector<16xi32>,
    tpu.vector_store %arg9[%swap3A_1466, %swap3A_1467], %add3A_1464 {strides = array<i32>} : memref<2x64xi32, #tpu.memory_space<vmem>>, vector<16xi32>,
    %add3A_1469 = arith.constant 16 : i32
    %add3A_1470 = arith.addi %add3A_1460, %add3A_1469 : i32
    %add3A_1471 = vector.broadcast %add3A_1470 : i32 to vector<16xi32>
    %add3A_1472 = arith.addi %add3A_1471, %iota3A : vector<16xi32>
    %swap3A_1473 = arith.constant 0 : i32
    %swap3A_1474 = arith.index_cast %swap3A_1473 : i32 to index
    %swap3A_1475 = arith.constant 16 : index
    %swap3A_1476 = tpu.vector_load %arg9[%swap3A_1474, %swap3A_1475] {strides = array<i32>} : memref<2x64xi32, #tpu.memory_space<vmem>>, vector<16xi32>,
    tpu.vector_store %arg9[%swap3A_1474, %swap3A_1475], %add3A_1472 {strides = array<i32>} : memref<2x64xi32, #tpu.memory_space<vmem>>, vector<16xi32>,
    %add3A_1477 = arith.constant 32 : i32
    %add3A_1478 = arith.addi %add3A_1460, %add3A_1477 : i32
    %add3A_1479 = vector.broadcast %add3A_1478 : i32 to vector<16xi32>
    %add3A_1480 = arith.addi %add3A_1479, %iota3A : vector<16xi32>
    %swap3A_1481 = arith.constant 0 : i32
    %swap3A_1482 = arith.index_cast %swap3A_1481 : i32 to index
    %swap3A_1483 = arith.constant 32 : index
    %swap3A_1484 = tpu.vector_load %arg9[%swap3A_1482, %swap3A_1483] {strides = array<i32>} : memref<2x64xi32, #tpu.memory_space<vmem>>, vector<16xi32>,
    tpu.vector_store %arg9[%swap3A_1482, %swap3A_1483], %add3A_1480 {strides = array<i32>} : memref<2x64xi32, #tpu.memory_space<vmem>>, vector<16xi32>,
    %add3A_1485 = arith.constant 48 : i32
    %add3A_1486 = arith.addi %add3A_1460, %add3A_1485 : i32
    %add3A_1487 = vector.broadcast %add3A_1486 : i32 to vector<16xi32>
    %add3A_1488 = arith.addi %add3A_1487, %iota3A : vector<16xi32>
    %swap3A_1489 = arith.constant 0 : i32
    %swap3A_1490 = arith.index_cast %swap3A_1489 : i32 to index
    %swap3A_1491 = arith.constant 48 : index
    %swap3A_1492 = tpu.vector_load %arg9[%swap3A_1490, %swap3A_1491] {strides = array<i32>} : memref<2x64xi32, #tpu.memory_space<vmem>>, vector<16xi32>,
    tpu.vector_store %arg9[%swap3A_1490, %swap3A_1491], %add3A_1488 {strides = array<i32>} : memref<2x64xi32, #tpu.memory_space<vmem>>, vector<16xi32>,
    %dma_start3A_1493 = arith.constant 0 : i32
    %dma_start3A_1494 = arith.constant 0 : i32
    %dma_start3A_1495 = tpu.memref_slice %arg9[%dma_start3A_1493, %dma_start3A_1494] : memref<2x64xi32, #tpu.memory_space<vmem>> -> memref<1x64xi32, #tpu.memory_space<vmem>>
    %dma_start3A_1496 = tpu.memref_squeeze %dma_start3A_1495 : memref<1x64xi32, #tpu.memory_space<vmem>> -> memref<64xi32, #tpu.memory_space<vmem>>
    %dma_start3A_1497 = arith.constant 0 : i32
    %dma_start3A_1498 = arith.constant 0 : i32
    %dma_start3A_1499 = tpu.memref_slice %arg8[%dma_start3A_1497, %dma_start3A_1498] : memref<10240x128xf32, #tpu.memory_space<vmem_shared>> -> memref<10240x128xf32, #tpu.memory_space<vmem_shared>>
    tpu.enqueue_indirect_dma source(%arg12 : memref<64x128xf32, #tpu.memory_space<vmem>>) target(%dma_start3A_1499 : memref<10240x128xf32, #tpu.memory_space<vmem_shared>>) offsets(%dma_start3A_1496 : memref<64xi32, #tpu.memory_space<vmem>>) semaphore(%arg14 : memref<!tpu.dma_semaphore, #tpu.memory_space<semaphore_mem>>)
    %dma_wait3A_1500 = arith.constant 0 : i32
    %dma_wait3A_1501 = arith.constant 0 : i32
    %dma_wait3A_1502 = tpu.memref_slice %arg9[%dma_wait3A_1500, %dma_wait3A_1501] : memref<2x64xi32, #tpu.memory_space<vmem>> -> memref<1x64xi32, #tpu.memory_space<vmem>>
    %dma_wait3A_1503 = tpu.memref_squeeze %dma_wait3A_1502 : memref<1x64xi32, #tpu.memory_space<vmem>> -> memref<64xi32, #tpu.memory_space<vmem>>
    %dma_wait3A_1504 = arith.constant 0 : i32
    %dma_wait3A_1505 = arith.constant 0 : i32
    %dma_wait3A_1506 = tpu.memref_slice %arg8[%dma_wait3A_1504, %dma_wait3A_1505] : memref<10240x128xf32, #tpu.memory_space<vmem_shared>> -> memref<10240x128xf32, #tpu.memory_space<vmem_shared>>
    tpu.wait_indirect_dma semaphore(%arg14 : memref<!tpu.dma_semaphore, #tpu.memory_space<semaphore_mem>>) src(%arg12 : memref<64x128xf32, #tpu.memory_space<vmem>>) dst(%dma_wait3A_1506 : memref<10240x128xf32, #tpu.memory_space<vmem_shared>>)
    %barrier3A_1507 = arith.constant 0 : index
    tpu.barrier barrier_id(%barrier3A_1507)
    %add3A_1508 = arith.constant 0 : i32
    %add3A_1509 = arith.addi %mul3A_2, %add3A_1508 : i32
    %add3A_1510 = vector.broadcast %add3A_1509 : i32 to vector<16xi32>
    %add3A_1511 = arith.addi %add3A_1510, %iota3A : vector<16xi32>
    %swap3A_1512 = arith.constant 0 : i32
    %swap3A_1513 = arith.index_cast %swap3A_1512 : i32 to index
    %swap3A_1514 = arith.constant 0 : index
    %swap3A_1515 = tpu.vector_load %arg9[%swap3A_1513, %swap3A_1514] {strides = array<i32>} : memref<2x64xi32, #tpu.memory_space<vmem>>, vector<16xi32>,
    tpu.vector_store %arg9[%swap3A_1513, %swap3A_1514], %add3A_1511 {strides = array<i32>} : memref<2x64xi32, #tpu.memory_space<vmem>>, vector<16xi32>,
    %add3A_1516 = arith.constant 16 : i32
    %add3A_1517 = arith.addi %mul3A_2, %add3A_1516 : i32
    %add3A_1518 = vector.broadcast %add3A_1517 : i32 to vector<16xi32>
    %add3A_1519 = arith.addi %add3A_1518, %iota3A : vector<16xi32>
    %swap3A_1520 = arith.constant 0 : i32
    %swap3A_1521 = arith.index_cast %swap3A_1520 : i32 to index
    %swap3A_1522 = arith.constant 16 : index
    %swap3A_1523 = tpu.vector_load %arg9[%swap3A_1521, %swap3A_1522] {strides = array<i32>} : memref<2x64xi32, #tpu.memory_space<vmem>>, vector<16xi32>,
    tpu.vector_store %arg9[%swap3A_1521, %swap3A_1522], %add3A_1519 {strides = array<i32>} : memref<2x64xi32, #tpu.memory_space<vmem>>, vector<16xi32>,
    %add3A_1524 = arith.constant 32 : i32
    %add3A_1525 = arith.addi %mul3A_2, %add3A_1524 : i32
    %add3A_1526 = vector.broadcast %add3A_1525 : i32 to vector<16xi32>
    %add3A_1527 = arith.addi %add3A_1526, %iota3A : vector<16xi32>
    %swap3A_1528 = arith.constant 0 : i32
    %swap3A_1529 = arith.index_cast %swap3A_1528 : i32 to index
    %swap3A_1530 = arith.constant 32 : index
    %swap3A_1531 = tpu.vector_load %arg9[%swap3A_1529, %swap3A_1530] {strides = array<i32>} : memref<2x64xi32, #tpu.memory_space<vmem>>, vector<16xi32>,
    tpu.vector_store %arg9[%swap3A_1529, %swap3A_1530], %add3A_1527 {strides = array<i32>} : memref<2x64xi32, #tpu.memory_space<vmem>>, vector<16xi32>,
    %add3A_1532 = arith.constant 48 : i32
    %add3A_1533 = arith.addi %mul3A_2, %add3A_1532 : i32
    %add3A_1534 = vector.broadcast %add3A_1533 : i32 to vector<16xi32>
    %add3A_1535 = arith.addi %add3A_1534, %iota3A : vector<16xi32>
    %swap3A_1536 = arith.constant 0 : i32
    %swap3A_1537 = arith.index_cast %swap3A_1536 : i32 to index
    %swap3A_1538 = arith.constant 48 : index
    %swap3A_1539 = tpu.vector_load %arg9[%swap3A_1537, %swap3A_1538] {strides = array<i32>} : memref<2x64xi32, #tpu.memory_space<vmem>>, vector<16xi32>,
    tpu.vector_store %arg9[%swap3A_1537, %swap3A_1538], %add3A_1535 {strides = array<i32>} : memref<2x64xi32, #tpu.memory_space<vmem>>, vector<16xi32>,
    %dma_start3A_1540 = arith.constant 0 : i32
    %dma_start3A_1541 = arith.constant 0 : i32
    %dma_start3A_1542 = tpu.memref_slice %arg9[%dma_start3A_1540, %dma_start3A_1541] : memref<2x64xi32, #tpu.memory_space<vmem>> -> memref<1x64xi32, #tpu.memory_space<vmem>>
    %dma_start3A_1543 = tpu.memref_squeeze %dma_start3A_1542 : memref<1x64xi32, #tpu.memory_space<vmem>> -> memref<64xi32, #tpu.memory_space<vmem>>
    %dma_start3A_1544 = arith.constant 0 : i32
    %dma_start3A_1545 = arith.constant 0 : i32
    %dma_start3A_1546 = tpu.memref_slice %arg8[%dma_start3A_1544, %dma_start3A_1545] : memref<10240x128xf32, #tpu.memory_space<vmem_shared>> -> memref<10240x128xf32, #tpu.memory_space<vmem_shared>>
    tpu.enqueue_indirect_dma source(%arg12 : memref<64x128xf32, #tpu.memory_space<vmem>>) target(%dma_start3A_1546 : memref<10240x128xf32, #tpu.memory_space<vmem_shared>>) offsets(%dma_start3A_1543 : memref<64xi32, #tpu.memory_space<vmem>>) semaphore(%arg16 : memref<!tpu.dma_semaphore, #tpu.memory_space<semaphore_mem>>) {add = true}
    %while3A_1547 = arith.constant 0 : i32
    %while3A_1548 = arith.subi %select_n3A, %while3A_1547 : i32
    %while3A_1549 = arith.addi %while3A_1547, %while3A_1548 : i32
    %while3A_1550 = arith.constant 1 : i32
    %while3A_1551 = arith.divsi %while3A_1548, %while3A_1550 : i32
    %while3A_1552 = arith.muli %while3A_1551, %while3A_1550 : i32
    %while3A_1553 = arith.addi %while3A_1547, %while3A_1552 : i32
    %while3A_1554 = arith.constant 1 : i32
    scf.for %while3A_2043 = %while3A_1547 to %while3A_1553 step %while3A_1554  : i32 {
      %mul3A_2044 = arith.constant 32 : i32
      %mul3A_2045 = arith.muli %while3A_2043, %mul3A_2044 : i32
      %add3A_2046 = arith.addi %mul3A_2045, %add3A : i32
      %mul3A_2047 = arith.constant 64 : i32
      %mul3A_2048 = arith.muli %add3A_2046, %mul3A_2047 : i32
      %multiple_of3A = tpu.assume_multiple %mul3A_2048, 64 : i32
      "tpu.region"() ({
        %run_scoped3A = tpu.sem_alloc : memref<!tpu.dma_semaphore, #tpu.memory_space<semaphore_mem>>
        %dma_start3A_2067 = arith.constant 0 : i32
        %dma_start3A_2068 = arith.constant 0 : i32
        %dma_start3A_2069 = tpu.memref_slice %arg4[%add3A_2046, %dma_start3A_2067, %dma_start3A_2068] : memref<5000x2x64xi32, #tpu.memory_space<hbm>> -> memref<1x2x64xi32, #tpu.memory_space<hbm>>
        %dma_start3A_2070 = tpu.memref_squeeze %dma_start3A_2069 : memref<1x2x64xi32, #tpu.memory_space<hbm>> -> memref<2x64xi32, #tpu.memory_space<hbm>>
        %dma_start3A_2071 = arith.constant 0 : i32
        %dma_start3A_2072 = arith.constant 0 : i32
        %dma_start3A_2073 = tpu.memref_slice %arg4[%add3A_2046, %dma_start3A_2071, %dma_start3A_2072] : memref<5000x2x64xi32, #tpu.memory_space<hbm>> -> memref<1x2x64xi32, #tpu.memory_space<hbm>>
        %dma_start3A_2074 = tpu.memref_squeeze %dma_start3A_2073 : memref<1x2x64xi32, #tpu.memory_space<hbm>> -> memref<2x64xi32, #tpu.memory_space<hbm>>
        tpu.enqueue_dma source(%dma_start3A_2074 : memref<2x64xi32, #tpu.memory_space<hbm>>) target(%arg9 : memref<2x64xi32, #tpu.memory_space<vmem>>) target_semaphore(%run_scoped3A : memref<!tpu.dma_semaphore, #tpu.memory_space<semaphore_mem>>)
        %dma_wait3A_2075 = arith.constant 0 : i32
        %dma_wait3A_2076 = arith.constant 0 : i32
        %dma_wait3A_2077 = tpu.memref_slice %arg4[%add3A_2046, %dma_wait3A_2075, %dma_wait3A_2076] : memref<5000x2x64xi32, #tpu.memory_space<hbm>> -> memref<1x2x64xi32, #tpu.memory_space<hbm>>
        %dma_wait3A_2078 = tpu.memref_squeeze %dma_wait3A_2077 : memref<1x2x64xi32, #tpu.memory_space<hbm>> -> memref<2x64xi32, #tpu.memory_space<hbm>>
        %dma_wait3A_2079 = arith.constant 0 : i32
        %dma_wait3A_2080 = arith.constant 0 : i32
        %dma_wait3A_2081 = tpu.memref_slice %arg4[%add3A_2046, %dma_wait3A_2079, %dma_wait3A_2080] : memref<5000x2x64xi32, #tpu.memory_space<hbm>> -> memref<1x2x64xi32, #tpu.memory_space<hbm>>
        %dma_wait3A_2082 = tpu.memref_squeeze %dma_wait3A_2081 : memref<1x2x64xi32, #tpu.memory_space<hbm>> -> memref<2x64xi32, #tpu.memory_space<hbm>>
        tpu.wait_dma2 semaphore(%run_scoped3A : memref<!tpu.dma_semaphore, #tpu.memory_space<semaphore_mem>>) src(%dma_wait3A_2082 : memref<2x64xi32, #tpu.memory_space<hbm>>) dst(%arg9 : memref<2x64xi32, #tpu.memory_space<vmem>>)
        tpu.yield
      }) : () -> ()
      "tpu.region"() ({
        %run_scoped3A = tpu.sem_alloc : memref<!tpu.dma_semaphore, #tpu.memory_space<semaphore_mem>>
        %dma_start3A_2067 = arith.constant 0 : i32
        %dma_start3A_2068 = tpu.memref_slice %arg7[%multiple_of3A, %dma_start3A_2067] : memref<320000x16xf32, #tpu.memory_space<hbm>> -> memref<64x16xf32, #tpu.memory_space<hbm>>
        %dma_start3A_2069 = arith.constant 0 : i32
        %dma_start3A_2070 = tpu.memref_slice %arg7[%multiple_of3A, %dma_start3A_2069] : memref<320000x16xf32, #tpu.memory_space<hbm>> -> memref<64x16xf32, #tpu.memory_space<hbm>>
        tpu.enqueue_dma source(%dma_start3A_2070 : memref<64x16xf32, #tpu.memory_space<hbm>>) target(%arg13 : memref<64x16xf32, #tpu.memory_space<vmem>>) target_semaphore(%run_scoped3A : memref<!tpu.dma_semaphore, #tpu.memory_space<semaphore_mem>>)
        %dma_wait3A_2071 = arith.constant 0 : i32
        %dma_wait3A_2072 = tpu.memref_slice %arg7[%multiple_of3A, %dma_wait3A_2071] : memref<320000x16xf32, #tpu.memory_space<hbm>> -> memref<64x16xf32, #tpu.memory_space<hbm>>
        %dma_wait3A_2073 = arith.constant 0 : i32
        %dma_wait3A_2074 = tpu.memref_slice %arg7[%multiple_of3A, %dma_wait3A_2073] : memref<320000x16xf32, #tpu.memory_space<hbm>> -> memref<64x16xf32, #tpu.memory_space<hbm>>
        tpu.wait_dma2 semaphore(%run_scoped3A : memref<!tpu.dma_semaphore, #tpu.memory_space<semaphore_mem>>) src(%dma_wait3A_2074 : memref<64x16xf32, #tpu.memory_space<hbm>>) dst(%arg13 : memref<64x16xf32, #tpu.memory_space<vmem>>)
        tpu.yield
      }) : () -> ()
      %dma_wait3A_2049 = arith.constant 0 : i32
      %dma_wait3A_2050 = arith.constant 0 : i32
      %dma_wait3A_2051 = tpu.memref_slice %arg2[%dma_wait3A_2049, %dma_wait3A_2050] : memref<10000x128xf32, #tpu.memory_space<hbm>> -> memref<64x128xf32, #tpu.memory_space<hbm>>
      %dma_wait3A_2052 = arith.constant 0 : i32
      %dma_wait3A_2053 = arith.constant 0 : i32
      %dma_wait3A_2054 = tpu.memref_slice %arg2[%dma_wait3A_2052, %dma_wait3A_2053] : memref<10000x128xf32, #tpu.memory_space<hbm>> -> memref<64x128xf32, #tpu.memory_space<hbm>>
      tpu.wait_dma2 semaphore(%arg16 : memref<!tpu.dma_semaphore, #tpu.memory_space<semaphore_mem>>) src(%dma_wait3A_2054 : memref<64x128xf32, #tpu.memory_space<hbm>>) dst(%arg12 : memref<64x128xf32, #tpu.memory_space<vmem>>)
      %scan3A_2055 = arith.constant 0 : i32
      %scan3A_2056 = arith.constant 4 : i32
      %scan3A_2057 = arith.addi %scan3A_2055, %scan3A_2056 : i32
      %scan3A_2058 = arith.constant 1 : i32
      scf.for %scan3A_2067 = %scan3A_2055 to %scan3A_2057 step %scan3A_2058  : i32 {
        %mul3A_2068 = arith.constant 16 : i32
        %mul3A_2069 = arith.muli %scan3A_2067, %mul3A_2068 : i32
        %add3A_2070 = vector.broadcast %mul3A_2069 : i32 to vector<16xi32>
        %add3A_2071 = arith.addi %add3A_2070, %iota3A : vector<16xi32>
        %broadcast_in_dim3A_2072 = arith.constant 0 : i32
        %broadcast_in_dim3A_2073 = vector.broadcast %broadcast_in_dim3A_2072 : i32 to vector<16xi32>
        %gather3A = tpu.vector_load_idx %arg13[%add3A_2071, %broadcast_in_dim3A_2073] : memref<64x16xf32, #tpu.memory_space<vmem>>[vector<16xi32>, vector<16xi32>], vector<16xf32>,
        %broadcast_in_dim3A_2074 = arith.constant 0 : i32
        %broadcast_in_dim3A_2075 = vector.broadcast %broadcast_in_dim3A_2074 : i32 to vector<16xi32>
        tpu.vector_store_idx %arg12[%add3A_2071, %broadcast_in_dim3A_2075], %gather3A : memref<64x128xf32, #tpu.memory_space<vmem>>[vector<16xi32>, vector<16xi32>], vector<16xf32>,
        %broadcast_in_dim3A_2076 = arith.constant 1 : i32
        %broadcast_in_dim3A_2077 = vector.broadcast %broadcast_in_dim3A_2076 : i32 to vector<16xi32>
        %gather3A_2078 = tpu.vector_load_idx %arg13[%add3A_2071, %broadcast_in_dim3A_2077] : memref<64x16xf32, #tpu.memory_space<vmem>>[vector<16xi32>, vector<16xi32>], vector<16xf32>,
        %broadcast_in_dim3A_2079 = arith.constant 16 : i32
        %broadcast_in_dim3A_2080 = vector.broadcast %broadcast_in_dim3A_2079 : i32 to vector<16xi32>
        tpu.vector_store_idx %arg12[%add3A_2071, %broadcast_in_dim3A_2080], %gather3A_2078 : memref<64x128xf32, #tpu.memory_space<vmem>>[vector<16xi32>, vector<16xi32>], vector<16xf32>,
        %broadcast_in_dim3A_2081 = arith.constant 2 : i32
        %broadcast_in_dim3A_2082 = vector.broadcast %broadcast_in_dim3A_2081 : i32 to vector<16xi32>
        %gather3A_2083 = tpu.vector_load_idx %arg13[%add3A_2071, %broadcast_in_dim3A_2082] : memref<64x16xf32, #tpu.memory_space<vmem>>[vector<16xi32>, vector<16xi32>], vector<16xf32>,
        %broadcast_in_dim3A_2084 = arith.constant 32 : i32
        %broadcast_in_dim3A_2085 = vector.broadcast %broadcast_in_dim3A_2084 : i32 to vector<16xi32>
        tpu.vector_store_idx %arg12[%add3A_2071, %broadcast_in_dim3A_2085], %gather3A_2083 : memref<64x128xf32, #tpu.memory_space<vmem>>[vector<16xi32>, vector<16xi32>], vector<16xf32>,
        %broadcast_in_dim3A_2086 = arith.constant 3 : i32
        %broadcast_in_dim3A_2087 = vector.broadcast %broadcast_in_dim3A_2086 : i32 to vector<16xi32>
        %gather3A_2088 = tpu.vector_load_idx %arg13[%add3A_2071, %broadcast_in_dim3A_2087] : memref<64x16xf32, #tpu.memory_space<vmem>>[vector<16xi32>, vector<16xi32>], vector<16xf32>,
        %broadcast_in_dim3A_2089 = arith.constant 48 : i32
        %broadcast_in_dim3A_2090 = vector.broadcast %broadcast_in_dim3A_2089 : i32 to vector<16xi32>
        tpu.vector_store_idx %arg12[%add3A_2071, %broadcast_in_dim3A_2090], %gather3A_2088 : memref<64x128xf32, #tpu.memory_space<vmem>>[vector<16xi32>, vector<16xi32>], vector<16xf32>,
        %broadcast_in_dim3A_2091 = arith.constant 4 : i32
        %broadcast_in_dim3A_2092 = vector.broadcast %broadcast_in_dim3A_2091 : i32 to vector<16xi32>
        %gather3A_2093 = tpu.vector_load_idx %arg13[%add3A_2071, %broadcast_in_dim3A_2092] : memref<64x16xf32, #tpu.memory_space<vmem>>[vector<16xi32>, vector<16xi32>], vector<16xf32>,
        %broadcast_in_dim3A_2094 = arith.constant 64 : i32
        %broadcast_in_dim3A_2095 = vector.broadcast %broadcast_in_dim3A_2094 : i32 to vector<16xi32>
        tpu.vector_store_idx %arg12[%add3A_2071, %broadcast_in_dim3A_2095], %gather3A_2093 : memref<64x128xf32, #tpu.memory_space<vmem>>[vector<16xi32>, vector<16xi32>], vector<16xf32>,
        %broadcast_in_dim3A_2096 = arith.constant 5 : i32
        %broadcast_in_dim3A_2097 = vector.broadcast %broadcast_in_dim3A_2096 : i32 to vector<16xi32>
        %gather3A_2098 = tpu.vector_load_idx %arg13[%add3A_2071, %broadcast_in_dim3A_2097] : memref<64x16xf32, #tpu.memory_space<vmem>>[vector<16xi32>, vector<16xi32>], vector<16xf32>,
        %broadcast_in_dim3A_2099 = arith.constant 80 : i32
        %broadcast_in_dim3A_2100 = vector.broadcast %broadcast_in_dim3A_2099 : i32 to vector<16xi32>
        tpu.vector_store_idx %arg12[%add3A_2071, %broadcast_in_dim3A_2100], %gather3A_2098 : memref<64x128xf32, #tpu.memory_space<vmem>>[vector<16xi32>, vector<16xi32>], vector<16xf32>,
        %broadcast_in_dim3A_2101 = arith.constant 6 : i32
        %broadcast_in_dim3A_2102 = vector.broadcast %broadcast_in_dim3A_2101 : i32 to vector<16xi32>
        %gather3A_2103 = tpu.vector_load_idx %arg13[%add3A_2071, %broadcast_in_dim3A_2102] : memref<64x16xf32, #tpu.memory_space<vmem>>[vector<16xi32>, vector<16xi32>], vector<16xf32>,
        %broadcast_in_dim3A_2104 = arith.constant 96 : i32
        %broadcast_in_dim3A_2105 = vector.broadcast %broadcast_in_dim3A_2104 : i32 to vector<16xi32>
        tpu.vector_store_idx %arg12[%add3A_2071, %broadcast_in_dim3A_2105], %gather3A_2103 : memref<64x128xf32, #tpu.memory_space<vmem>>[vector<16xi32>, vector<16xi32>], vector<16xf32>,
        %broadcast_in_dim3A_2106 = arith.constant 7 : i32
        %broadcast_in_dim3A_2107 = vector.broadcast %broadcast_in_dim3A_2106 : i32 to vector<16xi32>
        %gather3A_2108 = tpu.vector_load_idx %arg13[%add3A_2071, %broadcast_in_dim3A_2107] : memref<64x16xf32, #tpu.memory_space<vmem>>[vector<16xi32>, vector<16xi32>], vector<16xf32>,
        %broadcast_in_dim3A_2109 = arith.constant 112 : i32
        %broadcast_in_dim3A_2110 = vector.broadcast %broadcast_in_dim3A_2109 : i32 to vector<16xi32>
        tpu.vector_store_idx %arg12[%add3A_2071, %broadcast_in_dim3A_2110], %gather3A_2108 : memref<64x128xf32, #tpu.memory_space<vmem>>[vector<16xi32>, vector<16xi32>], vector<16xf32>,
      }
      %scan3A_2059 = arith.constant 4 : i32
      %dma_start3A_2060 = arith.constant 1 : i32
      %dma_start3A_2061 = arith.constant 0 : i32
      %dma_start3A_2062 = tpu.memref_slice %arg9[%dma_start3A_2060, %dma_start3A_2061] : memref<2x64xi32, #tpu.memory_space<vmem>> -> memref<1x64xi32, #tpu.memory_space<vmem>>
      %dma_start3A_2063 = tpu.memref_squeeze %dma_start3A_2062 : memref<1x64xi32, #tpu.memory_space<vmem>> -> memref<64xi32, #tpu.memory_space<vmem>>
      %dma_start3A_2064 = arith.constant 0 : i32
      %dma_start3A_2065 = arith.constant 0 : i32
      %dma_start3A_2066 = tpu.memref_slice %arg8[%dma_start3A_2064, %dma_start3A_2065] : memref<10240x128xf32, #tpu.memory_space<vmem_shared>> -> memref<10240x128xf32, #tpu.memory_space<vmem_shared>>
      tpu.enqueue_indirect_dma source(%arg12 : memref<64x128xf32, #tpu.memory_space<vmem>>) target(%dma_start3A_2066 : memref<10240x128xf32, #tpu.memory_space<vmem_shared>>) offsets(%dma_start3A_2063 : memref<64xi32, #tpu.memory_space<vmem>>) semaphore(%arg16 : memref<!tpu.dma_semaphore, #tpu.memory_space<semaphore_mem>>) {add = true}
    }
    %while3A_1555 = arith.constant 1 : i32
    scf.for %while3A_2043 = %while3A_1553 to %while3A_1549 step %while3A_1555  : i32 {
      %mul3A_2044 = arith.constant 32 : i32
      %mul3A_2045 = arith.muli %while3A_2043, %mul3A_2044 : i32
      %add3A_2046 = arith.addi %mul3A_2045, %add3A : i32
      %mul3A_2047 = arith.constant 64 : i32
      %mul3A_2048 = arith.muli %add3A_2046, %mul3A_2047 : i32
      %multiple_of3A = tpu.assume_multiple %mul3A_2048, 64 : i32
      "tpu.region"() ({
        %run_scoped3A = tpu.sem_alloc : memref<!tpu.dma_semaphore, #tpu.memory_space<semaphore_mem>>
        %dma_start3A_2067 = arith.constant 0 : i32
        %dma_start3A_2068 = arith.constant 0 : i32
        %dma_start3A_2069 = tpu.memref_slice %arg4[%add3A_2046, %dma_start3A_2067, %dma_start3A_2068] : memref<5000x2x64xi32, #tpu.memory_space<hbm>> -> memref<1x2x64xi32, #tpu.memory_space<hbm>>
        %dma_start3A_2070 = tpu.memref_squeeze %dma_start3A_2069 : memref<1x2x64xi32, #tpu.memory_space<hbm>> -> memref<2x64xi32, #tpu.memory_space<hbm>>
        %dma_start3A_2071 = arith.constant 0 : i32
        %dma_start3A_2072 = arith.constant 0 : i32
        %dma_start3A_2073 = tpu.memref_slice %arg4[%add3A_2046, %dma_start3A_2071, %dma_start3A_2072] : memref<5000x2x64xi32, #tpu.memory_space<hbm>> -> memref<1x2x64xi32, #tpu.memory_space<hbm>>
        %dma_start3A_2074 = tpu.memref_squeeze %dma_start3A_2073 : memref<1x2x64xi32, #tpu.memory_space<hbm>> -> memref<2x64xi32, #tpu.memory_space<hbm>>
        tpu.enqueue_dma source(%dma_start3A_2074 : memref<2x64xi32, #tpu.memory_space<hbm>>) target(%arg9 : memref<2x64xi32, #tpu.memory_space<vmem>>) target_semaphore(%run_scoped3A : memref<!tpu.dma_semaphore, #tpu.memory_space<semaphore_mem>>)
        %dma_wait3A_2075 = arith.constant 0 : i32
        %dma_wait3A_2076 = arith.constant 0 : i32
        %dma_wait3A_2077 = tpu.memref_slice %arg4[%add3A_2046, %dma_wait3A_2075, %dma_wait3A_2076] : memref<5000x2x64xi32, #tpu.memory_space<hbm>> -> memref<1x2x64xi32, #tpu.memory_space<hbm>>
        %dma_wait3A_2078 = tpu.memref_squeeze %dma_wait3A_2077 : memref<1x2x64xi32, #tpu.memory_space<hbm>> -> memref<2x64xi32, #tpu.memory_space<hbm>>
        %dma_wait3A_2079 = arith.constant 0 : i32
        %dma_wait3A_2080 = arith.constant 0 : i32
        %dma_wait3A_2081 = tpu.memref_slice %arg4[%add3A_2046, %dma_wait3A_2079, %dma_wait3A_2080] : memref<5000x2x64xi32, #tpu.memory_space<hbm>> -> memref<1x2x64xi32, #tpu.memory_space<hbm>>
        %dma_wait3A_2082 = tpu.memref_squeeze %dma_wait3A_2081 : memref<1x2x64xi32, #tpu.memory_space<hbm>> -> memref<2x64xi32, #tpu.memory_space<hbm>>
        tpu.wait_dma2 semaphore(%run_scoped3A : memref<!tpu.dma_semaphore, #tpu.memory_space<semaphore_mem>>) src(%dma_wait3A_2082 : memref<2x64xi32, #tpu.memory_space<hbm>>) dst(%arg9 : memref<2x64xi32, #tpu.memory_space<vmem>>)
        tpu.yield
      }) : () -> ()
      "tpu.region"() ({
        %run_scoped3A = tpu.sem_alloc : memref<!tpu.dma_semaphore, #tpu.memory_space<semaphore_mem>>
        %dma_start3A_2067 = arith.constant 0 : i32
        %dma_start3A_2068 = tpu.memref_slice %arg7[%multiple_of3A, %dma_start3A_2067] : memref<320000x16xf32, #tpu.memory_space<hbm>> -> memref<64x16xf32, #tpu.memory_space<hbm>>
        %dma_start3A_2069 = arith.constant 0 : i32
        %dma_start3A_2070 = tpu.memref_slice %arg7[%multiple_of3A, %dma_start3A_2069] : memref<320000x16xf32, #tpu.memory_space<hbm>> -> memref<64x16xf32, #tpu.memory_space<hbm>>
        tpu.enqueue_dma source(%dma_start3A_2070 : memref<64x16xf32, #tpu.memory_space<hbm>>) target(%arg13 : memref<64x16xf32, #tpu.memory_space<vmem>>) target_semaphore(%run_scoped3A : memref<!tpu.dma_semaphore, #tpu.memory_space<semaphore_mem>>)
        %dma_wait3A_2071 = arith.constant 0 : i32
        %dma_wait3A_2072 = tpu.memref_slice %arg7[%multiple_of3A, %dma_wait3A_2071] : memref<320000x16xf32, #tpu.memory_space<hbm>> -> memref<64x16xf32, #tpu.memory_space<hbm>>
        %dma_wait3A_2073 = arith.constant 0 : i32
        %dma_wait3A_2074 = tpu.memref_slice %arg7[%multiple_of3A, %dma_wait3A_2073] : memref<320000x16xf32, #tpu.memory_space<hbm>> -> memref<64x16xf32, #tpu.memory_space<hbm>>
        tpu.wait_dma2 semaphore(%run_scoped3A : memref<!tpu.dma_semaphore, #tpu.memory_space<semaphore_mem>>) src(%dma_wait3A_2074 : memref<64x16xf32, #tpu.memory_space<hbm>>) dst(%arg13 : memref<64x16xf32, #tpu.memory_space<vmem>>)
        tpu.yield
      }) : () -> ()
      %dma_wait3A_2049 = arith.constant 0 : i32
      %dma_wait3A_2050 = arith.constant 0 : i32
      %dma_wait3A_2051 = tpu.memref_slice %arg2[%dma_wait3A_2049, %dma_wait3A_2050] : memref<10000x128xf32, #tpu.memory_space<hbm>> -> memref<64x128xf32, #tpu.memory_space<hbm>>
      %dma_wait3A_2052 = arith.constant 0 : i32
      %dma_wait3A_2053 = arith.constant 0 : i32
      %dma_wait3A_2054 = tpu.memref_slice %arg2[%dma_wait3A_2052, %dma_wait3A_2053] : memref<10000x128xf32, #tpu.memory_space<hbm>> -> memref<64x128xf32, #tpu.memory_space<hbm>>
      tpu.wait_dma2 semaphore(%arg16 : memref<!tpu.dma_semaphore, #tpu.memory_space<semaphore_mem>>) src(%dma_wait3A_2054 : memref<64x128xf32, #tpu.memory_space<hbm>>) dst(%arg12 : memref<64x128xf32, #tpu.memory_space<vmem>>)
      %scan3A_2055 = arith.constant 0 : i32
      %scan3A_2056 = arith.constant 4 : i32
      %scan3A_2057 = arith.addi %scan3A_2055, %scan3A_2056 : i32
      %scan3A_2058 = arith.constant 1 : i32
      scf.for %scan3A_2067 = %scan3A_2055 to %scan3A_2057 step %scan3A_2058  : i32 {
        %mul3A_2068 = arith.constant 16 : i32
        %mul3A_2069 = arith.muli %scan3A_2067, %mul3A_2068 : i32
        %add3A_2070 = vector.broadcast %mul3A_2069 : i32 to vector<16xi32>
        %add3A_2071 = arith.addi %add3A_2070, %iota3A : vector<16xi32>
        %broadcast_in_dim3A_2072 = arith.constant 0 : i32
        %broadcast_in_dim3A_2073 = vector.broadcast %broadcast_in_dim3A_2072 : i32 to vector<16xi32>
        %gather3A = tpu.vector_load_idx %arg13[%add3A_2071, %broadcast_in_dim3A_2073] : memref<64x16xf32, #tpu.memory_space<vmem>>[vector<16xi32>, vector<16xi32>], vector<16xf32>,
        %broadcast_in_dim3A_2074 = arith.constant 0 : i32
        %broadcast_in_dim3A_2075 = vector.broadcast %broadcast_in_dim3A_2074 : i32 to vector<16xi32>
        tpu.vector_store_idx %arg12[%add3A_2071, %broadcast_in_dim3A_2075], %gather3A : memref<64x128xf32, #tpu.memory_space<vmem>>[vector<16xi32>, vector<16xi32>], vector<16xf32>,
        %broadcast_in_dim3A_2076 = arith.constant 1 : i32
        %broadcast_in_dim3A_2077 = vector.broadcast %broadcast_in_dim3A_2076 : i32 to vector<16xi32>
        %gather3A_2078 = tpu.vector_load_idx %arg13[%add3A_2071, %broadcast_in_dim3A_2077] : memref<64x16xf32, #tpu.memory_space<vmem>>[vector<16xi32>, vector<16xi32>], vector<16xf32>,
        %broadcast_in_dim3A_2079 = arith.constant 16 : i32
        %broadcast_in_dim3A_2080 = vector.broadcast %broadcast_in_dim3A_2079 : i32 to vector<16xi32>
        tpu.vector_store_idx %arg12[%add3A_2071, %broadcast_in_dim3A_2080], %gather3A_2078 : memref<64x128xf32, #tpu.memory_space<vmem>>[vector<16xi32>, vector<16xi32>], vector<16xf32>,
        %broadcast_in_dim3A_2081 = arith.constant 2 : i32
        %broadcast_in_dim3A_2082 = vector.broadcast %broadcast_in_dim3A_2081 : i32 to vector<16xi32>
        %gather3A_2083 = tpu.vector_load_idx %arg13[%add3A_2071, %broadcast_in_dim3A_2082] : memref<64x16xf32, #tpu.memory_space<vmem>>[vector<16xi32>, vector<16xi32>], vector<16xf32>,
        %broadcast_in_dim3A_2084 = arith.constant 32 : i32
        %broadcast_in_dim3A_2085 = vector.broadcast %broadcast_in_dim3A_2084 : i32 to vector<16xi32>
        tpu.vector_store_idx %arg12[%add3A_2071, %broadcast_in_dim3A_2085], %gather3A_2083 : memref<64x128xf32, #tpu.memory_space<vmem>>[vector<16xi32>, vector<16xi32>], vector<16xf32>,
        %broadcast_in_dim3A_2086 = arith.constant 3 : i32
        %broadcast_in_dim3A_2087 = vector.broadcast %broadcast_in_dim3A_2086 : i32 to vector<16xi32>
        %gather3A_2088 = tpu.vector_load_idx %arg13[%add3A_2071, %broadcast_in_dim3A_2087] : memref<64x16xf32, #tpu.memory_space<vmem>>[vector<16xi32>, vector<16xi32>], vector<16xf32>,
        %broadcast_in_dim3A_2089 = arith.constant 48 : i32
        %broadcast_in_dim3A_2090 = vector.broadcast %broadcast_in_dim3A_2089 : i32 to vector<16xi32>
        tpu.vector_store_idx %arg12[%add3A_2071, %broadcast_in_dim3A_2090], %gather3A_2088 : memref<64x128xf32, #tpu.memory_space<vmem>>[vector<16xi32>, vector<16xi32>], vector<16xf32>,
        %broadcast_in_dim3A_2091 = arith.constant 4 : i32
        %broadcast_in_dim3A_2092 = vector.broadcast %broadcast_in_dim3A_2091 : i32 to vector<16xi32>
        %gather3A_2093 = tpu.vector_load_idx %arg13[%add3A_2071, %broadcast_in_dim3A_2092] : memref<64x16xf32, #tpu.memory_space<vmem>>[vector<16xi32>, vector<16xi32>], vector<16xf32>,
        %broadcast_in_dim3A_2094 = arith.constant 64 : i32
        %broadcast_in_dim3A_2095 = vector.broadcast %broadcast_in_dim3A_2094 : i32 to vector<16xi32>
        tpu.vector_store_idx %arg12[%add3A_2071, %broadcast_in_dim3A_2095], %gather3A_2093 : memref<64x128xf32, #tpu.memory_space<vmem>>[vector<16xi32>, vector<16xi32>], vector<16xf32>,
        %broadcast_in_dim3A_2096 = arith.constant 5 : i32
        %broadcast_in_dim3A_2097 = vector.broadcast %broadcast_in_dim3A_2096 : i32 to vector<16xi32>
        %gather3A_2098 = tpu.vector_load_idx %arg13[%add3A_2071, %broadcast_in_dim3A_2097] : memref<64x16xf32, #tpu.memory_space<vmem>>[vector<16xi32>, vector<16xi32>], vector<16xf32>,
        %broadcast_in_dim3A_2099 = arith.constant 80 : i32
        %broadcast_in_dim3A_2100 = vector.broadcast %broadcast_in_dim3A_2099 : i32 to vector<16xi32>
        tpu.vector_store_idx %arg12[%add3A_2071, %broadcast_in_dim3A_2100], %gather3A_2098 : memref<64x128xf32, #tpu.memory_space<vmem>>[vector<16xi32>, vector<16xi32>], vector<16xf32>,
        %broadcast_in_dim3A_2101 = arith.constant 6 : i32
        %broadcast_in_dim3A_2102 = vector.broadcast %broadcast_in_dim3A_2101 : i32 to vector<16xi32>
        %gather3A_2103 = tpu.vector_load_idx %arg13[%add3A_2071, %broadcast_in_dim3A_2102] : memref<64x16xf32, #tpu.memory_space<vmem>>[vector<16xi32>, vector<16xi32>], vector<16xf32>,
        %broadcast_in_dim3A_2104 = arith.constant 96 : i32
        %broadcast_in_dim3A_2105 = vector.broadcast %broadcast_in_dim3A_2104 : i32 to vector<16xi32>
        tpu.vector_store_idx %arg12[%add3A_2071, %broadcast_in_dim3A_2105], %gather3A_2103 : memref<64x128xf32, #tpu.memory_space<vmem>>[vector<16xi32>, vector<16xi32>], vector<16xf32>,
        %broadcast_in_dim3A_2106 = arith.constant 7 : i32
        %broadcast_in_dim3A_2107 = vector.broadcast %broadcast_in_dim3A_2106 : i32 to vector<16xi32>
        %gather3A_2108 = tpu.vector_load_idx %arg13[%add3A_2071, %broadcast_in_dim3A_2107] : memref<64x16xf32, #tpu.memory_space<vmem>>[vector<16xi32>, vector<16xi32>], vector<16xf32>,
        %broadcast_in_dim3A_2109 = arith.constant 112 : i32
        %broadcast_in_dim3A_2110 = vector.broadcast %broadcast_in_dim3A_2109 : i32 to vector<16xi32>
        tpu.vector_store_idx %arg12[%add3A_2071, %broadcast_in_dim3A_2110], %gather3A_2108 : memref<64x128xf32, #tpu.memory_space<vmem>>[vector<16xi32>, vector<16xi32>], vector<16xf32>,
      }
      %scan3A_2059 = arith.constant 4 : i32
      %dma_start3A_2060 = arith.constant 1 : i32
      %dma_start3A_2061 = arith.constant 0 : i32
      %dma_start3A_2062 = tpu.memref_slice %arg9[%dma_start3A_2060, %dma_start3A_2061] : memref<2x64xi32, #tpu.memory_space<vmem>> -> memref<1x64xi32, #tpu.memory_space<vmem>>
      %dma_start3A_2063 = tpu.memref_squeeze %dma_start3A_2062 : memref<1x64xi32, #tpu.memory_space<vmem>> -> memref<64xi32, #tpu.memory_space<vmem>>
      %dma_start3A_2064 = arith.constant 0 : i32
      %dma_start3A_2065 = arith.constant 0 : i32
      %dma_start3A_2066 = tpu.memref_slice %arg8[%dma_start3A_2064, %dma_start3A_2065] : memref<10240x128xf32, #tpu.memory_space<vmem_shared>> -> memref<10240x128xf32, #tpu.memory_space<vmem_shared>>
      tpu.enqueue_indirect_dma source(%arg12 : memref<64x128xf32, #tpu.memory_space<vmem>>) target(%dma_start3A_2066 : memref<10240x128xf32, #tpu.memory_space<vmem_shared>>) offsets(%dma_start3A_2063 : memref<64xi32, #tpu.memory_space<vmem>>) semaphore(%arg16 : memref<!tpu.dma_semaphore, #tpu.memory_space<semaphore_mem>>) {add = true}
    }
    %dma_wait3A_1556 = arith.constant 0 : i32
    %dma_wait3A_1557 = arith.constant 0 : i32
    %dma_wait3A_1558 = tpu.memref_slice %arg2[%dma_wait3A_1556, %dma_wait3A_1557] : memref<10000x128xf32, #tpu.memory_space<hbm>> -> memref<64x128xf32, #tpu.memory_space<hbm>>
    %dma_wait3A_1559 = arith.constant 0 : i32
    %dma_wait3A_1560 = arith.constant 0 : i32
    %dma_wait3A_1561 = tpu.memref_slice %arg2[%dma_wait3A_1559, %dma_wait3A_1560] : memref<10000x128xf32, #tpu.memory_space<hbm>> -> memref<64x128xf32, #tpu.memory_space<hbm>>
    tpu.wait_dma2 semaphore(%arg16 : memref<!tpu.dma_semaphore, #tpu.memory_space<semaphore_mem>>) src(%dma_wait3A_1561 : memref<64x128xf32, #tpu.memory_space<hbm>>) dst(%arg12 : memref<64x128xf32, #tpu.memory_space<vmem>>)
    %barrier3A_1562 = arith.constant 0 : index
    tpu.barrier barrier_id(%barrier3A_1562)
    %add3A_1563 = arith.constant 0 : i32
    %add3A_1564 = arith.addi %mul3A_2, %add3A_1563 : i32
    %add3A_1565 = arith.constant 0 : i32
    %add3A_1566 = arith.addi %add3A_1564, %add3A_1565 : i32
    %add3A_1567 = vector.broadcast %add3A_1566 : i32 to vector<16xi32>
    %add3A_1568 = arith.addi %add3A_1567, %iota3A : vector<16xi32>
    %swap3A_1569 = arith.constant 0 : i32
    %swap3A_1570 = arith.index_cast %swap3A_1569 : i32 to index
    %swap3A_1571 = arith.constant 0 : index
    %swap3A_1572 = tpu.vector_load %arg9[%swap3A_1570, %swap3A_1571] {strides = array<i32>} : memref<2x64xi32, #tpu.memory_space<vmem>>, vector<16xi32>,
    tpu.vector_store %arg9[%swap3A_1570, %swap3A_1571], %add3A_1568 {strides = array<i32>} : memref<2x64xi32, #tpu.memory_space<vmem>>, vector<16xi32>,
    %add3A_1573 = arith.constant 16 : i32
    %add3A_1574 = arith.addi %add3A_1564, %add3A_1573 : i32
    %add3A_1575 = vector.broadcast %add3A_1574 : i32 to vector<16xi32>
    %add3A_1576 = arith.addi %add3A_1575, %iota3A : vector<16xi32>
    %swap3A_1577 = arith.constant 0 : i32
    %swap3A_1578 = arith.index_cast %swap3A_1577 : i32 to index
    %swap3A_1579 = arith.constant 16 : index
    %swap3A_1580 = tpu.vector_load %arg9[%swap3A_1578, %swap3A_1579] {strides = array<i32>} : memref<2x64xi32, #tpu.memory_space<vmem>>, vector<16xi32>,
    tpu.vector_store %arg9[%swap3A_1578, %swap3A_1579], %add3A_1576 {strides = array<i32>} : memref<2x64xi32, #tpu.memory_space<vmem>>, vector<16xi32>,
    %add3A_1581 = arith.constant 32 : i32
    %add3A_1582 = arith.addi %add3A_1564, %add3A_1581 : i32
    %add3A_1583 = vector.broadcast %add3A_1582 : i32 to vector<16xi32>
    %add3A_1584 = arith.addi %add3A_1583, %iota3A : vector<16xi32>
    %swap3A_1585 = arith.constant 0 : i32
    %swap3A_1586 = arith.index_cast %swap3A_1585 : i32 to index
    %swap3A_1587 = arith.constant 32 : index
    %swap3A_1588 = tpu.vector_load %arg9[%swap3A_1586, %swap3A_1587] {strides = array<i32>} : memref<2x64xi32, #tpu.memory_space<vmem>>, vector<16xi32>,
    tpu.vector_store %arg9[%swap3A_1586, %swap3A_1587], %add3A_1584 {strides = array<i32>} : memref<2x64xi32, #tpu.memory_space<vmem>>, vector<16xi32>,
    %add3A_1589 = arith.constant 48 : i32
    %add3A_1590 = arith.addi %add3A_1564, %add3A_1589 : i32
    %add3A_1591 = vector.broadcast %add3A_1590 : i32 to vector<16xi32>
    %add3A_1592 = arith.addi %add3A_1591, %iota3A : vector<16xi32>
    %swap3A_1593 = arith.constant 0 : i32
    %swap3A_1594 = arith.index_cast %swap3A_1593 : i32 to index
    %swap3A_1595 = arith.constant 48 : index
    %swap3A_1596 = tpu.vector_load %arg9[%swap3A_1594, %swap3A_1595] {strides = array<i32>} : memref<2x64xi32, #tpu.memory_space<vmem>>, vector<16xi32>,
    tpu.vector_store %arg9[%swap3A_1594, %swap3A_1595], %add3A_1592 {strides = array<i32>} : memref<2x64xi32, #tpu.memory_space<vmem>>, vector<16xi32>,
    %dma_start3A_1597 = arith.constant 0 : i32
    %dma_start3A_1598 = arith.constant 0 : i32
    %dma_start3A_1599 = tpu.memref_slice %arg9[%dma_start3A_1597, %dma_start3A_1598] : memref<2x64xi32, #tpu.memory_space<vmem>> -> memref<1x64xi32, #tpu.memory_space<vmem>>
    %dma_start3A_1600 = tpu.memref_squeeze %dma_start3A_1599 : memref<1x64xi32, #tpu.memory_space<vmem>> -> memref<64xi32, #tpu.memory_space<vmem>>
    %dma_start3A_1601 = arith.constant 0 : i32
    %dma_start3A_1602 = arith.constant 0 : i32
    %dma_start3A_1603 = tpu.memref_slice %arg8[%dma_start3A_1601, %dma_start3A_1602] : memref<10240x128xf32, #tpu.memory_space<vmem_shared>> -> memref<10240x128xf32, #tpu.memory_space<vmem_shared>>
    tpu.enqueue_indirect_dma source(%dma_start3A_1603 : memref<10240x128xf32, #tpu.memory_space<vmem_shared>>) target(%arg12 : memref<64x128xf32, #tpu.memory_space<vmem>>) offsets(%dma_start3A_1600 : memref<64xi32, #tpu.memory_space<vmem>>) semaphore(%arg14 : memref<!tpu.dma_semaphore, #tpu.memory_space<semaphore_mem>>)
    %dma_wait3A_1604 = arith.constant 0 : i32
    %dma_wait3A_1605 = arith.constant 0 : i32
    %dma_wait3A_1606 = tpu.memref_slice %arg9[%dma_wait3A_1604, %dma_wait3A_1605] : memref<2x64xi32, #tpu.memory_space<vmem>> -> memref<1x64xi32, #tpu.memory_space<vmem>>
    %dma_wait3A_1607 = tpu.memref_squeeze %dma_wait3A_1606 : memref<1x64xi32, #tpu.memory_space<vmem>> -> memref<64xi32, #tpu.memory_space<vmem>>
    %dma_wait3A_1608 = arith.constant 0 : i32
    %dma_wait3A_1609 = arith.constant 0 : i32
    %dma_wait3A_1610 = tpu.memref_slice %arg8[%dma_wait3A_1608, %dma_wait3A_1609] : memref<10240x128xf32, #tpu.memory_space<vmem_shared>> -> memref<10240x128xf32, #tpu.memory_space<vmem_shared>>
    tpu.wait_indirect_dma semaphore(%arg14 : memref<!tpu.dma_semaphore, #tpu.memory_space<semaphore_mem>>) src(%dma_wait3A_1610 : memref<10240x128xf32, #tpu.memory_space<vmem_shared>>) dst(%arg12 : memref<64x128xf32, #tpu.memory_space<vmem>>)
    "tpu.region"() ({
      %run_scoped3A = tpu.sem_alloc : memref<!tpu.dma_semaphore, #tpu.memory_space<semaphore_mem>>
      %dma_start3A_2043 = arith.constant 0 : i32
      %dma_start3A_2044 = tpu.memref_slice %arg6[%arg0, %add3A_1564, %dma_start3A_2043] : memref<2x10240x128xf32, #tpu.memory_space<hbm>> -> memref<1x64x128xf32, #tpu.memory_space<hbm>>
      %dma_start3A_2045 = tpu.memref_squeeze %dma_start3A_2044 : memref<1x64x128xf32, #tpu.memory_space<hbm>> -> memref<64x128xf32, #tpu.memory_space<hbm>>
      %dma_start3A_2046 = arith.constant 0 : i32
      %dma_start3A_2047 = tpu.memref_slice %arg6[%arg0, %add3A_1564, %dma_start3A_2046] : memref<2x10240x128xf32, #tpu.memory_space<hbm>> -> memref<1x64x128xf32, #tpu.memory_space<hbm>>
      %dma_start3A_2048 = tpu.memref_squeeze %dma_start3A_2047 : memref<1x64x128xf32, #tpu.memory_space<hbm>> -> memref<64x128xf32, #tpu.memory_space<hbm>>
      tpu.enqueue_dma source(%arg12 : memref<64x128xf32, #tpu.memory_space<vmem>>) target(%dma_start3A_2048 : memref<64x128xf32, #tpu.memory_space<hbm>>) target_semaphore(%run_scoped3A : memref<!tpu.dma_semaphore, #tpu.memory_space<semaphore_mem>>)
      %dma_wait3A_2049 = arith.constant 0 : i32
      %dma_wait3A_2050 = tpu.memref_slice %arg6[%arg0, %add3A_1564, %dma_wait3A_2049] : memref<2x10240x128xf32, #tpu.memory_space<hbm>> -> memref<1x64x128xf32, #tpu.memory_space<hbm>>
      %dma_wait3A_2051 = tpu.memref_squeeze %dma_wait3A_2050 : memref<1x64x128xf32, #tpu.memory_space<hbm>> -> memref<64x128xf32, #tpu.memory_space<hbm>>
      %dma_wait3A_2052 = arith.constant 0 : i32
      %dma_wait3A_2053 = tpu.memref_slice %arg6[%arg0, %add3A_1564, %dma_wait3A_2052] : memref<2x10240x128xf32, #tpu.memory_space<hbm>> -> memref<1x64x128xf32, #tpu.memory_space<hbm>>
      %dma_wait3A_2054 = tpu.memref_squeeze %dma_wait3A_2053 : memref<1x64x128xf32, #tpu.memory_space<hbm>> -> memref<64x128xf32, #tpu.memory_space<hbm>>
      tpu.wait_dma2 semaphore(%run_scoped3A : memref<!tpu.dma_semaphore, #tpu.memory_space<semaphore_mem>>) src(%arg12 : memref<64x128xf32, #tpu.memory_space<vmem>>) dst(%dma_wait3A_2054 : memref<64x128xf32, #tpu.memory_space<hbm>>)
      tpu.yield
    }) : () -> ()
    %add3A_1611 = arith.constant 64 : i32
    %add3A_1612 = arith.addi %mul3A_2, %add3A_1611 : i32
    %add3A_1613 = arith.constant 0 : i32
    %add3A_1614 = arith.addi %add3A_1612, %add3A_1613 : i32
    %add3A_1615 = vector.broadcast %add3A_1614 : i32 to vector<16xi32>
    %add3A_1616 = arith.addi %add3A_1615, %iota3A : vector<16xi32>
    %swap3A_1617 = arith.constant 0 : i32
    %swap3A_1618 = arith.index_cast %swap3A_1617 : i32 to index
    %swap3A_1619 = arith.constant 0 : index
    %swap3A_1620 = tpu.vector_load %arg9[%swap3A_1618, %swap3A_1619] {strides = array<i32>} : memref<2x64xi32, #tpu.memory_space<vmem>>, vector<16xi32>,
    tpu.vector_store %arg9[%swap3A_1618, %swap3A_1619], %add3A_1616 {strides = array<i32>} : memref<2x64xi32, #tpu.memory_space<vmem>>, vector<16xi32>,
    %add3A_1621 = arith.constant 16 : i32
    %add3A_1622 = arith.addi %add3A_1612, %add3A_1621 : i32
    %add3A_1623 = vector.broadcast %add3A_1622 : i32 to vector<16xi32>
    %add3A_1624 = arith.addi %add3A_1623, %iota3A : vector<16xi32>
    %swap3A_1625 = arith.constant 0 : i32
    %swap3A_1626 = arith.index_cast %swap3A_1625 : i32 to index
    %swap3A_1627 = arith.constant 16 : index
    %swap3A_1628 = tpu.vector_load %arg9[%swap3A_1626, %swap3A_1627] {strides = array<i32>} : memref<2x64xi32, #tpu.memory_space<vmem>>, vector<16xi32>,
    tpu.vector_store %arg9[%swap3A_1626, %swap3A_1627], %add3A_1624 {strides = array<i32>} : memref<2x64xi32, #tpu.memory_space<vmem>>, vector<16xi32>,
    %add3A_1629 = arith.constant 32 : i32
    %add3A_1630 = arith.addi %add3A_1612, %add3A_1629 : i32
    %add3A_1631 = vector.broadcast %add3A_1630 : i32 to vector<16xi32>
    %add3A_1632 = arith.addi %add3A_1631, %iota3A : vector<16xi32>
    %swap3A_1633 = arith.constant 0 : i32
    %swap3A_1634 = arith.index_cast %swap3A_1633 : i32 to index
    %swap3A_1635 = arith.constant 32 : index
    %swap3A_1636 = tpu.vector_load %arg9[%swap3A_1634, %swap3A_1635] {strides = array<i32>} : memref<2x64xi32, #tpu.memory_space<vmem>>, vector<16xi32>,
    tpu.vector_store %arg9[%swap3A_1634, %swap3A_1635], %add3A_1632 {strides = array<i32>} : memref<2x64xi32, #tpu.memory_space<vmem>>, vector<16xi32>,
    %add3A_1637 = arith.constant 48 : i32
    %add3A_1638 = arith.addi %add3A_1612, %add3A_1637 : i32
    %add3A_1639 = vector.broadcast %add3A_1638 : i32 to vector<16xi32>
    %add3A_1640 = arith.addi %add3A_1639, %iota3A : vector<16xi32>
    %swap3A_1641 = arith.constant 0 : i32
    %swap3A_1642 = arith.index_cast %swap3A_1641 : i32 to index
    %swap3A_1643 = arith.constant 48 : index
    %swap3A_1644 = tpu.vector_load %arg9[%swap3A_1642, %swap3A_1643] {strides = array<i32>} : memref<2x64xi32, #tpu.memory_space<vmem>>, vector<16xi32>,
    tpu.vector_store %arg9[%swap3A_1642, %swap3A_1643], %add3A_1640 {strides = array<i32>} : memref<2x64xi32, #tpu.memory_space<vmem>>, vector<16xi32>,
    %dma_start3A_1645 = arith.constant 0 : i32
    %dma_start3A_1646 = arith.constant 0 : i32
    %dma_start3A_1647 = tpu.memref_slice %arg9[%dma_start3A_1645, %dma_start3A_1646] : memref<2x64xi32, #tpu.memory_space<vmem>> -> memref<1x64xi32, #tpu.memory_space<vmem>>
    %dma_start3A_1648 = tpu.memref_squeeze %dma_start3A_1647 : memref<1x64xi32, #tpu.memory_space<vmem>> -> memref<64xi32, #tpu.memory_space<vmem>>
    %dma_start3A_1649 = arith.constant 0 : i32
    %dma_start3A_1650 = arith.constant 0 : i32
    %dma_start3A_1651 = tpu.memref_slice %arg8[%dma_start3A_1649, %dma_start3A_1650] : memref<10240x128xf32, #tpu.memory_space<vmem_shared>> -> memref<10240x128xf32, #tpu.memory_space<vmem_shared>>
    tpu.enqueue_indirect_dma source(%dma_start3A_1651 : memref<10240x128xf32, #tpu.memory_space<vmem_shared>>) target(%arg12 : memref<64x128xf32, #tpu.memory_space<vmem>>) offsets(%dma_start3A_1648 : memref<64xi32, #tpu.memory_space<vmem>>) semaphore(%arg14 : memref<!tpu.dma_semaphore, #tpu.memory_space<semaphore_mem>>)
    %dma_wait3A_1652 = arith.constant 0 : i32
    %dma_wait3A_1653 = arith.constant 0 : i32
    %dma_wait3A_1654 = tpu.memref_slice %arg9[%dma_wait3A_1652, %dma_wait3A_1653] : memref<2x64xi32, #tpu.memory_space<vmem>> -> memref<1x64xi32, #tpu.memory_space<vmem>>
    %dma_wait3A_1655 = tpu.memref_squeeze %dma_wait3A_1654 : memref<1x64xi32, #tpu.memory_space<vmem>> -> memref<64xi32, #tpu.memory_space<vmem>>
    %dma_wait3A_1656 = arith.constant 0 : i32
    %dma_wait3A_1657 = arith.constant 0 : i32
    %dma_wait3A_1658 = tpu.memref_slice %arg8[%dma_wait3A_1656, %dma_wait3A_1657] : memref<10240x128xf32, #tpu.memory_space<vmem_shared>> -> memref<10240x128xf32, #tpu.memory_space<vmem_shared>>
    tpu.wait_indirect_dma semaphore(%arg14 : memref<!tpu.dma_semaphore, #tpu.memory_space<semaphore_mem>>) src(%dma_wait3A_1658 : memref<10240x128xf32, #tpu.memory_space<vmem_shared>>) dst(%arg12 : memref<64x128xf32, #tpu.memory_space<vmem>>)
    "tpu.region"() ({
      %run_scoped3A = tpu.sem_alloc : memref<!tpu.dma_semaphore, #tpu.memory_space<semaphore_mem>>
      %dma_start3A_2043 = arith.constant 0 : i32
      %dma_start3A_2044 = tpu.memref_slice %arg6[%arg0, %add3A_1612, %dma_start3A_2043] : memref<2x10240x128xf32, #tpu.memory_space<hbm>> -> memref<1x64x128xf32, #tpu.memory_space<hbm>>
      %dma_start3A_2045 = tpu.memref_squeeze %dma_start3A_2044 : memref<1x64x128xf32, #tpu.memory_space<hbm>> -> memref<64x128xf32, #tpu.memory_space<hbm>>
      %dma_start3A_2046 = arith.constant 0 : i32
      %dma_start3A_2047 = tpu.memref_slice %arg6[%arg0, %add3A_1612, %dma_start3A_2046] : memref<2x10240x128xf32, #tpu.memory_space<hbm>> -> memref<1x64x128xf32, #tpu.memory_space<hbm>>
      %dma_start3A_2048 = tpu.memref_squeeze %dma_start3A_2047 : memref<1x64x128xf32, #tpu.memory_space<hbm>> -> memref<64x128xf32, #tpu.memory_space<hbm>>
      tpu.enqueue_dma source(%arg12 : memref<64x128xf32, #tpu.memory_space<vmem>>) target(%dma_start3A_2048 : memref<64x128xf32, #tpu.memory_space<hbm>>) target_semaphore(%run_scoped3A : memref<!tpu.dma_semaphore, #tpu.memory_space<semaphore_mem>>)
      %dma_wait3A_2049 = arith.constant 0 : i32
      %dma_wait3A_2050 = tpu.memref_slice %arg6[%arg0, %add3A_1612, %dma_wait3A_2049] : memref<2x10240x128xf32, #tpu.memory_space<hbm>> -> memref<1x64x128xf32, #tpu.memory_space<hbm>>
      %dma_wait3A_2051 = tpu.memref_squeeze %dma_wait3A_2050 : memref<1x64x128xf32, #tpu.memory_space<hbm>> -> memref<64x128xf32, #tpu.memory_space<hbm>>
      %dma_wait3A_2052 = arith.constant 0 : i32
      %dma_wait3A_2053 = tpu.memref_slice %arg6[%arg0, %add3A_1612, %dma_wait3A_2052] : memref<2x10240x128xf32, #tpu.memory_space<hbm>> -> memref<1x64x128xf32, #tpu.memory_space<hbm>>
      %dma_wait3A_2054 = tpu.memref_squeeze %dma_wait3A_2053 : memref<1x64x128xf32, #tpu.memory_space<hbm>> -> memref<64x128xf32, #tpu.memory_space<hbm>>
      tpu.wait_dma2 semaphore(%run_scoped3A : memref<!tpu.dma_semaphore, #tpu.memory_space<semaphore_mem>>) src(%arg12 : memref<64x128xf32, #tpu.memory_space<vmem>>) dst(%dma_wait3A_2054 : memref<64x128xf32, #tpu.memory_space<hbm>>)
      tpu.yield
    }) : () -> ()
    %add3A_1659 = arith.constant 128 : i32
    %add3A_1660 = arith.addi %mul3A_2, %add3A_1659 : i32
    %add3A_1661 = arith.constant 0 : i32
    %add3A_1662 = arith.addi %add3A_1660, %add3A_1661 : i32
    %add3A_1663 = vector.broadcast %add3A_1662 : i32 to vector<16xi32>
    %add3A_1664 = arith.addi %add3A_1663, %iota3A : vector<16xi32>
    %swap3A_1665 = arith.constant 0 : i32
    %swap3A_1666 = arith.index_cast %swap3A_1665 : i32 to index
    %swap3A_1667 = arith.constant 0 : index
    %swap3A_1668 = tpu.vector_load %arg9[%swap3A_1666, %swap3A_1667] {strides = array<i32>} : memref<2x64xi32, #tpu.memory_space<vmem>>, vector<16xi32>,
    tpu.vector_store %arg9[%swap3A_1666, %swap3A_1667], %add3A_1664 {strides = array<i32>} : memref<2x64xi32, #tpu.memory_space<vmem>>, vector<16xi32>,
    %add3A_1669 = arith.constant 16 : i32
    %add3A_1670 = arith.addi %add3A_1660, %add3A_1669 : i32
    %add3A_1671 = vector.broadcast %add3A_1670 : i32 to vector<16xi32>
    %add3A_1672 = arith.addi %add3A_1671, %iota3A : vector<16xi32>
    %swap3A_1673 = arith.constant 0 : i32
    %swap3A_1674 = arith.index_cast %swap3A_1673 : i32 to index
    %swap3A_1675 = arith.constant 16 : index
    %swap3A_1676 = tpu.vector_load %arg9[%swap3A_1674, %swap3A_1675] {strides = array<i32>} : memref<2x64xi32, #tpu.memory_space<vmem>>, vector<16xi32>,
    tpu.vector_store %arg9[%swap3A_1674, %swap3A_1675], %add3A_1672 {strides = array<i32>} : memref<2x64xi32, #tpu.memory_space<vmem>>, vector<16xi32>,
    %add3A_1677 = arith.constant 32 : i32
    %add3A_1678 = arith.addi %add3A_1660, %add3A_1677 : i32
    %add3A_1679 = vector.broadcast %add3A_1678 : i32 to vector<16xi32>
    %add3A_1680 = arith.addi %add3A_1679, %iota3A : vector<16xi32>
    %swap3A_1681 = arith.constant 0 : i32
    %swap3A_1682 = arith.index_cast %swap3A_1681 : i32 to index
    %swap3A_1683 = arith.constant 32 : index
    %swap3A_1684 = tpu.vector_load %arg9[%swap3A_1682, %swap3A_1683] {strides = array<i32>} : memref<2x64xi32, #tpu.memory_space<vmem>>, vector<16xi32>,
    tpu.vector_store %arg9[%swap3A_1682, %swap3A_1683], %add3A_1680 {strides = array<i32>} : memref<2x64xi32, #tpu.memory_space<vmem>>, vector<16xi32>,
    %add3A_1685 = arith.constant 48 : i32
    %add3A_1686 = arith.addi %add3A_1660, %add3A_1685 : i32
    %add3A_1687 = vector.broadcast %add3A_1686 : i32 to vector<16xi32>
    %add3A_1688 = arith.addi %add3A_1687, %iota3A : vector<16xi32>
    %swap3A_1689 = arith.constant 0 : i32
    %swap3A_1690 = arith.index_cast %swap3A_1689 : i32 to index
    %swap3A_1691 = arith.constant 48 : index
    %swap3A_1692 = tpu.vector_load %arg9[%swap3A_1690, %swap3A_1691] {strides = array<i32>} : memref<2x64xi32, #tpu.memory_space<vmem>>, vector<16xi32>,
    tpu.vector_store %arg9[%swap3A_1690, %swap3A_1691], %add3A_1688 {strides = array<i32>} : memref<2x64xi32, #tpu.memory_space<vmem>>, vector<16xi32>,
    %dma_start3A_1693 = arith.constant 0 : i32
    %dma_start3A_1694 = arith.constant 0 : i32
    %dma_start3A_1695 = tpu.memref_slice %arg9[%dma_start3A_1693, %dma_start3A_1694] : memref<2x64xi32, #tpu.memory_space<vmem>> -> memref<1x64xi32, #tpu.memory_space<vmem>>
    %dma_start3A_1696 = tpu.memref_squeeze %dma_start3A_1695 : memref<1x64xi32, #tpu.memory_space<vmem>> -> memref<64xi32, #tpu.memory_space<vmem>>
    %dma_start3A_1697 = arith.constant 0 : i32
    %dma_start3A_1698 = arith.constant 0 : i32
    %dma_start3A_1699 = tpu.memref_slice %arg8[%dma_start3A_1697, %dma_start3A_1698] : memref<10240x128xf32, #tpu.memory_space<vmem_shared>> -> memref<10240x128xf32, #tpu.memory_space<vmem_shared>>
    tpu.enqueue_indirect_dma source(%dma_start3A_1699 : memref<10240x128xf32, #tpu.memory_space<vmem_shared>>) target(%arg12 : memref<64x128xf32, #tpu.memory_space<vmem>>) offsets(%dma_start3A_1696 : memref<64xi32, #tpu.memory_space<vmem>>) semaphore(%arg14 : memref<!tpu.dma_semaphore, #tpu.memory_space<semaphore_mem>>)
    %dma_wait3A_1700 = arith.constant 0 : i32
    %dma_wait3A_1701 = arith.constant 0 : i32
    %dma_wait3A_1702 = tpu.memref_slice %arg9[%dma_wait3A_1700, %dma_wait3A_1701] : memref<2x64xi32, #tpu.memory_space<vmem>> -> memref<1x64xi32, #tpu.memory_space<vmem>>
    %dma_wait3A_1703 = tpu.memref_squeeze %dma_wait3A_1702 : memref<1x64xi32, #tpu.memory_space<vmem>> -> memref<64xi32, #tpu.memory_space<vmem>>
    %dma_wait3A_1704 = arith.constant 0 : i32
    %dma_wait3A_1705 = arith.constant 0 : i32
    %dma_wait3A_1706 = tpu.memref_slice %arg8[%dma_wait3A_1704, %dma_wait3A_1705] : memref<10240x128xf32, #tpu.memory_space<vmem_shared>> -> memref<10240x128xf32, #tpu.memory_space<vmem_shared>>
    tpu.wait_indirect_dma semaphore(%arg14 : memref<!tpu.dma_semaphore, #tpu.memory_space<semaphore_mem>>) src(%dma_wait3A_1706 : memref<10240x128xf32, #tpu.memory_space<vmem_shared>>) dst(%arg12 : memref<64x128xf32, #tpu.memory_space<vmem>>)
    "tpu.region"() ({
      %run_scoped3A = tpu.sem_alloc : memref<!tpu.dma_semaphore, #tpu.memory_space<semaphore_mem>>
      %dma_start3A_2043 = arith.constant 0 : i32
      %dma_start3A_2044 = tpu.memref_slice %arg6[%arg0, %add3A_1660, %dma_start3A_2043] : memref<2x10240x128xf32, #tpu.memory_space<hbm>> -> memref<1x64x128xf32, #tpu.memory_space<hbm>>
      %dma_start3A_2045 = tpu.memref_squeeze %dma_start3A_2044 : memref<1x64x128xf32, #tpu.memory_space<hbm>> -> memref<64x128xf32, #tpu.memory_space<hbm>>
      %dma_start3A_2046 = arith.constant 0 : i32
      %dma_start3A_2047 = tpu.memref_slice %arg6[%arg0, %add3A_1660, %dma_start3A_2046] : memref<2x10240x128xf32, #tpu.memory_space<hbm>> -> memref<1x64x128xf32, #tpu.memory_space<hbm>>
      %dma_start3A_2048 = tpu.memref_squeeze %dma_start3A_2047 : memref<1x64x128xf32, #tpu.memory_space<hbm>> -> memref<64x128xf32, #tpu.memory_space<hbm>>
      tpu.enqueue_dma source(%arg12 : memref<64x128xf32, #tpu.memory_space<vmem>>) target(%dma_start3A_2048 : memref<64x128xf32, #tpu.memory_space<hbm>>) target_semaphore(%run_scoped3A : memref<!tpu.dma_semaphore, #tpu.memory_space<semaphore_mem>>)
      %dma_wait3A_2049 = arith.constant 0 : i32
      %dma_wait3A_2050 = tpu.memref_slice %arg6[%arg0, %add3A_1660, %dma_wait3A_2049] : memref<2x10240x128xf32, #tpu.memory_space<hbm>> -> memref<1x64x128xf32, #tpu.memory_space<hbm>>
      %dma_wait3A_2051 = tpu.memref_squeeze %dma_wait3A_2050 : memref<1x64x128xf32, #tpu.memory_space<hbm>> -> memref<64x128xf32, #tpu.memory_space<hbm>>
      %dma_wait3A_2052 = arith.constant 0 : i32
      %dma_wait3A_2053 = tpu.memref_slice %arg6[%arg0, %add3A_1660, %dma_wait3A_2052] : memref<2x10240x128xf32, #tpu.memory_space<hbm>> -> memref<1x64x128xf32, #tpu.memory_space<hbm>>
      %dma_wait3A_2054 = tpu.memref_squeeze %dma_wait3A_2053 : memref<1x64x128xf32, #tpu.memory_space<hbm>> -> memref<64x128xf32, #tpu.memory_space<hbm>>
      tpu.wait_dma2 semaphore(%run_scoped3A : memref<!tpu.dma_semaphore, #tpu.memory_space<semaphore_mem>>) src(%arg12 : memref<64x128xf32, #tpu.memory_space<vmem>>) dst(%dma_wait3A_2054 : memref<64x128xf32, #tpu.memory_space<hbm>>)
      tpu.yield
    }) : () -> ()
    %add3A_1707 = arith.constant 192 : i32
    %add3A_1708 = arith.addi %mul3A_2, %add3A_1707 : i32
    %add3A_1709 = arith.constant 0 : i32
    %add3A_1710 = arith.addi %add3A_1708, %add3A_1709 : i32
    %add3A_1711 = vector.broadcast %add3A_1710 : i32 to vector<16xi32>
    %add3A_1712 = arith.addi %add3A_1711, %iota3A : vector<16xi32>
    %swap3A_1713 = arith.constant 0 : i32
    %swap3A_1714 = arith.index_cast %swap3A_1713 : i32 to index
    %swap3A_1715 = arith.constant 0 : index
    %swap3A_1716 = tpu.vector_load %arg9[%swap3A_1714, %swap3A_1715] {strides = array<i32>} : memref<2x64xi32, #tpu.memory_space<vmem>>, vector<16xi32>,
    tpu.vector_store %arg9[%swap3A_1714, %swap3A_1715], %add3A_1712 {strides = array<i32>} : memref<2x64xi32, #tpu.memory_space<vmem>>, vector<16xi32>,
    %add3A_1717 = arith.constant 16 : i32
    %add3A_1718 = arith.addi %add3A_1708, %add3A_1717 : i32
    %add3A_1719 = vector.broadcast %add3A_1718 : i32 to vector<16xi32>
    %add3A_1720 = arith.addi %add3A_1719, %iota3A : vector<16xi32>
    %swap3A_1721 = arith.constant 0 : i32
    %swap3A_1722 = arith.index_cast %swap3A_1721 : i32 to index
    %swap3A_1723 = arith.constant 16 : index
    %swap3A_1724 = tpu.vector_load %arg9[%swap3A_1722, %swap3A_1723] {strides = array<i32>} : memref<2x64xi32, #tpu.memory_space<vmem>>, vector<16xi32>,
    tpu.vector_store %arg9[%swap3A_1722, %swap3A_1723], %add3A_1720 {strides = array<i32>} : memref<2x64xi32, #tpu.memory_space<vmem>>, vector<16xi32>,
    %add3A_1725 = arith.constant 32 : i32
    %add3A_1726 = arith.addi %add3A_1708, %add3A_1725 : i32
    %add3A_1727 = vector.broadcast %add3A_1726 : i32 to vector<16xi32>
    %add3A_1728 = arith.addi %add3A_1727, %iota3A : vector<16xi32>
    %swap3A_1729 = arith.constant 0 : i32
    %swap3A_1730 = arith.index_cast %swap3A_1729 : i32 to index
    %swap3A_1731 = arith.constant 32 : index
    %swap3A_1732 = tpu.vector_load %arg9[%swap3A_1730, %swap3A_1731] {strides = array<i32>} : memref<2x64xi32, #tpu.memory_space<vmem>>, vector<16xi32>,
    tpu.vector_store %arg9[%swap3A_1730, %swap3A_1731], %add3A_1728 {strides = array<i32>} : memref<2x64xi32, #tpu.memory_space<vmem>>, vector<16xi32>,
    %add3A_1733 = arith.constant 48 : i32
    %add3A_1734 = arith.addi %add3A_1708, %add3A_1733 : i32
    %add3A_1735 = vector.broadcast %add3A_1734 : i32 to vector<16xi32>
    %add3A_1736 = arith.addi %add3A_1735, %iota3A : vector<16xi32>
    %swap3A_1737 = arith.constant 0 : i32
    %swap3A_1738 = arith.index_cast %swap3A_1737 : i32 to index
    %swap3A_1739 = arith.constant 48 : index
    %swap3A_1740 = tpu.vector_load %arg9[%swap3A_1738, %swap3A_1739] {strides = array<i32>} : memref<2x64xi32, #tpu.memory_space<vmem>>, vector<16xi32>,
    tpu.vector_store %arg9[%swap3A_1738, %swap3A_1739], %add3A_1736 {strides = array<i32>} : memref<2x64xi32, #tpu.memory_space<vmem>>, vector<16xi32>,
    %dma_start3A_1741 = arith.constant 0 : i32
    %dma_start3A_1742 = arith.constant 0 : i32
    %dma_start3A_1743 = tpu.memref_slice %arg9[%dma_start3A_1741, %dma_start3A_1742] : memref<2x64xi32, #tpu.memory_space<vmem>> -> memref<1x64xi32, #tpu.memory_space<vmem>>
    %dma_start3A_1744 = tpu.memref_squeeze %dma_start3A_1743 : memref<1x64xi32, #tpu.memory_space<vmem>> -> memref<64xi32, #tpu.memory_space<vmem>>
    %dma_start3A_1745 = arith.constant 0 : i32
    %dma_start3A_1746 = arith.constant 0 : i32
    %dma_start3A_1747 = tpu.memref_slice %arg8[%dma_start3A_1745, %dma_start3A_1746] : memref<10240x128xf32, #tpu.memory_space<vmem_shared>> -> memref<10240x128xf32, #tpu.memory_space<vmem_shared>>
    tpu.enqueue_indirect_dma source(%dma_start3A_1747 : memref<10240x128xf32, #tpu.memory_space<vmem_shared>>) target(%arg12 : memref<64x128xf32, #tpu.memory_space<vmem>>) offsets(%dma_start3A_1744 : memref<64xi32, #tpu.memory_space<vmem>>) semaphore(%arg14 : memref<!tpu.dma_semaphore, #tpu.memory_space<semaphore_mem>>)
    %dma_wait3A_1748 = arith.constant 0 : i32
    %dma_wait3A_1749 = arith.constant 0 : i32
    %dma_wait3A_1750 = tpu.memref_slice %arg9[%dma_wait3A_1748, %dma_wait3A_1749] : memref<2x64xi32, #tpu.memory_space<vmem>> -> memref<1x64xi32, #tpu.memory_space<vmem>>
    %dma_wait3A_1751 = tpu.memref_squeeze %dma_wait3A_1750 : memref<1x64xi32, #tpu.memory_space<vmem>> -> memref<64xi32, #tpu.memory_space<vmem>>
    %dma_wait3A_1752 = arith.constant 0 : i32
    %dma_wait3A_1753 = arith.constant 0 : i32
    %dma_wait3A_1754 = tpu.memref_slice %arg8[%dma_wait3A_1752, %dma_wait3A_1753] : memref<10240x128xf32, #tpu.memory_space<vmem_shared>> -> memref<10240x128xf32, #tpu.memory_space<vmem_shared>>
    tpu.wait_indirect_dma semaphore(%arg14 : memref<!tpu.dma_semaphore, #tpu.memory_space<semaphore_mem>>) src(%dma_wait3A_1754 : memref<10240x128xf32, #tpu.memory_space<vmem_shared>>) dst(%arg12 : memref<64x128xf32, #tpu.memory_space<vmem>>)
    "tpu.region"() ({
      %run_scoped3A = tpu.sem_alloc : memref<!tpu.dma_semaphore, #tpu.memory_space<semaphore_mem>>
      %dma_start3A_2043 = arith.constant 0 : i32
      %dma_start3A_2044 = tpu.memref_slice %arg6[%arg0, %add3A_1708, %dma_start3A_2043] : memref<2x10240x128xf32, #tpu.memory_space<hbm>> -> memref<1x64x128xf32, #tpu.memory_space<hbm>>
      %dma_start3A_2045 = tpu.memref_squeeze %dma_start3A_2044 : memref<1x64x128xf32, #tpu.memory_space<hbm>> -> memref<64x128xf32, #tpu.memory_space<hbm>>
      %dma_start3A_2046 = arith.constant 0 : i32
      %dma_start3A_2047 = tpu.memref_slice %arg6[%arg0, %add3A_1708, %dma_start3A_2046] : memref<2x10240x128xf32, #tpu.memory_space<hbm>> -> memref<1x64x128xf32, #tpu.memory_space<hbm>>
      %dma_start3A_2048 = tpu.memref_squeeze %dma_start3A_2047 : memref<1x64x128xf32, #tpu.memory_space<hbm>> -> memref<64x128xf32, #tpu.memory_space<hbm>>
      tpu.enqueue_dma source(%arg12 : memref<64x128xf32, #tpu.memory_space<vmem>>) target(%dma_start3A_2048 : memref<64x128xf32, #tpu.memory_space<hbm>>) target_semaphore(%run_scoped3A : memref<!tpu.dma_semaphore, #tpu.memory_space<semaphore_mem>>)
      %dma_wait3A_2049 = arith.constant 0 : i32
      %dma_wait3A_2050 = tpu.memref_slice %arg6[%arg0, %add3A_1708, %dma_wait3A_2049] : memref<2x10240x128xf32, #tpu.memory_space<hbm>> -> memref<1x64x128xf32, #tpu.memory_space<hbm>>
      %dma_wait3A_2051 = tpu.memref_squeeze %dma_wait3A_2050 : memref<1x64x128xf32, #tpu.memory_space<hbm>> -> memref<64x128xf32, #tpu.memory_space<hbm>>
      %dma_wait3A_2052 = arith.constant 0 : i32
      %dma_wait3A_2053 = tpu.memref_slice %arg6[%arg0, %add3A_1708, %dma_wait3A_2052] : memref<2x10240x128xf32, #tpu.memory_space<hbm>> -> memref<1x64x128xf32, #tpu.memory_space<hbm>>
      %dma_wait3A_2054 = tpu.memref_squeeze %dma_wait3A_2053 : memref<1x64x128xf32, #tpu.memory_space<hbm>> -> memref<64x128xf32, #tpu.memory_space<hbm>>
      tpu.wait_dma2 semaphore(%run_scoped3A : memref<!tpu.dma_semaphore, #tpu.memory_space<semaphore_mem>>) src(%arg12 : memref<64x128xf32, #tpu.memory_space<vmem>>) dst(%dma_wait3A_2054 : memref<64x128xf32, #tpu.memory_space<hbm>>)
      tpu.yield
    }) : () -> ()
    %add3A_1755 = arith.constant 256 : i32
    %add3A_1756 = arith.addi %mul3A_2, %add3A_1755 : i32
    %add3A_1757 = arith.constant 0 : i32
    %add3A_1758 = arith.addi %add3A_1756, %add3A_1757 : i32
    %add3A_1759 = vector.broadcast %add3A_1758 : i32 to vector<16xi32>
    %add3A_1760 = arith.addi %add3A_1759, %iota3A : vector<16xi32>
    %swap3A_1761 = arith.constant 0 : i32
    %swap3A_1762 = arith.index_cast %swap3A_1761 : i32 to index
    %swap3A_1763 = arith.constant 0 : index
    %swap3A_1764 = tpu.vector_load %arg9[%swap3A_1762, %swap3A_1763] {strides = array<i32>} : memref<2x64xi32, #tpu.memory_space<vmem>>, vector<16xi32>,
    tpu.vector_store %arg9[%swap3A_1762, %swap3A_1763], %add3A_1760 {strides = array<i32>} : memref<2x64xi32, #tpu.memory_space<vmem>>, vector<16xi32>,
    %add3A_1765 = arith.constant 16 : i32
    %add3A_1766 = arith.addi %add3A_1756, %add3A_1765 : i32
    %add3A_1767 = vector.broadcast %add3A_1766 : i32 to vector<16xi32>
    %add3A_1768 = arith.addi %add3A_1767, %iota3A : vector<16xi32>
    %swap3A_1769 = arith.constant 0 : i32
    %swap3A_1770 = arith.index_cast %swap3A_1769 : i32 to index
    %swap3A_1771 = arith.constant 16 : index
    %swap3A_1772 = tpu.vector_load %arg9[%swap3A_1770, %swap3A_1771] {strides = array<i32>} : memref<2x64xi32, #tpu.memory_space<vmem>>, vector<16xi32>,
    tpu.vector_store %arg9[%swap3A_1770, %swap3A_1771], %add3A_1768 {strides = array<i32>} : memref<2x64xi32, #tpu.memory_space<vmem>>, vector<16xi32>,
    %add3A_1773 = arith.constant 32 : i32
    %add3A_1774 = arith.addi %add3A_1756, %add3A_1773 : i32
    %add3A_1775 = vector.broadcast %add3A_1774 : i32 to vector<16xi32>
    %add3A_1776 = arith.addi %add3A_1775, %iota3A : vector<16xi32>
    %swap3A_1777 = arith.constant 0 : i32
    %swap3A_1778 = arith.index_cast %swap3A_1777 : i32 to index
    %swap3A_1779 = arith.constant 32 : index
    %swap3A_1780 = tpu.vector_load %arg9[%swap3A_1778, %swap3A_1779] {strides = array<i32>} : memref<2x64xi32, #tpu.memory_space<vmem>>, vector<16xi32>,
    tpu.vector_store %arg9[%swap3A_1778, %swap3A_1779], %add3A_1776 {strides = array<i32>} : memref<2x64xi32, #tpu.memory_space<vmem>>, vector<16xi32>,
    %add3A_1781 = arith.constant 48 : i32
    %add3A_1782 = arith.addi %add3A_1756, %add3A_1781 : i32
    %add3A_1783 = vector.broadcast %add3A_1782 : i32 to vector<16xi32>
    %add3A_1784 = arith.addi %add3A_1783, %iota3A : vector<16xi32>
    %swap3A_1785 = arith.constant 0 : i32
    %swap3A_1786 = arith.index_cast %swap3A_1785 : i32 to index
    %swap3A_1787 = arith.constant 48 : index
    %swap3A_1788 = tpu.vector_load %arg9[%swap3A_1786, %swap3A_1787] {strides = array<i32>} : memref<2x64xi32, #tpu.memory_space<vmem>>, vector<16xi32>,
    tpu.vector_store %arg9[%swap3A_1786, %swap3A_1787], %add3A_1784 {strides = array<i32>} : memref<2x64xi32, #tpu.memory_space<vmem>>, vector<16xi32>,
    %dma_start3A_1789 = arith.constant 0 : i32
    %dma_start3A_1790 = arith.constant 0 : i32
    %dma_start3A_1791 = tpu.memref_slice %arg9[%dma_start3A_1789, %dma_start3A_1790] : memref<2x64xi32, #tpu.memory_space<vmem>> -> memref<1x64xi32, #tpu.memory_space<vmem>>
    %dma_start3A_1792 = tpu.memref_squeeze %dma_start3A_1791 : memref<1x64xi32, #tpu.memory_space<vmem>> -> memref<64xi32, #tpu.memory_space<vmem>>
    %dma_start3A_1793 = arith.constant 0 : i32
    %dma_start3A_1794 = arith.constant 0 : i32
    %dma_start3A_1795 = tpu.memref_slice %arg8[%dma_start3A_1793, %dma_start3A_1794] : memref<10240x128xf32, #tpu.memory_space<vmem_shared>> -> memref<10240x128xf32, #tpu.memory_space<vmem_shared>>
    tpu.enqueue_indirect_dma source(%dma_start3A_1795 : memref<10240x128xf32, #tpu.memory_space<vmem_shared>>) target(%arg12 : memref<64x128xf32, #tpu.memory_space<vmem>>) offsets(%dma_start3A_1792 : memref<64xi32, #tpu.memory_space<vmem>>) semaphore(%arg14 : memref<!tpu.dma_semaphore, #tpu.memory_space<semaphore_mem>>)
    %dma_wait3A_1796 = arith.constant 0 : i32
    %dma_wait3A_1797 = arith.constant 0 : i32
    %dma_wait3A_1798 = tpu.memref_slice %arg9[%dma_wait3A_1796, %dma_wait3A_1797] : memref<2x64xi32, #tpu.memory_space<vmem>> -> memref<1x64xi32, #tpu.memory_space<vmem>>
    %dma_wait3A_1799 = tpu.memref_squeeze %dma_wait3A_1798 : memref<1x64xi32, #tpu.memory_space<vmem>> -> memref<64xi32, #tpu.memory_space<vmem>>
    %dma_wait3A_1800 = arith.constant 0 : i32
    %dma_wait3A_1801 = arith.constant 0 : i32
    %dma_wait3A_1802 = tpu.memref_slice %arg8[%dma_wait3A_1800, %dma_wait3A_1801] : memref<10240x128xf32, #tpu.memory_space<vmem_shared>> -> memref<10240x128xf32, #tpu.memory_space<vmem_shared>>
    tpu.wait_indirect_dma semaphore(%arg14 : memref<!tpu.dma_semaphore, #tpu.memory_space<semaphore_mem>>) src(%dma_wait3A_1802 : memref<10240x128xf32, #tpu.memory_space<vmem_shared>>) dst(%arg12 : memref<64x128xf32, #tpu.memory_space<vmem>>)
    "tpu.region"() ({
      %run_scoped3A = tpu.sem_alloc : memref<!tpu.dma_semaphore, #tpu.memory_space<semaphore_mem>>
      %dma_start3A_2043 = arith.constant 0 : i32
      %dma_start3A_2044 = tpu.memref_slice %arg6[%arg0, %add3A_1756, %dma_start3A_2043] : memref<2x10240x128xf32, #tpu.memory_space<hbm>> -> memref<1x64x128xf32, #tpu.memory_space<hbm>>
      %dma_start3A_2045 = tpu.memref_squeeze %dma_start3A_2044 : memref<1x64x128xf32, #tpu.memory_space<hbm>> -> memref<64x128xf32, #tpu.memory_space<hbm>>
      %dma_start3A_2046 = arith.constant 0 : i32
      %dma_start3A_2047 = tpu.memref_slice %arg6[%arg0, %add3A_1756, %dma_start3A_2046] : memref<2x10240x128xf32, #tpu.memory_space<hbm>> -> memref<1x64x128xf32, #tpu.memory_space<hbm>>
      %dma_start3A_2048 = tpu.memref_squeeze %dma_start3A_2047 : memref<1x64x128xf32, #tpu.memory_space<hbm>> -> memref<64x128xf32, #tpu.memory_space<hbm>>
      tpu.enqueue_dma source(%arg12 : memref<64x128xf32, #tpu.memory_space<vmem>>) target(%dma_start3A_2048 : memref<64x128xf32, #tpu.memory_space<hbm>>) target_semaphore(%run_scoped3A : memref<!tpu.dma_semaphore, #tpu.memory_space<semaphore_mem>>)
      %dma_wait3A_2049 = arith.constant 0 : i32
      %dma_wait3A_2050 = tpu.memref_slice %arg6[%arg0, %add3A_1756, %dma_wait3A_2049] : memref<2x10240x128xf32, #tpu.memory_space<hbm>> -> memref<1x64x128xf32, #tpu.memory_space<hbm>>
      %dma_wait3A_2051 = tpu.memref_squeeze %dma_wait3A_2050 : memref<1x64x128xf32, #tpu.memory_space<hbm>> -> memref<64x128xf32, #tpu.memory_space<hbm>>
      %dma_wait3A_2052 = arith.constant 0 : i32
      %dma_wait3A_2053 = tpu.memref_slice %arg6[%arg0, %add3A_1756, %dma_wait3A_2052] : memref<2x10240x128xf32, #tpu.memory_space<hbm>> -> memref<1x64x128xf32, #tpu.memory_space<hbm>>
      %dma_wait3A_2054 = tpu.memref_squeeze %dma_wait3A_2053 : memref<1x64x128xf32, #tpu.memory_space<hbm>> -> memref<64x128xf32, #tpu.memory_space<hbm>>
      tpu.wait_dma2 semaphore(%run_scoped3A : memref<!tpu.dma_semaphore, #tpu.memory_space<semaphore_mem>>) src(%arg12 : memref<64x128xf32, #tpu.memory_space<vmem>>) dst(%dma_wait3A_2054 : memref<64x128xf32, #tpu.memory_space<hbm>>)
      tpu.yield
    }) : () -> ()
    %add3A_1803 = arith.constant 320 : i32
    %add3A_1804 = arith.addi %mul3A_2, %add3A_1803 : i32
    %add3A_1805 = arith.constant 0 : i32
    %add3A_1806 = arith.addi %add3A_1804, %add3A_1805 : i32
    %add3A_1807 = vector.broadcast %add3A_1806 : i32 to vector<16xi32>
    %add3A_1808 = arith.addi %add3A_1807, %iota3A : vector<16xi32>
    %swap3A_1809 = arith.constant 0 : i32
    %swap3A_1810 = arith.index_cast %swap3A_1809 : i32 to index
    %swap3A_1811 = arith.constant 0 : index
    %swap3A_1812 = tpu.vector_load %arg9[%swap3A_1810, %swap3A_1811] {strides = array<i32>} : memref<2x64xi32, #tpu.memory_space<vmem>>, vector<16xi32>,
    tpu.vector_store %arg9[%swap3A_1810, %swap3A_1811], %add3A_1808 {strides = array<i32>} : memref<2x64xi32, #tpu.memory_space<vmem>>, vector<16xi32>,
    %add3A_1813 = arith.constant 16 : i32
    %add3A_1814 = arith.addi %add3A_1804, %add3A_1813 : i32
    %add3A_1815 = vector.broadcast %add3A_1814 : i32 to vector<16xi32>
    %add3A_1816 = arith.addi %add3A_1815, %iota3A : vector<16xi32>
    %swap3A_1817 = arith.constant 0 : i32
    %swap3A_1818 = arith.index_cast %swap3A_1817 : i32 to index
    %swap3A_1819 = arith.constant 16 : index
    %swap3A_1820 = tpu.vector_load %arg9[%swap3A_1818, %swap3A_1819] {strides = array<i32>} : memref<2x64xi32, #tpu.memory_space<vmem>>, vector<16xi32>,
    tpu.vector_store %arg9[%swap3A_1818, %swap3A_1819], %add3A_1816 {strides = array<i32>} : memref<2x64xi32, #tpu.memory_space<vmem>>, vector<16xi32>,
    %add3A_1821 = arith.constant 32 : i32
    %add3A_1822 = arith.addi %add3A_1804, %add3A_1821 : i32
    %add3A_1823 = vector.broadcast %add3A_1822 : i32 to vector<16xi32>
    %add3A_1824 = arith.addi %add3A_1823, %iota3A : vector<16xi32>
    %swap3A_1825 = arith.constant 0 : i32
    %swap3A_1826 = arith.index_cast %swap3A_1825 : i32 to index
    %swap3A_1827 = arith.constant 32 : index
    %swap3A_1828 = tpu.vector_load %arg9[%swap3A_1826, %swap3A_1827] {strides = array<i32>} : memref<2x64xi32, #tpu.memory_space<vmem>>, vector<16xi32>,
    tpu.vector_store %arg9[%swap3A_1826, %swap3A_1827], %add3A_1824 {strides = array<i32>} : memref<2x64xi32, #tpu.memory_space<vmem>>, vector<16xi32>,
    %add3A_1829 = arith.constant 48 : i32
    %add3A_1830 = arith.addi %add3A_1804, %add3A_1829 : i32
    %add3A_1831 = vector.broadcast %add3A_1830 : i32 to vector<16xi32>
    %add3A_1832 = arith.addi %add3A_1831, %iota3A : vector<16xi32>
    %swap3A_1833 = arith.constant 0 : i32
    %swap3A_1834 = arith.index_cast %swap3A_1833 : i32 to index
    %swap3A_1835 = arith.constant 48 : index
    %swap3A_1836 = tpu.vector_load %arg9[%swap3A_1834, %swap3A_1835] {strides = array<i32>} : memref<2x64xi32, #tpu.memory_space<vmem>>, vector<16xi32>,
    tpu.vector_store %arg9[%swap3A_1834, %swap3A_1835], %add3A_1832 {strides = array<i32>} : memref<2x64xi32, #tpu.memory_space<vmem>>, vector<16xi32>,
    %dma_start3A_1837 = arith.constant 0 : i32
    %dma_start3A_1838 = arith.constant 0 : i32
    %dma_start3A_1839 = tpu.memref_slice %arg9[%dma_start3A_1837, %dma_start3A_1838] : memref<2x64xi32, #tpu.memory_space<vmem>> -> memref<1x64xi32, #tpu.memory_space<vmem>>
    %dma_start3A_1840 = tpu.memref_squeeze %dma_start3A_1839 : memref<1x64xi32, #tpu.memory_space<vmem>> -> memref<64xi32, #tpu.memory_space<vmem>>
    %dma_start3A_1841 = arith.constant 0 : i32
    %dma_start3A_1842 = arith.constant 0 : i32
    %dma_start3A_1843 = tpu.memref_slice %arg8[%dma_start3A_1841, %dma_start3A_1842] : memref<10240x128xf32, #tpu.memory_space<vmem_shared>> -> memref<10240x128xf32, #tpu.memory_space<vmem_shared>>
    tpu.enqueue_indirect_dma source(%dma_start3A_1843 : memref<10240x128xf32, #tpu.memory_space<vmem_shared>>) target(%arg12 : memref<64x128xf32, #tpu.memory_space<vmem>>) offsets(%dma_start3A_1840 : memref<64xi32, #tpu.memory_space<vmem>>) semaphore(%arg14 : memref<!tpu.dma_semaphore, #tpu.memory_space<semaphore_mem>>)
    %dma_wait3A_1844 = arith.constant 0 : i32
    %dma_wait3A_1845 = arith.constant 0 : i32
    %dma_wait3A_1846 = tpu.memref_slice %arg9[%dma_wait3A_1844, %dma_wait3A_1845] : memref<2x64xi32, #tpu.memory_space<vmem>> -> memref<1x64xi32, #tpu.memory_space<vmem>>
    %dma_wait3A_1847 = tpu.memref_squeeze %dma_wait3A_1846 : memref<1x64xi32, #tpu.memory_space<vmem>> -> memref<64xi32, #tpu.memory_space<vmem>>
    %dma_wait3A_1848 = arith.constant 0 : i32
    %dma_wait3A_1849 = arith.constant 0 : i32
    %dma_wait3A_1850 = tpu.memref_slice %arg8[%dma_wait3A_1848, %dma_wait3A_1849] : memref<10240x128xf32, #tpu.memory_space<vmem_shared>> -> memref<10240x128xf32, #tpu.memory_space<vmem_shared>>
    tpu.wait_indirect_dma semaphore(%arg14 : memref<!tpu.dma_semaphore, #tpu.memory_space<semaphore_mem>>) src(%dma_wait3A_1850 : memref<10240x128xf32, #tpu.memory_space<vmem_shared>>) dst(%arg12 : memref<64x128xf32, #tpu.memory_space<vmem>>)
    "tpu.region"() ({
      %run_scoped3A = tpu.sem_alloc : memref<!tpu.dma_semaphore, #tpu.memory_space<semaphore_mem>>
      %dma_start3A_2043 = arith.constant 0 : i32
      %dma_start3A_2044 = tpu.memref_slice %arg6[%arg0, %add3A_1804, %dma_start3A_2043] : memref<2x10240x128xf32, #tpu.memory_space<hbm>> -> memref<1x64x128xf32, #tpu.memory_space<hbm>>
      %dma_start3A_2045 = tpu.memref_squeeze %dma_start3A_2044 : memref<1x64x128xf32, #tpu.memory_space<hbm>> -> memref<64x128xf32, #tpu.memory_space<hbm>>
      %dma_start3A_2046 = arith.constant 0 : i32
      %dma_start3A_2047 = tpu.memref_slice %arg6[%arg0, %add3A_1804, %dma_start3A_2046] : memref<2x10240x128xf32, #tpu.memory_space<hbm>> -> memref<1x64x128xf32, #tpu.memory_space<hbm>>
      %dma_start3A_2048 = tpu.memref_squeeze %dma_start3A_2047 : memref<1x64x128xf32, #tpu.memory_space<hbm>> -> memref<64x128xf32, #tpu.memory_space<hbm>>
      tpu.enqueue_dma source(%arg12 : memref<64x128xf32, #tpu.memory_space<vmem>>) target(%dma_start3A_2048 : memref<64x128xf32, #tpu.memory_space<hbm>>) target_semaphore(%run_scoped3A : memref<!tpu.dma_semaphore, #tpu.memory_space<semaphore_mem>>)
      %dma_wait3A_2049 = arith.constant 0 : i32
      %dma_wait3A_2050 = tpu.memref_slice %arg6[%arg0, %add3A_1804, %dma_wait3A_2049] : memref<2x10240x128xf32, #tpu.memory_space<hbm>> -> memref<1x64x128xf32, #tpu.memory_space<hbm>>
      %dma_wait3A_2051 = tpu.memref_squeeze %dma_wait3A_2050 : memref<1x64x128xf32, #tpu.memory_space<hbm>> -> memref<64x128xf32, #tpu.memory_space<hbm>>
      %dma_wait3A_2052 = arith.constant 0 : i32
      %dma_wait3A_2053 = tpu.memref_slice %arg6[%arg0, %add3A_1804, %dma_wait3A_2052] : memref<2x10240x128xf32, #tpu.memory_space<hbm>> -> memref<1x64x128xf32, #tpu.memory_space<hbm>>
      %dma_wait3A_2054 = tpu.memref_squeeze %dma_wait3A_2053 : memref<1x64x128xf32, #tpu.memory_space<hbm>> -> memref<64x128xf32, #tpu.memory_space<hbm>>
      tpu.wait_dma2 semaphore(%run_scoped3A : memref<!tpu.dma_semaphore, #tpu.memory_space<semaphore_mem>>) src(%arg12 : memref<64x128xf32, #tpu.memory_space<vmem>>) dst(%dma_wait3A_2054 : memref<64x128xf32, #tpu.memory_space<hbm>>)
      tpu.yield
    }) : () -> ()
    %add3A_1851 = arith.constant 384 : i32
    %add3A_1852 = arith.addi %mul3A_2, %add3A_1851 : i32
    %add3A_1853 = arith.constant 0 : i32
    %add3A_1854 = arith.addi %add3A_1852, %add3A_1853 : i32
    %add3A_1855 = vector.broadcast %add3A_1854 : i32 to vector<16xi32>
    %add3A_1856 = arith.addi %add3A_1855, %iota3A : vector<16xi32>
    %swap3A_1857 = arith.constant 0 : i32
    %swap3A_1858 = arith.index_cast %swap3A_1857 : i32 to index
    %swap3A_1859 = arith.constant 0 : index
    %swap3A_1860 = tpu.vector_load %arg9[%swap3A_1858, %swap3A_1859] {strides = array<i32>} : memref<2x64xi32, #tpu.memory_space<vmem>>, vector<16xi32>,
    tpu.vector_store %arg9[%swap3A_1858, %swap3A_1859], %add3A_1856 {strides = array<i32>} : memref<2x64xi32, #tpu.memory_space<vmem>>, vector<16xi32>,
    %add3A_1861 = arith.constant 16 : i32
    %add3A_1862 = arith.addi %add3A_1852, %add3A_1861 : i32
    %add3A_1863 = vector.broadcast %add3A_1862 : i32 to vector<16xi32>
    %add3A_1864 = arith.addi %add3A_1863, %iota3A : vector<16xi32>
    %swap3A_1865 = arith.constant 0 : i32
    %swap3A_1866 = arith.index_cast %swap3A_1865 : i32 to index
    %swap3A_1867 = arith.constant 16 : index
    %swap3A_1868 = tpu.vector_load %arg9[%swap3A_1866, %swap3A_1867] {strides = array<i32>} : memref<2x64xi32, #tpu.memory_space<vmem>>, vector<16xi32>,
    tpu.vector_store %arg9[%swap3A_1866, %swap3A_1867], %add3A_1864 {strides = array<i32>} : memref<2x64xi32, #tpu.memory_space<vmem>>, vector<16xi32>,
    %add3A_1869 = arith.constant 32 : i32
    %add3A_1870 = arith.addi %add3A_1852, %add3A_1869 : i32
    %add3A_1871 = vector.broadcast %add3A_1870 : i32 to vector<16xi32>
    %add3A_1872 = arith.addi %add3A_1871, %iota3A : vector<16xi32>
    %swap3A_1873 = arith.constant 0 : i32
    %swap3A_1874 = arith.index_cast %swap3A_1873 : i32 to index
    %swap3A_1875 = arith.constant 32 : index
    %swap3A_1876 = tpu.vector_load %arg9[%swap3A_1874, %swap3A_1875] {strides = array<i32>} : memref<2x64xi32, #tpu.memory_space<vmem>>, vector<16xi32>,
    tpu.vector_store %arg9[%swap3A_1874, %swap3A_1875], %add3A_1872 {strides = array<i32>} : memref<2x64xi32, #tpu.memory_space<vmem>>, vector<16xi32>,
    %add3A_1877 = arith.constant 48 : i32
    %add3A_1878 = arith.addi %add3A_1852, %add3A_1877 : i32
    %add3A_1879 = vector.broadcast %add3A_1878 : i32 to vector<16xi32>
    %add3A_1880 = arith.addi %add3A_1879, %iota3A : vector<16xi32>
    %swap3A_1881 = arith.constant 0 : i32
    %swap3A_1882 = arith.index_cast %swap3A_1881 : i32 to index
    %swap3A_1883 = arith.constant 48 : index
    %swap3A_1884 = tpu.vector_load %arg9[%swap3A_1882, %swap3A_1883] {strides = array<i32>} : memref<2x64xi32, #tpu.memory_space<vmem>>, vector<16xi32>,
    tpu.vector_store %arg9[%swap3A_1882, %swap3A_1883], %add3A_1880 {strides = array<i32>} : memref<2x64xi32, #tpu.memory_space<vmem>>, vector<16xi32>,
    %dma_start3A_1885 = arith.constant 0 : i32
    %dma_start3A_1886 = arith.constant 0 : i32
    %dma_start3A_1887 = tpu.memref_slice %arg9[%dma_start3A_1885, %dma_start3A_1886] : memref<2x64xi32, #tpu.memory_space<vmem>> -> memref<1x64xi32, #tpu.memory_space<vmem>>
    %dma_start3A_1888 = tpu.memref_squeeze %dma_start3A_1887 : memref<1x64xi32, #tpu.memory_space<vmem>> -> memref<64xi32, #tpu.memory_space<vmem>>
    %dma_start3A_1889 = arith.constant 0 : i32
    %dma_start3A_1890 = arith.constant 0 : i32
    %dma_start3A_1891 = tpu.memref_slice %arg8[%dma_start3A_1889, %dma_start3A_1890] : memref<10240x128xf32, #tpu.memory_space<vmem_shared>> -> memref<10240x128xf32, #tpu.memory_space<vmem_shared>>
    tpu.enqueue_indirect_dma source(%dma_start3A_1891 : memref<10240x128xf32, #tpu.memory_space<vmem_shared>>) target(%arg12 : memref<64x128xf32, #tpu.memory_space<vmem>>) offsets(%dma_start3A_1888 : memref<64xi32, #tpu.memory_space<vmem>>) semaphore(%arg14 : memref<!tpu.dma_semaphore, #tpu.memory_space<semaphore_mem>>)
    %dma_wait3A_1892 = arith.constant 0 : i32
    %dma_wait3A_1893 = arith.constant 0 : i32
    %dma_wait3A_1894 = tpu.memref_slice %arg9[%dma_wait3A_1892, %dma_wait3A_1893] : memref<2x64xi32, #tpu.memory_space<vmem>> -> memref<1x64xi32, #tpu.memory_space<vmem>>
    %dma_wait3A_1895 = tpu.memref_squeeze %dma_wait3A_1894 : memref<1x64xi32, #tpu.memory_space<vmem>> -> memref<64xi32, #tpu.memory_space<vmem>>
    %dma_wait3A_1896 = arith.constant 0 : i32
    %dma_wait3A_1897 = arith.constant 0 : i32
    %dma_wait3A_1898 = tpu.memref_slice %arg8[%dma_wait3A_1896, %dma_wait3A_1897] : memref<10240x128xf32, #tpu.memory_space<vmem_shared>> -> memref<10240x128xf32, #tpu.memory_space<vmem_shared>>
    tpu.wait_indirect_dma semaphore(%arg14 : memref<!tpu.dma_semaphore, #tpu.memory_space<semaphore_mem>>) src(%dma_wait3A_1898 : memref<10240x128xf32, #tpu.memory_space<vmem_shared>>) dst(%arg12 : memref<64x128xf32, #tpu.memory_space<vmem>>)
    "tpu.region"() ({
      %run_scoped3A = tpu.sem_alloc : memref<!tpu.dma_semaphore, #tpu.memory_space<semaphore_mem>>
      %dma_start3A_2043 = arith.constant 0 : i32
      %dma_start3A_2044 = tpu.memref_slice %arg6[%arg0, %add3A_1852, %dma_start3A_2043] : memref<2x10240x128xf32, #tpu.memory_space<hbm>> -> memref<1x64x128xf32, #tpu.memory_space<hbm>>
      %dma_start3A_2045 = tpu.memref_squeeze %dma_start3A_2044 : memref<1x64x128xf32, #tpu.memory_space<hbm>> -> memref<64x128xf32, #tpu.memory_space<hbm>>
      %dma_start3A_2046 = arith.constant 0 : i32
      %dma_start3A_2047 = tpu.memref_slice %arg6[%arg0, %add3A_1852, %dma_start3A_2046] : memref<2x10240x128xf32, #tpu.memory_space<hbm>> -> memref<1x64x128xf32, #tpu.memory_space<hbm>>
      %dma_start3A_2048 = tpu.memref_squeeze %dma_start3A_2047 : memref<1x64x128xf32, #tpu.memory_space<hbm>> -> memref<64x128xf32, #tpu.memory_space<hbm>>
      tpu.enqueue_dma source(%arg12 : memref<64x128xf32, #tpu.memory_space<vmem>>) target(%dma_start3A_2048 : memref<64x128xf32, #tpu.memory_space<hbm>>) target_semaphore(%run_scoped3A : memref<!tpu.dma_semaphore, #tpu.memory_space<semaphore_mem>>)
      %dma_wait3A_2049 = arith.constant 0 : i32
      %dma_wait3A_2050 = tpu.memref_slice %arg6[%arg0, %add3A_1852, %dma_wait3A_2049] : memref<2x10240x128xf32, #tpu.memory_space<hbm>> -> memref<1x64x128xf32, #tpu.memory_space<hbm>>
      %dma_wait3A_2051 = tpu.memref_squeeze %dma_wait3A_2050 : memref<1x64x128xf32, #tpu.memory_space<hbm>> -> memref<64x128xf32, #tpu.memory_space<hbm>>
      %dma_wait3A_2052 = arith.constant 0 : i32
      %dma_wait3A_2053 = tpu.memref_slice %arg6[%arg0, %add3A_1852, %dma_wait3A_2052] : memref<2x10240x128xf32, #tpu.memory_space<hbm>> -> memref<1x64x128xf32, #tpu.memory_space<hbm>>
      %dma_wait3A_2054 = tpu.memref_squeeze %dma_wait3A_2053 : memref<1x64x128xf32, #tpu.memory_space<hbm>> -> memref<64x128xf32, #tpu.memory_space<hbm>>
      tpu.wait_dma2 semaphore(%run_scoped3A : memref<!tpu.dma_semaphore, #tpu.memory_space<semaphore_mem>>) src(%arg12 : memref<64x128xf32, #tpu.memory_space<vmem>>) dst(%dma_wait3A_2054 : memref<64x128xf32, #tpu.memory_space<hbm>>)
      tpu.yield
    }) : () -> ()
    %add3A_1899 = arith.constant 448 : i32
    %add3A_1900 = arith.addi %mul3A_2, %add3A_1899 : i32
    %add3A_1901 = arith.constant 0 : i32
    %add3A_1902 = arith.addi %add3A_1900, %add3A_1901 : i32
    %add3A_1903 = vector.broadcast %add3A_1902 : i32 to vector<16xi32>
    %add3A_1904 = arith.addi %add3A_1903, %iota3A : vector<16xi32>
    %swap3A_1905 = arith.constant 0 : i32
    %swap3A_1906 = arith.index_cast %swap3A_1905 : i32 to index
    %swap3A_1907 = arith.constant 0 : index
    %swap3A_1908 = tpu.vector_load %arg9[%swap3A_1906, %swap3A_1907] {strides = array<i32>} : memref<2x64xi32, #tpu.memory_space<vmem>>, vector<16xi32>,
    tpu.vector_store %arg9[%swap3A_1906, %swap3A_1907], %add3A_1904 {strides = array<i32>} : memref<2x64xi32, #tpu.memory_space<vmem>>, vector<16xi32>,
    %add3A_1909 = arith.constant 16 : i32
    %add3A_1910 = arith.addi %add3A_1900, %add3A_1909 : i32
    %add3A_1911 = vector.broadcast %add3A_1910 : i32 to vector<16xi32>
    %add3A_1912 = arith.addi %add3A_1911, %iota3A : vector<16xi32>
    %swap3A_1913 = arith.constant 0 : i32
    %swap3A_1914 = arith.index_cast %swap3A_1913 : i32 to index
    %swap3A_1915 = arith.constant 16 : index
    %swap3A_1916 = tpu.vector_load %arg9[%swap3A_1914, %swap3A_1915] {strides = array<i32>} : memref<2x64xi32, #tpu.memory_space<vmem>>, vector<16xi32>,
    tpu.vector_store %arg9[%swap3A_1914, %swap3A_1915], %add3A_1912 {strides = array<i32>} : memref<2x64xi32, #tpu.memory_space<vmem>>, vector<16xi32>,
    %add3A_1917 = arith.constant 32 : i32
    %add3A_1918 = arith.addi %add3A_1900, %add3A_1917 : i32
    %add3A_1919 = vector.broadcast %add3A_1918 : i32 to vector<16xi32>
    %add3A_1920 = arith.addi %add3A_1919, %iota3A : vector<16xi32>
    %swap3A_1921 = arith.constant 0 : i32
    %swap3A_1922 = arith.index_cast %swap3A_1921 : i32 to index
    %swap3A_1923 = arith.constant 32 : index
    %swap3A_1924 = tpu.vector_load %arg9[%swap3A_1922, %swap3A_1923] {strides = array<i32>} : memref<2x64xi32, #tpu.memory_space<vmem>>, vector<16xi32>,
    tpu.vector_store %arg9[%swap3A_1922, %swap3A_1923], %add3A_1920 {strides = array<i32>} : memref<2x64xi32, #tpu.memory_space<vmem>>, vector<16xi32>,
    %add3A_1925 = arith.constant 48 : i32
    %add3A_1926 = arith.addi %add3A_1900, %add3A_1925 : i32
    %add3A_1927 = vector.broadcast %add3A_1926 : i32 to vector<16xi32>
    %add3A_1928 = arith.addi %add3A_1927, %iota3A : vector<16xi32>
    %swap3A_1929 = arith.constant 0 : i32
    %swap3A_1930 = arith.index_cast %swap3A_1929 : i32 to index
    %swap3A_1931 = arith.constant 48 : index
    %swap3A_1932 = tpu.vector_load %arg9[%swap3A_1930, %swap3A_1931] {strides = array<i32>} : memref<2x64xi32, #tpu.memory_space<vmem>>, vector<16xi32>,
    tpu.vector_store %arg9[%swap3A_1930, %swap3A_1931], %add3A_1928 {strides = array<i32>} : memref<2x64xi32, #tpu.memory_space<vmem>>, vector<16xi32>,
    %dma_start3A_1933 = arith.constant 0 : i32
    %dma_start3A_1934 = arith.constant 0 : i32
    %dma_start3A_1935 = tpu.memref_slice %arg9[%dma_start3A_1933, %dma_start3A_1934] : memref<2x64xi32, #tpu.memory_space<vmem>> -> memref<1x64xi32, #tpu.memory_space<vmem>>
    %dma_start3A_1936 = tpu.memref_squeeze %dma_start3A_1935 : memref<1x64xi32, #tpu.memory_space<vmem>> -> memref<64xi32, #tpu.memory_space<vmem>>
    %dma_start3A_1937 = arith.constant 0 : i32
    %dma_start3A_1938 = arith.constant 0 : i32
    %dma_start3A_1939 = tpu.memref_slice %arg8[%dma_start3A_1937, %dma_start3A_1938] : memref<10240x128xf32, #tpu.memory_space<vmem_shared>> -> memref<10240x128xf32, #tpu.memory_space<vmem_shared>>
    tpu.enqueue_indirect_dma source(%dma_start3A_1939 : memref<10240x128xf32, #tpu.memory_space<vmem_shared>>) target(%arg12 : memref<64x128xf32, #tpu.memory_space<vmem>>) offsets(%dma_start3A_1936 : memref<64xi32, #tpu.memory_space<vmem>>) semaphore(%arg14 : memref<!tpu.dma_semaphore, #tpu.memory_space<semaphore_mem>>)
    %dma_wait3A_1940 = arith.constant 0 : i32
    %dma_wait3A_1941 = arith.constant 0 : i32
    %dma_wait3A_1942 = tpu.memref_slice %arg9[%dma_wait3A_1940, %dma_wait3A_1941] : memref<2x64xi32, #tpu.memory_space<vmem>> -> memref<1x64xi32, #tpu.memory_space<vmem>>
    %dma_wait3A_1943 = tpu.memref_squeeze %dma_wait3A_1942 : memref<1x64xi32, #tpu.memory_space<vmem>> -> memref<64xi32, #tpu.memory_space<vmem>>
    %dma_wait3A_1944 = arith.constant 0 : i32
    %dma_wait3A_1945 = arith.constant 0 : i32
    %dma_wait3A_1946 = tpu.memref_slice %arg8[%dma_wait3A_1944, %dma_wait3A_1945] : memref<10240x128xf32, #tpu.memory_space<vmem_shared>> -> memref<10240x128xf32, #tpu.memory_space<vmem_shared>>
    tpu.wait_indirect_dma semaphore(%arg14 : memref<!tpu.dma_semaphore, #tpu.memory_space<semaphore_mem>>) src(%dma_wait3A_1946 : memref<10240x128xf32, #tpu.memory_space<vmem_shared>>) dst(%arg12 : memref<64x128xf32, #tpu.memory_space<vmem>>)
    "tpu.region"() ({
      %run_scoped3A = tpu.sem_alloc : memref<!tpu.dma_semaphore, #tpu.memory_space<semaphore_mem>>
      %dma_start3A_2043 = arith.constant 0 : i32
      %dma_start3A_2044 = tpu.memref_slice %arg6[%arg0, %add3A_1900, %dma_start3A_2043] : memref<2x10240x128xf32, #tpu.memory_space<hbm>> -> memref<1x64x128xf32, #tpu.memory_space<hbm>>
      %dma_start3A_2045 = tpu.memref_squeeze %dma_start3A_2044 : memref<1x64x128xf32, #tpu.memory_space<hbm>> -> memref<64x128xf32, #tpu.memory_space<hbm>>
      %dma_start3A_2046 = arith.constant 0 : i32
      %dma_start3A_2047 = tpu.memref_slice %arg6[%arg0, %add3A_1900, %dma_start3A_2046] : memref<2x10240x128xf32, #tpu.memory_space<hbm>> -> memref<1x64x128xf32, #tpu.memory_space<hbm>>
      %dma_start3A_2048 = tpu.memref_squeeze %dma_start3A_2047 : memref<1x64x128xf32, #tpu.memory_space<hbm>> -> memref<64x128xf32, #tpu.memory_space<hbm>>
      tpu.enqueue_dma source(%arg12 : memref<64x128xf32, #tpu.memory_space<vmem>>) target(%dma_start3A_2048 : memref<64x128xf32, #tpu.memory_space<hbm>>) target_semaphore(%run_scoped3A : memref<!tpu.dma_semaphore, #tpu.memory_space<semaphore_mem>>)
      %dma_wait3A_2049 = arith.constant 0 : i32
      %dma_wait3A_2050 = tpu.memref_slice %arg6[%arg0, %add3A_1900, %dma_wait3A_2049] : memref<2x10240x128xf32, #tpu.memory_space<hbm>> -> memref<1x64x128xf32, #tpu.memory_space<hbm>>
      %dma_wait3A_2051 = tpu.memref_squeeze %dma_wait3A_2050 : memref<1x64x128xf32, #tpu.memory_space<hbm>> -> memref<64x128xf32, #tpu.memory_space<hbm>>
      %dma_wait3A_2052 = arith.constant 0 : i32
      %dma_wait3A_2053 = tpu.memref_slice %arg6[%arg0, %add3A_1900, %dma_wait3A_2052] : memref<2x10240x128xf32, #tpu.memory_space<hbm>> -> memref<1x64x128xf32, #tpu.memory_space<hbm>>
      %dma_wait3A_2054 = tpu.memref_squeeze %dma_wait3A_2053 : memref<1x64x128xf32, #tpu.memory_space<hbm>> -> memref<64x128xf32, #tpu.memory_space<hbm>>
      tpu.wait_dma2 semaphore(%run_scoped3A : memref<!tpu.dma_semaphore, #tpu.memory_space<semaphore_mem>>) src(%arg12 : memref<64x128xf32, #tpu.memory_space<vmem>>) dst(%dma_wait3A_2054 : memref<64x128xf32, #tpu.memory_space<hbm>>)
      tpu.yield
    }) : () -> ()
    %add3A_1947 = arith.constant 512 : i32
    %add3A_1948 = arith.addi %mul3A_2, %add3A_1947 : i32
    %add3A_1949 = arith.constant 0 : i32
    %add3A_1950 = arith.addi %add3A_1948, %add3A_1949 : i32
    %add3A_1951 = vector.broadcast %add3A_1950 : i32 to vector<16xi32>
    %add3A_1952 = arith.addi %add3A_1951, %iota3A : vector<16xi32>
    %swap3A_1953 = arith.constant 0 : i32
    %swap3A_1954 = arith.index_cast %swap3A_1953 : i32 to index
    %swap3A_1955 = arith.constant 0 : index
    %swap3A_1956 = tpu.vector_load %arg9[%swap3A_1954, %swap3A_1955] {strides = array<i32>} : memref<2x64xi32, #tpu.memory_space<vmem>>, vector<16xi32>,
    tpu.vector_store %arg9[%swap3A_1954, %swap3A_1955], %add3A_1952 {strides = array<i32>} : memref<2x64xi32, #tpu.memory_space<vmem>>, vector<16xi32>,
    %add3A_1957 = arith.constant 16 : i32
    %add3A_1958 = arith.addi %add3A_1948, %add3A_1957 : i32
    %add3A_1959 = vector.broadcast %add3A_1958 : i32 to vector<16xi32>
    %add3A_1960 = arith.addi %add3A_1959, %iota3A : vector<16xi32>
    %swap3A_1961 = arith.constant 0 : i32
    %swap3A_1962 = arith.index_cast %swap3A_1961 : i32 to index
    %swap3A_1963 = arith.constant 16 : index
    %swap3A_1964 = tpu.vector_load %arg9[%swap3A_1962, %swap3A_1963] {strides = array<i32>} : memref<2x64xi32, #tpu.memory_space<vmem>>, vector<16xi32>,
    tpu.vector_store %arg9[%swap3A_1962, %swap3A_1963], %add3A_1960 {strides = array<i32>} : memref<2x64xi32, #tpu.memory_space<vmem>>, vector<16xi32>,
    %add3A_1965 = arith.constant 32 : i32
    %add3A_1966 = arith.addi %add3A_1948, %add3A_1965 : i32
    %add3A_1967 = vector.broadcast %add3A_1966 : i32 to vector<16xi32>
    %add3A_1968 = arith.addi %add3A_1967, %iota3A : vector<16xi32>
    %swap3A_1969 = arith.constant 0 : i32
    %swap3A_1970 = arith.index_cast %swap3A_1969 : i32 to index
    %swap3A_1971 = arith.constant 32 : index
    %swap3A_1972 = tpu.vector_load %arg9[%swap3A_1970, %swap3A_1971] {strides = array<i32>} : memref<2x64xi32, #tpu.memory_space<vmem>>, vector<16xi32>,
    tpu.vector_store %arg9[%swap3A_1970, %swap3A_1971], %add3A_1968 {strides = array<i32>} : memref<2x64xi32, #tpu.memory_space<vmem>>, vector<16xi32>,
    %add3A_1973 = arith.constant 48 : i32
    %add3A_1974 = arith.addi %add3A_1948, %add3A_1973 : i32
    %add3A_1975 = vector.broadcast %add3A_1974 : i32 to vector<16xi32>
    %add3A_1976 = arith.addi %add3A_1975, %iota3A : vector<16xi32>
    %swap3A_1977 = arith.constant 0 : i32
    %swap3A_1978 = arith.index_cast %swap3A_1977 : i32 to index
    %swap3A_1979 = arith.constant 48 : index
    %swap3A_1980 = tpu.vector_load %arg9[%swap3A_1978, %swap3A_1979] {strides = array<i32>} : memref<2x64xi32, #tpu.memory_space<vmem>>, vector<16xi32>,
    tpu.vector_store %arg9[%swap3A_1978, %swap3A_1979], %add3A_1976 {strides = array<i32>} : memref<2x64xi32, #tpu.memory_space<vmem>>, vector<16xi32>,
    %dma_start3A_1981 = arith.constant 0 : i32
    %dma_start3A_1982 = arith.constant 0 : i32
    %dma_start3A_1983 = tpu.memref_slice %arg9[%dma_start3A_1981, %dma_start3A_1982] : memref<2x64xi32, #tpu.memory_space<vmem>> -> memref<1x64xi32, #tpu.memory_space<vmem>>
    %dma_start3A_1984 = tpu.memref_squeeze %dma_start3A_1983 : memref<1x64xi32, #tpu.memory_space<vmem>> -> memref<64xi32, #tpu.memory_space<vmem>>
    %dma_start3A_1985 = arith.constant 0 : i32
    %dma_start3A_1986 = arith.constant 0 : i32
    %dma_start3A_1987 = tpu.memref_slice %arg8[%dma_start3A_1985, %dma_start3A_1986] : memref<10240x128xf32, #tpu.memory_space<vmem_shared>> -> memref<10240x128xf32, #tpu.memory_space<vmem_shared>>
    tpu.enqueue_indirect_dma source(%dma_start3A_1987 : memref<10240x128xf32, #tpu.memory_space<vmem_shared>>) target(%arg12 : memref<64x128xf32, #tpu.memory_space<vmem>>) offsets(%dma_start3A_1984 : memref<64xi32, #tpu.memory_space<vmem>>) semaphore(%arg14 : memref<!tpu.dma_semaphore, #tpu.memory_space<semaphore_mem>>)
    %dma_wait3A_1988 = arith.constant 0 : i32
    %dma_wait3A_1989 = arith.constant 0 : i32
    %dma_wait3A_1990 = tpu.memref_slice %arg9[%dma_wait3A_1988, %dma_wait3A_1989] : memref<2x64xi32, #tpu.memory_space<vmem>> -> memref<1x64xi32, #tpu.memory_space<vmem>>
    %dma_wait3A_1991 = tpu.memref_squeeze %dma_wait3A_1990 : memref<1x64xi32, #tpu.memory_space<vmem>> -> memref<64xi32, #tpu.memory_space<vmem>>
    %dma_wait3A_1992 = arith.constant 0 : i32
    %dma_wait3A_1993 = arith.constant 0 : i32
    %dma_wait3A_1994 = tpu.memref_slice %arg8[%dma_wait3A_1992, %dma_wait3A_1993] : memref<10240x128xf32, #tpu.memory_space<vmem_shared>> -> memref<10240x128xf32, #tpu.memory_space<vmem_shared>>
    tpu.wait_indirect_dma semaphore(%arg14 : memref<!tpu.dma_semaphore, #tpu.memory_space<semaphore_mem>>) src(%dma_wait3A_1994 : memref<10240x128xf32, #tpu.memory_space<vmem_shared>>) dst(%arg12 : memref<64x128xf32, #tpu.memory_space<vmem>>)
    "tpu.region"() ({
      %run_scoped3A = tpu.sem_alloc : memref<!tpu.dma_semaphore, #tpu.memory_space<semaphore_mem>>
      %dma_start3A_2043 = arith.constant 0 : i32
      %dma_start3A_2044 = tpu.memref_slice %arg6[%arg0, %add3A_1948, %dma_start3A_2043] : memref<2x10240x128xf32, #tpu.memory_space<hbm>> -> memref<1x64x128xf32, #tpu.memory_space<hbm>>
      %dma_start3A_2045 = tpu.memref_squeeze %dma_start3A_2044 : memref<1x64x128xf32, #tpu.memory_space<hbm>> -> memref<64x128xf32, #tpu.memory_space<hbm>>
      %dma_start3A_2046 = arith.constant 0 : i32
      %dma_start3A_2047 = tpu.memref_slice %arg6[%arg0, %add3A_1948, %dma_start3A_2046] : memref<2x10240x128xf32, #tpu.memory_space<hbm>> -> memref<1x64x128xf32, #tpu.memory_space<hbm>>
      %dma_start3A_2048 = tpu.memref_squeeze %dma_start3A_2047 : memref<1x64x128xf32, #tpu.memory_space<hbm>> -> memref<64x128xf32, #tpu.memory_space<hbm>>
      tpu.enqueue_dma source(%arg12 : memref<64x128xf32, #tpu.memory_space<vmem>>) target(%dma_start3A_2048 : memref<64x128xf32, #tpu.memory_space<hbm>>) target_semaphore(%run_scoped3A : memref<!tpu.dma_semaphore, #tpu.memory_space<semaphore_mem>>)
      %dma_wait3A_2049 = arith.constant 0 : i32
      %dma_wait3A_2050 = tpu.memref_slice %arg6[%arg0, %add3A_1948, %dma_wait3A_2049] : memref<2x10240x128xf32, #tpu.memory_space<hbm>> -> memref<1x64x128xf32, #tpu.memory_space<hbm>>
      %dma_wait3A_2051 = tpu.memref_squeeze %dma_wait3A_2050 : memref<1x64x128xf32, #tpu.memory_space<hbm>> -> memref<64x128xf32, #tpu.memory_space<hbm>>
      %dma_wait3A_2052 = arith.constant 0 : i32
      %dma_wait3A_2053 = tpu.memref_slice %arg6[%arg0, %add3A_1948, %dma_wait3A_2052] : memref<2x10240x128xf32, #tpu.memory_space<hbm>> -> memref<1x64x128xf32, #tpu.memory_space<hbm>>
      %dma_wait3A_2054 = tpu.memref_squeeze %dma_wait3A_2053 : memref<1x64x128xf32, #tpu.memory_space<hbm>> -> memref<64x128xf32, #tpu.memory_space<hbm>>
      tpu.wait_dma2 semaphore(%run_scoped3A : memref<!tpu.dma_semaphore, #tpu.memory_space<semaphore_mem>>) src(%arg12 : memref<64x128xf32, #tpu.memory_space<vmem>>) dst(%dma_wait3A_2054 : memref<64x128xf32, #tpu.memory_space<hbm>>)
      tpu.yield
    }) : () -> ()
    %add3A_1995 = arith.constant 576 : i32
    %add3A_1996 = arith.addi %mul3A_2, %add3A_1995 : i32
    %add3A_1997 = arith.constant 0 : i32
    %add3A_1998 = arith.addi %add3A_1996, %add3A_1997 : i32
    %add3A_1999 = vector.broadcast %add3A_1998 : i32 to vector<16xi32>
    %add3A_2000 = arith.addi %add3A_1999, %iota3A : vector<16xi32>
    %swap3A_2001 = arith.constant 0 : i32
    %swap3A_2002 = arith.index_cast %swap3A_2001 : i32 to index
    %swap3A_2003 = arith.constant 0 : index
    %swap3A_2004 = tpu.vector_load %arg9[%swap3A_2002, %swap3A_2003] {strides = array<i32>} : memref<2x64xi32, #tpu.memory_space<vmem>>, vector<16xi32>,
    tpu.vector_store %arg9[%swap3A_2002, %swap3A_2003], %add3A_2000 {strides = array<i32>} : memref<2x64xi32, #tpu.memory_space<vmem>>, vector<16xi32>,
    %add3A_2005 = arith.constant 16 : i32
    %add3A_2006 = arith.addi %add3A_1996, %add3A_2005 : i32
    %add3A_2007 = vector.broadcast %add3A_2006 : i32 to vector<16xi32>
    %add3A_2008 = arith.addi %add3A_2007, %iota3A : vector<16xi32>
    %swap3A_2009 = arith.constant 0 : i32
    %swap3A_2010 = arith.index_cast %swap3A_2009 : i32 to index
    %swap3A_2011 = arith.constant 16 : index
    %swap3A_2012 = tpu.vector_load %arg9[%swap3A_2010, %swap3A_2011] {strides = array<i32>} : memref<2x64xi32, #tpu.memory_space<vmem>>, vector<16xi32>,
    tpu.vector_store %arg9[%swap3A_2010, %swap3A_2011], %add3A_2008 {strides = array<i32>} : memref<2x64xi32, #tpu.memory_space<vmem>>, vector<16xi32>,
    %add3A_2013 = arith.constant 32 : i32
    %add3A_2014 = arith.addi %add3A_1996, %add3A_2013 : i32
    %add3A_2015 = vector.broadcast %add3A_2014 : i32 to vector<16xi32>
    %add3A_2016 = arith.addi %add3A_2015, %iota3A : vector<16xi32>
    %swap3A_2017 = arith.constant 0 : i32
    %swap3A_2018 = arith.index_cast %swap3A_2017 : i32 to index
    %swap3A_2019 = arith.constant 32 : index
    %swap3A_2020 = tpu.vector_load %arg9[%swap3A_2018, %swap3A_2019] {strides = array<i32>} : memref<2x64xi32, #tpu.memory_space<vmem>>, vector<16xi32>,
    tpu.vector_store %arg9[%swap3A_2018, %swap3A_2019], %add3A_2016 {strides = array<i32>} : memref<2x64xi32, #tpu.memory_space<vmem>>, vector<16xi32>,
    %add3A_2021 = arith.constant 48 : i32
    %add3A_2022 = arith.addi %add3A_1996, %add3A_2021 : i32
    %add3A_2023 = vector.broadcast %add3A_2022 : i32 to vector<16xi32>
    %add3A_2024 = arith.addi %add3A_2023, %iota3A : vector<16xi32>
    %swap3A_2025 = arith.constant 0 : i32
    %swap3A_2026 = arith.index_cast %swap3A_2025 : i32 to index
    %swap3A_2027 = arith.constant 48 : index
    %swap3A_2028 = tpu.vector_load %arg9[%swap3A_2026, %swap3A_2027] {strides = array<i32>} : memref<2x64xi32, #tpu.memory_space<vmem>>, vector<16xi32>,
    tpu.vector_store %arg9[%swap3A_2026, %swap3A_2027], %add3A_2024 {strides = array<i32>} : memref<2x64xi32, #tpu.memory_space<vmem>>, vector<16xi32>,
    %dma_start3A_2029 = arith.constant 0 : i32
    %dma_start3A_2030 = arith.constant 0 : i32
    %dma_start3A_2031 = tpu.memref_slice %arg9[%dma_start3A_2029, %dma_start3A_2030] : memref<2x64xi32, #tpu.memory_space<vmem>> -> memref<1x64xi32, #tpu.memory_space<vmem>>
    %dma_start3A_2032 = tpu.memref_squeeze %dma_start3A_2031 : memref<1x64xi32, #tpu.memory_space<vmem>> -> memref<64xi32, #tpu.memory_space<vmem>>
    %dma_start3A_2033 = arith.constant 0 : i32
    %dma_start3A_2034 = arith.constant 0 : i32
    %dma_start3A_2035 = tpu.memref_slice %arg8[%dma_start3A_2033, %dma_start3A_2034] : memref<10240x128xf32, #tpu.memory_space<vmem_shared>> -> memref<10240x128xf32, #tpu.memory_space<vmem_shared>>
    tpu.enqueue_indirect_dma source(%dma_start3A_2035 : memref<10240x128xf32, #tpu.memory_space<vmem_shared>>) target(%arg12 : memref<64x128xf32, #tpu.memory_space<vmem>>) offsets(%dma_start3A_2032 : memref<64xi32, #tpu.memory_space<vmem>>) semaphore(%arg14 : memref<!tpu.dma_semaphore, #tpu.memory_space<semaphore_mem>>)
    %dma_wait3A_2036 = arith.constant 0 : i32
    %dma_wait3A_2037 = arith.constant 0 : i32
    %dma_wait3A_2038 = tpu.memref_slice %arg9[%dma_wait3A_2036, %dma_wait3A_2037] : memref<2x64xi32, #tpu.memory_space<vmem>> -> memref<1x64xi32, #tpu.memory_space<vmem>>
    %dma_wait3A_2039 = tpu.memref_squeeze %dma_wait3A_2038 : memref<1x64xi32, #tpu.memory_space<vmem>> -> memref<64xi32, #tpu.memory_space<vmem>>
    %dma_wait3A_2040 = arith.constant 0 : i32
    %dma_wait3A_2041 = arith.constant 0 : i32
    %dma_wait3A_2042 = tpu.memref_slice %arg8[%dma_wait3A_2040, %dma_wait3A_2041] : memref<10240x128xf32, #tpu.memory_space<vmem_shared>> -> memref<10240x128xf32, #tpu.memory_space<vmem_shared>>
    tpu.wait_indirect_dma semaphore(%arg14 : memref<!tpu.dma_semaphore, #tpu.memory_space<semaphore_mem>>) src(%dma_wait3A_2042 : memref<10240x128xf32, #tpu.memory_space<vmem_shared>>) dst(%arg12 : memref<64x128xf32, #tpu.memory_space<vmem>>)
    "tpu.region"() ({
      %run_scoped3A = tpu.sem_alloc : memref<!tpu.dma_semaphore, #tpu.memory_space<semaphore_mem>>
      %dma_start3A_2043 = arith.constant 0 : i32
      %dma_start3A_2044 = tpu.memref_slice %arg6[%arg0, %add3A_1996, %dma_start3A_2043] : memref<2x10240x128xf32, #tpu.memory_space<hbm>> -> memref<1x64x128xf32, #tpu.memory_space<hbm>>
      %dma_start3A_2045 = tpu.memref_squeeze %dma_start3A_2044 : memref<1x64x128xf32, #tpu.memory_space<hbm>> -> memref<64x128xf32, #tpu.memory_space<hbm>>
      %dma_start3A_2046 = arith.constant 0 : i32
      %dma_start3A_2047 = tpu.memref_slice %arg6[%arg0, %add3A_1996, %dma_start3A_2046] : memref<2x10240x128xf32, #tpu.memory_space<hbm>> -> memref<1x64x128xf32, #tpu.memory_space<hbm>>
      %dma_start3A_2048 = tpu.memref_squeeze %dma_start3A_2047 : memref<1x64x128xf32, #tpu.memory_space<hbm>> -> memref<64x128xf32, #tpu.memory_space<hbm>>
      tpu.enqueue_dma source(%arg12 : memref<64x128xf32, #tpu.memory_space<vmem>>) target(%dma_start3A_2048 : memref<64x128xf32, #tpu.memory_space<hbm>>) target_semaphore(%run_scoped3A : memref<!tpu.dma_semaphore, #tpu.memory_space<semaphore_mem>>)
      %dma_wait3A_2049 = arith.constant 0 : i32
      %dma_wait3A_2050 = tpu.memref_slice %arg6[%arg0, %add3A_1996, %dma_wait3A_2049] : memref<2x10240x128xf32, #tpu.memory_space<hbm>> -> memref<1x64x128xf32, #tpu.memory_space<hbm>>
      %dma_wait3A_2051 = tpu.memref_squeeze %dma_wait3A_2050 : memref<1x64x128xf32, #tpu.memory_space<hbm>> -> memref<64x128xf32, #tpu.memory_space<hbm>>
      %dma_wait3A_2052 = arith.constant 0 : i32
      %dma_wait3A_2053 = tpu.memref_slice %arg6[%arg0, %add3A_1996, %dma_wait3A_2052] : memref<2x10240x128xf32, #tpu.memory_space<hbm>> -> memref<1x64x128xf32, #tpu.memory_space<hbm>>
      %dma_wait3A_2054 = tpu.memref_squeeze %dma_wait3A_2053 : memref<1x64x128xf32, #tpu.memory_space<hbm>> -> memref<64x128xf32, #tpu.memory_space<hbm>>
      tpu.wait_dma2 semaphore(%run_scoped3A : memref<!tpu.dma_semaphore, #tpu.memory_space<semaphore_mem>>) src(%arg12 : memref<64x128xf32, #tpu.memory_space<vmem>>) dst(%dma_wait3A_2054 : memref<64x128xf32, #tpu.memory_space<hbm>>)
      tpu.yield
    }) : () -> ()
    return
  }
}

module attributes {stable_mosaic.version = 14 : i64} {
  func.func @_proj_body(%arg0: i32, %arg1: memref<2000x128xf32, #tpu.memory_space<vmem>>, %arg2: memref<128x128xf32, #tpu.memory_space<vmem>>, %arg3: memref<128x128xf32, #tpu.memory_space<vmem>>, %arg4: memref<128x128xf32, #tpu.memory_space<vmem>>, %arg5: memref<1x128xf32, #tpu.memory_space<vmem>>, %arg6: memref<1x128xf32, #tpu.memory_space<vmem>>, %arg7: memref<1x128xf32, #tpu.memory_space<vmem>>, %arg8: memref<2000x128xf32, #tpu.memory_space<vmem>>, %arg9: memref<2000x256xf32, #tpu.memory_space<vmem>>) attributes {dimension_semantics = [#tpu.dimension_semantics<arbitrary>], iteration_bounds = array<i64: 5>, scalar_prefetch = 0 : i64, scratch_operands = 0 : i64, tpu.core_type = #tpu.core_type<tc>, window_params = [{transform_indices = @transform_0, window_bounds = array<i64: 2000, 128>}, {pipeline_mode = #tpu.pipeline_mode<synchronous>, transform_indices = @transform_1, window_bounds = array<i64: 128, 128>}, {pipeline_mode = #tpu.pipeline_mode<synchronous>, transform_indices = @transform_2, window_bounds = array<i64: 128, 128>}, {pipeline_mode = #tpu.pipeline_mode<synchronous>, transform_indices = @transform_3, window_bounds = array<i64: 128, 128>}, {pipeline_mode = #tpu.pipeline_mode<synchronous>, transform_indices = @transform_4, window_bounds = array<i64: 1, 128>}, {pipeline_mode = #tpu.pipeline_mode<synchronous>, transform_indices = @transform_5, window_bounds = array<i64: 1, 128>}, {pipeline_mode = #tpu.pipeline_mode<synchronous>, transform_indices = @transform_6, window_bounds = array<i64: 1, 128>}, {transform_indices = @transform_7, window_bounds = array<i64: 2000, 128>}, {transform_indices = @transform_8, window_bounds = array<i64: 2000, 256>}]} {
    %get3A = arith.constant 0 : index
    %get3A_0 = arith.constant 0 : index
    %get3A_1 = vector.load %arg1[%get3A, %get3A_0] : memref<2000x128xf32, #tpu.memory_space<vmem>>, vector<2000x128xf32>
    %get3A_2 = arith.constant 0 : index
    %get3A_3 = arith.constant 0 : index
    %get3A_4 = vector.load %arg2[%get3A_2, %get3A_3] : memref<128x128xf32, #tpu.memory_space<vmem>>, vector<128x128xf32>
    %dot_general3A = arith.constant dense<0.000000e+00> : vector<2000x128xf32>
    %dot_general3A_5 = tpu.matmul %get3A_1, %get3A_4, %dot_general3A {dimension_numbers = #tpu.dot_dimension_numbers<[1], [0], [0], [1], [0, 0, 1, 1], [], []>, transpose_lhs_hint = false} : vector<2000x128xf32>, vector<128x128xf32>, vector<2000x128xf32> -> vector<2000x128xf32>
    %get3A_6 = arith.constant 0 : index
    %get3A_7 = arith.constant 0 : index
    %get3A_8 = vector.load %arg5[%get3A_6, %get3A_7] : memref<1x128xf32, #tpu.memory_space<vmem>>, vector<1x128xf32>
    %add3A = vector.broadcast %get3A_8 : vector<1x128xf32> to vector<2000x128xf32>
    %add3A_9 = arith.addf %dot_general3A_5, %add3A : vector<2000x128xf32>
    %swap3A = arith.constant 0 : index
    %swap3A_10 = arith.constant 0 : index
    %swap3A_11 = vector.load %arg8[%swap3A, %swap3A_10] : memref<2000x128xf32, #tpu.memory_space<vmem>>, vector<2000x128xf32>
    tpu.vector_store %arg8[%swap3A, %swap3A_10], %add3A_9 {strides = array<i32>} : memref<2000x128xf32, #tpu.memory_space<vmem>>, vector<2000x128xf32>,
    %get3A_12 = arith.constant 0 : index
    %get3A_13 = arith.constant 0 : index
    %get3A_14 = vector.load %arg3[%get3A_12, %get3A_13] : memref<128x128xf32, #tpu.memory_space<vmem>>, vector<128x128xf32>
    %dot_general3A_15 = arith.constant dense<0.000000e+00> : vector<2000x128xf32>
    %dot_general3A_16 = tpu.matmul %get3A_1, %get3A_14, %dot_general3A_15 {dimension_numbers = #tpu.dot_dimension_numbers<[1], [0], [0], [1], [0, 0, 1, 1], [], []>, transpose_lhs_hint = false} : vector<2000x128xf32>, vector<128x128xf32>, vector<2000x128xf32> -> vector<2000x128xf32>
    %get3A_17 = arith.constant 0 : index
    %get3A_18 = arith.constant 0 : index
    %get3A_19 = vector.load %arg6[%get3A_17, %get3A_18] : memref<1x128xf32, #tpu.memory_space<vmem>>, vector<1x128xf32>
    %add3A_20 = vector.broadcast %get3A_19 : vector<1x128xf32> to vector<2000x128xf32>
    %add3A_21 = arith.addf %dot_general3A_16, %add3A_20 : vector<2000x128xf32>
    %swap3A_22 = arith.constant 0 : index
    %swap3A_23 = arith.constant 0 : index
    %swap3A_24 = vector.load %arg9[%swap3A_22, %swap3A_23] : memref<2000x256xf32, #tpu.memory_space<vmem>>, vector<2000x128xf32>
    tpu.vector_store %arg9[%swap3A_22, %swap3A_23], %add3A_21 {strides = array<i32>} : memref<2000x256xf32, #tpu.memory_space<vmem>>, vector<2000x128xf32>,
    %get3A_25 = arith.constant 0 : index
    %get3A_26 = arith.constant 0 : index
    %get3A_27 = vector.load %arg4[%get3A_25, %get3A_26] : memref<128x128xf32, #tpu.memory_space<vmem>>, vector<128x128xf32>
    %dot_general3A_28 = arith.constant dense<0.000000e+00> : vector<2000x128xf32>
    %dot_general3A_29 = tpu.matmul %get3A_1, %get3A_27, %dot_general3A_28 {dimension_numbers = #tpu.dot_dimension_numbers<[1], [0], [0], [1], [0, 0, 1, 1], [], []>, transpose_lhs_hint = false} : vector<2000x128xf32>, vector<128x128xf32>, vector<2000x128xf32> -> vector<2000x128xf32>
    %get3A_30 = arith.constant 0 : index
    %get3A_31 = arith.constant 0 : index
    %get3A_32 = vector.load %arg7[%get3A_30, %get3A_31] : memref<1x128xf32, #tpu.memory_space<vmem>>, vector<1x128xf32>
    %add3A_33 = vector.broadcast %get3A_32 : vector<1x128xf32> to vector<2000x128xf32>
    %add3A_34 = arith.addf %dot_general3A_29, %add3A_33 : vector<2000x128xf32>
    %swap3A_35 = arith.constant 0 : index
    %swap3A_36 = arith.constant 128 : index
    %swap3A_37 = vector.load %arg9[%swap3A_35, %swap3A_36] : memref<2000x256xf32, #tpu.memory_space<vmem>>, vector<2000x128xf32>
    tpu.vector_store %arg9[%swap3A_35, %swap3A_36], %add3A_34 {strides = array<i32>} : memref<2000x256xf32, #tpu.memory_space<vmem>>, vector<2000x128xf32>,
    return
  }
  func.func @transform_0(%arg0: i32) -> (i32, i32) {
    %c0_i32 = arith.constant 0 : i32
    %c0_i32_0 = arith.constant 0 : i32
    return %arg0, %c0_i32 : i32, i32
  }
  func.func @transform_1(%arg0: i32) -> (i32, i32) {
    %c0_i32 = arith.constant 0 : i32
    %c0_i32_0 = arith.constant 0 : i32
    %c0_i32_1 = arith.constant 0 : i32
    return %c0_i32, %c0_i32_0 : i32, i32
  }
  func.func @transform_2(%arg0: i32) -> (i32, i32) {
    %c0_i32 = arith.constant 0 : i32
    %c0_i32_0 = arith.constant 0 : i32
    %c0_i32_1 = arith.constant 0 : i32
    return %c0_i32, %c0_i32_0 : i32, i32
  }
  func.func @transform_3(%arg0: i32) -> (i32, i32) {
    %c0_i32 = arith.constant 0 : i32
    %c0_i32_0 = arith.constant 0 : i32
    %c0_i32_1 = arith.constant 0 : i32
    return %c0_i32, %c0_i32_0 : i32, i32
  }
  func.func @transform_4(%arg0: i32) -> (i32, i32) {
    %c0_i32 = arith.constant 0 : i32
    %c0_i32_0 = arith.constant 0 : i32
    %c0_i32_1 = arith.constant 0 : i32
    return %c0_i32, %c0_i32_0 : i32, i32
  }
  func.func @transform_5(%arg0: i32) -> (i32, i32) {
    %c0_i32 = arith.constant 0 : i32
    %c0_i32_0 = arith.constant 0 : i32
    %c0_i32_1 = arith.constant 0 : i32
    return %c0_i32, %c0_i32_0 : i32, i32
  }
  func.func @transform_6(%arg0: i32) -> (i32, i32) {
    %c0_i32 = arith.constant 0 : i32
    %c0_i32_0 = arith.constant 0 : i32
    %c0_i32_1 = arith.constant 0 : i32
    return %c0_i32, %c0_i32_0 : i32, i32
  }
  func.func @transform_7(%arg0: i32) -> (i32, i32) {
    %c0_i32 = arith.constant 0 : i32
    %c0_i32_0 = arith.constant 0 : i32
    return %arg0, %c0_i32 : i32, i32
  }
  func.func @transform_8(%arg0: i32) -> (i32, i32) {
    %c0_i32 = arith.constant 0 : i32
    %c0_i32_0 = arith.constant 0 : i32
    return %arg0, %c0_i32 : i32, i32
  }
}

module attributes {stable_mosaic.version = 14 : i64} {
  func.func @_combine_body(%arg0: i32, %arg1: memref<2000x128xf32, #tpu.memory_space<vmem>>, %arg2: memref<2000x128xf32, #tpu.memory_space<vmem>>, %arg3: memref<2000x128xf32, #tpu.memory_space<vmem>>, %arg4: memref<2000x128xf32, #tpu.memory_space<vmem>>, %arg5: memref<128x128xf32, #tpu.memory_space<vmem>>, %arg6: memref<2000x128xf32, #tpu.memory_space<vmem>>) attributes {dimension_semantics = [#tpu.dimension_semantics<arbitrary>], iteration_bounds = array<i64: 5>, scalar_prefetch = 0 : i64, scratch_operands = 0 : i64, tpu.core_type = #tpu.core_type<tc>, window_params = [{transform_indices = @transform_0, window_bounds = array<i64: 2000, 128>}, {transform_indices = @transform_1, window_bounds = array<i64: 2000, 128>}, {transform_indices = @transform_2, window_bounds = array<i64: 2000, 128>}, {transform_indices = @transform_3, window_bounds = array<i64: 2000, 128>}, {pipeline_mode = #tpu.pipeline_mode<synchronous>, transform_indices = @transform_4, window_bounds = array<i64: 128, 128>}, {transform_indices = @transform_5, window_bounds = array<i64: 2000, 128>}]} {
    %get3A = arith.constant 0 : index
    %get3A_0 = arith.constant 0 : index
    %get3A_1 = vector.load %arg3[%get3A, %get3A_0] : memref<2000x128xf32, #tpu.memory_space<vmem>>, vector<2000x128xf32>
    %get3A_2 = arith.constant 0 : index
    %get3A_3 = arith.constant 0 : index
    %get3A_4 = vector.load %arg4[%get3A_2, %get3A_3] : memref<2000x128xf32, #tpu.memory_space<vmem>>, vector<2000x128xf32>
    %add3A = arith.addf %get3A_1, %get3A_4 : vector<2000x128xf32>
    %get3A_5 = arith.constant 0 : index
    %get3A_6 = arith.constant 0 : index
    %get3A_7 = vector.load %arg5[%get3A_5, %get3A_6] : memref<128x128xf32, #tpu.memory_space<vmem>>, vector<128x128xf32>
    %dot_general3A = arith.constant dense<0.000000e+00> : vector<2000x128xf32>
    %dot_general3A_8 = tpu.matmul %add3A, %get3A_7, %dot_general3A {dimension_numbers = #tpu.dot_dimension_numbers<[1], [0], [0], [1], [0, 0, 1, 1], [], []>, transpose_lhs_hint = false} : vector<2000x128xf32>, vector<128x128xf32>, vector<2000x128xf32> -> vector<2000x128xf32>
    %get3A_9 = arith.constant 0 : index
    %get3A_10 = arith.constant 0 : index
    %get3A_11 = vector.load %arg1[%get3A_9, %get3A_10] : memref<2000x128xf32, #tpu.memory_space<vmem>>, vector<2000x128xf32>
    %get3A_12 = arith.constant 0 : index
    %get3A_13 = arith.constant 0 : index
    %get3A_14 = vector.load %arg2[%get3A_12, %get3A_13] : memref<2000x128xf32, #tpu.memory_space<vmem>>, vector<2000x128xf32>
    %add3A_15 = arith.addf %get3A_11, %get3A_14 : vector<2000x128xf32>
    %div3A = arith.divf %add3A_15, %dot_general3A_8 : vector<2000x128xf32>
    %swap3A = arith.constant 0 : index
    %swap3A_16 = arith.constant 0 : index
    %swap3A_17 = vector.load %arg6[%swap3A, %swap3A_16] : memref<2000x128xf32, #tpu.memory_space<vmem>>, vector<2000x128xf32>
    tpu.vector_store %arg6[%swap3A, %swap3A_16], %div3A {strides = array<i32>} : memref<2000x128xf32, #tpu.memory_space<vmem>>, vector<2000x128xf32>,
    return
  }
  func.func @transform_0(%arg0: i32) -> (i32, i32) {
    %c0_i32 = arith.constant 0 : i32
    %c0_i32_0 = arith.constant 0 : i32
    return %arg0, %c0_i32 : i32, i32
  }
  func.func @transform_1(%arg0: i32) -> (i32, i32) {
    %c0_i32 = arith.constant 0 : i32
    %c0_i32_0 = arith.constant 0 : i32
    return %arg0, %c0_i32 : i32, i32
  }
  func.func @transform_2(%arg0: i32) -> (i32, i32) {
    %c0_i32 = arith.constant 0 : i32
    %c0_i32_0 = arith.constant 0 : i32
    return %arg0, %c0_i32 : i32, i32
  }
  func.func @transform_3(%arg0: i32) -> (i32, i32) {
    %c0_i32 = arith.constant 0 : i32
    %c0_i32_0 = arith.constant 0 : i32
    return %arg0, %c0_i32 : i32, i32
  }
  func.func @transform_4(%arg0: i32) -> (i32, i32) {
    %c0_i32 = arith.constant 0 : i32
    %c0_i32_0 = arith.constant 0 : i32
    %c0_i32_1 = arith.constant 0 : i32
    return %c0_i32, %c0_i32_0 : i32, i32
  }
  func.func @transform_5(%arg0: i32) -> (i32, i32) {
    %c0_i32 = arith.constant 0 : i32
    %c0_i32_0 = arith.constant 0 : i32
    return %arg0, %c0_i32 : i32, i32
  }
}

</mosaic_0001>

<sc_bundles>
// kernel: kernel.5.cloned.1.call-start
scs
__scs_entry_jumppad:
0x0: {  	(pc) =	sbr.rel $0x88, $3  }
0x1: {  	(tag) =	ssettag $0x0;
	lr =	simm.s32 $0x1  }
0x2: {  	[smem:$0x3F99] =	sst lr;
	_ =	strace $0xD0000000  }
0x3: {  	_ = 	snop  }
0x4: {  	_ = 	snop  }
0x5: {  	_ = 	snop  }
0x6: {  	_ = 	snop  }
0x7: {  	_ = 	snop  }
__scs_overlays_trampoline_lowered:
0x8: {  	[smem:$0x3FA8] =	sst s0  }
0x9: {  	[smem:$0x3FA9] =	sst s1  }
0xa: {  	[smem:$0x3FAA] =	sst s2  }
0xb: {  	[smem:$0x3FAB] =	sst s3  }
0xc: {  	[smem:$0x3FAC] =	sst s4  }
0xd: {  	[smem:$0x3FAD] =	sst s5  }
0xe: {  	[smem:$0x3FAE] =	sst s6  }
0xf: {  	[smem:$0x3FAF] =	sst s7  }
0x10: {  	[smem:$0x3FB0] =	sst s8  }
0x11: {  	[smem:$0x3FB1] =	sst s9;
	s0 =	simm.s32 @!p0 $0x0  }
0x12: {  	s1 =	sld [smem:$0x3F97];
	s0 =	simm.s32 @p0 $0x1  }
0x13: {  	[smem:$0x3FB2] =	sst s0;
	s0 =	simm.s32 @!p1 $0x0  }
0x14: {  	s2 =	sld [smem:$0x3F96];
	s0 =	simm.s32 @p1 $0x1  }
0x15: {  	[smem:$0x3FB3] =	sst s0;
	s0 =	simm.s32 @!p2 $0x0  }
0x16: {  	s3 =	sld [smem:$0x3FDB];
	s0 =	simm.s32 @p2 $0x1  }
0x17: {  	s4 =	simm.s32 $0x1BF5;
	[smem:$0x3FB5] =	sst s0  }
0x18: {  	s0 =	sld [smem:$0x3F98];
	_ =	swait.ge [sflag:s4], $0x0  }
0x19: {  	s7 =	sld [smem:$0x3F99]  }
0x1a: {  	s8 =	sadd.s32 $0xFFFFE003, lr  }
0x1b: {  	s9 =	sadd.s32 $0xFFFFFEF7, lr;
	s5 =	simm.s32 $0xFFFFFFFF;
	p2 =	slt.u32 s8, $0xFFFFF086  }
0x1c: {  	p1 =	slt.u32 s9, $0xF7A;
	s5 =	simm.s32 @!p2 $0x0  }
0x1d: {  	s5 =	simm.s32 @p1 $0x1;
	p0 =	seq.s32 s7, s2  }
0x1e: {  	s7 =	smul.u32 @!p0 $0xF7A, s2;
	p2 =	seq.s32 @!p0 s5, $0x0  }
0x1f: {  	s9 =	smul.u32 $0xF7A, s1;
	s8 =	simm.s32 @!p0 $0x1BF5;
	p2 =	por !p2, p0  }
0x20: {  	[sflag:s8] =	ssyncset.s32 @!p0 $0xFFFFF086;
	s6 =	sadd.s32 @!p0 s3, s7;
	s7 =	simm.s32 @!p0 $0x108  }
0x21: {  	s3 =	sadd.s32 s3, s9;
	s6 =	sadd.s32 @!p0 $0x88, s6;
	s7 =	simm.s32 @p2 $0x1082  }
0x22: {  	[simem:s7], [sflag:s8] =	dma.local @!p0 [hbm:s6], $0xF7A  }
0x23: {  	s9 =	sor.u32 $0xD0000000, s2;
	s6 =	simm.s32 $0x108;
	_ =	swait.ge @!p0 [sflag:s8], $0x0  }
0x24: {  	s3 =	sadd.s32 $0x88, s3;
	s6 =	simm.s32 @!p1 $0x1082;
	[sflag:s4] =	ssyncset.s32 $0xFFFFF086  }
0x25: {  	[simem:s6], [sflag:s4] =	dma.local [hbm:s3], $0xF7A  }
0x26: {  	[smem:$0x3F99] =	sst s1;
	(tag) =	ssettag s2;
	_ =	strace s9  }
0x27: {  	s1 =	sld [smem:$0x3FA9]  }
0x28: {  	s2 =	sld [smem:$0x3FAA]  }
0x29: {  	s4 =	sld [smem:$0x3FAC]  }
0x2a: {  	p0 =	seq.s32 s5, $0x0;
	s5 =	sld [smem:$0x3FAD]  }
0x2b: {  	s6 =	sld [smem:$0x3FAE]  }
0x2c: {  	s7 =	sld [smem:$0x3FAF]  }
0x2d: {  	s3 =	simm.s32 $0x108;
	s8 =	sld [smem:$0x3FB0]  }
0x2e: {  	s3 =	simm.s32 @!p0 $0x1082;
	s9 =	sld [smem:$0x3FB1]  }
0x2f: {  	lr =	sadd.s32 s0, s3;
	s0 =	sld [smem:$0x3FA8]  }
0x30: {  	s3 =	sld [smem:$0x3FAB]  }
0x31: {  	[smem:$0x3FB4] =	sst s10  }
0x32: {  	s10 =	sld [smem:$0x3FB2];
	_ =	sdelay $0x3  }
0x33: {  	p0 =	seq.s32 s10, $0x1;
	s10 =	sld [smem:$0x3FB4];
	_ =	sdelay $0x3  }
0x34: {  	[smem:$0x3FB4] =	sst s10  }
0x35: {  	s10 =	sld [smem:$0x3FB3];
	_ =	sdelay $0x3  }
0x36: {  	p1 =	seq.s32 s10, $0x1;
	s10 =	sld [smem:$0x3FB4];
	_ =	sdelay $0x3  }
0x37: {  	[smem:$0x3FB4] =	sst s10  }
0x38: {  	s10 =	sld [smem:$0x3FB5]  }
0x39: {  	_ = 	snop;
	(pc) =	sbr.ind lr, $3  }
0x3a: {  	_ = 	snop  }
0x3b: {  	_ = 	snop  }
0x3c: {  	p2 =	seq.s32 s10, $0x1;
	s10 =	sld [smem:$0x3FB4]  }
0x3d: {  	_ =	shalt  }
0x3e: {  	_ =	shalt  }
0x3f: {  	_ =	shalt  }
0x40: {  	_ =	shalt  }
0x41: {  	_ =	shalt  }
0x42: {  	_ =	shalt  }
0x43: {  	_ =	shalt  }
0x44: {  	_ =	shalt  }
0x45: {  	_ =	shalt  }
0x46: {  	_ =	shalt  }
0x47: {  	_ =	shalt  }
0x48: {  	_ =	shalt  }
0x49: {  	_ =	shalt  }
0x4a: {  	_ =	shalt  }
0x4b: {  	_ =	shalt  }
0x4c: {  	_ =	shalt  }
0x4d: {  	_ =	shalt  }
0x4e: {  	_ =	shalt  }
0x4f: {  	_ =	shalt  }
0x50: {  	_ =	shalt  }
0x51: {  	_ =	shalt  }
0x52: {  	_ =	shalt  }
0x53: {  	_ =	shalt  }
0x54: {  	_ =	shalt  }
0x55: {  	_ =	shalt  }
0x56: {  	_ =	shalt  }
0x57: {  	_ =	shalt  }
0x58: {  	_ =	shalt  }
0x59: {  	_ =	shalt  }
0x5a: {  	_ =	shalt  }
0x5b: {  	_ =	shalt  }
0x5c: {  	_ =	shalt  }
0x5d: {  	_ =	shalt  }
0x5e: {  	_ =	shalt  }
0x5f: {  	_ =	shalt  }
0x60: {  	_ =	shalt  }
0x61: {  	_ =	shalt  }
0x62: {  	_ =	shalt  }
0x63: {  	_ =	shalt  }
0x64: {  	_ =	shalt  }
0x65: {  	_ =	shalt  }
0x66: {  	_ =	shalt  }
0x67: {  	_ =	shalt  }
0x68: {  	_ =	shalt  }
0x69: {  	_ =	shalt  }
0x6a: {  	_ =	shalt  }
0x6b: {  	_ =	shalt  }
0x6c: {  	_ =	shalt  }
0x6d: {  	_ =	shalt  }
0x6e: {  	_ =	shalt  }
0x6f: {  	_ =	shalt  }
0x70: {  	_ =	shalt  }
0x71: {  	_ =	shalt  }
0x72: {  	_ =	shalt  }
0x73: {  	_ =	shalt  }
0x74: {  	_ =	shalt  }
0x75: {  	_ =	shalt  }
0x76: {  	_ =	shalt  }
0x77: {  	_ =	shalt  }
0x78: {  	_ =	shalt  }
0x79: {  	_ =	shalt  }
0x7a: {  	_ =	shalt  }
0x7b: {  	_ =	shalt  }
0x7c: {  	_ =	shalt  }
0x7d: {  	_ =	shalt  }
0x7e: {  	_ =	shalt  }
0x7f: {  	_ =	shalt  }
0x80: {  	_ =	shalt  }
0x81: {  	_ =	shalt  }
0x82: {  	_ =	shalt  }
0x83: {  	_ =	shalt  }
0x84: {  	_ =	shalt  }
0x85: {  	_ =	shalt  }
0x86: {  	_ =	shalt  }
0x87: {  	_ =	shalt  }
.Lfunc_end0:
.L_simem_size_0:
called_computation_lowered:
.L_overlay_start_0:
0x88: {  	s2 =	sld [smem:$0x3FD9]  }
0x89: {  	s3 =	sld [smem:$0x3FFE];
	_ =	sdelay $0x1  }
0x8a: {  	s1 =	srdreg.scid  }
0x8b: {  	s0 =	sand.u32 $0x1, s1  }
0x8c: {  	s17 =	sshll.u32 s0, $0xA;
	s2 =	sadd.s32 s3, s2  }
0x8d: {  	s2 =	sadd.s32 s2, s17  }
0x8e: {  	[smem:$0x3FC0] =	sst s2  }
0x8f: {  	_ = 	snop  }
0x90: {  	s2 =	sld [smem:$0x3FD0];
	(tm) =	ssettm $0x1  }
0x91: {  	s18 =	sld [smem:$0x3FFB];
	_ =	sdelay $0x3  }
0x92: {  	_ =	strace s18  }
0x93: {  	s3 =	sld [smem:$0x3FFC];
	_ =	sdelay $0x3  }
0x94: {  	_ =	strace s3  }
0x95: {  	s3 =	sld [smem:$0x3FFD];
	_ =	sdelay $0x3  }
0x96: {  	_ =	strace s3  }
0x97: {  	_ =	strace $0x8FFFFFFF  }
0x98: {  	s19 =	sld [smem:$0x3FDB];
	_ =	sdelay $0x1  }
0x99: {  	s4 =	simm.s32 $_scs_section_size  }
0x9a: {  	s5 =	simm.s32 $_size__tile_overlayer_lowered;
	s6 =	simm.s32 $_tile_overlayer_lowered  }
0x9b: {  	s22 =	simm.s32 $0x1BFF;
	s21 =	sshll.u32 s6, $0x1;
	s3 =	sadd.s32 s4, s19  }
0x9c: {  	s7 =	simm.s32 $0x0;
	s20 =	sshll.u32 s5, $0x1;
	s5 =	sadd.s32 s21, s3  }
0x9d: {  	[timem:s7], [sflag:s22] =	dma.local [hbm:s5], s20  }
0x9e: {  	_ =	swait.ge [sflag:s22], s20  }
0x9f: {  	s4 =	ssub.s32 $0x0, s20;
	[sflag:s22] =	ssyncset.done $0x0  }
0xa0: {  	[sflag:s22] =	ssyncadd.s32 s4;
	_ =	sdelay $0x1  }
0xa1: {  	s23 =	simm.s32 $0x1B8B  }
0xa2: {  	_ =	swait.ge [sflag:s23], $0x1  }
0xa3: {  	[sflag:s23] =	ssyncset.done $0x0  }
0xa4: {  	s25 =	simm.s32 $0x1B8E;
	s24 =	sld [smem:$0x3FFE];
	[sflag:s23] =	ssyncadd.s32 $0xFFFFFFFF  }
0xa5: {  	s26 =	simm.s32 $execute0_lowered;
	[smem:$0x3FD2] =	sst s25  }
0xa6: {  	s5 =	sshll.u32 s26, $0x1;
	_ =	strace $0x80000046;
	[dreg:$0x1] =	wrdreg $0xFFFFFFFF  }
0xa7: {  	s28 =	simm.s32 $_size_execute0_lowered;
	s3 =	sadd.s32 s3, s5;
	[dreg:$0x0] =	wrdreg $0x0  }
0xa8: {  	s5 =	sshll.u32 s28, $0x1;
	[dreg:$0x2] =	wrdreg s3  }
0xa9: {  	[dreg:$0x3] =	wrdreg s5  }
0xaa: {  	[dreg:$0x4] =	wrdreg $0xC0  }
0xab: {  	_ =	task [dreg:s7], $0x5FFFF  }
0xac: {  	[dreg:$0x1] =	wrdreg $0xFFFFFFFF  }
0xad: {  	[dreg:$0x0] =	wrdreg $0x60  }
0xae: {  	[dreg:$0x2] =	wrdreg s2  }
0xaf: {  	[dreg:$0x3] =	wrdreg s24  }
0xb0: {  	[dreg:$0x4] =	wrdreg $0x0  }
0xb1: {  	[dreg:$0x5] =	wrdreg $0x9  }
0xb2: {  	_ =	task.clear_ibuf [dreg:s7], $0x6FFFF;
	_ =	strace $0x90000046  }
0xb3: {  	s29 =	simm.s32 $0x9;
	_ =	strace $0x80000048  }
0xb4: {  	_ =	swait.ge [sflag:s29], $0x1  }
0xb5: {  	[sflag:s29] =	ssyncadd.s32 $0xFFFFFFFF  }
0xb6: {  	_ =	strace $0x90000048  }
0xb7: {  	_ =	sfence  }
0xb8: {  	s30 =	sld [smem:$0x0];
	_ =	sdelay $0x2  }
0xb9: {  	s31 =	sshll.u32 s1, $0xD;
	s1 =	sshrl.u32 s1, $0x2  }
0xba: {  	s3 =	sand.u32 $0x4000, s31;
	s1 =	sadd.s32 s1, s30  }
0xbb: {  	s0 =	sor.u32 s3, s0;
	s1 =	sshll.u32 s1, $0x11  }
0xbc: {  	s0 =	sor.u32 s1, s0  }
0xbd: {  	s0 =	sadd.s32 $0x8F2B, s0  }
0xbe: {  	[sflag:s0] =	ssyncadd.remote.s32 $0x1  }
0xbf: {  	_ =	sfence.sel $0xFFFF  }
0xc0: {  	[dreg:$0x0] =	wrdreg $0xFFFFFFFF;
	(pc) =	sbr.abs _section_cstart, $3  }
0xc1: {  	[dreg:$0x1] =	wrdreg $0xFFFFFFFF  }
0xc2: {  	_ =	task.clear_ibuf [dreg:s7], $0x2FFFF;
	_ =	strace $0x9FFFFFFF  }
0xc3: {  	(tm) =	ssettm $0x7FFFFFFF  }
tec
execute0_lowered:
.L_overlay_start_1:
0x0: {  	(tag) =	ssettag $0x1  }
0x1: {  	s0 =	srdreg.scid;
	s10 =	rddreg [dreg:$0x1]  }
0x2: {  	s29 =	stileid.u32;
	s1 =	simm.s32 $0x0;
	s30 =	simm.s32 $0x9D  }
0x3: {  	s9 =	sand.u32 $0x1, s0;
	s2 =	smul.u32 $0x280, s29;
	[smem:$0x7FF] =	sst s1  }
0x4: {  	s15 =	smul.u32 $0x14000, s29;
	s25 =	sadd.s32 $0x5A9A00, s10;
	s28 =	sadd.s32 $0x77A00, s10  }
0x5: {  	s0 =	ssub.s32 $0x2, s9;
	s14 =	smul.u32 $0x140000, s9;
	s9 =	sshll.u32 s9, $0x4  }
0x6: {  	s3 =	sshrl.u32 s0, $0x1;
	s13 =	sor.u32 $0x40, s2;
	s12 =	sadd.s32 $0x80, s2  }
0x7: {  	s11 =	sadd.s32 $0xC0, s2;
	s8 =	sadd.s32 $0x100, s2;
	s7 =	sadd.s32 $0x140, s2  }
0x8: {  	s6 =	sadd.s32 $0x180, s2;
	s5 =	sadd.s32 $0x1C0, s2;
	s4 =	sadd.s32 $0x200, s2  }
0x9: {  	s29 =	sor.u32 s29, s9;
	s0 =	ssub.s32 s0, s3;
	s3 =	sadd.s32 $0x240, s2  }
0xa: {  	s15 =	sadd.s32 s15, s14;
	s16 =	sshll.u32 s13, $0x7;
	s17 =	sshll.u32 s12, $0x7  }
0xb: {  	s18 =	sshll.u32 s11, $0x7;
	s19 =	sshll.u32 s8, $0x7;
	s20 =	sshll.u32 s7, $0x7  }
0xc: {  	v44 =	vlaneseq.u32;
	s21 =	sshll.u32 s6, $0x7;
	s22 =	sshll.u32 s5, $0x7;
	s23 =	sshll.u32 s4, $0x7  }
0xd: {  	v7 =	vor.u32 s12, v44;
	v11 =	vor.u32 s11, v44;
	p0 =	slt.u32 s29, $0x8;
	s11 =	sadd.s32 $0x150, s2;
	s12 =	sadd.s32 $0x160, s2  }
0xe: {  	v3 =	vor.u32 s13, v44;
	s13 =	sadd.s32 $0x170, s2;
	v23 =	vor.u32 s6, v44;
	v31 =	vor.u32 s4, v44;
	s4 =	simm.s32 $0x5;
	s6 =	simm.s32 $0x0  }
0xf: {  	s16 =	sadd.s32 s14, s16;
	s17 =	sadd.s32 s14, s17;
	s18 =	sadd.s32 s14, s18  }
0x10: {  	s19 =	sadd.s32 s14, s19;
	s20 =	sadd.s32 s14, s20;
	s21 =	sadd.s32 s14, s21  }
0x11: {  	s22 =	sadd.s32 s14, s22;
	s23 =	sadd.s32 s14, s23;
	s24 =	sshll.u32 s3, $0x7  }
0x12: {  	s15 =	sshrl.u32 s15, $0x3;
	s30 =	simm.s32 @!p0 $0x9C;
	s0 =	smax.u32 s0, $0x1  }
0x13: {  	v20 =	vor.u32 s11, v44;
	v21 =	vor.u32 s12, v44;
	v36 =	vor.u32 s3, v44;
	s3 =	simm.s32 $0x1;
	s11 =	simm.s32 $0x17100;
	s12 =	simm.s32 $0x17900  }
0x14: {  	v22 =	vor.u32 s13, v44;
	s13 =	simm.s32 $0x14080;
	s14 =	sadd.s32 s14, s24;
	s24 =	sadd.s32 $0x559A00, s10  }
0x15: {  	s16 =	sshrl.u32 s16, $0x3;
	s17 =	sshrl.u32 s17, $0x3;
	s26 =	sadd.s32 s24, s15  }
0x16: {  	s18 =	sshrl.u32 s18, $0x3;
	s31 =	sadd.s32 s24, s16;
	[dreg:$0x4] =	wrdreg s26  }
0x17: {  	s19 =	sshrl.u32 s19, $0x3;
	s15 =	sadd.s32 s25, s15;
	[dreg:$0x5] =	wrdreg s31  }
0x18: {  	s20 =	sshrl.u32 s20, $0x3;
	s16 =	sadd.s32 s25, s16;
	[dreg:$0xe] =	wrdreg s15  }
0x19: {  	s21 =	sshrl.u32 s21, $0x3;
	s31 =	sadd.s32 s24, s17;
	[dreg:$0xf] =	wrdreg s16  }
0x1a: {  	s22 =	sshrl.u32 s22, $0x3;
	s17 =	sadd.s32 s25, s17;
	[dreg:$0x6] =	wrdreg s31  }
0x1b: {  	s23 =	sshrl.u32 s23, $0x3;
	s26 =	sadd.s32 s25, s19;
	[dreg:$0x10] =	wrdreg s17  }
0x1c: {  	s14 =	sshrl.u32 s14, $0x3;
	s16 =	sadd.s32 s25, s21;
	[dreg:$0x12] =	wrdreg s26  }
0x1d: {  	s15 =	sadd.s32 $0x1A0, s2;
	s31 =	sadd.s32 s24, s18;
	[dreg:$0x14] =	wrdreg s16  }
0x1e: {  	s17 =	sadd.s32 s25, s22;
	s26 =	sadd.s32 $0x2600, s10;
	s16 =	sadd.s32 $0x90, s2  }
0x1f: {  	v25 =	vor.u32 s15, v44;
	s15 =	simm.s32 $0x2;
	[dreg:$0x7] =	wrdreg s31;
	s31 =	sadd.s32 s24, s19  }
0x20: {  	[dreg:$0x15] =	wrdreg s17;
	s19 =	sor.u32 $0x10, s2;
	s17 =	sadd.s32 $0xA0, s2  }
0x21: {  	v8 =	vor.u32 s16, v44;
	s16 =	sadd.s32 $0x1B0, s2;
	[dreg:$0x8] =	wrdreg s31;
	s31 =	sadd.s32 s24, s20  }
0x22: {  	v0 =	vor.u32 s19, v44;
	v9 =	vor.u32 s17, v44;
	s19 =	sadd.s32 $0xD0, s2;
	s17 =	sadd.s32 $0x1D0, s2;
	v26 =	vor.u32 s16, v44;
	s16 =	simm.s32 $0x3  }
0x23: {  	[dreg:$0x9] =	wrdreg s31;
	s31 =	sadd.s32 s24, s21;
	s21 =	sor.u32 $0x30, s2  }
0x24: {  	v12 =	vor.u32 s19, v44;
	s19 =	sadd.s32 $0x1F0, s2;
	v28 =	vor.u32 s17, v44;
	s17 =	simm.s32 $0x1C100;
	[dreg:$0xa] =	wrdreg s31  }
0x25: {  	s31 =	sadd.s32 s24, s22;
	s22 =	rddreg [dreg:$0x2];
	v2 =	vor.u32 s21, v44;
	s21 =	sadd.s32 $0xF0, s2  }
0x26: {  	v40 =	vimm.f32 $0.0e+00;
	vm0 =	vmmov $0xffff;
	[dreg:$0xb] =	wrdreg s31;
	s31 =	sadd.s32 s24, s23;
	s24 =	sadd.s32 s24, s14  }
0x27: {  	vm1 =	vmmov $0x1;
	vm2 =	vcmask $0x320;
	s14 =	sadd.s32 s25, s14;
	v14 =	vor.u32 s21, v44;
	s21 =	sadd.s32 $0x220, s2;
	[dreg:$0xc] =	wrdreg s31  }
0x28: {  	vm3 =	vcmask $0x720;
	vm4 =	vcmask $0xB20;
	vm5 =	vcmask $0xF20;
	[dreg:$0xd] =	wrdreg s24;
	s24 =	sadd.s32 s25, s18;
	s31 =	sadd.s32 s25, s20  }
0x29: {  	vm6 =	vcmask $0x1320;
	vm7 =	vcmask $0x1720;
	vm8 =	vcmask $0x1B20;
	s18 =	sadd.s32 s25, s23;
	[dreg:$0x17] =	wrdreg s14;
	s25 =	sadd.s32 $0x29800, s10  }
0x2a: {  	v41 =	vand.u32 $0x7, v44;
	v42 =	vshrl.u32 v44, $0x3;
	v43 =	vor.u32 $0x8, v44;
	s20 =	sor.u32 $0x20, s2;
	s23 =	sor.u32 $0x50, s2;
	[dreg:$0x11] =	wrdreg s24  }
0x2b: {  	v42 =	vmul.u32 $0x8, v42;
	v33 =	vor.u32 s2, v44;
	v15 =	vor.u32 s8, v44;
	s14 =	sadd.s32 $0x190, s2;
	s10 =	simm.s32 $0x16900;
	[dreg:$0x13] =	wrdreg s31  }
0x2c: {  	v19 =	vor.u32 s7, v44;
	v27 =	vor.u32 s5, v44;
	v30 =	vor.u32 s19, v44;
	[dreg:$0x16] =	wrdreg s18;
	s24 =	sor.u32 $0x60, s2;
	s31 =	sor.u32 $0x70, s2  }
0x2d: {  	v34 =	vor.u32 s21, v44;
	v1 =	vor.u32 s20, v44;
	v4 =	vor.u32 s23, v44;
	s18 =	sadd.s32 $0xB0, s2;
	s20 =	sadd.s32 $0xE0, s2;
	s23 =	sadd.s32 $0x110, s2  }
0x2e: {  	v24 =	vor.u32 s14, v44;
	s14 =	simm.s32 $0x18100;
	_ =	strace $0x80000047;
	v5 =	vor.u32 s24, v44;
	v6 =	vor.u32 s31, v44;
	s24 =	sadd.s32 $0x120, s2  }
0x2f: {  	v10 =	vor.u32 s18, v44;
	v13 =	vor.u32 s20, v44;
	s31 =	sadd.s32 $0x130, s2;
	v16 =	vor.u32 s23, v44;
	s18 =	sadd.s32 $0x1E0, s2;
	s20 =	sadd.s32 $0x210, s2  }
0x30: {  	s23 =	sadd.s32 $0x230, s2;
	[dreg:$0x18] =	wrdreg s0;
	v17 =	vor.u32 s24, v44;
	v18 =	vor.u32 s31, v44;
	v29 =	vor.u32 s18, v44;
	s24 =	sadd.s32 $0x250, s2  }
0x31: {  	s0 =	simm.s32 $0x14000;
	v32 =	vor.u32 s20, v44;
	s31 =	sadd.s32 $0x260, s2;
	s2 =	sadd.s32 $0x270, s2;
	v35 =	vor.u32 s23, v44;
	v37 =	vor.u32 s24, v44  }
0x32: {  	s18 =	simm.s32 $0x40;
	s20 =	simm.s32 $0x4;
	v38 =	vor.u32 s31, v44;
	v39 =	vor.u32 s2, v44;
	s2 =	simm.s32 $0x1A100;
	v44 =	vmul.u32 $0x80, v44  }
.LBB2_1:
0x33: {  	s5 =	sand.u32 $0x7E00, s1  }
0x34: {  	[dreg:$0x19] =	wrdreg s6;
	s31 =	sand.u32 $0x70, s1;
	s7 =	sshrl.u32 s5, $0x2  }
0x35: {  	s6 =	simm.s32 $0x0;
	s5 =	simm.s32 $0x40;
	s7 =	sor.u32 s31, s7  }
.LBB2_2:
0x36: {  	p0 =	sne.s32 s5, $0x7FC0  }
0x37: {  	[tilespmem:s7+$0x1A100] =	vst v40;
	s6 =	sadd.s32 $0x10, s6;
	s7 =	smov.u32 s5;
	s5 =	sadd.s32 $0x40, s5  }
.Ltmp0:
0x38: {  	(pc) =	sbr.rel @p0 .LBB2_2-.Ltmp0, $4  }
0x39: {  	_ = 	snop  }
0x3a: {  	s7 =	sand.u32 $0x7E00, s7  }
0x3b: {  	s8 =	sand.u32 $0x70, s6;
	s7 =	sshrl.u32 s7, $0x2  }
0x3c: {  	s7 =	sor.u32 s8, s7  }
0x3d: {  	[tilespmem:s7+$0x1A100] =	vst v40  }
0x3e: {  	[tilespmem:$0x14000] =	vst v33  }
0x3f: {  	[tilespmem:$0x14010] =	vst v0  }
0x40: {  	[tilespmem:$0x14020] =	vst v1  }
0x41: {  	[tilespmem:$0x14030] =	vst v2  }
0x42: {  	[spmem:s22] =	stream.indirect.scatter [tilespmem:s2], [sflag:$0x1], $0x80, s0, s18, $0xb8;
	[tilespmem:$0x1E100] =	vst v63  }
0x43: {  	_ =	swait.ge [sflag:s3], $0x2000  }
0x44: {  	[sflag:s3] =	ssyncset.done $0x0  }
0x45: {  	[sflag:s3] =	ssyncadd.s32 $0xFFFFE000  }
0x46: {  	[tilespmem:$0x14000] =	vst v3  }
0x47: {  	[tilespmem:$0x14010] =	vst v4  }
0x48: {  	[tilespmem:$0x14020] =	vst v5  }
0x49: {  	[tilespmem:$0x14030] =	vst v6  }
0x4a: {  	[spmem:s22] =	stream.indirect.scatter [tilespmem:s2], [sflag:$0x1], $0x80, s0, s18, $0xb8;
	[tilespmem:$0x1E100] =	vst v63  }
0x4b: {  	_ =	swait.ge [sflag:s3], $0x2000  }
0x4c: {  	[sflag:s3] =	ssyncset.done $0x0  }
0x4d: {  	[sflag:s3] =	ssyncadd.s32 $0xFFFFE000  }
0x4e: {  	[tilespmem:$0x14000] =	vst v7  }
0x4f: {  	[tilespmem:$0x14010] =	vst v8  }
0x50: {  	[tilespmem:$0x14020] =	vst v9  }
0x51: {  	[tilespmem:$0x14030] =	vst v10  }
0x52: {  	[spmem:s22] =	stream.indirect.scatter [tilespmem:s2], [sflag:$0x1], $0x80, s0, s18, $0xb8;
	[tilespmem:$0x1E100] =	vst v63  }
0x53: {  	_ =	swait.ge [sflag:s3], $0x2000  }
0x54: {  	[sflag:s3] =	ssyncset.done $0x0  }
0x55: {  	[sflag:s3] =	ssyncadd.s32 $0xFFFFE000  }
0x56: {  	[tilespmem:$0x14000] =	vst v11  }
0x57: {  	[tilespmem:$0x14010] =	vst v12  }
0x58: {  	[tilespmem:$0x14020] =	vst v13  }
0x59: {  	[tilespmem:$0x14030] =	vst v14  }
0x5a: {  	[spmem:s22] =	stream.indirect.scatter [tilespmem:s2], [sflag:$0x1], $0x80, s0, s18, $0xb8;
	[tilespmem:$0x1E100] =	vst v63  }
0x5b: {  	_ =	swait.ge [sflag:s3], $0x2000  }
0x5c: {  	[sflag:s3] =	ssyncset.done $0x0  }
0x5d: {  	[sflag:s3] =	ssyncadd.s32 $0xFFFFE000  }
0x5e: {  	[tilespmem:$0x14000] =	vst v15  }
0x5f: {  	[tilespmem:$0x14010] =	vst v16  }
0x60: {  	[tilespmem:$0x14020] =	vst v17  }
0x61: {  	[tilespmem:$0x14030] =	vst v18  }
0x62: {  	[spmem:s22] =	stream.indirect.scatter [tilespmem:s2], [sflag:$0x1], $0x80, s0, s18, $0xb8;
	[tilespmem:$0x1E100] =	vst v63  }
0x63: {  	_ =	swait.ge [sflag:s3], $0x2000  }
0x64: {  	[sflag:s3] =	ssyncset.done $0x0  }
0x65: {  	[sflag:s3] =	ssyncadd.s32 $0xFFFFE000  }
0x66: {  	[tilespmem:$0x14000] =	vst v19  }
0x67: {  	[tilespmem:$0x14010] =	vst v20  }
0x68: {  	[tilespmem:$0x14020] =	vst v21  }
0x69: {  	[tilespmem:$0x14030] =	vst v22  }
0x6a: {  	[spmem:s22] =	stream.indirect.scatter [tilespmem:s2], [sflag:$0x1], $0x80, s0, s18, $0xb8;
	[tilespmem:$0x1E100] =	vst v63  }
0x6b: {  	_ =	swait.ge [sflag:s3], $0x2000  }
0x6c: {  	[sflag:s3] =	ssyncset.done $0x0  }
0x6d: {  	[sflag:s3] =	ssyncadd.s32 $0xFFFFE000  }
0x6e: {  	[tilespmem:$0x14000] =	vst v23  }
0x6f: {  	[tilespmem:$0x14010] =	vst v24  }
0x70: {  	[tilespmem:$0x14020] =	vst v25  }
0x71: {  	[tilespmem:$0x14030] =	vst v26  }
0x72: {  	[spmem:s22] =	stream.indirect.scatter [tilespmem:s2], [sflag:$0x1], $0x80, s0, s18, $0xb8;
	[tilespmem:$0x1E100] =	vst v63  }
0x73: {  	_ =	swait.ge [sflag:s3], $0x2000  }
0x74: {  	[sflag:s3] =	ssyncset.done $0x0  }
0x75: {  	[sflag:s3] =	ssyncadd.s32 $0xFFFFE000  }
0x76: {  	[tilespmem:$0x14000] =	vst v27  }
0x77: {  	[tilespmem:$0x14010] =	vst v28  }
0x78: {  	[tilespmem:$0x14020] =	vst v29  }
0x79: {  	[tilespmem:$0x14030] =	vst v30  }
0x7a: {  	[spmem:s22] =	stream.indirect.scatter [tilespmem:s2], [sflag:$0x1], $0x80, s0, s18, $0xb8;
	[tilespmem:$0x1E100] =	vst v63  }
0x7b: {  	_ =	swait.ge [sflag:s3], $0x2000  }
0x7c: {  	[sflag:s3] =	ssyncset.done $0x0  }
0x7d: {  	[sflag:s3] =	ssyncadd.s32 $0xFFFFE000  }
0x7e: {  	[tilespmem:$0x14000] =	vst v31  }
0x7f: {  	[tilespmem:$0x14010] =	vst v32  }
0x80: {  	[tilespmem:$0x14020] =	vst v34  }
0x81: {  	[tilespmem:$0x14030] =	vst v35  }
0x82: {  	[spmem:s22] =	stream.indirect.scatter [tilespmem:s2], [sflag:$0x1], $0x80, s0, s18, $0xb8;
	[tilespmem:$0x1E100] =	vst v63  }
0x83: {  	_ =	swait.ge [sflag:s3], $0x2000  }
0x84: {  	[sflag:s3] =	ssyncset.done $0x0  }
0x85: {  	[sflag:s3] =	ssyncadd.s32 $0xFFFFE000  }
0x86: {  	[tilespmem:$0x14000] =	vst v36  }
0x87: {  	[tilespmem:$0x14010] =	vst v37  }
0x88: {  	[tilespmem:$0x14020] =	vst v38  }
0x89: {  	[tilespmem:$0x14030] =	vst v39  }
0x8a: {  	[spmem:s22] =	stream.indirect.scatter [tilespmem:s2], [sflag:$0x1], $0x80, s0, s18, $0xb8;
	[tilespmem:$0x1E100] =	vst v63  }
0x8b: {  	_ =	swait.ge [sflag:s3], $0x2000  }
0x8c: {  	[sflag:s3] =	ssyncset.done $0x0  }
0x8d: {  	[sflag:s3] =	ssyncadd.s32 $0xFFFFE000  }
0x8e: {  	[bflag:$0x0] =	sbarrier.arrive $0xFFFF  }
0x8f: {  	[tilespmem:$0x14000] =	vst v33  }
0x90: {  	[tilespmem:$0x14010] =	vst v0  }
0x91: {  	[tilespmem:$0x14020] =	vst v1  }
0x92: {  	s23 =	simm.s32 $0x0;
	s24 =	simm.s32 $0x0;
	[tilespmem:$0x14030] =	vst v2  }
0x93: {  	[spmem:s22] =	stream.indirect.scatter.add.f32 [tilespmem:s2], [sflag:$0x3], $0x80, s0, s18, $0xb8;
	[tilespmem:$0x1E100] =	vst v63  }
.LBB2_4:
0x94: {  	s5 =	sshll.u32 s24, $0x5  }
0x95: {  	s31 =	sor.u32 s29, s5  }
0x96: {  	s5 =	sshll.u32 s31, $0x5  }
0x97: {  	s5 =	sadd.s32 s26, s5  }
0x98: {  	[tilespmem:s0], [sflag:$0x5] =	stream.linear.gather [hbm4b:s5+s23], $0x100, $0x38;
	[tilespmem:$0x1E100] =	vst v63  }
0x99: {  	_ =	swait.ge [sflag:s4], $0x100  }
0x9a: {  	[sflag:s4] =	ssyncset.done $0x0  }
0x9b: {  	[sflag:s4] =	ssyncadd.s32 $0xFFFFFF00  }
0x9c: {  	v45 =	vld [tilespmem:$0x14000];
	_ =	sdelay $0x4  }
0x9d: {  	v46 =	vshll.u32 v45, $0x1  }
0x9e: {  	v45 =	vand.u32 $0x7, v45;
	v46 =	vand.u32 $0xFFFFFFF0, v46  }
0x9f: {  	v45 =	vor.u32 v45, v46  }
0xa0: {  	v46 =	vperm.xlane v45, v41;
	_ =	sdelay $0x1  }
0xa1: {  	v45 =	vperm.xlane v45, v43;
	v46 =	vadd.s32 v42, v46;
	_ =	sdelay $0x1  }
0xa2: {  	v45 =	vadd.s32 v42, v45;
	_ =	sdelay $0x1  }
0xa3: {  	s6 =	simm.s32 $0x14100  }
0xa4: {  	[tilespmem:s6], [sflag:$0x2] =	stream.indirect_vreg.gather [hbm4b:s25+s23], $0x80, v46, vm0, $0xb8;
	[tilespmem:$0x1E100] =	vst v63  }
0xa5: {  	s7 =	simm.s32 $0x14900  }
0xa6: {  	[tilespmem:s7], [sflag:$0x2] =	stream.indirect_vreg.gather [hbm4b:s25+s23], $0x80, v45, vm0, $0xb8;
	[tilespmem:$0x1E100] =	vst v63  }
0xa7: {  	v45 =	vld [tilespmem:$0x14010];
	_ =	sdelay $0x4  }
0xa8: {  	v61 =	vshll.u32 v45, $0x1  }
0xa9: {  	v45 =	vand.u32 $0x7, v45;
	v46 =	vand.u32 $0xFFFFFFF0, v61  }
0xaa: {  	v45 =	vor.u32 v45, v46  }
0xab: {  	v46 =	vperm.xlane v45, v41;
	_ =	sdelay $0x1  }
0xac: {  	v45 =	vperm.xlane v45, v43;
	v46 =	vadd.s32 v42, v46;
	_ =	sdelay $0x1  }
0xad: {  	v45 =	vadd.s32 v42, v45;
	_ =	sdelay $0x1  }
0xae: {  	s8 =	simm.s32 $0x15100  }
0xaf: {  	[tilespmem:s8], [sflag:$0x2] =	stream.indirect_vreg.gather [hbm4b:s25+s23], $0x80, v46, vm0, $0xb8;
	[tilespmem:$0x1E100] =	vst v63  }
0xb0: {  	s9 =	simm.s32 $0x15900  }
0xb1: {  	[tilespmem:s9], [sflag:$0x2] =	stream.indirect_vreg.gather [hbm4b:s25+s23], $0x80, v45, vm0, $0xb8;
	[tilespmem:$0x1E100] =	vst v63  }
0xb2: {  	v45 =	vld [tilespmem:$0x14020];
	_ =	sdelay $0x4  }
0xb3: {  	v62 =	vshll.u32 v45, $0x1  }
0xb4: {  	v45 =	vand.u32 $0x7, v45;
	v46 =	vand.u32 $0xFFFFFFF0, v62  }
0xb5: {  	v45 =	vor.u32 v45, v46  }
0xb6: {  	v46 =	vperm.xlane v45, v41;
	_ =	sdelay $0x1  }
0xb7: {  	v45 =	vperm.xlane v45, v43;
	v46 =	vadd.s32 v42, v46;
	_ =	sdelay $0x1  }
0xb8: {  	v45 =	vadd.s32 v42, v45;
	_ =	sdelay $0x1  }
0xb9: {  	s19 =	simm.s32 $0x16100  }
0xba: {  	[tilespmem:s19], [sflag:$0x2] =	stream.indirect_vreg.gather [hbm4b:s25+s23], $0x80, v46, vm0, $0xb8;
	[tilespmem:$0x1E100] =	vst v63  }
0xbb: {  	_ = 	snop  }
0xbc: {  	[tilespmem:s10], [sflag:$0x2] =	stream.indirect_vreg.gather [hbm4b:s25+s23], $0x80, v45, vm0, $0xb8;
	[tilespmem:$0x1E100] =	vst v63  }
0xbd: {  	v45 =	vld [tilespmem:$0x14030];
	_ =	sdelay $0x4  }
0xbe: {  	v63 =	vshll.u32 v45, $0x1  }
0xbf: {  	v45 =	vand.u32 $0x7, v45;
	v46 =	vand.u32 $0xFFFFFFF0, v63  }
0xc0: {  	v45 =	vor.u32 v45, v46  }
0xc1: {  	v46 =	vperm.xlane v45, v41;
	_ =	sdelay $0x1  }
0xc2: {  	v45 =	vperm.xlane v45, v43;
	v46 =	vadd.s32 v42, v46;
	_ =	sdelay $0x1  }
0xc3: {  	v45 =	vadd.s32 v42, v45;
	_ =	sdelay $0x2  }
0xc4: {  	[tilespmem:s11], [sflag:$0x2] =	stream.indirect_vreg.gather [hbm4b:s25+s23], $0x80, v46, vm0, $0xb8;
	[tilespmem:$0x1E100] =	vst v63  }
0xc5: {  	_ = 	snop  }
0xc6: {  	[tilespmem:s12], [sflag:$0x2] =	stream.indirect_vreg.gather [hbm4b:s25+s23], $0x80, v45, vm0, $0xb8;
	[tilespmem:$0x1E100] =	vst v63  }
0xc7: {  	s21 =	rddreg [dreg:$0x0]  }
0xc8: {  	[tilespmem:s14], [sflag:$0x1] =	stream.indirect.gather [hbm4b:s21+s18], $0x80, s13, s18, $0xb8;
	[tilespmem:$0x1E100] =	vst v63  }
0xc9: {  	_ =	swait.ge [sflag:s15], $0x4000  }
0xca: {  	[sflag:s15] =	ssyncset.done $0x0  }
0xcb: {  	[sflag:s15] =	ssyncadd.s32 $0xFFFFC000  }
0xcc: {  	_ =	swait.ge [sflag:s3], $0x2000  }
0xcd: {  	[sflag:s3] =	ssyncset.done $0x0  }
0xce: {  	[sflag:s3] =	ssyncadd.s32 $0xFFFFE000  }
0xcf: {  	s5 =	simm.s32 $0x18140;
	_ =	swait.ge [sflag:s16], $0x2000  }
0xd0: {  	s6 =	simm.s32 $0x0;
	s7 =	simm.s32 $0x0;
	[sflag:s16] =	ssyncset.done $0x0  }
0xd1: {  	s19 =	simm.s32 $0x1A140;
	s21 =	simm.s32 $0x1C100;
	[sflag:s16] =	ssyncadd.s32 $0xFFFFE000  }
.LBB2_5:
0xd2: {  	v46 =	vld [tilespmem:s5+$0xFFFFFFC0]  }
0xd3: {  	v48 =	vld [tilespmem:s5+$0xFFFFFFD0]  }
0xd4: {  	v50 =	vld [tilespmem:s5+$0xFFFFFFE0]  }
0xd5: {  	v52 =	vld [tilespmem:s5+$0xFFFFFFF0]  }
0xd6: {  	v54 =	vld [tilespmem:s5+$0x0]  }
0xd7: {  	v56 =	vld [tilespmem:s5+$0x10]  }
0xd8: {  	s8 =	sand.u32 $0x3800, s7;
	s9 =	sand.u32 $0x380, s6;
	v60 =	vld [tilespmem:s5+$0x20]  }
0xd9: {  	v63 =	vld [tilespmem:s5+$0x30];
	s8 =	sor.u32 s9, s8  }
0xda: {  	v45 =	vld [tilespmem:s8+$0x14100];
	s8 =	sadd.s32 $0x14100, s8  }
0xdb: {  	v47 =	vld [tilespmem:s8+$0x10]  }
0xdc: {  	v49 =	vld [tilespmem:s8+$0x20]  }
0xdd: {  	v51 =	vld [tilespmem:s8+$0x30]  }
0xde: {  	v53 =	vld [tilespmem:s8+$0x40]  }
0xdf: {  	v55 =	vld [tilespmem:s8+$0x50];
	v45 =	vmul.f32 v46, v45  }
0xe0: {  	v57 =	vld [tilespmem:s8+$0x60];
	v47 =	vmul.f32 v48, v47  }
0xe1: {  	v61 =	vld [tilespmem:s8+$0x70];
	v62 =	vmul.f32 v50, v49;
	(xrf2) =	vadd.scan.msk.f32 $0xffff, v45  }
0xe2: {  	v50 =	vmul.f32 v52, v51;
	(xrf2) =	vadd.scan.msk.f32 $0xffff, v47  }
0xe3: {  	v51 =	vmul.f32 v54, v53;
	(xrf2) =	vadd.scan.msk.f32 $0xffff, v62  }
0xe4: {  	v52 =	vmul.f32 v56, v55;
	(xrf2) =	vadd.scan.msk.f32 $0xffff, v50  }
0xe5: {  	v53 =	vmul.f32 v60, v57;
	(xrf2) =	vadd.scan.msk.f32 $0xffff, v51  }
0xe6: {  	v54 =	vmul.f32 v63, v61;
	(xrf2) =	vadd.scan.msk.f32 $0xffff, v52  }
0xe7: {  	(xrf2) =	vadd.scan.msk.f32 $0xffff, v53  }
0xe8: {  	(xrf2) =	vadd.scan.msk.f32 $0xffff, v54;
	_ =	sdelay $0x2  }
0xe9: {  	v55, _, _ =	vpop (xrf2)  }
0xea: {  	v56, _, _ =	vpop (xrf2);
	v45 =	vbroadcast v55, $0xF  }
0xeb: {  	v57, _, _ =	vpop (xrf2);
	v46 =	vbroadcast v56, $0xF  }
0xec: {  	v58, _, _ =	vpop (xrf2);
	v45 =	vnsel vm1, $0x0, v45;
	v47 =	vbroadcast v57, $0xF  }
0xed: {  	v59, _, _ =	vpop (xrf2);
	v45 =	vsel vm2, v45, v46;
	v60 =	vbroadcast v58, $0xF  }
0xee: {  	v61, _, _ =	vpop (xrf2);
	v45 =	vsel vm3, v45, v47;
	v62 =	vbroadcast v59, $0xF  }
0xef: {  	v63, _, _ =	vpop (xrf2);
	v45 =	vsel vm4, v45, v60;
	v52 =	vbroadcast v61, $0xF  }
0xf0: {  	v45 =	vsel vm5, v45, v62;
	v53 =	vbroadcast v63, $0xF;
	v54, _, _ =	vpop (xrf2)  }
0xf1: {  	v45 =	vsel vm6, v45, v52;
	v55 =	vbroadcast v54, $0xF  }
0xf2: {  	v45 =	vsel vm7, v45, v53  }
0xf3: {  	v45 =	vsel vm8, v45, v55  }
0xf4: {  	v45 =	vmul.f32 $2.500000000e-01, v45;
	_ =	sdelay $0x1  }
0xf5: {  	v45 =	vmax.f32 v45, $-5.000000000e+00  }
0xf6: {  	v45 =	vmin.f32 v45, $5.000000000e+00  }
0xf7: {  	v45 =	vmul.f32 $1.442695020e+00, v45;
	_ =	sdelay $0x1  }
0xf8: {  	(erf) = vpow2.f32 v45;
	_ =	sdelay $0x8  }
0xf9: {  	v45 =	vpop (erf)  }
0xfa: {  	[tilespmem:s21+$0x0] =	vst v45  }
0xfb: {  	v56 =	vld [tilespmem:s8+$0x400];
	_ =	sdelay $0x2  }
0xfc: {  	v57 =	vbroadcast v45, $0x0;
	_ =	sdelay $0x1  }
0xfd: {  	v46 =	vmul.f32 v57, v56;
	_ =	sdelay $0x1  }
0xfe: {  	[tilespmem:s19+$0xFFFFFFC0] =	vst v46  }
0xff: {  	v46 =	vld [tilespmem:s8+$0x410];
	_ =	sdelay $0x2  }
0x100: {  	v58 =	vbroadcast v45, $0x1;
	_ =	sdelay $0x1  }
0x101: {  	v46 =	vmul.f32 v58, v46;
	_ =	sdelay $0x1  }
0x102: {  	[tilespmem:s19+$0xFFFFFFD0] =	vst v46  }
0x103: {  	v46 =	vld [tilespmem:s8+$0x420];
	_ =	sdelay $0x2  }
0x104: {  	v59 =	vbroadcast v45, $0x2;
	_ =	sdelay $0x1  }
0x105: {  	v46 =	vmul.f32 v59, v46;
	_ =	sdelay $0x1  }
0x106: {  	[tilespmem:s19+$0xFFFFFFE0] =	vst v46  }
0x107: {  	v46 =	vld [tilespmem:s8+$0x430];
	_ =	sdelay $0x2  }
0x108: {  	v60 =	vbroadcast v45, $0x3;
	_ =	sdelay $0x1  }
0x109: {  	v46 =	vmul.f32 v60, v46;
	_ =	sdelay $0x1  }
0x10a: {  	[tilespmem:s19+$0xFFFFFFF0] =	vst v46  }
0x10b: {  	v46 =	vld [tilespmem:s8+$0x440];
	_ =	sdelay $0x2  }
0x10c: {  	v61 =	vbroadcast v45, $0x4;
	_ =	sdelay $0x1  }
0x10d: {  	v46 =	vmul.f32 v61, v46;
	_ =	sdelay $0x1  }
0x10e: {  	[tilespmem:s19+$0x0] =	vst v46  }
0x10f: {  	v46 =	vld [tilespmem:s8+$0x450];
	_ =	sdelay $0x2  }
0x110: {  	v62 =	vbroadcast v45, $0x5;
	_ =	sdelay $0x1  }
0x111: {  	v46 =	vmul.f32 v46, v62;
	_ =	sdelay $0x1  }
0x112: {  	[tilespmem:s19+$0x10] =	vst v46  }
0x113: {  	v46 =	vld [tilespmem:s8+$0x460];
	_ =	sdelay $0x2  }
0x114: {  	v63 =	vbroadcast v45, $0x6;
	_ =	sdelay $0x1  }
0x115: {  	v46 =	vmul.f32 v46, v63;
	_ =	sdelay $0x1  }
0x116: {  	[tilespmem:s19+$0x20] =	vst v46  }
0x117: {  	v46 =	vld [tilespmem:s8+$0x470];
	_ =	sdelay $0x1  }
0x118: {  	p0 =	sne.s32 s7, $0x3F00  }
.Ltmp1:
0x119: {  	v45 =	vbroadcast v45, $0x7;
	(pc) =	sbr.rel @p0 .LBB2_5-.Ltmp1, $4  }
0x11a: {  	_ = 	snop  }
0x11b: {  	v45 =	vmul.f32 v46, v45  }
0x11c: {  	s6 =	sadd.s32 $0x80, s6;
	s5 =	sadd.s32 $0x80, s5  }
0x11d: {  	s7 =	sadd.s32 $0x100, s7;
	s21 =	sadd.s32 $0x80, s21;
	[tilespmem:s19+$0x30] =	vst v45;
	s19 =	sadd.s32 $0x80, s19  }
0x11e: {  	s5 =	sshll.u32 s31, $0xA;
	s24 =	sadd.s32 $0x1, s24  }
0x11f: {  	s5 =	sadd.s32 s28, s5;
	p0 =	sne.s32 s24, s30  }
0x120: {  	[hbm4b:s5+s1] =	stream.linear.scatter [tilespmem:s17], [sflag:$0x4], $0x2000, $0x38;
	[tilespmem:$0x1E100] =	vst v63  }
.Ltmp2:
0x121: {  	_ = 	snop;
	(pc) =	sbr.rel @p0 .LBB2_4-.Ltmp2, $4  }
0x122: {  	[spmem:s22] =	stream.indirect.scatter.add.f32 [tilespmem:s2], [sflag:$0x3], $0x80, s13, s18, $0xb8;
	[tilespmem:$0x1E100] =	vst v63  }
0x123: {  	_ =	swait.ge [sflag:s20], $0x2000  }
0x124: {  	[sflag:s20] =	ssyncset.done $0x0  }
0x125: {  	[sflag:s20] =	ssyncadd.s32 $0xFFFFE000  }
0x126: {  	_ =	swait.ge [sflag:s16], $0x2000  }
0x127: {  	[sflag:s16] =	ssyncset.done $0x0  }
0x128: {  	[sflag:s16] =	ssyncadd.s32 $0xFFFFE000  }
0x129: {  	[bflag:$0x0] =	sbarrier.arrive $0xFFFF  }
0x12a: {  	[tilespmem:$0x14000] =	vst v33  }
0x12b: {  	[tilespmem:$0x14010] =	vst v0  }
0x12c: {  	[tilespmem:$0x14020] =	vst v1  }
0x12d: {  	[tilespmem:$0x14030] =	vst v2  }
0x12e: {  	[tilespmem:s2], [sflag:$0x1] =	stream.indirect.gather [spmem:s22], $0x80, s0, s18, $0xb8;
	[tilespmem:$0x1E100] =	vst v63  }
0x12f: {  	_ =	swait.ge [sflag:s3], $0x2000  }
0x130: {  	[sflag:s3] =	ssyncset.done $0x0  }
0x131: {  	s23 =	simm.s32 $0x0;
	s5 =	rddreg [dreg:$0x4];
	[sflag:s3] =	ssyncadd.s32 $0xFFFFE000  }
0x132: {  	[hbm4b:s5+s23] =	stream.linear.scatter [tilespmem:s2], [sflag:$0x5], $0x2000, $0x38;
	[tilespmem:$0x1E100] =	vst v63  }
0x133: {  	_ =	swait.ge [sflag:s4], $0x2000  }
0x134: {  	[sflag:s4] =	ssyncset.done $0x0  }
0x135: {  	[sflag:s4] =	ssyncadd.s32 $0xFFFFE000  }
0x136: {  	[tilespmem:$0x14000] =	vst v3  }
0x137: {  	[tilespmem:$0x14010] =	vst v4  }
0x138: {  	[tilespmem:$0x14020] =	vst v5  }
0x139: {  	[tilespmem:$0x14030] =	vst v6  }
0x13a: {  	[tilespmem:s2], [sflag:$0x1] =	stream.indirect.gather [spmem:s22], $0x80, s0, s18, $0xb8;
	[tilespmem:$0x1E100] =	vst v63  }
0x13b: {  	_ =	swait.ge [sflag:s3], $0x2000  }
0x13c: {  	[sflag:s3] =	ssyncset.done $0x0  }
0x13d: {  	s24 =	rddreg [dreg:$0x5];
	[sflag:s3] =	ssyncadd.s32 $0xFFFFE000  }
0x13e: {  	[hbm4b:s24+s23] =	stream.linear.scatter [tilespmem:s2], [sflag:$0x5], $0x2000, $0x38;
	[tilespmem:$0x1E100] =	vst v63  }
0x13f: {  	_ =	swait.ge [sflag:s4], $0x2000  }
0x140: {  	[sflag:s4] =	ssyncset.done $0x0  }
0x141: {  	[sflag:s4] =	ssyncadd.s32 $0xFFFFE000  }
0x142: {  	[tilespmem:$0x14000] =	vst v7  }
0x143: {  	[tilespmem:$0x14010] =	vst v8  }
0x144: {  	[tilespmem:$0x14020] =	vst v9  }
0x145: {  	[tilespmem:$0x14030] =	vst v10  }
0x146: {  	[tilespmem:s2], [sflag:$0x1] =	stream.indirect.gather [spmem:s22], $0x80, s0, s18, $0xb8;
	[tilespmem:$0x1E100] =	vst v63  }
0x147: {  	_ =	swait.ge [sflag:s3], $0x2000  }
0x148: {  	[sflag:s3] =	ssyncset.done $0x0  }
0x149: {  	s31 =	rddreg [dreg:$0x6];
	[sflag:s3] =	ssyncadd.s32 $0xFFFFE000  }
0x14a: {  	[hbm4b:s31+s23] =	stream.linear.scatter [tilespmem:s2], [sflag:$0x5], $0x2000, $0x38;
	[tilespmem:$0x1E100] =	vst v63  }
0x14b: {  	_ =	swait.ge [sflag:s4], $0x2000  }
0x14c: {  	[sflag:s4] =	ssyncset.done $0x0  }
0x14d: {  	[sflag:s4] =	ssyncadd.s32 $0xFFFFE000  }
0x14e: {  	[tilespmem:$0x14000] =	vst v11  }
0x14f: {  	[tilespmem:$0x14010] =	vst v12  }
0x150: {  	[tilespmem:$0x14020] =	vst v13  }
0x151: {  	[tilespmem:$0x14030] =	vst v14  }
0x152: {  	[tilespmem:s2], [sflag:$0x1] =	stream.indirect.gather [spmem:s22], $0x80, s0, s18, $0xb8;
	[tilespmem:$0x1E100] =	vst v63  }
0x153: {  	_ =	swait.ge [sflag:s3], $0x2000  }
0x154: {  	[sflag:s3] =	ssyncset.done $0x0  }
0x155: {  	s6 =	rddreg [dreg:$0x7];
	[sflag:s3] =	ssyncadd.s32 $0xFFFFE000  }
0x156: {  	[hbm4b:s6+s23] =	stream.linear.scatter [tilespmem:s2], [sflag:$0x5], $0x2000, $0x38;
	[tilespmem:$0x1E100] =	vst v63  }
0x157: {  	_ =	swait.ge [sflag:s4], $0x2000  }
0x158: {  	[sflag:s4] =	ssyncset.done $0x0  }
0x159: {  	[sflag:s4] =	ssyncadd.s32 $0xFFFFE000  }
0x15a: {  	[tilespmem:$0x14000] =	vst v15  }
0x15b: {  	[tilespmem:$0x14010] =	vst v16  }
0x15c: {  	[tilespmem:$0x14020] =	vst v17  }
0x15d: {  	[tilespmem:$0x14030] =	vst v18  }
0x15e: {  	[tilespmem:s2], [sflag:$0x1] =	stream.indirect.gather [spmem:s22], $0x80, s0, s18, $0xb8;
	[tilespmem:$0x1E100] =	vst v63  }
0x15f: {  	_ =	swait.ge [sflag:s3], $0x2000  }
0x160: {  	[sflag:s3] =	ssyncset.done $0x0  }
0x161: {  	s7 =	rddreg [dreg:$0x8];
	[sflag:s3] =	ssyncadd.s32 $0xFFFFE000  }
0x162: {  	[hbm4b:s7+s23] =	stream.linear.scatter [tilespmem:s2], [sflag:$0x5], $0x2000, $0x38;
	[tilespmem:$0x1E100] =	vst v63  }
0x163: {  	_ =	swait.ge [sflag:s4], $0x2000  }
0x164: {  	[sflag:s4] =	ssyncset.done $0x0  }
0x165: {  	[sflag:s4] =	ssyncadd.s32 $0xFFFFE000  }
0x166: {  	[tilespmem:$0x14000] =	vst v19  }
0x167: {  	[tilespmem:$0x14010] =	vst v20  }
0x168: {  	[tilespmem:$0x14020] =	vst v21  }
0x169: {  	[tilespmem:$0x14030] =	vst v22  }
0x16a: {  	[tilespmem:s2], [sflag:$0x1] =	stream.indirect.gather [spmem:s22], $0x80, s0, s18, $0xb8;
	[tilespmem:$0x1E100] =	vst v63  }
0x16b: {  	_ =	swait.ge [sflag:s3], $0x2000  }
0x16c: {  	[sflag:s3] =	ssyncset.done $0x0  }
0x16d: {  	s8 =	rddreg [dreg:$0x9];
	[sflag:s3] =	ssyncadd.s32 $0xFFFFE000  }
0x16e: {  	[hbm4b:s8+s23] =	stream.linear.scatter [tilespmem:s2], [sflag:$0x5], $0x2000, $0x38;
	[tilespmem:$0x1E100] =	vst v63  }
0x16f: {  	_ =	swait.ge [sflag:s4], $0x2000  }
0x170: {  	[sflag:s4] =	ssyncset.done $0x0  }
0x171: {  	[sflag:s4] =	ssyncadd.s32 $0xFFFFE000  }
0x172: {  	[tilespmem:$0x14000] =	vst v23  }
0x173: {  	[tilespmem:$0x14010] =	vst v24  }
0x174: {  	[tilespmem:$0x14020] =	vst v25  }
0x175: {  	[tilespmem:$0x14030] =	vst v26  }
0x176: {  	[tilespmem:s2], [sflag:$0x1] =	stream.indirect.gather [spmem:s22], $0x80, s0, s18, $0xb8;
	[tilespmem:$0x1E100] =	vst v63  }
0x177: {  	_ =	swait.ge [sflag:s3], $0x2000  }
0x178: {  	[sflag:s3] =	ssyncset.done $0x0  }
0x179: {  	s9 =	rddreg [dreg:$0xa];
	[sflag:s3] =	ssyncadd.s32 $0xFFFFE000  }
0x17a: {  	[hbm4b:s9+s23] =	stream.linear.scatter [tilespmem:s2], [sflag:$0x5], $0x2000, $0x38;
	[tilespmem:$0x1E100] =	vst v63  }
0x17b: {  	_ =	swait.ge [sflag:s4], $0x2000  }
0x17c: {  	[sflag:s4] =	ssyncset.done $0x0  }
0x17d: {  	[sflag:s4] =	ssyncadd.s32 $0xFFFFE000  }
0x17e: {  	[tilespmem:$0x14000] =	vst v27  }
0x17f: {  	[tilespmem:$0x14010] =	vst v28  }
0x180: {  	[tilespmem:$0x14020] =	vst v29  }
0x181: {  	[tilespmem:$0x14030] =	vst v30  }
0x182: {  	[tilespmem:s2], [sflag:$0x1] =	stream.indirect.gather [spmem:s22], $0x80, s0, s18, $0xb8;
	[tilespmem:$0x1E100] =	vst v63  }
0x183: {  	_ =	swait.ge [sflag:s3], $0x2000  }
0x184: {  	[sflag:s3] =	ssyncset.done $0x0  }
0x185: {  	s19 =	rddreg [dreg:$0xb];
	[sflag:s3] =	ssyncadd.s32 $0xFFFFE000  }
0x186: {  	[hbm4b:s19+s23] =	stream.linear.scatter [tilespmem:s2], [sflag:$0x5], $0x2000, $0x38;
	[tilespmem:$0x1E100] =	vst v63  }
0x187: {  	_ =	swait.ge [sflag:s4], $0x2000  }
0x188: {  	[sflag:s4] =	ssyncset.done $0x0  }
0x189: {  	[sflag:s4] =	ssyncadd.s32 $0xFFFFE000  }
0x18a: {  	[tilespmem:$0x14000] =	vst v31  }
0x18b: {  	[tilespmem:$0x14010] =	vst v32  }
0x18c: {  	[tilespmem:$0x14020] =	vst v34  }
0x18d: {  	[tilespmem:$0x14030] =	vst v35  }
0x18e: {  	[tilespmem:s2], [sflag:$0x1] =	stream.indirect.gather [spmem:s22], $0x80, s0, s18, $0xb8;
	[tilespmem:$0x1E100] =	vst v63  }
0x18f: {  	_ =	swait.ge [sflag:s3], $0x2000  }
0x190: {  	[sflag:s3] =	ssyncset.done $0x0  }
0x191: {  	s21 =	rddreg [dreg:$0xc];
	[sflag:s3] =	ssyncadd.s32 $0xFFFFE000  }
0x192: {  	[hbm4b:s21+s23] =	stream.linear.scatter [tilespmem:s2], [sflag:$0x5], $0x2000, $0x38;
	[tilespmem:$0x1E100] =	vst v63  }
0x193: {  	_ =	swait.ge [sflag:s4], $0x2000  }
0x194: {  	[sflag:s4] =	ssyncset.done $0x0  }
0x195: {  	[sflag:s4] =	ssyncadd.s32 $0xFFFFE000  }
0x196: {  	[tilespmem:$0x14000] =	vst v36  }
0x197: {  	[tilespmem:$0x14010] =	vst v37  }
0x198: {  	[tilespmem:$0x14020] =	vst v38  }
0x199: {  	[tilespmem:$0x14030] =	vst v39  }
0x19a: {  	[tilespmem:s2], [sflag:$0x1] =	stream.indirect.gather [spmem:s22], $0x80, s0, s18, $0xb8;
	[tilespmem:$0x1E100] =	vst v63  }
0x19b: {  	_ =	swait.ge [sflag:s3], $0x2000  }
0x19c: {  	[sflag:s3] =	ssyncset.done $0x0  }
0x19d: {  	s24 =	rddreg [dreg:$0xd];
	[sflag:s3] =	ssyncadd.s32 $0xFFFFE000  }
0x19e: {  	[hbm4b:s24+s23] =	stream.linear.scatter [tilespmem:s2], [sflag:$0x5], $0x2000, $0x38;
	[tilespmem:$0x1E100] =	vst v63  }
0x19f: {  	_ =	swait.ge [sflag:s4], $0x2000  }
0x1a0: {  	s31 =	sand.u32 $0x7E00, s23;
	[sflag:s4] =	ssyncset.done $0x0  }
0x1a1: {  	s6 =	sand.u32 $0x70, s23;
	s7 =	sshrl.u32 s31, $0x2;
	[sflag:s4] =	ssyncadd.s32 $0xFFFFE000  }
0x1a2: {  	s5 =	simm.s32 $0x40;
	s6 =	sor.u32 s6, s7;
	[bflag:$0x0] =	sbarrier.arrive $0xFFFF  }
.LBB2_8:
0x1a3: {  	p0 =	sne.s32 s5, $0x7FC0  }
0x1a4: {  	[tilespmem:s6+$0x1A100] =	vst v40;
	s23 =	sadd.s32 $0x10, s23;
	s6 =	smov.u32 s5;
	s5 =	sadd.s32 $0x40, s5  }
.Ltmp3:
0x1a5: {  	(pc) =	sbr.rel @p0 .LBB2_8-.Ltmp3, $4  }
0x1a6: {  	_ = 	snop  }
0x1a7: {  	s6 =	sand.u32 $0x7E00, s6  }
0x1a8: {  	s7 =	sand.u32 $0x70, s23;
	s6 =	sshrl.u32 s6, $0x2  }
0x1a9: {  	s6 =	sor.u32 s7, s6  }
0x1aa: {  	[tilespmem:s6+$0x1A100] =	vst v40  }
0x1ab: {  	[tilespmem:$0x14000] =	vst v33  }
0x1ac: {  	[tilespmem:$0x14010] =	vst v0  }
0x1ad: {  	[tilespmem:$0x14020] =	vst v1  }
0x1ae: {  	[tilespmem:$0x14030] =	vst v2  }
0x1af: {  	[spmem:s22] =	stream.indirect.scatter [tilespmem:s2], [sflag:$0x1], $0x80, s0, s18, $0xb8;
	[tilespmem:$0x1E100] =	vst v63  }
0x1b0: {  	_ =	swait.ge [sflag:s3], $0x2000  }
0x1b1: {  	[sflag:s3] =	ssyncset.done $0x0  }
0x1b2: {  	[sflag:s3] =	ssyncadd.s32 $0xFFFFE000  }
0x1b3: {  	[tilespmem:$0x14000] =	vst v3  }
0x1b4: {  	[tilespmem:$0x14010] =	vst v4  }
0x1b5: {  	[tilespmem:$0x14020] =	vst v5  }
0x1b6: {  	[tilespmem:$0x14030] =	vst v6  }
0x1b7: {  	[spmem:s22] =	stream.indirect.scatter [tilespmem:s2], [sflag:$0x1], $0x80, s0, s18, $0xb8;
	[tilespmem:$0x1E100] =	vst v63  }
0x1b8: {  	_ =	swait.ge [sflag:s3], $0x2000  }
0x1b9: {  	[sflag:s3] =	ssyncset.done $0x0  }
0x1ba: {  	[sflag:s3] =	ssyncadd.s32 $0xFFFFE000  }
0x1bb: {  	[tilespmem:$0x14000] =	vst v7  }
0x1bc: {  	[tilespmem:$0x14010] =	vst v8  }
0x1bd: {  	[tilespmem:$0x14020] =	vst v9  }
0x1be: {  	[tilespmem:$0x14030] =	vst v10  }
0x1bf: {  	[spmem:s22] =	stream.indirect.scatter [tilespmem:s2], [sflag:$0x1], $0x80, s0, s18, $0xb8;
	[tilespmem:$0x1E100] =	vst v63  }
0x1c0: {  	_ =	swait.ge [sflag:s3], $0x2000  }
0x1c1: {  	[sflag:s3] =	ssyncset.done $0x0  }
0x1c2: {  	[sflag:s3] =	ssyncadd.s32 $0xFFFFE000  }
0x1c3: {  	[tilespmem:$0x14000] =	vst v11  }
0x1c4: {  	[tilespmem:$0x14010] =	vst v12  }
0x1c5: {  	[tilespmem:$0x14020] =	vst v13  }
0x1c6: {  	[tilespmem:$0x14030] =	vst v14  }
0x1c7: {  	[spmem:s22] =	stream.indirect.scatter [tilespmem:s2], [sflag:$0x1], $0x80, s0, s18, $0xb8;
	[tilespmem:$0x1E100] =	vst v63  }
0x1c8: {  	_ =	swait.ge [sflag:s3], $0x2000  }
0x1c9: {  	[sflag:s3] =	ssyncset.done $0x0  }
0x1ca: {  	[sflag:s3] =	ssyncadd.s32 $0xFFFFE000  }
0x1cb: {  	[tilespmem:$0x14000] =	vst v15  }
0x1cc: {  	[tilespmem:$0x14010] =	vst v16  }
0x1cd: {  	[tilespmem:$0x14020] =	vst v17  }
0x1ce: {  	[tilespmem:$0x14030] =	vst v18  }
0x1cf: {  	[spmem:s22] =	stream.indirect.scatter [tilespmem:s2], [sflag:$0x1], $0x80, s0, s18, $0xb8;
	[tilespmem:$0x1E100] =	vst v63  }
0x1d0: {  	_ =	swait.ge [sflag:s3], $0x2000  }
0x1d1: {  	[sflag:s3] =	ssyncset.done $0x0  }
0x1d2: {  	[sflag:s3] =	ssyncadd.s32 $0xFFFFE000  }
0x1d3: {  	[tilespmem:$0x14000] =	vst v19  }
0x1d4: {  	[tilespmem:$0x14010] =	vst v20  }
0x1d5: {  	[tilespmem:$0x14020] =	vst v21  }
0x1d6: {  	[tilespmem:$0x14030] =	vst v22  }
0x1d7: {  	[spmem:s22] =	stream.indirect.scatter [tilespmem:s2], [sflag:$0x1], $0x80, s0, s18, $0xb8;
	[tilespmem:$0x1E100] =	vst v63  }
0x1d8: {  	_ =	swait.ge [sflag:s3], $0x2000  }
0x1d9: {  	[sflag:s3] =	ssyncset.done $0x0  }
0x1da: {  	[sflag:s3] =	ssyncadd.s32 $0xFFFFE000  }
0x1db: {  	[tilespmem:$0x14000] =	vst v23  }
0x1dc: {  	[tilespmem:$0x14010] =	vst v24  }
0x1dd: {  	[tilespmem:$0x14020] =	vst v25  }
0x1de: {  	[tilespmem:$0x14030] =	vst v26  }
0x1df: {  	[spmem:s22] =	stream.indirect.scatter [tilespmem:s2], [sflag:$0x1], $0x80, s0, s18, $0xb8;
	[tilespmem:$0x1E100] =	vst v63  }
0x1e0: {  	_ =	swait.ge [sflag:s3], $0x2000  }
0x1e1: {  	[sflag:s3] =	ssyncset.done $0x0  }
0x1e2: {  	[sflag:s3] =	ssyncadd.s32 $0xFFFFE000  }
0x1e3: {  	[tilespmem:$0x14000] =	vst v27  }
0x1e4: {  	[tilespmem:$0x14010] =	vst v28  }
0x1e5: {  	[tilespmem:$0x14020] =	vst v29  }
0x1e6: {  	[tilespmem:$0x14030] =	vst v30  }
0x1e7: {  	[spmem:s22] =	stream.indirect.scatter [tilespmem:s2], [sflag:$0x1], $0x80, s0, s18, $0xb8;
	[tilespmem:$0x1E100] =	vst v63  }
0x1e8: {  	_ =	swait.ge [sflag:s3], $0x2000  }
0x1e9: {  	[sflag:s3] =	ssyncset.done $0x0  }
0x1ea: {  	[sflag:s3] =	ssyncadd.s32 $0xFFFFE000  }
0x1eb: {  	[tilespmem:$0x14000] =	vst v31  }
0x1ec: {  	[tilespmem:$0x14010] =	vst v32  }
0x1ed: {  	[tilespmem:$0x14020] =	vst v34  }
0x1ee: {  	[tilespmem:$0x14030] =	vst v35  }
0x1ef: {  	[spmem:s22] =	stream.indirect.scatter [tilespmem:s2], [sflag:$0x1], $0x80, s0, s18, $0xb8;
	[tilespmem:$0x1E100] =	vst v63  }
0x1f0: {  	_ =	swait.ge [sflag:s3], $0x2000  }
0x1f1: {  	[sflag:s3] =	ssyncset.done $0x0  }
0x1f2: {  	[sflag:s3] =	ssyncadd.s32 $0xFFFFE000  }
0x1f3: {  	[tilespmem:$0x14000] =	vst v36  }
0x1f4: {  	[tilespmem:$0x14010] =	vst v37  }
0x1f5: {  	[tilespmem:$0x14020] =	vst v38  }
0x1f6: {  	[tilespmem:$0x14030] =	vst v39  }
0x1f7: {  	[spmem:s22] =	stream.indirect.scatter [tilespmem:s2], [sflag:$0x1], $0x80, s0, s18, $0xb8;
	[tilespmem:$0x1E100] =	vst v63  }
0x1f8: {  	_ =	swait.ge [sflag:s3], $0x2000  }
0x1f9: {  	[sflag:s3] =	ssyncset.done $0x0  }
0x1fa: {  	[sflag:s3] =	ssyncadd.s32 $0xFFFFE000  }
0x1fb: {  	[bflag:$0x0] =	sbarrier.arrive $0xFFFF  }
0x1fc: {  	[tilespmem:$0x14000] =	vst v33  }
0x1fd: {  	[tilespmem:$0x14010] =	vst v0  }
0x1fe: {  	[tilespmem:$0x14020] =	vst v1  }
0x1ff: {  	s23 =	simm.s32 $0x0;
	s24 =	simm.s32 $0x0;
	[tilespmem:$0x14030] =	vst v2  }
0x200: {  	[spmem:s22] =	stream.indirect.scatter.add.f32 [tilespmem:s2], [sflag:$0x3], $0x80, s0, s18, $0xb8;
	[tilespmem:$0x1E100] =	vst v63  }
.LBB2_10:
0x201: {  	s5 =	sshll.u32 s24, $0x5  }
0x202: {  	s5 =	sor.u32 s29, s5  }
0x203: {  	s6 =	sshll.u32 s5, $0x5  }
0x204: {  	s6 =	sadd.s32 s26, s6  }
0x205: {  	[tilespmem:s0], [sflag:$0x5] =	stream.linear.gather [hbm4b:s6+s23], $0x100, $0x38;
	[tilespmem:$0x1E100] =	vst v63  }
0x206: {  	_ =	swait.ge [sflag:s4], $0x100  }
0x207: {  	s5 =	sshll.u32 s5, $0xA;
	[sflag:s4] =	ssyncset.done $0x0  }
0x208: {  	s5 =	sadd.s32 s28, s5;
	[sflag:s4] =	ssyncadd.s32 $0xFFFFFF00  }
0x209: {  	v45 =	vmov s23;
	[tilespmem:s17], [sflag:$0x5] =	stream.linear.gather [hbm4b:s5+s23], $0x2000, $0x38;
	[tilespmem:$0x1E100] =	vst v63  }
0x20a: {  	v45 =	vshll.u32 v45, $0x7;
	_ =	swait.ge [sflag:s4], $0x2000  }
0x20b: {  	v45 =	vor.u32 v44, v45;
	[sflag:s4] =	ssyncset.done $0x0  }
0x20c: {  	[sflag:s4] =	ssyncadd.s32 $0xFFFFE000  }
0x20d: {  	_ =	swait.ge [sflag:s16], $0x2000  }
0x20e: {  	[sflag:s16] =	ssyncset.done $0x0  }
0x20f: {  	[sflag:s16] =	ssyncadd.s32 $0xFFFFE000  }
0x210: {  	v46 =	vld.idx.msk [tilespmem:v45+s17+$0x0], $0xffff  }
0x211: {  	v47 =	vor.u32 $0x1, v45;
	_ =	sdelay $0x3  }
0x212: {  	[tilespmem:v45+s2+$0x0] =	vst.idx.msk $0xffff, v46  }
0x213: {  	v53 =	vor.u32 $0x10, v45;
	v46 =	vld.idx.msk [tilespmem:v47+s17+$0x0], $0xffff  }
0x214: {  	v48 =	vor.u32 $0x2, v45;
	_ =	sdelay $0x3  }
0x215: {  	[tilespmem:v53+s2+$0x0] =	vst.idx.msk $0xffff, v46  }
0x216: {  	v54 =	vor.u32 $0x20, v45;
	v46 =	vld.idx.msk [tilespmem:v48+s17+$0x0], $0xffff  }
0x217: {  	v55 =	vor.u32 $0x3, v45;
	_ =	sdelay $0x3  }
0x218: {  	[tilespmem:v54+s2+$0x0] =	vst.idx.msk $0xffff, v46  }
0x219: {  	v56 =	vor.u32 $0x30, v45;
	v46 =	vld.idx.msk [tilespmem:v55+s17+$0x0], $0xffff  }
0x21a: {  	v57 =	vor.u32 $0x4, v45;
	_ =	sdelay $0x3  }
0x21b: {  	[tilespmem:v56+s2+$0x0] =	vst.idx.msk $0xffff, v46  }
0x21c: {  	v58 =	vor.u32 $0x40, v45;
	v46 =	vld.idx.msk [tilespmem:v57+s17+$0x0], $0xffff  }
0x21d: {  	v59 =	vor.u32 $0x5, v45;
	_ =	sdelay $0x3  }
0x21e: {  	[tilespmem:v58+s2+$0x0] =	vst.idx.msk $0xffff, v46  }
0x21f: {  	v60 =	vor.u32 $0x50, v45;
	v46 =	vld.idx.msk [tilespmem:v59+s17+$0x0], $0xffff  }
0x220: {  	v61 =	vor.u32 $0x6, v45;
	_ =	sdelay $0x3  }
0x221: {  	[tilespmem:v60+s2+$0x0] =	vst.idx.msk $0xffff, v46  }
0x222: {  	v62 =	vor.u32 $0x60, v45;
	v46 =	vld.idx.msk [tilespmem:v61+s17+$0x0], $0xffff  }
0x223: {  	v63 =	vor.u32 $0x7, v45;
	_ =	sdelay $0x3  }
0x224: {  	s31 =	simm.s32 $0x10;
	[tilespmem:v62+s2+$0x0] =	vst.idx.msk $0xffff, v46  }
0x225: {  	s5 =	simm.s32 $0x20;
	v47 =	vmov s31;
	v46 =	vld.idx.msk [tilespmem:v63+s17+$0x0], $0xffff  }
.LBB2_11:
0x226: {  	p0 =	sne.s32 s5, $0x30;
	v47 =	vshll.u32 v47, $0x7;
	v48 =	vor.u32 $0x70, v45  }
0x227: {  	v45 =	vor.u32 v44, v47;
	_ =	sdelay $0x3  }
0x228: {  	[tilespmem:v48+s2+$0x0] =	vst.idx.msk $0xffff, v46  }
0x229: {  	v46 =	vld.idx.msk [tilespmem:v45+s17+$0x0], $0xffff;
	_ =	sdelay $0x1  }
0x22a: {  	v47 =	vor.u32 $0x1, v45;
	_ =	sdelay $0x3  }
0x22b: {  	[tilespmem:v45+s2+$0x0] =	vst.idx.msk $0xffff, v46  }
0x22c: {  	v46 =	vld.idx.msk [tilespmem:v47+s17+$0x0], $0xffff  }
0x22d: {  	v47 =	vor.u32 $0x10, v45  }
0x22e: {  	v48 =	vor.u32 $0x2, v45;
	_ =	sdelay $0x3  }
0x22f: {  	[tilespmem:v47+s2+$0x0] =	vst.idx.msk $0xffff, v46  }
0x230: {  	v46 =	vld.idx.msk [tilespmem:v48+s17+$0x0], $0xffff  }
0x231: {  	v47 =	vor.u32 $0x20, v45  }
0x232: {  	v48 =	vor.u32 $0x3, v45;
	_ =	sdelay $0x3  }
0x233: {  	[tilespmem:v47+s2+$0x0] =	vst.idx.msk $0xffff, v46  }
0x234: {  	v46 =	vld.idx.msk [tilespmem:v48+s17+$0x0], $0xffff  }
0x235: {  	v47 =	vor.u32 $0x30, v45  }
0x236: {  	v48 =	vor.u32 $0x4, v45;
	_ =	sdelay $0x3  }
0x237: {  	[tilespmem:v47+s2+$0x0] =	vst.idx.msk $0xffff, v46  }
0x238: {  	v46 =	vld.idx.msk [tilespmem:v48+s17+$0x0], $0xffff  }
0x239: {  	v47 =	vor.u32 $0x40, v45  }
0x23a: {  	v48 =	vor.u32 $0x5, v45;
	_ =	sdelay $0x3  }
0x23b: {  	[tilespmem:v47+s2+$0x0] =	vst.idx.msk $0xffff, v46  }
0x23c: {  	v46 =	vld.idx.msk [tilespmem:v48+s17+$0x0], $0xffff  }
0x23d: {  	v47 =	vor.u32 $0x50, v45  }
0x23e: {  	v48 =	vor.u32 $0x6, v45;
	_ =	sdelay $0x3  }
0x23f: {  	[tilespmem:v47+s2+$0x0] =	vst.idx.msk $0xffff, v46  }
0x240: {  	v46 =	vld.idx.msk [tilespmem:v48+s17+$0x0], $0xffff  }
0x241: {  	v47 =	vor.u32 $0x60, v45  }
0x242: {  	v48 =	vor.u32 $0x7, v45  }
.Ltmp4:
0x243: {  	(pc) =	sbr.rel @p0 .LBB2_11-.Ltmp4, $3  }
0x244: {  	_ =	sdelay $0x1  }
0x245: {  	[tilespmem:v47+s2+$0x0] =	vst.idx.msk $0xffff, v46  }
0x246: {  	v47 =	vmov s5;
	s5 =	sadd.s32 $0x10, s5;
	v46 =	vld.idx.msk [tilespmem:v48+s17+$0x0], $0xffff  }
0x247: {  	v47 =	vshll.u32 v47, $0x7;
	v45 =	vor.u32 $0x70, v45  }
0x248: {  	v47 =	vor.u32 v44, v47;
	_ =	sdelay $0x3  }
0x249: {  	[tilespmem:v45+s2+$0x0] =	vst.idx.msk $0xffff, v46  }
0x24a: {  	v45 =	vld.idx.msk [tilespmem:v47+s17+$0x0], $0xffff  }
0x24b: {  	v51 =	vor.u32 $0x1, v47;
	_ =	sdelay $0x3  }
0x24c: {  	[tilespmem:v47+s2+$0x0] =	vst.idx.msk $0xffff, v45  }
0x24d: {  	v52 =	vor.u32 $0x10, v47;
	v45 =	vld.idx.msk [tilespmem:v51+s17+$0x0], $0xffff  }
0x24e: {  	v48 =	vor.u32 $0x2, v47;
	_ =	sdelay $0x3  }
0x24f: {  	[tilespmem:v52+s2+$0x0] =	vst.idx.msk $0xffff, v45  }
0x250: {  	v53 =	vor.u32 $0x20, v47;
	v45 =	vld.idx.msk [tilespmem:v48+s17+$0x0], $0xffff  }
0x251: {  	v54 =	vor.u32 $0x3, v47;
	_ =	sdelay $0x3  }
0x252: {  	[tilespmem:v53+s2+$0x0] =	vst.idx.msk $0xffff, v45  }
0x253: {  	v55 =	vor.u32 $0x30, v47;
	v45 =	vld.idx.msk [tilespmem:v54+s17+$0x0], $0xffff  }
0x254: {  	v56 =	vor.u32 $0x4, v47;
	_ =	sdelay $0x3  }
0x255: {  	[tilespmem:v55+s2+$0x0] =	vst.idx.msk $0xffff, v45  }
0x256: {  	v57 =	vor.u32 $0x40, v47;
	v45 =	vld.idx.msk [tilespmem:v56+s17+$0x0], $0xffff  }
0x257: {  	v58 =	vor.u32 $0x5, v47;
	_ =	sdelay $0x3  }
0x258: {  	[tilespmem:v57+s2+$0x0] =	vst.idx.msk $0xffff, v45  }
0x259: {  	v59 =	vor.u32 $0x50, v47;
	v45 =	vld.idx.msk [tilespmem:v58+s17+$0x0], $0xffff  }
0x25a: {  	v60 =	vor.u32 $0x6, v47;
	_ =	sdelay $0x3  }
0x25b: {  	[tilespmem:v59+s2+$0x0] =	vst.idx.msk $0xffff, v45  }
0x25c: {  	v61 =	vor.u32 $0x60, v47;
	v45 =	vld.idx.msk [tilespmem:v60+s17+$0x0], $0xffff  }
0x25d: {  	v62 =	vor.u32 $0x7, v47;
	_ =	sdelay $0x3  }
0x25e: {  	[tilespmem:v61+s2+$0x0] =	vst.idx.msk $0xffff, v45  }
0x25f: {  	s24 =	sadd.s32 $0x1, s24;
	v63 =	vor.u32 $0x70, v47;
	v45 =	vld.idx.msk [tilespmem:v62+s17+$0x0], $0xffff  }
0x260: {  	p0 =	sne.s32 s24, s30  }
.Ltmp5:
0x261: {  	_ = 	snop;
	(pc) =	sbr.rel @p0 .LBB2_10-.Ltmp5, $3  }
0x262: {  	_ =	sdelay $0x1  }
0x263: {  	[tilespmem:v63+s2+$0x0] =	vst.idx.msk $0xffff, v45  }
0x264: {  	[spmem:s22] =	stream.indirect.scatter.add.f32 [tilespmem:s2], [sflag:$0x3], $0x80, s13, s18, $0xb8;
	[tilespmem:$0x1E100] =	vst v63  }
0x265: {  	_ =	swait.ge [sflag:s16], $0x2000  }
0x266: {  	[sflag:s16] =	ssyncset.done $0x0  }
0x267: {  	[sflag:s16] =	ssyncadd.s32 $0xFFFFE000  }
0x268: {  	[bflag:$0x0] =	sbarrier.arrive $0xFFFF  }
0x269: {  	[tilespmem:$0x14000] =	vst v33  }
0x26a: {  	[tilespmem:$0x14010] =	vst v0  }
0x26b: {  	[tilespmem:$0x14020] =	vst v1  }
0x26c: {  	[tilespmem:$0x14030] =	vst v2  }
0x26d: {  	[tilespmem:s2], [sflag:$0x1] =	stream.indirect.gather [spmem:s22], $0x80, s0, s18, $0xb8;
	[tilespmem:$0x1E100] =	vst v63  }
0x26e: {  	_ =	swait.ge [sflag:s3], $0x2000  }
0x26f: {  	[sflag:s3] =	ssyncset.done $0x0  }
0x270: {  	s5 =	rddreg [dreg:$0xe];
	[sflag:s3] =	ssyncadd.s32 $0xFFFFE000  }
0x271: {  	[hbm4b:s5+s1] =	stream.linear.scatter [tilespmem:s2], [sflag:$0x5], $0x2000, $0x38;
	[tilespmem:$0x1E100] =	vst v63  }
0x272: {  	_ =	swait.ge [sflag:s4], $0x2000  }
0x273: {  	[sflag:s4] =	ssyncset.done $0x0  }
0x274: {  	[sflag:s4] =	ssyncadd.s32 $0xFFFFE000  }
0x275: {  	[tilespmem:$0x14000] =	vst v3  }
0x276: {  	[tilespmem:$0x14010] =	vst v4  }
0x277: {  	[tilespmem:$0x14020] =	vst v5  }
0x278: {  	[tilespmem:$0x14030] =	vst v6  }
0x279: {  	[tilespmem:s2], [sflag:$0x1] =	stream.indirect.gather [spmem:s22], $0x80, s0, s18, $0xb8;
	[tilespmem:$0x1E100] =	vst v63  }
0x27a: {  	_ =	swait.ge [sflag:s3], $0x2000  }
0x27b: {  	[sflag:s3] =	ssyncset.done $0x0  }
0x27c: {  	s31 =	rddreg [dreg:$0xf];
	[sflag:s3] =	ssyncadd.s32 $0xFFFFE000  }
0x27d: {  	[hbm4b:s31+s1] =	stream.linear.scatter [tilespmem:s2], [sflag:$0x5], $0x2000, $0x38;
	[tilespmem:$0x1E100] =	vst v63  }
0x27e: {  	_ =	swait.ge [sflag:s4], $0x2000  }
0x27f: {  	[sflag:s4] =	ssyncset.done $0x0  }
0x280: {  	[sflag:s4] =	ssyncadd.s32 $0xFFFFE000  }
0x281: {  	[tilespmem:$0x14000] =	vst v7  }
0x282: {  	[tilespmem:$0x14010] =	vst v8  }
0x283: {  	[tilespmem:$0x14020] =	vst v9  }
0x284: {  	[tilespmem:$0x14030] =	vst v10  }
0x285: {  	[tilespmem:s2], [sflag:$0x1] =	stream.indirect.gather [spmem:s22], $0x80, s0, s18, $0xb8;
	[tilespmem:$0x1E100] =	vst v63  }
0x286: {  	_ =	swait.ge [sflag:s3], $0x2000  }
0x287: {  	[sflag:s3] =	ssyncset.done $0x0  }
0x288: {  	s6 =	rddreg [dreg:$0x10];
	[sflag:s3] =	ssyncadd.s32 $0xFFFFE000  }
0x289: {  	[hbm4b:s6+s1] =	stream.linear.scatter [tilespmem:s2], [sflag:$0x5], $0x2000, $0x38;
	[tilespmem:$0x1E100] =	vst v63  }
0x28a: {  	_ =	swait.ge [sflag:s4], $0x2000  }
0x28b: {  	[sflag:s4] =	ssyncset.done $0x0  }
0x28c: {  	[sflag:s4] =	ssyncadd.s32 $0xFFFFE000  }
0x28d: {  	[tilespmem:$0x14000] =	vst v11  }
0x28e: {  	[tilespmem:$0x14010] =	vst v12  }
0x28f: {  	[tilespmem:$0x14020] =	vst v13  }
0x290: {  	[tilespmem:$0x14030] =	vst v14  }
0x291: {  	[tilespmem:s2], [sflag:$0x1] =	stream.indirect.gather [spmem:s22], $0x80, s0, s18, $0xb8;
	[tilespmem:$0x1E100] =	vst v63  }
0x292: {  	_ =	swait.ge [sflag:s3], $0x2000  }
0x293: {  	[sflag:s3] =	ssyncset.done $0x0  }
0x294: {  	s7 =	rddreg [dreg:$0x11];
	[sflag:s3] =	ssyncadd.s32 $0xFFFFE000  }
0x295: {  	[hbm4b:s7+s1] =	stream.linear.scatter [tilespmem:s2], [sflag:$0x5], $0x2000, $0x38;
	[tilespmem:$0x1E100] =	vst v63  }
0x296: {  	_ =	swait.ge [sflag:s4], $0x2000  }
0x297: {  	[sflag:s4] =	ssyncset.done $0x0  }
0x298: {  	[sflag:s4] =	ssyncadd.s32 $0xFFFFE000  }
0x299: {  	[tilespmem:$0x14000] =	vst v15  }
0x29a: {  	[tilespmem:$0x14010] =	vst v16  }
0x29b: {  	[tilespmem:$0x14020] =	vst v17  }
0x29c: {  	[tilespmem:$0x14030] =	vst v18  }
0x29d: {  	[tilespmem:s2], [sflag:$0x1] =	stream.indirect.gather [spmem:s22], $0x80, s0, s18, $0xb8;
	[tilespmem:$0x1E100] =	vst v63  }
0x29e: {  	_ =	swait.ge [sflag:s3], $0x2000  }
0x29f: {  	[sflag:s3] =	ssyncset.done $0x0  }
0x2a0: {  	s8 =	rddreg [dreg:$0x12];
	[sflag:s3] =	ssyncadd.s32 $0xFFFFE000  }
0x2a1: {  	[hbm4b:s8+s1] =	stream.linear.scatter [tilespmem:s2], [sflag:$0x5], $0x2000, $0x38;
	[tilespmem:$0x1E100] =	vst v63  }
0x2a2: {  	_ =	swait.ge [sflag:s4], $0x2000  }
0x2a3: {  	[sflag:s4] =	ssyncset.done $0x0  }
0x2a4: {  	[sflag:s4] =	ssyncadd.s32 $0xFFFFE000  }
0x2a5: {  	[tilespmem:$0x14000] =	vst v19  }
0x2a6: {  	[tilespmem:$0x14010] =	vst v20  }
0x2a7: {  	[tilespmem:$0x14020] =	vst v21  }
0x2a8: {  	[tilespmem:$0x14030] =	vst v22  }
0x2a9: {  	[tilespmem:s2], [sflag:$0x1] =	stream.indirect.gather [spmem:s22], $0x80, s0, s18, $0xb8;
	[tilespmem:$0x1E100] =	vst v63  }
0x2aa: {  	_ =	swait.ge [sflag:s3], $0x2000  }
0x2ab: {  	[sflag:s3] =	ssyncset.done $0x0  }
0x2ac: {  	s9 =	rddreg [dreg:$0x13];
	[sflag:s3] =	ssyncadd.s32 $0xFFFFE000  }
0x2ad: {  	[hbm4b:s9+s1] =	stream.linear.scatter [tilespmem:s2], [sflag:$0x5], $0x2000, $0x38;
	[tilespmem:$0x1E100] =	vst v63  }
0x2ae: {  	_ =	swait.ge [sflag:s4], $0x2000  }
0x2af: {  	[sflag:s4] =	ssyncset.done $0x0  }
0x2b0: {  	[sflag:s4] =	ssyncadd.s32 $0xFFFFE000  }
0x2b1: {  	[tilespmem:$0x14000] =	vst v23  }
0x2b2: {  	[tilespmem:$0x14010] =	vst v24  }
0x2b3: {  	[tilespmem:$0x14020] =	vst v25  }
0x2b4: {  	[tilespmem:$0x14030] =	vst v26  }
0x2b5: {  	[tilespmem:s2], [sflag:$0x1] =	stream.indirect.gather [spmem:s22], $0x80, s0, s18, $0xb8;
	[tilespmem:$0x1E100] =	vst v63  }
0x2b6: {  	_ =	swait.ge [sflag:s3], $0x2000  }
0x2b7: {  	[sflag:s3] =	ssyncset.done $0x0  }
0x2b8: {  	s19 =	rddreg [dreg:$0x14];
	[sflag:s3] =	ssyncadd.s32 $0xFFFFE000  }
0x2b9: {  	[hbm4b:s19+s1] =	stream.linear.scatter [tilespmem:s2], [sflag:$0x5], $0x2000, $0x38;
	[tilespmem:$0x1E100] =	vst v63  }
0x2ba: {  	_ =	swait.ge [sflag:s4], $0x2000  }
0x2bb: {  	[sflag:s4] =	ssyncset.done $0x0  }
0x2bc: {  	[sflag:s4] =	ssyncadd.s32 $0xFFFFE000  }
0x2bd: {  	[tilespmem:$0x14000] =	vst v27  }
0x2be: {  	[tilespmem:$0x14010] =	vst v28  }
0x2bf: {  	[tilespmem:$0x14020] =	vst v29  }
0x2c0: {  	[tilespmem:$0x14030] =	vst v30  }
0x2c1: {  	[tilespmem:s2], [sflag:$0x1] =	stream.indirect.gather [spmem:s22], $0x80, s0, s18, $0xb8;
	[tilespmem:$0x1E100] =	vst v63  }
0x2c2: {  	_ =	swait.ge [sflag:s3], $0x2000  }
0x2c3: {  	[sflag:s3] =	ssyncset.done $0x0  }
0x2c4: {  	s21 =	rddreg [dreg:$0x15];
	[sflag:s3] =	ssyncadd.s32 $0xFFFFE000  }
0x2c5: {  	[hbm4b:s21+s1] =	stream.linear.scatter [tilespmem:s2], [sflag:$0x5], $0x2000, $0x38;
	[tilespmem:$0x1E100] =	vst v63  }
0x2c6: {  	_ =	swait.ge [sflag:s4], $0x2000  }
0x2c7: {  	[sflag:s4] =	ssyncset.done $0x0  }
0x2c8: {  	[sflag:s4] =	ssyncadd.s32 $0xFFFFE000  }
0x2c9: {  	[tilespmem:$0x14000] =	vst v31  }
0x2ca: {  	[tilespmem:$0x14010] =	vst v32  }
0x2cb: {  	[tilespmem:$0x14020] =	vst v34  }
0x2cc: {  	[tilespmem:$0x14030] =	vst v35  }
0x2cd: {  	[tilespmem:s2], [sflag:$0x1] =	stream.indirect.gather [spmem:s22], $0x80, s0, s18, $0xb8;
	[tilespmem:$0x1E100] =	vst v63  }
0x2ce: {  	_ =	swait.ge [sflag:s3], $0x2000  }
0x2cf: {  	[sflag:s3] =	ssyncset.done $0x0  }
0x2d0: {  	s23 =	rddreg [dreg:$0x16];
	[sflag:s3] =	ssyncadd.s32 $0xFFFFE000  }
0x2d1: {  	[hbm4b:s23+s1] =	stream.linear.scatter [tilespmem:s2], [sflag:$0x5], $0x2000, $0x38;
	[tilespmem:$0x1E100] =	vst v63  }
0x2d2: {  	_ =	swait.ge [sflag:s4], $0x2000  }
0x2d3: {  	[sflag:s4] =	ssyncset.done $0x0  }
0x2d4: {  	[sflag:s4] =	ssyncadd.s32 $0xFFFFE000  }
0x2d5: {  	[tilespmem:$0x14000] =	vst v36  }
0x2d6: {  	[tilespmem:$0x14010] =	vst v37  }
0x2d7: {  	[tilespmem:$0x14020] =	vst v38  }
0x2d8: {  	[tilespmem:$0x14030] =	vst v39  }
0x2d9: {  	[tilespmem:s2], [sflag:$0x1] =	stream.indirect.gather [spmem:s22], $0x80, s0, s18, $0xb8;
	[tilespmem:$0x1E100] =	vst v63  }
0x2da: {  	_ =	swait.ge [sflag:s3], $0x2000  }
0x2db: {  	[sflag:s3] =	ssyncset.done $0x0  }
0x2dc: {  	s24 =	rddreg [dreg:$0x17];
	[sflag:s3] =	ssyncadd.s32 $0xFFFFE000  }
0x2dd: {  	[hbm4b:s24+s1] =	stream.linear.scatter [tilespmem:s2], [sflag:$0x5], $0x2000, $0x38;
	[tilespmem:$0x1E100] =	vst v63  }
0x2de: {  	_ =	swait.ge [sflag:s4], $0x2000  }
0x2df: {  	s6 =	rddreg [dreg:$0x19]  }
0x2e0: {  	s31 =	rddreg [dreg:$0x18];
	s6 =	sadd.s32 $0x1, s6  }
0x2e1: {  	p0 =	sne.s32 s6, s31  }
.Ltmp6:
0x2e2: {  	_ = 	snop;
	(pc) =	sbr.rel @p0 .LBB2_1-.Ltmp6, $3  }
0x2e3: {  	_ =	sdelay $0x1  }
0x2e4: {  	[sflag:s4] =	ssyncset.done $0x0  }
0x2e5: {  	[sflag:s4] =	ssyncadd.s32 $0xFFFFE000  }
0x2e6: {  	_ =	sfence.sel $0x180000  }
0x2e7: {  	[bflag:$0x0] =	sbarrier.arrive $0xFFFF  }
0x2e8: {  	_ =	strace $0x90000047  }
0x2e9: {  	s0 =	stileid.u32;
	[bflag:$0x2] =	sbarrier.arrive $0xFFFF  }
0x2ea: {  	p0 =	sne.s32 s0, $0x0;
	s0 =	rddreg [dreg:$0x3]  }
0x2eb: {  	s0 =	sadd.s32 @!p0 $0x100000, s0  }
0x2ec: {  	[sflag:s0] =	ssyncadd.tile.s32 @!p0 $0x1;
	_ =	shalt  }
.Lfunc_end2:
_tile_overlayer_lowered:
.L_overlay_start_2:
0x2ed: {  	(tag) =	ssettag $0x2  }
0x2ee: {  	s0 =	rddreg [dreg:$0x0];
	s2 =	stileid.u32  }
0x2ef: {  	s1 =	rddreg [dreg:$0x1];
	p0 =	sne.s32 s2, $0x0  }
0x2f0: {  	s3 =	rddreg [dreg:$0x2];
	[bflag:$0x3] =	sbarrier.arrive $0xFFFF;
	s2 =	simm.s32 @!p0 $0x1C05  }
0x2f1: {  	[timem:s3], [sflag:s2] =	dma.local @!p0 [hbm:s0], s1  }
0x2f2: {  	s0 =	simm.s32 @!p0 $0x5  }
0x2f3: {  	_ =	swait.ge @!p0 [sflag:s0], s1  }
0x2f4: {  	s1 =	ssub.s32 @!p0 $0x0, s1;
	[sflag:s0] =	ssyncset.done @!p0 $0x0  }
0x2f5: {  	[sflag:s0] =	ssyncadd.s32 @!p0 s1  }
0x2f6: {  	[bflag:$0x3] =	sbarrier.arrive $0xFFFF  }
0x2f7: {  	_ =	shalt  }

</sc_bundles>
